<compile_context>
chip_gen: v7x
topology: tpu7x:2x2x1
jax: 0.10.2.dev20260603
libtpu: 0.0.44.dev20260713+nightly
codegen_flags: <defaults>
</compile_context>

<pallas_src>
import functools

import jax
import jax.numpy as jnp
from jax import lax
from jax.experimental import pallas as pl
from jax.experimental.pallas import tpu as pltpu
from jax.experimental.pallas import tpu_sc as plsc

NC = 2
NS = 16
NW = NC * NS
D = 128
LANES = 16
NVR = D // LANES


def _sc_gather_sums(emb, emb_bf, seg_idx_q, seg_idx_s, sing_idx_q,
                    sing_idx_s, n_seg_q, nbr):
    segs_per_w = n_seg_q // NW
    half = segs_per_w // 2
    g1 = 128
    g2 = nbr - g1

    mesh = plsc.VectorSubcoreMesh(core_axis_name="c", subcore_axis_name="s",
                                  num_cores=NC, num_subcores=NS)

    @functools.partial(
        pl.kernel,
        out_type=[
            jax.ShapeDtypeStruct((n_seg_q, D), jnp.float32),
            jax.ShapeDtypeStruct((16, D), jnp.float32),
            jax.ShapeDtypeStruct((n_seg_q, D), jnp.float32),
            jax.ShapeDtypeStruct((16, D), jnp.float32),
        ],
        mesh=mesh,
        compiler_params=pltpu.CompilerParams(use_tc_tiling_on_sc=False,
                                             needs_layout_passes=False),
        scratch_types=[
            pltpu.VMEM((half * nbr,), jnp.int32),
            pltpu.VMEM((2, nbr, D), jnp.bfloat16),
            pltpu.VMEM((half, D), jnp.float32),
            pltpu.VMEM((256,), jnp.int32),
            pltpu.VMEM((128, D), jnp.float32),
            pltpu.VMEM((4, D // 2), jnp.float32),
            pltpu.SemaphoreType.DMA,
            pltpu.SemaphoreType.DMA,
        ],
    )
    def k(emb_hbm, embbf_hbm, segq_hbm, segs_hbm, singq_hbm, sings_hbm,
          oseg_q, oseg_s, osing_q, osing_s,
          idx_v, rows, sums_v, sidx_v, srows, psums, sem0, sem1):
        wid = lax.axis_index("s") * NC + lax.axis_index("c")
        sems = (sem0, sem1)

        def start(s, slot):
            off = s * nbr
            pltpu.async_copy(embbf_hbm.at[idx_v.at[pl.ds(off, g1)]],
                             rows.at[slot, pl.ds(0, g1)], sems[slot])
            pltpu.async_copy(embbf_hbm.at[idx_v.at[pl.ds(off + g1, g2)]],
                             rows.at[slot, pl.ds(g1, g2)], sems[slot])

        def wait_slot(slot):
            pltpu.make_async_copy(embbf_hbm.at[pl.ds(0, nbr)], rows.at[slot],
                                  sems[slot]).wait()

        def accum(slot, s_out):
            zero = jnp.zeros((LANES,), jnp.float32)
            for r in range(4):
                for c in range(4):
                    psums[r, pl.ds(c * LANES, LANES)] = zero

            def body4(t, accs):
                new = accs
                for r in range(4):
                    j = 4 * t + r
                    out = []
                    for g in range(2):
                        w = rows[slot, j, pl.ds(g * 2 * LANES, 2 * LANES)]
                        ev, od = plsc.unpack(
                            w, format=plsc.PackFormat.INTERLEAVED)
                        out.append(new[2 * g] + ev)
                        out.append(new[2 * g + 1] + od)
                    for g in range(2, 4):
                        w = rows[slot, j, pl.ds(g * 2 * LANES, 2 * LANES)]
                        ev, od = plsc.unpack(
                            w, format=plsc.PackFormat.INTERLEAVED)
                        plsc.addupdate(
                            psums.at[r, pl.ds((2 * g - 4) * LANES, LANES)],
                            ev)
                        plsc.addupdate(
                            psums.at[r, pl.ds((2 * g - 3) * LANES, LANES)],
                            od)
                    new = tuple(out)
                return new

            accs = lax.fori_loop(0, nbr // 4, body4, (zero,) * 4)
            for c in range(4):
                sums_v[s_out, pl.ds(c * LANES, LANES)] = accs[c]
            for c in range(4):
                m = (psums[0, pl.ds(c * LANES, LANES)]
                     + psums[1, pl.ds(c * LANES, LANES)]
                     + psums[2, pl.ds(c * LANES, LANES)]
                     + psums[3, pl.ds(c * LANES, LANES)])
                sums_v[s_out, pl.ds((4 + c) * LANES, LANES)] = m

        base = wid * segs_per_w
        pltpu.sync_copy(singq_hbm.at[pl.ds(base, 256)], sidx_v)
        for h in range(2):
            pltpu.async_copy(
                emb_hbm.at[sidx_v.at[pl.ds(h * 128, 128)]],
                srows, sem0).wait()
            pltpu.sync_copy(srows, osing_q.at[pl.ds(base + h * 128, 128)])

        @pl.when(wid == 0)
        def _():
            pltpu.sync_copy(sings_hbm, sidx_v.at[pl.ds(0, 16)])
            pltpu.async_copy(
                emb_hbm.at[sidx_v.at[pl.ds(0, 16)]],
                srows.at[pl.ds(0, 16)], sem0).wait()
            pltpu.sync_copy(srows.at[pl.ds(0, 16)], osing_s)

        @pl.when(wid < 16)
        def _():
            pltpu.sync_copy(segs_hbm.at[pl.ds(wid * nbr, nbr)],
                            idx_v.at[pl.ds(0, nbr)])
            start(0, 0)
            wait_slot(0)
            accum(0, 0)
            pltpu.sync_copy(sums_v.at[pl.ds(0, 1)], oseg_s.at[pl.ds(wid, 1)])

        for h in range(2):
            seg0 = wid * segs_per_w + h * half
            pltpu.sync_copy(segq_hbm.at[pl.ds(seg0 * nbr, half * nbr)], idx_v)
            start(0, 0)

            def pair_body(t, _):
                start(2 * t + 1, 1)
                wait_slot(0)
                accum(0, 2 * t)

                @pl.when(t < half // 2 - 1)
                def _():
                    start(2 * t + 2, 0)

                wait_slot(1)
                accum(1, 2 * t + 1)
                return 0

            lax.fori_loop(0, half // 2, pair_body, 0)
            pltpu.sync_copy(sums_v, oseg_q.at[pl.ds(seg0, half)])

    return k(emb, emb_bf, seg_idx_q, seg_idx_s, sing_idx_q, sing_idx_s)


def _tc_dense(seg_q, sing_q, qdl, qdr,
              sl_sum, sr_sum, se1, se2, sdl, sdr,
              gcn_Wt, gcn_b2, fc1_Wt, fc1_b2, fc2_Wt, fc2_b2,
              rs_Wt, rs_b2, p1_Wt, p1_b2, p2_Wt, p2_b2, ln_g2, ln_b2,
              nbr, few):
    B = seg_q.shape[0] // 2
    blk = 2048
    nblk = B // blk
    grid = (nblk,)

    def enc_pair(e1, e2, a_Wt, a_b, b_Wt, b_b):
        a = jnp.dot(e1, a_Wt, preferred_element_type=jnp.float32) + a_b
        b = jnp.dot(e2, b_Wt, preferred_element_type=jnp.float32) + b_b
        return jnp.tanh(jnp.concatenate([a, b], axis=-1))

    def gcn(sum_, deg, Wt, b):
        o = jnp.dot(sum_, Wt, preferred_element_type=jnp.float32) + nbr * b
        return jnp.tanh(o / deg)

    def support_encoder(x, p1_Wt, p1_b, p2_Wt, p2_b, g, bb):
        o = jax.nn.relu(jnp.dot(x, p1_Wt, preferred_element_type=jnp.float32)
                        + p1_b)
        o = jnp.dot(o, p2_Wt, preferred_element_type=jnp.float32) + p2_b
        y = o + x
        mu = jnp.mean(y, axis=-1, keepdims=True)
        var = jnp.mean((y - mu) ** 2, axis=-1, keepdims=True)
        return g * (y - mu) * jax.lax.rsqrt(var + 1e-5) + bb

    def body(qls, qrs, e1, e2, dl, dr, sls, srs, s1, s2, sdl_, sdr_,
             gW, gb, f1W, f1b, f2W, f2b, rW, rb, p1W, p1b, p2W, p2b,
             lg, lb, out_g, out_sc):
        s_qe = enc_pair(s1[...], s2[...], f1W[...], f1b[...], f2W[...],
                        f2b[...])
        s_l = gcn(sls[...], sdl_[...], gW[...], gb[...])
        s_r = gcn(srs[...], sdr_[...], gW[...], gb[...])
        sn = jnp.concatenate([s_l, s_qe, s_r], axis=-1)
        sup = jnp.dot(sn, rW[...], preferred_element_type=jnp.float32) + rb[...]
        sup_g = support_encoder(sup, p1W[...], p1b[...], p2W[...], p2b[...],
                                lg[...], lb[...])
        rows = lax.broadcasted_iota(jnp.int32, sup_g.shape, 0)
        sup_mean = jnp.sum(jnp.where(rows < few, sup_g, 0.0), axis=0,
                           keepdims=True) / few

        q_qe = enc_pair(e1[...], e2[...], f1W[...], f1b[...], f2W[...],
                        f2b[...])
        q_l = gcn(qls[...], dl[...], gW[...], gb[...])
        q_r = gcn(qrs[...], dr[...], gW[...], gb[...])
        qn = jnp.concatenate([q_l, q_qe, q_r], axis=-1)
        que = jnp.dot(qn, rW[...], preferred_element_type=jnp.float32) + rb[...]
        que_g = support_encoder(que, p1W[...], p1b[...], p2W[...], p2b[...],
                                lg[...], lb[...])
        out_g[...] = que_g
        out_sc[...] = jnp.dot(que_g, sup_mean.T,
                              preferred_element_type=jnp.float32)

    def bspec(shape):
        return pl.BlockSpec(shape, lambda i: (0,) * len(shape))

    qspec_l = pl.BlockSpec((blk, D), lambda i: (i, 0))
    qspec_r = pl.BlockSpec((blk, D), lambda i: (i + nblk, 0))
    dspec = pl.BlockSpec((blk, 1), lambda i: (i, 0))
    out = pl.pallas_call(
        body,
        grid=grid,
        in_specs=[qspec_l, qspec_r, qspec_l, qspec_r, dspec, dspec,
                  bspec(sl_sum.shape), bspec(sr_sum.shape),
                  bspec(se1.shape), bspec(se2.shape),
                  bspec(sdl.shape), bspec(sdr.shape),
                  bspec(gcn_Wt.shape), bspec(gcn_b2.shape),
                  bspec(fc1_Wt.shape), bspec(fc1_b2.shape),
                  bspec(fc2_Wt.shape), bspec(fc2_b2.shape),
                  bspec(rs_Wt.shape), bspec(rs_b2.shape),
                  bspec(p1_Wt.shape), bspec(p1_b2.shape),
                  bspec(p2_Wt.shape), bspec(p2_b2.shape),
                  bspec(ln_g2.shape), bspec(ln_b2.shape)],
        out_specs=[pl.BlockSpec((blk, D), lambda i: (i, 0)),
                   pl.BlockSpec((blk, 1), lambda i: (i, 0))],
        out_shape=[jax.ShapeDtypeStruct((B, D), jnp.float32),
                   jax.ShapeDtypeStruct((B, 1), jnp.float32)],
    )(seg_q, seg_q, sing_q, sing_q, qdl, qdr, sl_sum, sr_sum, se1, se2,
      sdl, sdr, gcn_Wt, gcn_b2, fc1_Wt, fc1_b2, fc2_Wt, fc2_b2,
      rs_Wt, rs_b2, p1_Wt, p1_b2, p2_Wt, p2_b2, ln_g2, ln_b2)
    return out


def kernel(query, support, query_left_connections, query_left_degrees,
           query_right_connections, query_right_degrees,
           support_left_connections, support_left_degrees,
           support_right_connections, support_right_degrees,
           symbol_emb, gcn_W, gcn_b, fc1_W, fc1_b, fc2_W, fc2_b,
           rs_W, rs_b, p1_W, p1_b, p2_W, p2_b, ln_g, ln_b):
    B = query.shape[0]
    few = support.shape[0]
    nbr = query_left_connections.shape[1]
    V = symbol_emb.shape[0]
    pad_row = V - 1
    i32 = jnp.int32

    qlc = query_left_connections[:, :, 1].astype(i32)
    qrc = query_right_connections[:, :, 1].astype(i32)
    seg_idx_q = jnp.concatenate([qlc, qrc], axis=0).reshape(-1)
    slc = support_left_connections[:, :, 1].astype(i32)
    src_ = support_right_connections[:, :, 1].astype(i32)
    seg_idx_s = jnp.concatenate(
        [slc, src_, jnp.full((16 - 2 * few, nbr), pad_row, i32)],
        axis=0).reshape(-1)
    sing_idx_q = jnp.concatenate([query[:, 0], query[:, 1]]).astype(i32)
    sing_idx_s = jnp.concatenate(
        [support[:, 0].astype(i32), support[:, 1].astype(i32),
         jnp.full((16 - 2 * few,), pad_row, i32)])

    emb_bf = symbol_emb.astype(jnp.bfloat16)
    seg_q, seg_s, sing_q, sing_s = _sc_gather_sums(
        symbol_emb, emb_bf, seg_idx_q, seg_idx_s, sing_idx_q, sing_idx_s,
        2 * B, nbr)

    def pad8(x):
        return jnp.pad(x, ((0, 8 - x.shape[0]),) + ((0, 0),) * (x.ndim - 1))

    sl_sum, sr_sum = pad8(seg_s[:few]), pad8(seg_s[few:2 * few])
    se1, se2 = pad8(sing_s[:few]), pad8(sing_s[few:2 * few])
    qdl = query_left_degrees.reshape(B, 1)
    qdr = query_right_degrees.reshape(B, 1)
    sdl = jnp.pad(support_left_degrees, (0, 8 - few),
                  constant_values=1.0).reshape(8, 1)
    sdr = jnp.pad(support_right_degrees, (0, 8 - few),
                  constant_values=1.0).reshape(8, 1)

    perm = []
    for g in range(D // 32):
        perm += [32 * g + 2 * i for i in range(16)]
        perm += [32 * g + 2 * i + 1 for i in range(16)]
    gcn_Wt_p = jnp.take(gcn_W.T, jnp.array(perm, i32), axis=0)

    que_g, scores = _tc_dense(
        seg_q, sing_q, qdl, qdr,
        sl_sum, sr_sum, se1, se2, sdl, sdr,
        gcn_Wt_p, gcn_b.reshape(1, -1), fc1_W.T, fc1_b.reshape(1, -1),
        fc2_W.T, fc2_b.reshape(1, -1), rs_W.T, rs_b.reshape(1, -1),
        p1_W.T, p1_b.reshape(1, -1), p2_W.T, p2_b.reshape(1, -1),
        ln_g.reshape(1, -1), ln_b.reshape(1, -1),
        float(nbr), float(few))
    return (que_g, scores.reshape(B))

# --- scband reference (transcript-rebuilt; emitter-appended) ---
"""Pipeline reference for scband-extractor-71511205478975 (READ-ONLY COPY).

The authoritative reference and input builder live on the scoring server;
editing this copy changes nothing except your own understanding.
"""

import jax, jax.numpy as jnp
import numpy as np

EMBED_DIM = 128
NUM_SYMBOLS = 100000
BATCH = 4096
FEW = 5
NBR = 200


def _linear(x, W, b):
    return x @ W.T + b


def setup_inputs(seed: int = 0):
    key = jax.random.key(seed)
    ks = jax.random.split(key, 20)
    d = EMBED_DIM
    h = d // 2
    emb = jax.random.normal(ks[10], (NUM_SYMBOLS + 1, d), dtype=jnp.float32) * 0.02
    emb = emb.at[NUM_SYMBOLS].set(0.0)  # padding_idx row
    inp = {
        "query": jax.random.randint(ks[0], (BATCH, 2), 0, NUM_SYMBOLS),
        "support": jax.random.randint(ks[1], (FEW, 2), 0, NUM_SYMBOLS),
        "query_left_connections": jax.random.randint(ks[2], (BATCH, NBR, 2), 0, NUM_SYMBOLS),
        "query_left_degrees": jax.random.uniform(ks[3], (BATCH,), minval=1.0, maxval=float(NBR), dtype=jnp.float32),
        "query_right_connections": jax.random.randint(ks[4], (BATCH, NBR, 2), 0, NUM_SYMBOLS),
        "query_right_degrees": jax.random.uniform(ks[5], (BATCH,), minval=1.0, maxval=float(NBR), dtype=jnp.float32),
        "support_left_connections": jax.random.randint(ks[6], (FEW, NBR, 2), 0, NUM_SYMBOLS),
        "support_left_degrees": jax.random.uniform(ks[7], (FEW,), minval=1.0, maxval=float(NBR), dtype=jnp.float32),
        "support_right_connections": jax.random.randint(ks[8], (FEW, NBR, 2), 0, NUM_SYMBOLS),
        "support_right_degrees": jax.random.uniform(ks[9], (FEW,), minval=1.0, maxval=float(NBR), dtype=jnp.float32),
        "symbol_emb": emb,
        "gcn_W": jax.random.normal(ks[11], (h, d), dtype=jnp.float32) * 0.05,
        "gcn_b": jnp.zeros((h,), dtype=jnp.float32),
        "fc1_W": jax.random.normal(ks[12], (h, d), dtype=jnp.float32) * 0.05,
        "fc1_b": jnp.zeros((h,), dtype=jnp.float32),
        "fc2_W": jax.random.normal(ks[13], (h, d), dtype=jnp.float32) * 0.05,
        "fc2_b": jnp.zeros((h,), dtype=jnp.float32),
        "rs_W": jax.random.normal(ks[14], (d, 2 * d), dtype=jnp.float32) * 0.05,
        "rs_b": jnp.zeros((d,), dtype=jnp.float32),
        "p1_W": jax.random.normal(ks[15], (2 * d, d), dtype=jnp.float32) * 0.05,
        "p1_b": jnp.zeros((2 * d,), dtype=jnp.float32),
        "p2_W": jax.random.normal(ks[16], (d, 2 * d), dtype=jnp.float32) * 0.05,
        "p2_b": jnp.zeros((d,), dtype=jnp.float32),
        "ln_g": jnp.ones((d,), dtype=jnp.float32),
        "ln_b": jnp.zeros((d,), dtype=jnp.float32),
    }
    return inp


def _neighbor_encoder(conns, degrees, emb, W, b):
    # conns: (B, 200, 2); use entity column 1
    entities = conns[:, :, 1]
    ent = jnp.take(emb, entities, axis=0)  # (B, 200, d) gather
    out = _linear(ent, W, b)               # (B, 200, d/2)
    out = jnp.sum(out, axis=1) / degrees[:, None]
    return jnp.tanh(out)


def _support_encoder(x, W1, b1, W2, b2, g, bb):
    # GMatching SupportEncoder: FFN + residual + layernorm (dropout omitted, eval mode)
    res = x
    o = jax.nn.relu(_linear(x, W1, b1))
    o = _linear(o, W2, b2)
    y = o + res
    mu = jnp.mean(y, axis=-1, keepdims=True)
    var = jnp.var(y, axis=-1, keepdims=True)
    return g * (y - mu) / jnp.sqrt(var + 1e-5) + bb


def reference(query, support, query_left_connections, query_left_degrees, query_right_connections, query_right_degrees, support_left_connections, support_left_degrees, support_right_connections, support_right_degrees, symbol_emb, gcn_W, gcn_b, fc1_W, fc1_b, fc2_W, fc2_b, rs_W, rs_b, p1_W, p1_b, p2_W, p2_b, ln_g, ln_b):
    def entity_encoder(e1, e2):
        a = _linear(e1, fc1_W, fc1_b)
        b = _linear(e2, fc2_W, fc2_b)
        return jnp.tanh(jnp.concatenate([a, b], axis=-1))

    q_e = entity_encoder(jnp.take(symbol_emb, query[:, 0], axis=0), jnp.take(symbol_emb, query[:, 1], axis=0))
    s_e = entity_encoder(jnp.take(symbol_emb, support[:, 0], axis=0), jnp.take(symbol_emb, support[:, 1], axis=0))
    ql = _neighbor_encoder(query_left_connections, query_left_degrees, symbol_emb, gcn_W, gcn_b)
    qr = _neighbor_encoder(query_right_connections, query_right_degrees, symbol_emb, gcn_W, gcn_b)
    sl = _neighbor_encoder(support_left_connections, support_left_degrees, symbol_emb, gcn_W, gcn_b)
    sr = _neighbor_encoder(support_right_connections, support_right_degrees, symbol_emb, gcn_W, gcn_b)
    qn = jnp.concatenate([ql, q_e, qr], axis=-1)   # (B, 2d)
    sn = jnp.concatenate([sl, s_e, sr], axis=-1)   # (few, 2d)
    que = _linear(qn, rs_W, rs_b)                  # (B, d)
    sup = _linear(sn, rs_W, rs_b)                  # (few, d)
    que_g = _support_encoder(que, p1_W, p1_b, p2_W, p2_b, ln_g, ln_b)
    sup_g = _support_encoder(sup, p1_W, p1_b, p2_W, p2_b, ln_g, ln_b)
    sup_g = jnp.mean(sup_g, axis=0, keepdims=True)  # (1, d)
    matching_scores = jnp.squeeze(que_g @ sup_g.T)  # (B,)
    return (que_g, matching_scores)


if False:  # reference __main__ guard neutralized (emitter)
    out = reference(**setup_inputs())
    print(out[0].shape, out[1].shape)

if __name__ == "__main__":
    import jax
    _d = setup_inputs()
    print(jax.jit(kernel)(*tuple(_d.values())))

</pallas_src>

<mosaic_0001>
#map = affine_map<(d0, d1) -> (0, 0)>
#map1 = affine_map<(d0, d1) -> (0)>
module attributes {stable_mosaic.version = 14 : i64} {
  func.func @k(%arg0: i32, %arg1: i32, %arg2: memref<100001x128xf32, #tpu.memory_space<hbm>>, %arg3: memref<100001x128xbf16, #tpu.memory_space<hbm>>, %arg4: memref<1638400xi32, #tpu.memory_space<hbm>>, %arg5: memref<3200xi32, #tpu.memory_space<hbm>>, %arg6: memref<8192xi32, #tpu.memory_space<hbm>>, %arg7: memref<16xi32, #tpu.memory_space<hbm>>, %arg8: memref<8192x128xf32, #tpu.memory_space<hbm>>, %arg9: memref<16x128xf32, #tpu.memory_space<hbm>>, %arg10: memref<8192x128xf32, #tpu.memory_space<hbm>>, %arg11: memref<16x128xf32, #tpu.memory_space<hbm>>, %arg12: memref<25600xi32, #tpu.memory_space<vmem>>, %arg13: memref<2x200x128xbf16, #tpu.memory_space<vmem>>, %arg14: memref<128x128xf32, #tpu.memory_space<vmem>>, %arg15: memref<256xi32, #tpu.memory_space<vmem>>, %arg16: memref<128x128xf32, #tpu.memory_space<vmem>>, %arg17: memref<4x64xf32, #tpu.memory_space<vmem>>, %arg18: memref<!tpu.dma_semaphore, #tpu.memory_space<semaphore_mem>>, %arg19: memref<!tpu.dma_semaphore, #tpu.memory_space<semaphore_mem>>) attributes {dimension_semantics = [#tpu.dimension_semantics<core_parallel>, #tpu.dimension_semantics<subcore_parallel>], iteration_bounds = array<i64: 2, 16>, scalar_prefetch = 0 : i64, scratch_operands = 8 : i64, tpu.core_type = #tpu.core_type<sc_vector_subcore>, window_params = [{transform_indices = #map}, {transform_indices = #map}, {transform_indices = #map1}, {transform_indices = #map1}, {transform_indices = #map1}, {transform_indices = #map1}, {transform_indices = #map}, {transform_indices = #map}, {transform_indices = #map}, {transform_indices = #map}]} {
    %mul3A = arith.constant 2 : i32
    %mul3A_0 = arith.muli %arg1, %mul3A : i32
    %add3A = arith.addi %mul3A_0, %arg0 : i32
    %mul3A_1 = arith.constant 256 : i32
    %mul3A_2 = arith.muli %add3A, %mul3A_1 : i32
    "tpu.region"() ({
      %run_scoped3A = tpu.sem_alloc : memref<!tpu.dma_semaphore, #tpu.memory_space<semaphore_mem>>
      %dma_start3A_96 = tpu.memref_slice %arg6[%mul3A_2] : memref<8192xi32, #tpu.memory_space<hbm>> -> memref<256xi32, #tpu.memory_space<hbm>>
      %dma_start3A_97 = tpu.memref_slice %arg6[%mul3A_2] : memref<8192xi32, #tpu.memory_space<hbm>> -> memref<256xi32, #tpu.memory_space<hbm>>
      tpu.enqueue_dma source(%dma_start3A_97 : memref<256xi32, #tpu.memory_space<hbm>>) target(%arg15 : memref<256xi32, #tpu.memory_space<vmem>>) target_semaphore(%run_scoped3A : memref<!tpu.dma_semaphore, #tpu.memory_space<semaphore_mem>>)
      %dma_wait3A_98 = tpu.memref_slice %arg6[%mul3A_2] : memref<8192xi32, #tpu.memory_space<hbm>> -> memref<256xi32, #tpu.memory_space<hbm>>
      %dma_wait3A_99 = tpu.memref_slice %arg6[%mul3A_2] : memref<8192xi32, #tpu.memory_space<hbm>> -> memref<256xi32, #tpu.memory_space<hbm>>
      tpu.wait_dma2 semaphore(%run_scoped3A : memref<!tpu.dma_semaphore, #tpu.memory_space<semaphore_mem>>) src(%dma_wait3A_99 : memref<256xi32, #tpu.memory_space<hbm>>) dst(%arg15 : memref<256xi32, #tpu.memory_space<vmem>>)
      tpu.yield
    }) : () -> ()
    %dma_start3A = arith.constant 0 : i32
    %dma_start3A_3 = tpu.memref_slice %arg15[%dma_start3A] : memref<256xi32, #tpu.memory_space<vmem>> -> memref<128xi32, #tpu.memory_space<vmem>>
    %dma_start3A_4 = arith.constant 0 : i32
    %dma_start3A_5 = arith.constant 0 : i32
    %dma_start3A_6 = tpu.memref_slice %arg2[%dma_start3A_4, %dma_start3A_5] : memref<100001x128xf32, #tpu.memory_space<hbm>> -> memref<100001x128xf32, #tpu.memory_space<hbm>>
    tpu.enqueue_indirect_dma source(%dma_start3A_6 : memref<100001x128xf32, #tpu.memory_space<hbm>>) target(%arg16 : memref<128x128xf32, #tpu.memory_space<vmem>>) offsets(%dma_start3A_3 : memref<128xi32, #tpu.memory_space<vmem>>) semaphore(%arg18 : memref<!tpu.dma_semaphore, #tpu.memory_space<semaphore_mem>>)
    %dma_wait3A = arith.constant 0 : i32
    %dma_wait3A_7 = tpu.memref_slice %arg15[%dma_wait3A] : memref<256xi32, #tpu.memory_space<vmem>> -> memref<128xi32, #tpu.memory_space<vmem>>
    %dma_wait3A_8 = arith.constant 0 : i32
    %dma_wait3A_9 = arith.constant 0 : i32
    %dma_wait3A_10 = tpu.memref_slice %arg2[%dma_wait3A_8, %dma_wait3A_9] : memref<100001x128xf32, #tpu.memory_space<hbm>> -> memref<100001x128xf32, #tpu.memory_space<hbm>>
    tpu.wait_indirect_dma semaphore(%arg18 : memref<!tpu.dma_semaphore, #tpu.memory_space<semaphore_mem>>) src(%dma_wait3A_10 : memref<100001x128xf32, #tpu.memory_space<hbm>>) dst(%arg16 : memref<128x128xf32, #tpu.memory_space<vmem>>)
    %add3A_11 = arith.constant 0 : i32
    %add3A_12 = arith.addi %mul3A_2, %add3A_11 : i32
    "tpu.region"() ({
      %run_scoped3A = tpu.sem_alloc : memref<!tpu.dma_semaphore, #tpu.memory_space<semaphore_mem>>
      %dma_start3A_96 = arith.constant 0 : i32
      %dma_start3A_97 = tpu.memref_slice %arg10[%add3A_12, %dma_start3A_96] : memref<8192x128xf32, #tpu.memory_space<hbm>> -> memref<128x128xf32, #tpu.memory_space<hbm>>
      %dma_start3A_98 = arith.constant 0 : i32
      %dma_start3A_99 = tpu.memref_slice %arg10[%add3A_12, %dma_start3A_98] : memref<8192x128xf32, #tpu.memory_space<hbm>> -> memref<128x128xf32, #tpu.memory_space<hbm>>
      tpu.enqueue_dma source(%arg16 : memref<128x128xf32, #tpu.memory_space<vmem>>) target(%dma_start3A_99 : memref<128x128xf32, #tpu.memory_space<hbm>>) target_semaphore(%run_scoped3A : memref<!tpu.dma_semaphore, #tpu.memory_space<semaphore_mem>>)
      %dma_wait3A_100 = arith.constant 0 : i32
      %dma_wait3A_101 = tpu.memref_slice %arg10[%add3A_12, %dma_wait3A_100] : memref<8192x128xf32, #tpu.memory_space<hbm>> -> memref<128x128xf32, #tpu.memory_space<hbm>>
      %dma_wait3A_102 = arith.constant 0 : i32
      %dma_wait3A_103 = tpu.memref_slice %arg10[%add3A_12, %dma_wait3A_102] : memref<8192x128xf32, #tpu.memory_space<hbm>> -> memref<128x128xf32, #tpu.memory_space<hbm>>
      tpu.wait_dma2 semaphore(%run_scoped3A : memref<!tpu.dma_semaphore, #tpu.memory_space<semaphore_mem>>) src(%arg16 : memref<128x128xf32, #tpu.memory_space<vmem>>) dst(%dma_wait3A_103 : memref<128x128xf32, #tpu.memory_space<hbm>>)
      tpu.yield
    }) : () -> ()
    %dma_start3A_13 = arith.constant 128 : i32
    %dma_start3A_14 = tpu.memref_slice %arg15[%dma_start3A_13] : memref<256xi32, #tpu.memory_space<vmem>> -> memref<128xi32, #tpu.memory_space<vmem>>
    %dma_start3A_15 = arith.constant 0 : i32
    %dma_start3A_16 = arith.constant 0 : i32
    %dma_start3A_17 = tpu.memref_slice %arg2[%dma_start3A_15, %dma_start3A_16] : memref<100001x128xf32, #tpu.memory_space<hbm>> -> memref<100001x128xf32, #tpu.memory_space<hbm>>
    tpu.enqueue_indirect_dma source(%dma_start3A_17 : memref<100001x128xf32, #tpu.memory_space<hbm>>) target(%arg16 : memref<128x128xf32, #tpu.memory_space<vmem>>) offsets(%dma_start3A_14 : memref<128xi32, #tpu.memory_space<vmem>>) semaphore(%arg18 : memref<!tpu.dma_semaphore, #tpu.memory_space<semaphore_mem>>)
    %dma_wait3A_18 = arith.constant 128 : i32
    %dma_wait3A_19 = tpu.memref_slice %arg15[%dma_wait3A_18] : memref<256xi32, #tpu.memory_space<vmem>> -> memref<128xi32, #tpu.memory_space<vmem>>
    %dma_wait3A_20 = arith.constant 0 : i32
    %dma_wait3A_21 = arith.constant 0 : i32
    %dma_wait3A_22 = tpu.memref_slice %arg2[%dma_wait3A_20, %dma_wait3A_21] : memref<100001x128xf32, #tpu.memory_space<hbm>> -> memref<100001x128xf32, #tpu.memory_space<hbm>>
    tpu.wait_indirect_dma semaphore(%arg18 : memref<!tpu.dma_semaphore, #tpu.memory_space<semaphore_mem>>) src(%dma_wait3A_22 : memref<100001x128xf32, #tpu.memory_space<hbm>>) dst(%arg16 : memref<128x128xf32, #tpu.memory_space<vmem>>)
    %add3A_23 = arith.constant 128 : i32
    %add3A_24 = arith.addi %mul3A_2, %add3A_23 : i32
    "tpu.region"() ({
      %run_scoped3A = tpu.sem_alloc : memref<!tpu.dma_semaphore, #tpu.memory_space<semaphore_mem>>
      %dma_start3A_96 = arith.constant 0 : i32
      %dma_start3A_97 = tpu.memref_slice %arg10[%add3A_24, %dma_start3A_96] : memref<8192x128xf32, #tpu.memory_space<hbm>> -> memref<128x128xf32, #tpu.memory_space<hbm>>
      %dma_start3A_98 = arith.constant 0 : i32
      %dma_start3A_99 = tpu.memref_slice %arg10[%add3A_24, %dma_start3A_98] : memref<8192x128xf32, #tpu.memory_space<hbm>> -> memref<128x128xf32, #tpu.memory_space<hbm>>
      tpu.enqueue_dma source(%arg16 : memref<128x128xf32, #tpu.memory_space<vmem>>) target(%dma_start3A_99 : memref<128x128xf32, #tpu.memory_space<hbm>>) target_semaphore(%run_scoped3A : memref<!tpu.dma_semaphore, #tpu.memory_space<semaphore_mem>>)
      %dma_wait3A_100 = arith.constant 0 : i32
      %dma_wait3A_101 = tpu.memref_slice %arg10[%add3A_24, %dma_wait3A_100] : memref<8192x128xf32, #tpu.memory_space<hbm>> -> memref<128x128xf32, #tpu.memory_space<hbm>>
      %dma_wait3A_102 = arith.constant 0 : i32
      %dma_wait3A_103 = tpu.memref_slice %arg10[%add3A_24, %dma_wait3A_102] : memref<8192x128xf32, #tpu.memory_space<hbm>> -> memref<128x128xf32, #tpu.memory_space<hbm>>
      tpu.wait_dma2 semaphore(%run_scoped3A : memref<!tpu.dma_semaphore, #tpu.memory_space<semaphore_mem>>) src(%arg16 : memref<128x128xf32, #tpu.memory_space<vmem>>) dst(%dma_wait3A_103 : memref<128x128xf32, #tpu.memory_space<hbm>>)
      tpu.yield
    }) : () -> ()
    %eq3A = arith.constant 0 : i32
    %eq3A_25 = arith.cmpi eq, %add3A, %eq3A : i32
    %convert_element_type3A = arith.extui %eq3A_25 : i1 to i32
    %cond3A = arith.constant 0 : i32
    %cond3A_26 = arith.cmpi ne, %convert_element_type3A, %cond3A : i32
    scf.if %cond3A_26 {
      "tpu.region"() ({
        %run_scoped3A = tpu.sem_alloc : memref<!tpu.dma_semaphore, #tpu.memory_space<semaphore_mem>>
        %dma_start3A_112 = arith.constant 0 : i32
        %dma_start3A_113 = tpu.memref_slice %arg15[%dma_start3A_112] : memref<256xi32, #tpu.memory_space<vmem>> -> memref<16xi32, #tpu.memory_space<vmem>>
        %dma_start3A_114 = arith.constant 0 : i32
        %dma_start3A_115 = tpu.memref_slice %arg15[%dma_start3A_114] : memref<256xi32, #tpu.memory_space<vmem>> -> memref<16xi32, #tpu.memory_space<vmem>>
        tpu.enqueue_dma source(%arg7 : memref<16xi32, #tpu.memory_space<hbm>>) target(%dma_start3A_115 : memref<16xi32, #tpu.memory_space<vmem>>) target_semaphore(%run_scoped3A : memref<!tpu.dma_semaphore, #tpu.memory_space<semaphore_mem>>)
        %dma_wait3A_116 = arith.constant 0 : i32
        %dma_wait3A_117 = tpu.memref_slice %arg15[%dma_wait3A_116] : memref<256xi32, #tpu.memory_space<vmem>> -> memref<16xi32, #tpu.memory_space<vmem>>
        %dma_wait3A_118 = arith.constant 0 : i32
        %dma_wait3A_119 = tpu.memref_slice %arg15[%dma_wait3A_118] : memref<256xi32, #tpu.memory_space<vmem>> -> memref<16xi32, #tpu.memory_space<vmem>>
        tpu.wait_dma2 semaphore(%run_scoped3A : memref<!tpu.dma_semaphore, #tpu.memory_space<semaphore_mem>>) src(%arg7 : memref<16xi32, #tpu.memory_space<hbm>>) dst(%dma_wait3A_119 : memref<16xi32, #tpu.memory_space<vmem>>)
        tpu.yield
      }) : () -> ()
      %dma_start3A_96 = arith.constant 0 : i32
      %dma_start3A_97 = arith.constant 0 : i32
      %dma_start3A_98 = tpu.memref_slice %arg16[%dma_start3A_96, %dma_start3A_97] : memref<128x128xf32, #tpu.memory_space<vmem>> -> memref<16x128xf32, #tpu.memory_space<vmem>>
      %dma_start3A_99 = arith.constant 0 : i32
      %dma_start3A_100 = tpu.memref_slice %arg15[%dma_start3A_99] : memref<256xi32, #tpu.memory_space<vmem>> -> memref<16xi32, #tpu.memory_space<vmem>>
      %dma_start3A_101 = arith.constant 0 : i32
      %dma_start3A_102 = arith.constant 0 : i32
      %dma_start3A_103 = tpu.memref_slice %arg2[%dma_start3A_101, %dma_start3A_102] : memref<100001x128xf32, #tpu.memory_space<hbm>> -> memref<100001x128xf32, #tpu.memory_space<hbm>>
      tpu.enqueue_indirect_dma source(%dma_start3A_103 : memref<100001x128xf32, #tpu.memory_space<hbm>>) target(%dma_start3A_98 : memref<16x128xf32, #tpu.memory_space<vmem>>) offsets(%dma_start3A_100 : memref<16xi32, #tpu.memory_space<vmem>>) semaphore(%arg18 : memref<!tpu.dma_semaphore, #tpu.memory_space<semaphore_mem>>)
      %dma_wait3A_104 = arith.constant 0 : i32
      %dma_wait3A_105 = arith.constant 0 : i32
      %dma_wait3A_106 = tpu.memref_slice %arg16[%dma_wait3A_104, %dma_wait3A_105] : memref<128x128xf32, #tpu.memory_space<vmem>> -> memref<16x128xf32, #tpu.memory_space<vmem>>
      %dma_wait3A_107 = arith.constant 0 : i32
      %dma_wait3A_108 = tpu.memref_slice %arg15[%dma_wait3A_107] : memref<256xi32, #tpu.memory_space<vmem>> -> memref<16xi32, #tpu.memory_space<vmem>>
      %dma_wait3A_109 = arith.constant 0 : i32
      %dma_wait3A_110 = arith.constant 0 : i32
      %dma_wait3A_111 = tpu.memref_slice %arg2[%dma_wait3A_109, %dma_wait3A_110] : memref<100001x128xf32, #tpu.memory_space<hbm>> -> memref<100001x128xf32, #tpu.memory_space<hbm>>
      tpu.wait_indirect_dma semaphore(%arg18 : memref<!tpu.dma_semaphore, #tpu.memory_space<semaphore_mem>>) src(%dma_wait3A_111 : memref<100001x128xf32, #tpu.memory_space<hbm>>) dst(%dma_wait3A_106 : memref<16x128xf32, #tpu.memory_space<vmem>>)
      "tpu.region"() ({
        %run_scoped3A = tpu.sem_alloc : memref<!tpu.dma_semaphore, #tpu.memory_space<semaphore_mem>>
        %dma_start3A_112 = arith.constant 0 : i32
        %dma_start3A_113 = arith.constant 0 : i32
        %dma_start3A_114 = tpu.memref_slice %arg16[%dma_start3A_112, %dma_start3A_113] : memref<128x128xf32, #tpu.memory_space<vmem>> -> memref<16x128xf32, #tpu.memory_space<vmem>>
        %dma_start3A_115 = arith.constant 0 : i32
        %dma_start3A_116 = arith.constant 0 : i32
        %dma_start3A_117 = tpu.memref_slice %arg16[%dma_start3A_115, %dma_start3A_116] : memref<128x128xf32, #tpu.memory_space<vmem>> -> memref<16x128xf32, #tpu.memory_space<vmem>>
        tpu.enqueue_dma source(%dma_start3A_117 : memref<16x128xf32, #tpu.memory_space<vmem>>) target(%arg11 : memref<16x128xf32, #tpu.memory_space<hbm>>) target_semaphore(%run_scoped3A : memref<!tpu.dma_semaphore, #tpu.memory_space<semaphore_mem>>)
        %dma_wait3A_118 = arith.constant 0 : i32
        %dma_wait3A_119 = arith.constant 0 : i32
        %dma_wait3A_120 = tpu.memref_slice %arg16[%dma_wait3A_118, %dma_wait3A_119] : memref<128x128xf32, #tpu.memory_space<vmem>> -> memref<16x128xf32, #tpu.memory_space<vmem>>
        %dma_wait3A_121 = arith.constant 0 : i32
        %dma_wait3A_122 = arith.constant 0 : i32
        %dma_wait3A_123 = tpu.memref_slice %arg16[%dma_wait3A_121, %dma_wait3A_122] : memref<128x128xf32, #tpu.memory_space<vmem>> -> memref<16x128xf32, #tpu.memory_space<vmem>>
        tpu.wait_dma2 semaphore(%run_scoped3A : memref<!tpu.dma_semaphore, #tpu.memory_space<semaphore_mem>>) src(%dma_wait3A_123 : memref<16x128xf32, #tpu.memory_space<vmem>>) dst(%arg11 : memref<16x128xf32, #tpu.memory_space<hbm>>)
        tpu.yield
      }) : () -> ()
    } else {
    }
    %lt3A = arith.constant 16 : i32
    %lt3A_27 = arith.cmpi slt, %add3A, %lt3A : i32
    %convert_element_type3A_28 = arith.extui %lt3A_27 : i1 to i32
    %cond3A_29 = arith.constant 0 : i32
    %cond3A_30 = arith.cmpi ne, %convert_element_type3A_28, %cond3A_29 : i32
    scf.if %cond3A_30 {
      %mul3A_96 = arith.constant 200 : i32
      %mul3A_97 = arith.muli %add3A, %mul3A_96 : i32
      "tpu.region"() ({
        %run_scoped3A = tpu.sem_alloc : memref<!tpu.dma_semaphore, #tpu.memory_space<semaphore_mem>>
        %dma_start3A_310 = arith.constant 0 : i32
        %dma_start3A_311 = tpu.memref_slice %arg12[%dma_start3A_310] : memref<25600xi32, #tpu.memory_space<vmem>> -> memref<200xi32, #tpu.memory_space<vmem>>
        %dma_start3A_312 = tpu.memref_slice %arg5[%mul3A_97] : memref<3200xi32, #tpu.memory_space<hbm>> -> memref<200xi32, #tpu.memory_space<hbm>>
        %dma_start3A_313 = arith.constant 0 : i32
        %dma_start3A_314 = tpu.memref_slice %arg12[%dma_start3A_313] : memref<25600xi32, #tpu.memory_space<vmem>> -> memref<200xi32, #tpu.memory_space<vmem>>
        %dma_start3A_315 = tpu.memref_slice %arg5[%mul3A_97] : memref<3200xi32, #tpu.memory_space<hbm>> -> memref<200xi32, #tpu.memory_space<hbm>>
        tpu.enqueue_dma source(%dma_start3A_315 : memref<200xi32, #tpu.memory_space<hbm>>) target(%dma_start3A_314 : memref<200xi32, #tpu.memory_space<vmem>>) target_semaphore(%run_scoped3A : memref<!tpu.dma_semaphore, #tpu.memory_space<semaphore_mem>>)
        %dma_wait3A_316 = arith.constant 0 : i32
        %dma_wait3A_317 = tpu.memref_slice %arg12[%dma_wait3A_316] : memref<25600xi32, #tpu.memory_space<vmem>> -> memref<200xi32, #tpu.memory_space<vmem>>
        %dma_wait3A_318 = tpu.memref_slice %arg5[%mul3A_97] : memref<3200xi32, #tpu.memory_space<hbm>> -> memref<200xi32, #tpu.memory_space<hbm>>
        %dma_wait3A_319 = arith.constant 0 : i32
        %dma_wait3A_320 = tpu.memref_slice %arg12[%dma_wait3A_319] : memref<25600xi32, #tpu.memory_space<vmem>> -> memref<200xi32, #tpu.memory_space<vmem>>
        %dma_wait3A_321 = tpu.memref_slice %arg5[%mul3A_97] : memref<3200xi32, #tpu.memory_space<hbm>> -> memref<200xi32, #tpu.memory_space<hbm>>
        tpu.wait_dma2 semaphore(%run_scoped3A : memref<!tpu.dma_semaphore, #tpu.memory_space<semaphore_mem>>) src(%dma_wait3A_321 : memref<200xi32, #tpu.memory_space<hbm>>) dst(%dma_wait3A_320 : memref<200xi32, #tpu.memory_space<vmem>>)
        tpu.yield
      }) : () -> ()
      %dma_start3A_98 = arith.constant 0 : i32
      %dma_start3A_99 = arith.constant 0 : i32
      %dma_start3A_100 = arith.constant 0 : i32
      %dma_start3A_101 = tpu.memref_slice %arg13[%dma_start3A_98, %dma_start3A_99, %dma_start3A_100] : memref<2x200x128xbf16, #tpu.memory_space<vmem>> -> memref<1x128x128xbf16, #tpu.memory_space<vmem>>
      %dma_start3A_102 = tpu.memref_squeeze %dma_start3A_101 : memref<1x128x128xbf16, #tpu.memory_space<vmem>> -> memref<128x128xbf16, #tpu.memory_space<vmem>>
      %dma_start3A_103 = arith.constant 0 : i32
      %dma_start3A_104 = tpu.memref_slice %arg12[%dma_start3A_103] : memref<25600xi32, #tpu.memory_space<vmem>> -> memref<128xi32, #tpu.memory_space<vmem>>
      %dma_start3A_105 = arith.constant 0 : i32
      %dma_start3A_106 = arith.constant 0 : i32
      %dma_start3A_107 = tpu.memref_slice %arg3[%dma_start3A_105, %dma_start3A_106] : memref<100001x128xbf16, #tpu.memory_space<hbm>> -> memref<100001x128xbf16, #tpu.memory_space<hbm>>
      tpu.enqueue_indirect_dma source(%dma_start3A_107 : memref<100001x128xbf16, #tpu.memory_space<hbm>>) target(%dma_start3A_102 : memref<128x128xbf16, #tpu.memory_space<vmem>>) offsets(%dma_start3A_104 : memref<128xi32, #tpu.memory_space<vmem>>) semaphore(%arg18 : memref<!tpu.dma_semaphore, #tpu.memory_space<semaphore_mem>>)
      %dma_start3A_108 = arith.constant 0 : i32
      %dma_start3A_109 = arith.constant 128 : i32
      %dma_start3A_110 = arith.constant 0 : i32
      %dma_start3A_111 = tpu.memref_slice %arg13[%dma_start3A_108, %dma_start3A_109, %dma_start3A_110] : memref<2x200x128xbf16, #tpu.memory_space<vmem>> -> memref<1x72x128xbf16, #tpu.memory_space<vmem>>
      %dma_start3A_112 = tpu.memref_squeeze %dma_start3A_111 : memref<1x72x128xbf16, #tpu.memory_space<vmem>> -> memref<72x128xbf16, #tpu.memory_space<vmem>>
      %dma_start3A_113 = arith.constant 128 : i32
      %dma_start3A_114 = tpu.memref_slice %arg12[%dma_start3A_113] : memref<25600xi32, #tpu.memory_space<vmem>> -> memref<72xi32, #tpu.memory_space<vmem>>
      %dma_start3A_115 = arith.constant 0 : i32
      %dma_start3A_116 = arith.constant 0 : i32
      %dma_start3A_117 = tpu.memref_slice %arg3[%dma_start3A_115, %dma_start3A_116] : memref<100001x128xbf16, #tpu.memory_space<hbm>> -> memref<100001x128xbf16, #tpu.memory_space<hbm>>
      tpu.enqueue_indirect_dma source(%dma_start3A_117 : memref<100001x128xbf16, #tpu.memory_space<hbm>>) target(%dma_start3A_112 : memref<72x128xbf16, #tpu.memory_space<vmem>>) offsets(%dma_start3A_114 : memref<72xi32, #tpu.memory_space<vmem>>) semaphore(%arg18 : memref<!tpu.dma_semaphore, #tpu.memory_space<semaphore_mem>>)
      %dma_wait3A_118 = arith.constant 0 : i32
      %dma_wait3A_119 = arith.constant 0 : i32
      %dma_wait3A_120 = arith.constant 0 : i32
      %dma_wait3A_121 = tpu.memref_slice %arg13[%dma_wait3A_118, %dma_wait3A_119, %dma_wait3A_120] : memref<2x200x128xbf16, #tpu.memory_space<vmem>> -> memref<1x200x128xbf16, #tpu.memory_space<vmem>>
      %dma_wait3A_122 = tpu.memref_squeeze %dma_wait3A_121 : memref<1x200x128xbf16, #tpu.memory_space<vmem>> -> memref<200x128xbf16, #tpu.memory_space<vmem>>
      %dma_wait3A_123 = arith.constant 0 : i32
      %dma_wait3A_124 = arith.constant 0 : i32
      %dma_wait3A_125 = tpu.memref_slice %arg3[%dma_wait3A_123, %dma_wait3A_124] : memref<100001x128xbf16, #tpu.memory_space<hbm>> -> memref<200x128xbf16, #tpu.memory_space<hbm>>
      %dma_wait3A_126 = arith.constant 0 : i32
      %dma_wait3A_127 = arith.constant 0 : i32
      %dma_wait3A_128 = tpu.memref_slice %arg13[%dma_wait3A_118, %dma_wait3A_126, %dma_wait3A_127] : memref<2x200x128xbf16, #tpu.memory_space<vmem>> -> memref<1x200x128xbf16, #tpu.memory_space<vmem>>
      %dma_wait3A_129 = tpu.memref_squeeze %dma_wait3A_128 : memref<1x200x128xbf16, #tpu.memory_space<vmem>> -> memref<200x128xbf16, #tpu.memory_space<vmem>>
      %dma_wait3A_130 = arith.constant 0 : i32
      %dma_wait3A_131 = arith.constant 0 : i32
      %dma_wait3A_132 = tpu.memref_slice %arg3[%dma_wait3A_130, %dma_wait3A_131] : memref<100001x128xbf16, #tpu.memory_space<hbm>> -> memref<200x128xbf16, #tpu.memory_space<hbm>>
      tpu.wait_dma2 semaphore(%arg18 : memref<!tpu.dma_semaphore, #tpu.memory_space<semaphore_mem>>) src(%dma_wait3A_132 : memref<200x128xbf16, #tpu.memory_space<hbm>>) dst(%dma_wait3A_129 : memref<200x128xbf16, #tpu.memory_space<vmem>>)
      %broadcast_in_dim3A = arith.constant 0.000000e+00 : f32
      %broadcast_in_dim3A_133 = vector.broadcast %broadcast_in_dim3A : f32 to vector<16xf32>
      %swap3A = arith.constant 0 : i32
      %swap3A_134 = arith.index_cast %swap3A : i32 to index
      %swap3A_135 = arith.constant 0 : index
      %swap3A_136 = tpu.vector_load %arg17[%swap3A_134, %swap3A_135] {strides = array<i32>} : memref<4x64xf32, #tpu.memory_space<vmem>>, vector<16xf32>,
      tpu.vector_store %arg17[%swap3A_134, %swap3A_135], %broadcast_in_dim3A_133 {strides = array<i32>} : memref<4x64xf32, #tpu.memory_space<vmem>>, vector<16xf32>,
      %swap3A_137 = arith.constant 0 : i32
      %swap3A_138 = arith.index_cast %swap3A_137 : i32 to index
      %swap3A_139 = arith.constant 16 : index
      %swap3A_140 = tpu.vector_load %arg17[%swap3A_138, %swap3A_139] {strides = array<i32>} : memref<4x64xf32, #tpu.memory_space<vmem>>, vector<16xf32>,
      tpu.vector_store %arg17[%swap3A_138, %swap3A_139], %broadcast_in_dim3A_133 {strides = array<i32>} : memref<4x64xf32, #tpu.memory_space<vmem>>, vector<16xf32>,
      %swap3A_141 = arith.constant 0 : i32
      %swap3A_142 = arith.index_cast %swap3A_141 : i32 to index
      %swap3A_143 = arith.constant 32 : index
      %swap3A_144 = tpu.vector_load %arg17[%swap3A_142, %swap3A_143] {strides = array<i32>} : memref<4x64xf32, #tpu.memory_space<vmem>>, vector<16xf32>,
      tpu.vector_store %arg17[%swap3A_142, %swap3A_143], %broadcast_in_dim3A_133 {strides = array<i32>} : memref<4x64xf32, #tpu.memory_space<vmem>>, vector<16xf32>,
      %swap3A_145 = arith.constant 0 : i32
      %swap3A_146 = arith.index_cast %swap3A_145 : i32 to index
      %swap3A_147 = arith.constant 48 : index
      %swap3A_148 = tpu.vector_load %arg17[%swap3A_146, %swap3A_147] {strides = array<i32>} : memref<4x64xf32, #tpu.memory_space<vmem>>, vector<16xf32>,
      tpu.vector_store %arg17[%swap3A_146, %swap3A_147], %broadcast_in_dim3A_133 {strides = array<i32>} : memref<4x64xf32, #tpu.memory_space<vmem>>, vector<16xf32>,
      %swap3A_149 = arith.constant 1 : i32
      %swap3A_150 = arith.index_cast %swap3A_149 : i32 to index
      %swap3A_151 = arith.constant 0 : index
      %swap3A_152 = tpu.vector_load %arg17[%swap3A_150, %swap3A_151] {strides = array<i32>} : memref<4x64xf32, #tpu.memory_space<vmem>>, vector<16xf32>,
      tpu.vector_store %arg17[%swap3A_150, %swap3A_151], %broadcast_in_dim3A_133 {strides = array<i32>} : memref<4x64xf32, #tpu.memory_space<vmem>>, vector<16xf32>,
      %swap3A_153 = arith.constant 1 : i32
      %swap3A_154 = arith.index_cast %swap3A_153 : i32 to index
      %swap3A_155 = arith.constant 16 : index
      %swap3A_156 = tpu.vector_load %arg17[%swap3A_154, %swap3A_155] {strides = array<i32>} : memref<4x64xf32, #tpu.memory_space<vmem>>, vector<16xf32>,
      tpu.vector_store %arg17[%swap3A_154, %swap3A_155], %broadcast_in_dim3A_133 {strides = array<i32>} : memref<4x64xf32, #tpu.memory_space<vmem>>, vector<16xf32>,
      %swap3A_157 = arith.constant 1 : i32
      %swap3A_158 = arith.index_cast %swap3A_157 : i32 to index
      %swap3A_159 = arith.constant 32 : index
      %swap3A_160 = tpu.vector_load %arg17[%swap3A_158, %swap3A_159] {strides = array<i32>} : memref<4x64xf32, #tpu.memory_space<vmem>>, vector<16xf32>,
      tpu.vector_store %arg17[%swap3A_158, %swap3A_159], %broadcast_in_dim3A_133 {strides = array<i32>} : memref<4x64xf32, #tpu.memory_space<vmem>>, vector<16xf32>,
      %swap3A_161 = arith.constant 1 : i32
      %swap3A_162 = arith.index_cast %swap3A_161 : i32 to index
      %swap3A_163 = arith.constant 48 : index
      %swap3A_164 = tpu.vector_load %arg17[%swap3A_162, %swap3A_163] {strides = array<i32>} : memref<4x64xf32, #tpu.memory_space<vmem>>, vector<16xf32>,
      tpu.vector_store %arg17[%swap3A_162, %swap3A_163], %broadcast_in_dim3A_133 {strides = array<i32>} : memref<4x64xf32, #tpu.memory_space<vmem>>, vector<16xf32>,
      %swap3A_165 = arith.constant 2 : i32
      %swap3A_166 = arith.index_cast %swap3A_165 : i32 to index
      %swap3A_167 = arith.constant 0 : index
      %swap3A_168 = tpu.vector_load %arg17[%swap3A_166, %swap3A_167] {strides = array<i32>} : memref<4x64xf32, #tpu.memory_space<vmem>>, vector<16xf32>,
      tpu.vector_store %arg17[%swap3A_166, %swap3A_167], %broadcast_in_dim3A_133 {strides = array<i32>} : memref<4x64xf32, #tpu.memory_space<vmem>>, vector<16xf32>,
      %swap3A_169 = arith.constant 2 : i32
      %swap3A_170 = arith.index_cast %swap3A_169 : i32 to index
      %swap3A_171 = arith.constant 16 : index
      %swap3A_172 = tpu.vector_load %arg17[%swap3A_170, %swap3A_171] {strides = array<i32>} : memref<4x64xf32, #tpu.memory_space<vmem>>, vector<16xf32>,
      tpu.vector_store %arg17[%swap3A_170, %swap3A_171], %broadcast_in_dim3A_133 {strides = array<i32>} : memref<4x64xf32, #tpu.memory_space<vmem>>, vector<16xf32>,
      %swap3A_173 = arith.constant 2 : i32
      %swap3A_174 = arith.index_cast %swap3A_173 : i32 to index
      %swap3A_175 = arith.constant 32 : index
      %swap3A_176 = tpu.vector_load %arg17[%swap3A_174, %swap3A_175] {strides = array<i32>} : memref<4x64xf32, #tpu.memory_space<vmem>>, vector<16xf32>,
      tpu.vector_store %arg17[%swap3A_174, %swap3A_175], %broadcast_in_dim3A_133 {strides = array<i32>} : memref<4x64xf32, #tpu.memory_space<vmem>>, vector<16xf32>,
      %swap3A_177 = arith.constant 2 : i32
      %swap3A_178 = arith.index_cast %swap3A_177 : i32 to index
      %swap3A_179 = arith.constant 48 : index
      %swap3A_180 = tpu.vector_load %arg17[%swap3A_178, %swap3A_179] {strides = array<i32>} : memref<4x64xf32, #tpu.memory_space<vmem>>, vector<16xf32>,
      tpu.vector_store %arg17[%swap3A_178, %swap3A_179], %broadcast_in_dim3A_133 {strides = array<i32>} : memref<4x64xf32, #tpu.memory_space<vmem>>, vector<16xf32>,
      %swap3A_181 = arith.constant 3 : i32
      %swap3A_182 = arith.index_cast %swap3A_181 : i32 to index
      %swap3A_183 = arith.constant 0 : index
      %swap3A_184 = tpu.vector_load %arg17[%swap3A_182, %swap3A_183] {strides = array<i32>} : memref<4x64xf32, #tpu.memory_space<vmem>>, vector<16xf32>,
      tpu.vector_store %arg17[%swap3A_182, %swap3A_183], %broadcast_in_dim3A_133 {strides = array<i32>} : memref<4x64xf32, #tpu.memory_space<vmem>>, vector<16xf32>,
      %swap3A_185 = arith.constant 3 : i32
      %swap3A_186 = arith.index_cast %swap3A_185 : i32 to index
      %swap3A_187 = arith.constant 16 : index
      %swap3A_188 = tpu.vector_load %arg17[%swap3A_186, %swap3A_187] {strides = array<i32>} : memref<4x64xf32, #tpu.memory_space<vmem>>, vector<16xf32>,
      tpu.vector_store %arg17[%swap3A_186, %swap3A_187], %broadcast_in_dim3A_133 {strides = array<i32>} : memref<4x64xf32, #tpu.memory_space<vmem>>, vector<16xf32>,
      %swap3A_189 = arith.constant 3 : i32
      %swap3A_190 = arith.index_cast %swap3A_189 : i32 to index
      %swap3A_191 = arith.constant 32 : index
      %swap3A_192 = tpu.vector_load %arg17[%swap3A_190, %swap3A_191] {strides = array<i32>} : memref<4x64xf32, #tpu.memory_space<vmem>>, vector<16xf32>,
      tpu.vector_store %arg17[%swap3A_190, %swap3A_191], %broadcast_in_dim3A_133 {strides = array<i32>} : memref<4x64xf32, #tpu.memory_space<vmem>>, vector<16xf32>,
      %swap3A_193 = arith.constant 3 : i32
      %swap3A_194 = arith.index_cast %swap3A_193 : i32 to index
      %swap3A_195 = arith.constant 48 : index
      %swap3A_196 = tpu.vector_load %arg17[%swap3A_194, %swap3A_195] {strides = array<i32>} : memref<4x64xf32, #tpu.memory_space<vmem>>, vector<16xf32>,
      tpu.vector_store %arg17[%swap3A_194, %swap3A_195], %broadcast_in_dim3A_133 {strides = array<i32>} : memref<4x64xf32, #tpu.memory_space<vmem>>, vector<16xf32>,
      %scan3A_197 = arith.constant 0 : i32
      %scan3A_198 = arith.constant 50 : i32
      %scan3A_199 = arith.addi %scan3A_197, %scan3A_198 : i32
      %scan3A_200 = arith.constant 1 : i32
      %scan3A_201:4 = scf.for %scan3A_310 = %scan3A_197 to %scan3A_199 step %scan3A_200 iter_args(%scan3A_311 = %broadcast_in_dim3A_133, %scan3A_312 = %broadcast_in_dim3A_133, %scan3A_313 = %broadcast_in_dim3A_133, %scan3A_314 = %broadcast_in_dim3A_133) -> (vector<16xf32>, vector<16xf32>, vector<16xf32>, vector<16xf32>)  : i32 {
        %mul3A_315 = arith.constant 4 : i32
        %mul3A_316 = arith.muli %mul3A_315, %scan3A_310 : i32
        %add3A_317 = arith.constant 0 : i32
        %add3A_318 = arith.addi %mul3A_316, %add3A_317 : i32
        %get3A_319 = arith.constant 0 : i32
        %get3A_320 = arith.index_cast %get3A_319 : i32 to index
        %get3A_321 = arith.index_cast %add3A_318 : i32 to index
        %get3A_322 = arith.constant 0 : index
        %get3A_323 = tpu.vector_load %arg13[%get3A_320, %get3A_321, %get3A_322] {strides = array<i32>} : memref<2x200x128xbf16, #tpu.memory_space<vmem>>, vector<32xbf16>,
        %unpack3A = tpu.unpack_subelements %get3A_323, 0 {pack_format = #tpu.pack_format<interleaved>} : vector<32xbf16> -> vector<16xf32>
        %unpack3A_324 = tpu.unpack_subelements %get3A_323, 1 {pack_format = #tpu.pack_format<interleaved>} : vector<32xbf16> -> vector<16xf32>
        %add3A_325 = arith.addf %scan3A_311, %unpack3A : vector<16xf32>
        %add3A_326 = arith.addf %scan3A_312, %unpack3A_324 : vector<16xf32>
        %get3A_327 = arith.constant 0 : i32
        %get3A_328 = arith.index_cast %get3A_327 : i32 to index
        %get3A_329 = arith.index_cast %add3A_318 : i32 to index
        %get3A_330 = arith.constant 32 : index
        %get3A_331 = tpu.vector_load %arg13[%get3A_328, %get3A_329, %get3A_330] {strides = array<i32>} : memref<2x200x128xbf16, #tpu.memory_space<vmem>>, vector<32xbf16>,
        %unpack3A_332 = tpu.unpack_subelements %get3A_331, 0 {pack_format = #tpu.pack_format<interleaved>} : vector<32xbf16> -> vector<16xf32>
        %unpack3A_333 = tpu.unpack_subelements %get3A_331, 1 {pack_format = #tpu.pack_format<interleaved>} : vector<32xbf16> -> vector<16xf32>
        %add3A_334 = arith.addf %scan3A_313, %unpack3A_332 : vector<16xf32>
        %add3A_335 = arith.addf %scan3A_314, %unpack3A_333 : vector<16xf32>
        %get3A_336 = arith.constant 0 : i32
        %get3A_337 = arith.index_cast %get3A_336 : i32 to index
        %get3A_338 = arith.index_cast %add3A_318 : i32 to index
        %get3A_339 = arith.constant 64 : index
        %get3A_340 = tpu.vector_load %arg13[%get3A_337, %get3A_338, %get3A_339] {strides = array<i32>} : memref<2x200x128xbf16, #tpu.memory_space<vmem>>, vector<32xbf16>,
        %unpack3A_341 = tpu.unpack_subelements %get3A_340, 0 {pack_format = #tpu.pack_format<interleaved>} : vector<32xbf16> -> vector<16xf32>
        %unpack3A_342 = tpu.unpack_subelements %get3A_340, 1 {pack_format = #tpu.pack_format<interleaved>} : vector<32xbf16> -> vector<16xf32>
        %swap3A_343 = arith.constant 0 : i32
        %swap3A_344 = arith.index_cast %swap3A_343 : i32 to index
        %swap3A_345 = arith.constant 0 : index
        %swap3A_346 = tpu.vector_load %arg17[%swap3A_344, %swap3A_345] {strides = array<i32>} : memref<4x64xf32, #tpu.memory_space<vmem>>, vector<16xf32>,
        tpu.vector_store %arg17[%swap3A_344, %swap3A_345], %unpack3A_341 {add = true, strides = array<i32>} : memref<4x64xf32, #tpu.memory_space<vmem>>, vector<16xf32>,
        %swap3A_347 = arith.constant 0 : i32
        %swap3A_348 = arith.index_cast %swap3A_347 : i32 to index
        %swap3A_349 = arith.constant 16 : index
        %swap3A_350 = tpu.vector_load %arg17[%swap3A_348, %swap3A_349] {strides = array<i32>} : memref<4x64xf32, #tpu.memory_space<vmem>>, vector<16xf32>,
        tpu.vector_store %arg17[%swap3A_348, %swap3A_349], %unpack3A_342 {add = true, strides = array<i32>} : memref<4x64xf32, #tpu.memory_space<vmem>>, vector<16xf32>,
        %get3A_351 = arith.constant 0 : i32
        %get3A_352 = arith.index_cast %get3A_351 : i32 to index
        %get3A_353 = arith.index_cast %add3A_318 : i32 to index
        %get3A_354 = arith.constant 96 : index
        %get3A_355 = tpu.vector_load %arg13[%get3A_352, %get3A_353, %get3A_354] {strides = array<i32>} : memref<2x200x128xbf16, #tpu.memory_space<vmem>>, vector<32xbf16>,
        %unpack3A_356 = tpu.unpack_subelements %get3A_355, 0 {pack_format = #tpu.pack_format<interleaved>} : vector<32xbf16> -> vector<16xf32>
        %unpack3A_357 = tpu.unpack_subelements %get3A_355, 1 {pack_format = #tpu.pack_format<interleaved>} : vector<32xbf16> -> vector<16xf32>
        %swap3A_358 = arith.constant 0 : i32
        %swap3A_359 = arith.index_cast %swap3A_358 : i32 to index
        %swap3A_360 = arith.constant 32 : index
        %swap3A_361 = tpu.vector_load %arg17[%swap3A_359, %swap3A_360] {strides = array<i32>} : memref<4x64xf32, #tpu.memory_space<vmem>>, vector<16xf32>,
        tpu.vector_store %arg17[%swap3A_359, %swap3A_360], %unpack3A_356 {add = true, strides = array<i32>} : memref<4x64xf32, #tpu.memory_space<vmem>>, vector<16xf32>,
        %swap3A_362 = arith.constant 0 : i32
        %swap3A_363 = arith.index_cast %swap3A_362 : i32 to index
        %swap3A_364 = arith.constant 48 : index
        %swap3A_365 = tpu.vector_load %arg17[%swap3A_363, %swap3A_364] {strides = array<i32>} : memref<4x64xf32, #tpu.memory_space<vmem>>, vector<16xf32>,
        tpu.vector_store %arg17[%swap3A_363, %swap3A_364], %unpack3A_357 {add = true, strides = array<i32>} : memref<4x64xf32, #tpu.memory_space<vmem>>, vector<16xf32>,
        %mul3A_366 = arith.constant 4 : i32
        %mul3A_367 = arith.muli %mul3A_366, %scan3A_310 : i32
        %add3A_368 = arith.constant 1 : i32
        %add3A_369 = arith.addi %mul3A_367, %add3A_368 : i32
        %get3A_370 = arith.constant 0 : i32
        %get3A_371 = arith.index_cast %get3A_370 : i32 to index
        %get3A_372 = arith.index_cast %add3A_369 : i32 to index
        %get3A_373 = arith.constant 0 : index
        %get3A_374 = tpu.vector_load %arg13[%get3A_371, %get3A_372, %get3A_373] {strides = array<i32>} : memref<2x200x128xbf16, #tpu.memory_space<vmem>>, vector<32xbf16>,
        %unpack3A_375 = tpu.unpack_subelements %get3A_374, 0 {pack_format = #tpu.pack_format<interleaved>} : vector<32xbf16> -> vector<16xf32>
        %unpack3A_376 = tpu.unpack_subelements %get3A_374, 1 {pack_format = #tpu.pack_format<interleaved>} : vector<32xbf16> -> vector<16xf32>
        %add3A_377 = arith.addf %add3A_325, %unpack3A_375 : vector<16xf32>
        %add3A_378 = arith.addf %add3A_326, %unpack3A_376 : vector<16xf32>
        %get3A_379 = arith.constant 0 : i32
        %get3A_380 = arith.index_cast %get3A_379 : i32 to index
        %get3A_381 = arith.index_cast %add3A_369 : i32 to index
        %get3A_382 = arith.constant 32 : index
        %get3A_383 = tpu.vector_load %arg13[%get3A_380, %get3A_381, %get3A_382] {strides = array<i32>} : memref<2x200x128xbf16, #tpu.memory_space<vmem>>, vector<32xbf16>,
        %unpack3A_384 = tpu.unpack_subelements %get3A_383, 0 {pack_format = #tpu.pack_format<interleaved>} : vector<32xbf16> -> vector<16xf32>
        %unpack3A_385 = tpu.unpack_subelements %get3A_383, 1 {pack_format = #tpu.pack_format<interleaved>} : vector<32xbf16> -> vector<16xf32>
        %add3A_386 = arith.addf %add3A_334, %unpack3A_384 : vector<16xf32>
        %add3A_387 = arith.addf %add3A_335, %unpack3A_385 : vector<16xf32>
        %get3A_388 = arith.constant 0 : i32
        %get3A_389 = arith.index_cast %get3A_388 : i32 to index
        %get3A_390 = arith.index_cast %add3A_369 : i32 to index
        %get3A_391 = arith.constant 64 : index
        %get3A_392 = tpu.vector_load %arg13[%get3A_389, %get3A_390, %get3A_391] {strides = array<i32>} : memref<2x200x128xbf16, #tpu.memory_space<vmem>>, vector<32xbf16>,
        %unpack3A_393 = tpu.unpack_subelements %get3A_392, 0 {pack_format = #tpu.pack_format<interleaved>} : vector<32xbf16> -> vector<16xf32>
        %unpack3A_394 = tpu.unpack_subelements %get3A_392, 1 {pack_format = #tpu.pack_format<interleaved>} : vector<32xbf16> -> vector<16xf32>
        %swap3A_395 = arith.constant 1 : i32
        %swap3A_396 = arith.index_cast %swap3A_395 : i32 to index
        %swap3A_397 = arith.constant 0 : index
        %swap3A_398 = tpu.vector_load %arg17[%swap3A_396, %swap3A_397] {strides = array<i32>} : memref<4x64xf32, #tpu.memory_space<vmem>>, vector<16xf32>,
        tpu.vector_store %arg17[%swap3A_396, %swap3A_397], %unpack3A_393 {add = true, strides = array<i32>} : memref<4x64xf32, #tpu.memory_space<vmem>>, vector<16xf32>,
        %swap3A_399 = arith.constant 1 : i32
        %swap3A_400 = arith.index_cast %swap3A_399 : i32 to index
        %swap3A_401 = arith.constant 16 : index
        %swap3A_402 = tpu.vector_load %arg17[%swap3A_400, %swap3A_401] {strides = array<i32>} : memref<4x64xf32, #tpu.memory_space<vmem>>, vector<16xf32>,
        tpu.vector_store %arg17[%swap3A_400, %swap3A_401], %unpack3A_394 {add = true, strides = array<i32>} : memref<4x64xf32, #tpu.memory_space<vmem>>, vector<16xf32>,
        %get3A_403 = arith.constant 0 : i32
        %get3A_404 = arith.index_cast %get3A_403 : i32 to index
        %get3A_405 = arith.index_cast %add3A_369 : i32 to index
        %get3A_406 = arith.constant 96 : index
        %get3A_407 = tpu.vector_load %arg13[%get3A_404, %get3A_405, %get3A_406] {strides = array<i32>} : memref<2x200x128xbf16, #tpu.memory_space<vmem>>, vector<32xbf16>,
        %unpack3A_408 = tpu.unpack_subelements %get3A_407, 0 {pack_format = #tpu.pack_format<interleaved>} : vector<32xbf16> -> vector<16xf32>
        %unpack3A_409 = tpu.unpack_subelements %get3A_407, 1 {pack_format = #tpu.pack_format<interleaved>} : vector<32xbf16> -> vector<16xf32>
        %swap3A_410 = arith.constant 1 : i32
        %swap3A_411 = arith.index_cast %swap3A_410 : i32 to index
        %swap3A_412 = arith.constant 32 : index
        %swap3A_413 = tpu.vector_load %arg17[%swap3A_411, %swap3A_412] {strides = array<i32>} : memref<4x64xf32, #tpu.memory_space<vmem>>, vector<16xf32>,
        tpu.vector_store %arg17[%swap3A_411, %swap3A_412], %unpack3A_408 {add = true, strides = array<i32>} : memref<4x64xf32, #tpu.memory_space<vmem>>, vector<16xf32>,
        %swap3A_414 = arith.constant 1 : i32
        %swap3A_415 = arith.index_cast %swap3A_414 : i32 to index
        %swap3A_416 = arith.constant 48 : index
        %swap3A_417 = tpu.vector_load %arg17[%swap3A_415, %swap3A_416] {strides = array<i32>} : memref<4x64xf32, #tpu.memory_space<vmem>>, vector<16xf32>,
        tpu.vector_store %arg17[%swap3A_415, %swap3A_416], %unpack3A_409 {add = true, strides = array<i32>} : memref<4x64xf32, #tpu.memory_space<vmem>>, vector<16xf32>,
        %mul3A_418 = arith.constant 4 : i32
        %mul3A_419 = arith.muli %mul3A_418, %scan3A_310 : i32
        %add3A_420 = arith.constant 2 : i32
        %add3A_421 = arith.addi %mul3A_419, %add3A_420 : i32
        %get3A_422 = arith.constant 0 : i32
        %get3A_423 = arith.index_cast %get3A_422 : i32 to index
        %get3A_424 = arith.index_cast %add3A_421 : i32 to index
        %get3A_425 = arith.constant 0 : index
        %get3A_426 = tpu.vector_load %arg13[%get3A_423, %get3A_424, %get3A_425] {strides = array<i32>} : memref<2x200x128xbf16, #tpu.memory_space<vmem>>, vector<32xbf16>,
        %unpack3A_427 = tpu.unpack_subelements %get3A_426, 0 {pack_format = #tpu.pack_format<interleaved>} : vector<32xbf16> -> vector<16xf32>
        %unpack3A_428 = tpu.unpack_subelements %get3A_426, 1 {pack_format = #tpu.pack_format<interleaved>} : vector<32xbf16> -> vector<16xf32>
        %add3A_429 = arith.addf %add3A_377, %unpack3A_427 : vector<16xf32>
        %add3A_430 = arith.addf %add3A_378, %unpack3A_428 : vector<16xf32>
        %get3A_431 = arith.constant 0 : i32
        %get3A_432 = arith.index_cast %get3A_431 : i32 to index
        %get3A_433 = arith.index_cast %add3A_421 : i32 to index
        %get3A_434 = arith.constant 32 : index
        %get3A_435 = tpu.vector_load %arg13[%get3A_432, %get3A_433, %get3A_434] {strides = array<i32>} : memref<2x200x128xbf16, #tpu.memory_space<vmem>>, vector<32xbf16>,
        %unpack3A_436 = tpu.unpack_subelements %get3A_435, 0 {pack_format = #tpu.pack_format<interleaved>} : vector<32xbf16> -> vector<16xf32>
        %unpack3A_437 = tpu.unpack_subelements %get3A_435, 1 {pack_format = #tpu.pack_format<interleaved>} : vector<32xbf16> -> vector<16xf32>
        %add3A_438 = arith.addf %add3A_386, %unpack3A_436 : vector<16xf32>
        %add3A_439 = arith.addf %add3A_387, %unpack3A_437 : vector<16xf32>
        %get3A_440 = arith.constant 0 : i32
        %get3A_441 = arith.index_cast %get3A_440 : i32 to index
        %get3A_442 = arith.index_cast %add3A_421 : i32 to index
        %get3A_443 = arith.constant 64 : index
        %get3A_444 = tpu.vector_load %arg13[%get3A_441, %get3A_442, %get3A_443] {strides = array<i32>} : memref<2x200x128xbf16, #tpu.memory_space<vmem>>, vector<32xbf16>,
        %unpack3A_445 = tpu.unpack_subelements %get3A_444, 0 {pack_format = #tpu.pack_format<interleaved>} : vector<32xbf16> -> vector<16xf32>
        %unpack3A_446 = tpu.unpack_subelements %get3A_444, 1 {pack_format = #tpu.pack_format<interleaved>} : vector<32xbf16> -> vector<16xf32>
        %swap3A_447 = arith.constant 2 : i32
        %swap3A_448 = arith.index_cast %swap3A_447 : i32 to index
        %swap3A_449 = arith.constant 0 : index
        %swap3A_450 = tpu.vector_load %arg17[%swap3A_448, %swap3A_449] {strides = array<i32>} : memref<4x64xf32, #tpu.memory_space<vmem>>, vector<16xf32>,
        tpu.vector_store %arg17[%swap3A_448, %swap3A_449], %unpack3A_445 {add = true, strides = array<i32>} : memref<4x64xf32, #tpu.memory_space<vmem>>, vector<16xf32>,
        %swap3A_451 = arith.constant 2 : i32
        %swap3A_452 = arith.index_cast %swap3A_451 : i32 to index
        %swap3A_453 = arith.constant 16 : index
        %swap3A_454 = tpu.vector_load %arg17[%swap3A_452, %swap3A_453] {strides = array<i32>} : memref<4x64xf32, #tpu.memory_space<vmem>>, vector<16xf32>,
        tpu.vector_store %arg17[%swap3A_452, %swap3A_453], %unpack3A_446 {add = true, strides = array<i32>} : memref<4x64xf32, #tpu.memory_space<vmem>>, vector<16xf32>,
        %get3A_455 = arith.constant 0 : i32
        %get3A_456 = arith.index_cast %get3A_455 : i32 to index
        %get3A_457 = arith.index_cast %add3A_421 : i32 to index
        %get3A_458 = arith.constant 96 : index
        %get3A_459 = tpu.vector_load %arg13[%get3A_456, %get3A_457, %get3A_458] {strides = array<i32>} : memref<2x200x128xbf16, #tpu.memory_space<vmem>>, vector<32xbf16>,
        %unpack3A_460 = tpu.unpack_subelements %get3A_459, 0 {pack_format = #tpu.pack_format<interleaved>} : vector<32xbf16> -> vector<16xf32>
        %unpack3A_461 = tpu.unpack_subelements %get3A_459, 1 {pack_format = #tpu.pack_format<interleaved>} : vector<32xbf16> -> vector<16xf32>
        %swap3A_462 = arith.constant 2 : i32
        %swap3A_463 = arith.index_cast %swap3A_462 : i32 to index
        %swap3A_464 = arith.constant 32 : index
        %swap3A_465 = tpu.vector_load %arg17[%swap3A_463, %swap3A_464] {strides = array<i32>} : memref<4x64xf32, #tpu.memory_space<vmem>>, vector<16xf32>,
        tpu.vector_store %arg17[%swap3A_463, %swap3A_464], %unpack3A_460 {add = true, strides = array<i32>} : memref<4x64xf32, #tpu.memory_space<vmem>>, vector<16xf32>,
        %swap3A_466 = arith.constant 2 : i32
        %swap3A_467 = arith.index_cast %swap3A_466 : i32 to index
        %swap3A_468 = arith.constant 48 : index
        %swap3A_469 = tpu.vector_load %arg17[%swap3A_467, %swap3A_468] {strides = array<i32>} : memref<4x64xf32, #tpu.memory_space<vmem>>, vector<16xf32>,
        tpu.vector_store %arg17[%swap3A_467, %swap3A_468], %unpack3A_461 {add = true, strides = array<i32>} : memref<4x64xf32, #tpu.memory_space<vmem>>, vector<16xf32>,
        %mul3A_470 = arith.constant 4 : i32
        %mul3A_471 = arith.muli %mul3A_470, %scan3A_310 : i32
        %add3A_472 = arith.constant 3 : i32
        %add3A_473 = arith.addi %mul3A_471, %add3A_472 : i32
        %get3A_474 = arith.constant 0 : i32
        %get3A_475 = arith.index_cast %get3A_474 : i32 to index
        %get3A_476 = arith.index_cast %add3A_473 : i32 to index
        %get3A_477 = arith.constant 0 : index
        %get3A_478 = tpu.vector_load %arg13[%get3A_475, %get3A_476, %get3A_477] {strides = array<i32>} : memref<2x200x128xbf16, #tpu.memory_space<vmem>>, vector<32xbf16>,
        %unpack3A_479 = tpu.unpack_subelements %get3A_478, 0 {pack_format = #tpu.pack_format<interleaved>} : vector<32xbf16> -> vector<16xf32>
        %unpack3A_480 = tpu.unpack_subelements %get3A_478, 1 {pack_format = #tpu.pack_format<interleaved>} : vector<32xbf16> -> vector<16xf32>
        %add3A_481 = arith.addf %add3A_429, %unpack3A_479 : vector<16xf32>
        %add3A_482 = arith.addf %add3A_430, %unpack3A_480 : vector<16xf32>
        %get3A_483 = arith.constant 0 : i32
        %get3A_484 = arith.index_cast %get3A_483 : i32 to index
        %get3A_485 = arith.index_cast %add3A_473 : i32 to index
        %get3A_486 = arith.constant 32 : index
        %get3A_487 = tpu.vector_load %arg13[%get3A_484, %get3A_485, %get3A_486] {strides = array<i32>} : memref<2x200x128xbf16, #tpu.memory_space<vmem>>, vector<32xbf16>,
        %unpack3A_488 = tpu.unpack_subelements %get3A_487, 0 {pack_format = #tpu.pack_format<interleaved>} : vector<32xbf16> -> vector<16xf32>
        %unpack3A_489 = tpu.unpack_subelements %get3A_487, 1 {pack_format = #tpu.pack_format<interleaved>} : vector<32xbf16> -> vector<16xf32>
        %add3A_490 = arith.addf %add3A_438, %unpack3A_488 : vector<16xf32>
        %add3A_491 = arith.addf %add3A_439, %unpack3A_489 : vector<16xf32>
        %get3A_492 = arith.constant 0 : i32
        %get3A_493 = arith.index_cast %get3A_492 : i32 to index
        %get3A_494 = arith.index_cast %add3A_473 : i32 to index
        %get3A_495 = arith.constant 64 : index
        %get3A_496 = tpu.vector_load %arg13[%get3A_493, %get3A_494, %get3A_495] {strides = array<i32>} : memref<2x200x128xbf16, #tpu.memory_space<vmem>>, vector<32xbf16>,
        %unpack3A_497 = tpu.unpack_subelements %get3A_496, 0 {pack_format = #tpu.pack_format<interleaved>} : vector<32xbf16> -> vector<16xf32>
        %unpack3A_498 = tpu.unpack_subelements %get3A_496, 1 {pack_format = #tpu.pack_format<interleaved>} : vector<32xbf16> -> vector<16xf32>
        %swap3A_499 = arith.constant 3 : i32
        %swap3A_500 = arith.index_cast %swap3A_499 : i32 to index
        %swap3A_501 = arith.constant 0 : index
        %swap3A_502 = tpu.vector_load %arg17[%swap3A_500, %swap3A_501] {strides = array<i32>} : memref<4x64xf32, #tpu.memory_space<vmem>>, vector<16xf32>,
        tpu.vector_store %arg17[%swap3A_500, %swap3A_501], %unpack3A_497 {add = true, strides = array<i32>} : memref<4x64xf32, #tpu.memory_space<vmem>>, vector<16xf32>,
        %swap3A_503 = arith.constant 3 : i32
        %swap3A_504 = arith.index_cast %swap3A_503 : i32 to index
        %swap3A_505 = arith.constant 16 : index
        %swap3A_506 = tpu.vector_load %arg17[%swap3A_504, %swap3A_505] {strides = array<i32>} : memref<4x64xf32, #tpu.memory_space<vmem>>, vector<16xf32>,
        tpu.vector_store %arg17[%swap3A_504, %swap3A_505], %unpack3A_498 {add = true, strides = array<i32>} : memref<4x64xf32, #tpu.memory_space<vmem>>, vector<16xf32>,
        %get3A_507 = arith.constant 0 : i32
        %get3A_508 = arith.index_cast %get3A_507 : i32 to index
        %get3A_509 = arith.index_cast %add3A_473 : i32 to index
        %get3A_510 = arith.constant 96 : index
        %get3A_511 = tpu.vector_load %arg13[%get3A_508, %get3A_509, %get3A_510] {strides = array<i32>} : memref<2x200x128xbf16, #tpu.memory_space<vmem>>, vector<32xbf16>,
        %unpack3A_512 = tpu.unpack_subelements %get3A_511, 0 {pack_format = #tpu.pack_format<interleaved>} : vector<32xbf16> -> vector<16xf32>
        %unpack3A_513 = tpu.unpack_subelements %get3A_511, 1 {pack_format = #tpu.pack_format<interleaved>} : vector<32xbf16> -> vector<16xf32>
        %swap3A_514 = arith.constant 3 : i32
        %swap3A_515 = arith.index_cast %swap3A_514 : i32 to index
        %swap3A_516 = arith.constant 32 : index
        %swap3A_517 = tpu.vector_load %arg17[%swap3A_515, %swap3A_516] {strides = array<i32>} : memref<4x64xf32, #tpu.memory_space<vmem>>, vector<16xf32>,
        tpu.vector_store %arg17[%swap3A_515, %swap3A_516], %unpack3A_512 {add = true, strides = array<i32>} : memref<4x64xf32, #tpu.memory_space<vmem>>, vector<16xf32>,
        %swap3A_518 = arith.constant 3 : i32
        %swap3A_519 = arith.index_cast %swap3A_518 : i32 to index
        %swap3A_520 = arith.constant 48 : index
        %swap3A_521 = tpu.vector_load %arg17[%swap3A_519, %swap3A_520] {strides = array<i32>} : memref<4x64xf32, #tpu.memory_space<vmem>>, vector<16xf32>,
        tpu.vector_store %arg17[%swap3A_519, %swap3A_520], %unpack3A_513 {add = true, strides = array<i32>} : memref<4x64xf32, #tpu.memory_space<vmem>>, vector<16xf32>,
        scf.yield %add3A_481, %add3A_482, %add3A_490, %add3A_491 : vector<16xf32>, vector<16xf32>, vector<16xf32>, vector<16xf32>
      }
      %scan3A_202 = arith.constant 50 : i32
      %swap3A_203 = arith.constant 0 : i32
      %swap3A_204 = arith.index_cast %swap3A_203 : i32 to index
      %swap3A_205 = arith.constant 0 : index
      %swap3A_206 = tpu.vector_load %arg14[%swap3A_204, %swap3A_205] {strides = array<i32>} : memref<128x128xf32, #tpu.memory_space<vmem>>, vector<16xf32>,
      tpu.vector_store %arg14[%swap3A_204, %swap3A_205], %scan3A_201#0 {strides = array<i32>} : memref<128x128xf32, #tpu.memory_space<vmem>>, vector<16xf32>,
      %swap3A_207 = arith.constant 0 : i32
      %swap3A_208 = arith.index_cast %swap3A_207 : i32 to index
      %swap3A_209 = arith.constant 16 : index
      %swap3A_210 = tpu.vector_load %arg14[%swap3A_208, %swap3A_209] {strides = array<i32>} : memref<128x128xf32, #tpu.memory_space<vmem>>, vector<16xf32>,
      tpu.vector_store %arg14[%swap3A_208, %swap3A_209], %scan3A_201#1 {strides = array<i32>} : memref<128x128xf32, #tpu.memory_space<vmem>>, vector<16xf32>,
      %swap3A_211 = arith.constant 0 : i32
      %swap3A_212 = arith.index_cast %swap3A_211 : i32 to index
      %swap3A_213 = arith.constant 32 : index
      %swap3A_214 = tpu.vector_load %arg14[%swap3A_212, %swap3A_213] {strides = array<i32>} : memref<128x128xf32, #tpu.memory_space<vmem>>, vector<16xf32>,
      tpu.vector_store %arg14[%swap3A_212, %swap3A_213], %scan3A_201#2 {strides = array<i32>} : memref<128x128xf32, #tpu.memory_space<vmem>>, vector<16xf32>,
      %swap3A_215 = arith.constant 0 : i32
      %swap3A_216 = arith.index_cast %swap3A_215 : i32 to index
      %swap3A_217 = arith.constant 48 : index
      %swap3A_218 = tpu.vector_load %arg14[%swap3A_216, %swap3A_217] {strides = array<i32>} : memref<128x128xf32, #tpu.memory_space<vmem>>, vector<16xf32>,
      tpu.vector_store %arg14[%swap3A_216, %swap3A_217], %scan3A_201#3 {strides = array<i32>} : memref<128x128xf32, #tpu.memory_space<vmem>>, vector<16xf32>,
      %get3A = arith.constant 0 : i32
      %get3A_219 = arith.index_cast %get3A : i32 to index
      %get3A_220 = arith.constant 0 : index
      %get3A_221 = tpu.vector_load %arg17[%get3A_219, %get3A_220] {strides = array<i32>} : memref<4x64xf32, #tpu.memory_space<vmem>>, vector<16xf32>,
      %get3A_222 = arith.constant 1 : i32
      %get3A_223 = arith.index_cast %get3A_222 : i32 to index
      %get3A_224 = arith.constant 0 : index
      %get3A_225 = tpu.vector_load %arg17[%get3A_223, %get3A_224] {strides = array<i32>} : memref<4x64xf32, #tpu.memory_space<vmem>>, vector<16xf32>,
      %add3A_226 = arith.addf %get3A_221, %get3A_225 : vector<16xf32>
      %get3A_227 = arith.constant 2 : i32
      %get3A_228 = arith.index_cast %get3A_227 : i32 to index
      %get3A_229 = arith.constant 0 : index
      %get3A_230 = tpu.vector_load %arg17[%get3A_228, %get3A_229] {strides = array<i32>} : memref<4x64xf32, #tpu.memory_space<vmem>>, vector<16xf32>,
      %add3A_231 = arith.addf %add3A_226, %get3A_230 : vector<16xf32>
      %get3A_232 = arith.constant 3 : i32
      %get3A_233 = arith.index_cast %get3A_232 : i32 to index
      %get3A_234 = arith.constant 0 : index
      %get3A_235 = tpu.vector_load %arg17[%get3A_233, %get3A_234] {strides = array<i32>} : memref<4x64xf32, #tpu.memory_space<vmem>>, vector<16xf32>,
      %add3A_236 = arith.addf %add3A_231, %get3A_235 : vector<16xf32>
      %swap3A_237 = arith.constant 0 : i32
      %swap3A_238 = arith.index_cast %swap3A_237 : i32 to index
      %swap3A_239 = arith.constant 64 : index
      %swap3A_240 = tpu.vector_load %arg14[%swap3A_238, %swap3A_239] {strides = array<i32>} : memref<128x128xf32, #tpu.memory_space<vmem>>, vector<16xf32>,
      tpu.vector_store %arg14[%swap3A_238, %swap3A_239], %add3A_236 {strides = array<i32>} : memref<128x128xf32, #tpu.memory_space<vmem>>, vector<16xf32>,
      %get3A_241 = arith.constant 0 : i32
      %get3A_242 = arith.index_cast %get3A_241 : i32 to index
      %get3A_243 = arith.constant 16 : index
      %get3A_244 = tpu.vector_load %arg17[%get3A_242, %get3A_243] {strides = array<i32>} : memref<4x64xf32, #tpu.memory_space<vmem>>, vector<16xf32>,
      %get3A_245 = arith.constant 1 : i32
      %get3A_246 = arith.index_cast %get3A_245 : i32 to index
      %get3A_247 = arith.constant 16 : index
      %get3A_248 = tpu.vector_load %arg17[%get3A_246, %get3A_247] {strides = array<i32>} : memref<4x64xf32, #tpu.memory_space<vmem>>, vector<16xf32>,
      %add3A_249 = arith.addf %get3A_244, %get3A_248 : vector<16xf32>
      %get3A_250 = arith.constant 2 : i32
      %get3A_251 = arith.index_cast %get3A_250 : i32 to index
      %get3A_252 = arith.constant 16 : index
      %get3A_253 = tpu.vector_load %arg17[%get3A_251, %get3A_252] {strides = array<i32>} : memref<4x64xf32, #tpu.memory_space<vmem>>, vector<16xf32>,
      %add3A_254 = arith.addf %add3A_249, %get3A_253 : vector<16xf32>
      %get3A_255 = arith.constant 3 : i32
      %get3A_256 = arith.index_cast %get3A_255 : i32 to index
      %get3A_257 = arith.constant 16 : index
      %get3A_258 = tpu.vector_load %arg17[%get3A_256, %get3A_257] {strides = array<i32>} : memref<4x64xf32, #tpu.memory_space<vmem>>, vector<16xf32>,
      %add3A_259 = arith.addf %add3A_254, %get3A_258 : vector<16xf32>
      %swap3A_260 = arith.constant 0 : i32
      %swap3A_261 = arith.index_cast %swap3A_260 : i32 to index
      %swap3A_262 = arith.constant 80 : index
      %swap3A_263 = tpu.vector_load %arg14[%swap3A_261, %swap3A_262] {strides = array<i32>} : memref<128x128xf32, #tpu.memory_space<vmem>>, vector<16xf32>,
      tpu.vector_store %arg14[%swap3A_261, %swap3A_262], %add3A_259 {strides = array<i32>} : memref<128x128xf32, #tpu.memory_space<vmem>>, vector<16xf32>,
      %get3A_264 = arith.constant 0 : i32
      %get3A_265 = arith.index_cast %get3A_264 : i32 to index
      %get3A_266 = arith.constant 32 : index
      %get3A_267 = tpu.vector_load %arg17[%get3A_265, %get3A_266] {strides = array<i32>} : memref<4x64xf32, #tpu.memory_space<vmem>>, vector<16xf32>,
      %get3A_268 = arith.constant 1 : i32
      %get3A_269 = arith.index_cast %get3A_268 : i32 to index
      %get3A_270 = arith.constant 32 : index
      %get3A_271 = tpu.vector_load %arg17[%get3A_269, %get3A_270] {strides = array<i32>} : memref<4x64xf32, #tpu.memory_space<vmem>>, vector<16xf32>,
      %add3A_272 = arith.addf %get3A_267, %get3A_271 : vector<16xf32>
      %get3A_273 = arith.constant 2 : i32
      %get3A_274 = arith.index_cast %get3A_273 : i32 to index
      %get3A_275 = arith.constant 32 : index
      %get3A_276 = tpu.vector_load %arg17[%get3A_274, %get3A_275] {strides = array<i32>} : memref<4x64xf32, #tpu.memory_space<vmem>>, vector<16xf32>,
      %add3A_277 = arith.addf %add3A_272, %get3A_276 : vector<16xf32>
      %get3A_278 = arith.constant 3 : i32
      %get3A_279 = arith.index_cast %get3A_278 : i32 to index
      %get3A_280 = arith.constant 32 : index
      %get3A_281 = tpu.vector_load %arg17[%get3A_279, %get3A_280] {strides = array<i32>} : memref<4x64xf32, #tpu.memory_space<vmem>>, vector<16xf32>,
      %add3A_282 = arith.addf %add3A_277, %get3A_281 : vector<16xf32>
      %swap3A_283 = arith.constant 0 : i32
      %swap3A_284 = arith.index_cast %swap3A_283 : i32 to index
      %swap3A_285 = arith.constant 96 : index
      %swap3A_286 = tpu.vector_load %arg14[%swap3A_284, %swap3A_285] {strides = array<i32>} : memref<128x128xf32, #tpu.memory_space<vmem>>, vector<16xf32>,
      tpu.vector_store %arg14[%swap3A_284, %swap3A_285], %add3A_282 {strides = array<i32>} : memref<128x128xf32, #tpu.memory_space<vmem>>, vector<16xf32>,
      %get3A_287 = arith.constant 0 : i32
      %get3A_288 = arith.index_cast %get3A_287 : i32 to index
      %get3A_289 = arith.constant 48 : index
      %get3A_290 = tpu.vector_load %arg17[%get3A_288, %get3A_289] {strides = array<i32>} : memref<4x64xf32, #tpu.memory_space<vmem>>, vector<16xf32>,
      %get3A_291 = arith.constant 1 : i32
      %get3A_292 = arith.index_cast %get3A_291 : i32 to index
      %get3A_293 = arith.constant 48 : index
      %get3A_294 = tpu.vector_load %arg17[%get3A_292, %get3A_293] {strides = array<i32>} : memref<4x64xf32, #tpu.memory_space<vmem>>, vector<16xf32>,
      %add3A_295 = arith.addf %get3A_290, %get3A_294 : vector<16xf32>
      %get3A_296 = arith.constant 2 : i32
      %get3A_297 = arith.index_cast %get3A_296 : i32 to index
      %get3A_298 = arith.constant 48 : index
      %get3A_299 = tpu.vector_load %arg17[%get3A_297, %get3A_298] {strides = array<i32>} : memref<4x64xf32, #tpu.memory_space<vmem>>, vector<16xf32>,
      %add3A_300 = arith.addf %add3A_295, %get3A_299 : vector<16xf32>
      %get3A_301 = arith.constant 3 : i32
      %get3A_302 = arith.index_cast %get3A_301 : i32 to index
      %get3A_303 = arith.constant 48 : index
      %get3A_304 = tpu.vector_load %arg17[%get3A_302, %get3A_303] {strides = array<i32>} : memref<4x64xf32, #tpu.memory_space<vmem>>, vector<16xf32>,
      %add3A_305 = arith.addf %add3A_300, %get3A_304 : vector<16xf32>
      %swap3A_306 = arith.constant 0 : i32
      %swap3A_307 = arith.index_cast %swap3A_306 : i32 to index
      %swap3A_308 = arith.constant 112 : index
      %swap3A_309 = tpu.vector_load %arg14[%swap3A_307, %swap3A_308] {strides = array<i32>} : memref<128x128xf32, #tpu.memory_space<vmem>>, vector<16xf32>,
      tpu.vector_store %arg14[%swap3A_307, %swap3A_308], %add3A_305 {strides = array<i32>} : memref<128x128xf32, #tpu.memory_space<vmem>>, vector<16xf32>,
      "tpu.region"() ({
        %run_scoped3A = tpu.sem_alloc : memref<!tpu.dma_semaphore, #tpu.memory_space<semaphore_mem>>
        %dma_start3A_310 = arith.constant 0 : i32
        %dma_start3A_311 = arith.constant 0 : i32
        %dma_start3A_312 = tpu.memref_slice %arg14[%dma_start3A_310, %dma_start3A_311] : memref<128x128xf32, #tpu.memory_space<vmem>> -> memref<1x128xf32, #tpu.memory_space<vmem>>
        %dma_start3A_313 = arith.constant 0 : i32
        %dma_start3A_314 = tpu.memref_slice %arg9[%add3A, %dma_start3A_313] : memref<16x128xf32, #tpu.memory_space<hbm>> -> memref<1x128xf32, #tpu.memory_space<hbm>>
        %dma_start3A_315 = arith.constant 0 : i32
        %dma_start3A_316 = tpu.memref_slice %arg9[%add3A, %dma_start3A_315] : memref<16x128xf32, #tpu.memory_space<hbm>> -> memref<1x128xf32, #tpu.memory_space<hbm>>
        %dma_start3A_317 = arith.constant 0 : i32
        %dma_start3A_318 = arith.constant 0 : i32
        %dma_start3A_319 = tpu.memref_slice %arg14[%dma_start3A_317, %dma_start3A_318] : memref<128x128xf32, #tpu.memory_space<vmem>> -> memref<1x128xf32, #tpu.memory_space<vmem>>
        tpu.enqueue_dma source(%dma_start3A_319 : memref<1x128xf32, #tpu.memory_space<vmem>>) target(%dma_start3A_316 : memref<1x128xf32, #tpu.memory_space<hbm>>) target_semaphore(%run_scoped3A : memref<!tpu.dma_semaphore, #tpu.memory_space<semaphore_mem>>)
        %dma_wait3A_320 = arith.constant 0 : i32
        %dma_wait3A_321 = arith.constant 0 : i32
        %dma_wait3A_322 = tpu.memref_slice %arg14[%dma_wait3A_320, %dma_wait3A_321] : memref<128x128xf32, #tpu.memory_space<vmem>> -> memref<1x128xf32, #tpu.memory_space<vmem>>
        %dma_wait3A_323 = arith.constant 0 : i32
        %dma_wait3A_324 = tpu.memref_slice %arg9[%add3A, %dma_wait3A_323] : memref<16x128xf32, #tpu.memory_space<hbm>> -> memref<1x128xf32, #tpu.memory_space<hbm>>
        %dma_wait3A_325 = arith.constant 0 : i32
        %dma_wait3A_326 = tpu.memref_slice %arg9[%add3A, %dma_wait3A_325] : memref<16x128xf32, #tpu.memory_space<hbm>> -> memref<1x128xf32, #tpu.memory_space<hbm>>
        %dma_wait3A_327 = arith.constant 0 : i32
        %dma_wait3A_328 = arith.constant 0 : i32
        %dma_wait3A_329 = tpu.memref_slice %arg14[%dma_wait3A_327, %dma_wait3A_328] : memref<128x128xf32, #tpu.memory_space<vmem>> -> memref<1x128xf32, #tpu.memory_space<vmem>>
        tpu.wait_dma2 semaphore(%run_scoped3A : memref<!tpu.dma_semaphore, #tpu.memory_space<semaphore_mem>>) src(%dma_wait3A_329 : memref<1x128xf32, #tpu.memory_space<vmem>>) dst(%dma_wait3A_326 : memref<1x128xf32, #tpu.memory_space<hbm>>)
        tpu.yield
      }) : () -> ()
    } else {
    }
    %mul3A_31 = arith.constant 256 : i32
    %mul3A_32 = arith.muli %add3A, %mul3A_31 : i32
    %add3A_33 = arith.constant 0 : i32
    %add3A_34 = arith.addi %mul3A_32, %add3A_33 : i32
    %mul3A_35 = arith.constant 200 : i32
    %mul3A_36 = arith.muli %add3A_34, %mul3A_35 : i32
    "tpu.region"() ({
      %run_scoped3A = tpu.sem_alloc : memref<!tpu.dma_semaphore, #tpu.memory_space<semaphore_mem>>
      %dma_start3A_96 = tpu.memref_slice %arg4[%mul3A_36] : memref<1638400xi32, #tpu.memory_space<hbm>> -> memref<25600xi32, #tpu.memory_space<hbm>>
      %dma_start3A_97 = tpu.memref_slice %arg4[%mul3A_36] : memref<1638400xi32, #tpu.memory_space<hbm>> -> memref<25600xi32, #tpu.memory_space<hbm>>
      tpu.enqueue_dma source(%dma_start3A_97 : memref<25600xi32, #tpu.memory_space<hbm>>) target(%arg12 : memref<25600xi32, #tpu.memory_space<vmem>>) target_semaphore(%run_scoped3A : memref<!tpu.dma_semaphore, #tpu.memory_space<semaphore_mem>>)
      %dma_wait3A_98 = tpu.memref_slice %arg4[%mul3A_36] : memref<1638400xi32, #tpu.memory_space<hbm>> -> memref<25600xi32, #tpu.memory_space<hbm>>
      %dma_wait3A_99 = tpu.memref_slice %arg4[%mul3A_36] : memref<1638400xi32, #tpu.memory_space<hbm>> -> memref<25600xi32, #tpu.memory_space<hbm>>
      tpu.wait_dma2 semaphore(%run_scoped3A : memref<!tpu.dma_semaphore, #tpu.memory_space<semaphore_mem>>) src(%dma_wait3A_99 : memref<25600xi32, #tpu.memory_space<hbm>>) dst(%arg12 : memref<25600xi32, #tpu.memory_space<vmem>>)
      tpu.yield
    }) : () -> ()
    %dma_start3A_37 = arith.constant 0 : i32
    %dma_start3A_38 = arith.constant 0 : i32
    %dma_start3A_39 = arith.constant 0 : i32
    %dma_start3A_40 = tpu.memref_slice %arg13[%dma_start3A_37, %dma_start3A_38, %dma_start3A_39] : memref<2x200x128xbf16, #tpu.memory_space<vmem>> -> memref<1x128x128xbf16, #tpu.memory_space<vmem>>
    %dma_start3A_41 = tpu.memref_squeeze %dma_start3A_40 : memref<1x128x128xbf16, #tpu.memory_space<vmem>> -> memref<128x128xbf16, #tpu.memory_space<vmem>>
    %dma_start3A_42 = arith.constant 0 : i32
    %dma_start3A_43 = tpu.memref_slice %arg12[%dma_start3A_42] : memref<25600xi32, #tpu.memory_space<vmem>> -> memref<128xi32, #tpu.memory_space<vmem>>
    %dma_start3A_44 = arith.constant 0 : i32
    %dma_start3A_45 = arith.constant 0 : i32
    %dma_start3A_46 = tpu.memref_slice %arg3[%dma_start3A_44, %dma_start3A_45] : memref<100001x128xbf16, #tpu.memory_space<hbm>> -> memref<100001x128xbf16, #tpu.memory_space<hbm>>
    tpu.enqueue_indirect_dma source(%dma_start3A_46 : memref<100001x128xbf16, #tpu.memory_space<hbm>>) target(%dma_start3A_41 : memref<128x128xbf16, #tpu.memory_space<vmem>>) offsets(%dma_start3A_43 : memref<128xi32, #tpu.memory_space<vmem>>) semaphore(%arg18 : memref<!tpu.dma_semaphore, #tpu.memory_space<semaphore_mem>>)
    %dma_start3A_47 = arith.constant 0 : i32
    %dma_start3A_48 = arith.constant 128 : i32
    %dma_start3A_49 = arith.constant 0 : i32
    %dma_start3A_50 = tpu.memref_slice %arg13[%dma_start3A_47, %dma_start3A_48, %dma_start3A_49] : memref<2x200x128xbf16, #tpu.memory_space<vmem>> -> memref<1x72x128xbf16, #tpu.memory_space<vmem>>
    %dma_start3A_51 = tpu.memref_squeeze %dma_start3A_50 : memref<1x72x128xbf16, #tpu.memory_space<vmem>> -> memref<72x128xbf16, #tpu.memory_space<vmem>>
    %dma_start3A_52 = arith.constant 128 : i32
    %dma_start3A_53 = tpu.memref_slice %arg12[%dma_start3A_52] : memref<25600xi32, #tpu.memory_space<vmem>> -> memref<72xi32, #tpu.memory_space<vmem>>
    %dma_start3A_54 = arith.constant 0 : i32
    %dma_start3A_55 = arith.constant 0 : i32
    %dma_start3A_56 = tpu.memref_slice %arg3[%dma_start3A_54, %dma_start3A_55] : memref<100001x128xbf16, #tpu.memory_space<hbm>> -> memref<100001x128xbf16, #tpu.memory_space<hbm>>
    tpu.enqueue_indirect_dma source(%dma_start3A_56 : memref<100001x128xbf16, #tpu.memory_space<hbm>>) target(%dma_start3A_51 : memref<72x128xbf16, #tpu.memory_space<vmem>>) offsets(%dma_start3A_53 : memref<72xi32, #tpu.memory_space<vmem>>) semaphore(%arg18 : memref<!tpu.dma_semaphore, #tpu.memory_space<semaphore_mem>>)
    %scan3A = arith.constant 0 : i32
    %scan3A_57 = arith.constant 0 : i32
    %scan3A_58 = arith.constant 64 : i32
    %scan3A_59 = arith.addi %scan3A_57, %scan3A_58 : i32
    %scan3A_60 = arith.constant 1 : i32
    %scan3A_61 = scf.for %scan3A_96 = %scan3A_57 to %scan3A_59 step %scan3A_60 iter_args(%scan3A_97 = %scan3A) -> (i32)  : i32 {
      %mul3A_98 = arith.constant 2 : i32
      %mul3A_99 = arith.muli %mul3A_98, %scan3A_96 : i32
      %add3A_100 = arith.constant 1 : i32
      %add3A_101 = arith.addi %mul3A_99, %add3A_100 : i32
      %mul3A_102 = arith.constant 200 : i32
      %mul3A_103 = arith.muli %add3A_101, %mul3A_102 : i32
      %dma_start3A_104 = arith.constant 1 : i32
      %dma_start3A_105 = arith.constant 0 : i32
      %dma_start3A_106 = arith.constant 0 : i32
      %dma_start3A_107 = tpu.memref_slice %arg13[%dma_start3A_104, %dma_start3A_105, %dma_start3A_106] : memref<2x200x128xbf16, #tpu.memory_space<vmem>> -> memref<1x128x128xbf16, #tpu.memory_space<vmem>>
      %dma_start3A_108 = tpu.memref_squeeze %dma_start3A_107 : memref<1x128x128xbf16, #tpu.memory_space<vmem>> -> memref<128x128xbf16, #tpu.memory_space<vmem>>
      %dma_start3A_109 = tpu.memref_slice %arg12[%mul3A_103] : memref<25600xi32, #tpu.memory_space<vmem>> -> memref<128xi32, #tpu.memory_space<vmem>>
      %dma_start3A_110 = arith.constant 0 : i32
      %dma_start3A_111 = arith.constant 0 : i32
      %dma_start3A_112 = tpu.memref_slice %arg3[%dma_start3A_110, %dma_start3A_111] : memref<100001x128xbf16, #tpu.memory_space<hbm>> -> memref<100001x128xbf16, #tpu.memory_space<hbm>>
      tpu.enqueue_indirect_dma source(%dma_start3A_112 : memref<100001x128xbf16, #tpu.memory_space<hbm>>) target(%dma_start3A_108 : memref<128x128xbf16, #tpu.memory_space<vmem>>) offsets(%dma_start3A_109 : memref<128xi32, #tpu.memory_space<vmem>>) semaphore(%arg19 : memref<!tpu.dma_semaphore, #tpu.memory_space<semaphore_mem>>)
      %add3A_113 = arith.constant 128 : i32
      %add3A_114 = arith.addi %mul3A_103, %add3A_113 : i32
      %dma_start3A_115 = arith.constant 1 : i32
      %dma_start3A_116 = arith.constant 128 : i32
      %dma_start3A_117 = arith.constant 0 : i32
      %dma_start3A_118 = tpu.memref_slice %arg13[%dma_start3A_115, %dma_start3A_116, %dma_start3A_117] : memref<2x200x128xbf16, #tpu.memory_space<vmem>> -> memref<1x72x128xbf16, #tpu.memory_space<vmem>>
      %dma_start3A_119 = tpu.memref_squeeze %dma_start3A_118 : memref<1x72x128xbf16, #tpu.memory_space<vmem>> -> memref<72x128xbf16, #tpu.memory_space<vmem>>
      %dma_start3A_120 = tpu.memref_slice %arg12[%add3A_114] : memref<25600xi32, #tpu.memory_space<vmem>> -> memref<72xi32, #tpu.memory_space<vmem>>
      %dma_start3A_121 = arith.constant 0 : i32
      %dma_start3A_122 = arith.constant 0 : i32
      %dma_start3A_123 = tpu.memref_slice %arg3[%dma_start3A_121, %dma_start3A_122] : memref<100001x128xbf16, #tpu.memory_space<hbm>> -> memref<100001x128xbf16, #tpu.memory_space<hbm>>
      tpu.enqueue_indirect_dma source(%dma_start3A_123 : memref<100001x128xbf16, #tpu.memory_space<hbm>>) target(%dma_start3A_119 : memref<72x128xbf16, #tpu.memory_space<vmem>>) offsets(%dma_start3A_120 : memref<72xi32, #tpu.memory_space<vmem>>) semaphore(%arg19 : memref<!tpu.dma_semaphore, #tpu.memory_space<semaphore_mem>>)
      %dma_wait3A_124 = arith.constant 0 : i32
      %dma_wait3A_125 = arith.constant 0 : i32
      %dma_wait3A_126 = arith.constant 0 : i32
      %dma_wait3A_127 = tpu.memref_slice %arg13[%dma_wait3A_124, %dma_wait3A_125, %dma_wait3A_126] : memref<2x200x128xbf16, #tpu.memory_space<vmem>> -> memref<1x200x128xbf16, #tpu.memory_space<vmem>>
      %dma_wait3A_128 = tpu.memref_squeeze %dma_wait3A_127 : memref<1x200x128xbf16, #tpu.memory_space<vmem>> -> memref<200x128xbf16, #tpu.memory_space<vmem>>
      %dma_wait3A_129 = arith.constant 0 : i32
      %dma_wait3A_130 = arith.constant 0 : i32
      %dma_wait3A_131 = tpu.memref_slice %arg3[%dma_wait3A_129, %dma_wait3A_130] : memref<100001x128xbf16, #tpu.memory_space<hbm>> -> memref<200x128xbf16, #tpu.memory_space<hbm>>
      %dma_wait3A_132 = arith.constant 0 : i32
      %dma_wait3A_133 = arith.constant 0 : i32
      %dma_wait3A_134 = tpu.memref_slice %arg13[%dma_wait3A_124, %dma_wait3A_132, %dma_wait3A_133] : memref<2x200x128xbf16, #tpu.memory_space<vmem>> -> memref<1x200x128xbf16, #tpu.memory_space<vmem>>
      %dma_wait3A_135 = tpu.memref_squeeze %dma_wait3A_134 : memref<1x200x128xbf16, #tpu.memory_space<vmem>> -> memref<200x128xbf16, #tpu.memory_space<vmem>>
      %dma_wait3A_136 = arith.constant 0 : i32
      %dma_wait3A_137 = arith.constant 0 : i32
      %dma_wait3A_138 = tpu.memref_slice %arg3[%dma_wait3A_136, %dma_wait3A_137] : memref<100001x128xbf16, #tpu.memory_space<hbm>> -> memref<200x128xbf16, #tpu.memory_space<hbm>>
      tpu.wait_dma2 semaphore(%arg18 : memref<!tpu.dma_semaphore, #tpu.memory_space<semaphore_mem>>) src(%dma_wait3A_138 : memref<200x128xbf16, #tpu.memory_space<hbm>>) dst(%dma_wait3A_135 : memref<200x128xbf16, #tpu.memory_space<vmem>>)
      %mul3A_139 = arith.constant 2 : i32
      %mul3A_140 = arith.muli %mul3A_139, %scan3A_96 : i32
      %broadcast_in_dim3A = arith.constant 0.000000e+00 : f32
      %broadcast_in_dim3A_141 = vector.broadcast %broadcast_in_dim3A : f32 to vector<16xf32>
      %swap3A = arith.constant 0 : i32
      %swap3A_142 = arith.index_cast %swap3A : i32 to index
      %swap3A_143 = arith.constant 0 : index
      %swap3A_144 = tpu.vector_load %arg17[%swap3A_142, %swap3A_143] {strides = array<i32>} : memref<4x64xf32, #tpu.memory_space<vmem>>, vector<16xf32>,
      tpu.vector_store %arg17[%swap3A_142, %swap3A_143], %broadcast_in_dim3A_141 {strides = array<i32>} : memref<4x64xf32, #tpu.memory_space<vmem>>, vector<16xf32>,
      %swap3A_145 = arith.constant 0 : i32
      %swap3A_146 = arith.index_cast %swap3A_145 : i32 to index
      %swap3A_147 = arith.constant 16 : index
      %swap3A_148 = tpu.vector_load %arg17[%swap3A_146, %swap3A_147] {strides = array<i32>} : memref<4x64xf32, #tpu.memory_space<vmem>>, vector<16xf32>,
      tpu.vector_store %arg17[%swap3A_146, %swap3A_147], %broadcast_in_dim3A_141 {strides = array<i32>} : memref<4x64xf32, #tpu.memory_space<vmem>>, vector<16xf32>,
      %swap3A_149 = arith.constant 0 : i32
      %swap3A_150 = arith.index_cast %swap3A_149 : i32 to index
      %swap3A_151 = arith.constant 32 : index
      %swap3A_152 = tpu.vector_load %arg17[%swap3A_150, %swap3A_151] {strides = array<i32>} : memref<4x64xf32, #tpu.memory_space<vmem>>, vector<16xf32>,
      tpu.vector_store %arg17[%swap3A_150, %swap3A_151], %broadcast_in_dim3A_141 {strides = array<i32>} : memref<4x64xf32, #tpu.memory_space<vmem>>, vector<16xf32>,
      %swap3A_153 = arith.constant 0 : i32
      %swap3A_154 = arith.index_cast %swap3A_153 : i32 to index
      %swap3A_155 = arith.constant 48 : index
      %swap3A_156 = tpu.vector_load %arg17[%swap3A_154, %swap3A_155] {strides = array<i32>} : memref<4x64xf32, #tpu.memory_space<vmem>>, vector<16xf32>,
      tpu.vector_store %arg17[%swap3A_154, %swap3A_155], %broadcast_in_dim3A_141 {strides = array<i32>} : memref<4x64xf32, #tpu.memory_space<vmem>>, vector<16xf32>,
      %swap3A_157 = arith.constant 1 : i32
      %swap3A_158 = arith.index_cast %swap3A_157 : i32 to index
      %swap3A_159 = arith.constant 0 : index
      %swap3A_160 = tpu.vector_load %arg17[%swap3A_158, %swap3A_159] {strides = array<i32>} : memref<4x64xf32, #tpu.memory_space<vmem>>, vector<16xf32>,
      tpu.vector_store %arg17[%swap3A_158, %swap3A_159], %broadcast_in_dim3A_141 {strides = array<i32>} : memref<4x64xf32, #tpu.memory_space<vmem>>, vector<16xf32>,
      %swap3A_161 = arith.constant 1 : i32
      %swap3A_162 = arith.index_cast %swap3A_161 : i32 to index
      %swap3A_163 = arith.constant 16 : index
      %swap3A_164 = tpu.vector_load %arg17[%swap3A_162, %swap3A_163] {strides = array<i32>} : memref<4x64xf32, #tpu.memory_space<vmem>>, vector<16xf32>,
      tpu.vector_store %arg17[%swap3A_162, %swap3A_163], %broadcast_in_dim3A_141 {strides = array<i32>} : memref<4x64xf32, #tpu.memory_space<vmem>>, vector<16xf32>,
      %swap3A_165 = arith.constant 1 : i32
      %swap3A_166 = arith.index_cast %swap3A_165 : i32 to index
      %swap3A_167 = arith.constant 32 : index
      %swap3A_168 = tpu.vector_load %arg17[%swap3A_166, %swap3A_167] {strides = array<i32>} : memref<4x64xf32, #tpu.memory_space<vmem>>, vector<16xf32>,
      tpu.vector_store %arg17[%swap3A_166, %swap3A_167], %broadcast_in_dim3A_141 {strides = array<i32>} : memref<4x64xf32, #tpu.memory_space<vmem>>, vector<16xf32>,
      %swap3A_169 = arith.constant 1 : i32
      %swap3A_170 = arith.index_cast %swap3A_169 : i32 to index
      %swap3A_171 = arith.constant 48 : index
      %swap3A_172 = tpu.vector_load %arg17[%swap3A_170, %swap3A_171] {strides = array<i32>} : memref<4x64xf32, #tpu.memory_space<vmem>>, vector<16xf32>,
      tpu.vector_store %arg17[%swap3A_170, %swap3A_171], %broadcast_in_dim3A_141 {strides = array<i32>} : memref<4x64xf32, #tpu.memory_space<vmem>>, vector<16xf32>,
      %swap3A_173 = arith.constant 2 : i32
      %swap3A_174 = arith.index_cast %swap3A_173 : i32 to index
      %swap3A_175 = arith.constant 0 : index
      %swap3A_176 = tpu.vector_load %arg17[%swap3A_174, %swap3A_175] {strides = array<i32>} : memref<4x64xf32, #tpu.memory_space<vmem>>, vector<16xf32>,
      tpu.vector_store %arg17[%swap3A_174, %swap3A_175], %broadcast_in_dim3A_141 {strides = array<i32>} : memref<4x64xf32, #tpu.memory_space<vmem>>, vector<16xf32>,
      %swap3A_177 = arith.constant 2 : i32
      %swap3A_178 = arith.index_cast %swap3A_177 : i32 to index
      %swap3A_179 = arith.constant 16 : index
      %swap3A_180 = tpu.vector_load %arg17[%swap3A_178, %swap3A_179] {strides = array<i32>} : memref<4x64xf32, #tpu.memory_space<vmem>>, vector<16xf32>,
      tpu.vector_store %arg17[%swap3A_178, %swap3A_179], %broadcast_in_dim3A_141 {strides = array<i32>} : memref<4x64xf32, #tpu.memory_space<vmem>>, vector<16xf32>,
      %swap3A_181 = arith.constant 2 : i32
      %swap3A_182 = arith.index_cast %swap3A_181 : i32 to index
      %swap3A_183 = arith.constant 32 : index
      %swap3A_184 = tpu.vector_load %arg17[%swap3A_182, %swap3A_183] {strides = array<i32>} : memref<4x64xf32, #tpu.memory_space<vmem>>, vector<16xf32>,
      tpu.vector_store %arg17[%swap3A_182, %swap3A_183], %broadcast_in_dim3A_141 {strides = array<i32>} : memref<4x64xf32, #tpu.memory_space<vmem>>, vector<16xf32>,
      %swap3A_185 = arith.constant 2 : i32
      %swap3A_186 = arith.index_cast %swap3A_185 : i32 to index
      %swap3A_187 = arith.constant 48 : index
      %swap3A_188 = tpu.vector_load %arg17[%swap3A_186, %swap3A_187] {strides = array<i32>} : memref<4x64xf32, #tpu.memory_space<vmem>>, vector<16xf32>,
      tpu.vector_store %arg17[%swap3A_186, %swap3A_187], %broadcast_in_dim3A_141 {strides = array<i32>} : memref<4x64xf32, #tpu.memory_space<vmem>>, vector<16xf32>,
      %swap3A_189 = arith.constant 3 : i32
      %swap3A_190 = arith.index_cast %swap3A_189 : i32 to index
      %swap3A_191 = arith.constant 0 : index
      %swap3A_192 = tpu.vector_load %arg17[%swap3A_190, %swap3A_191] {strides = array<i32>} : memref<4x64xf32, #tpu.memory_space<vmem>>, vector<16xf32>,
      tpu.vector_store %arg17[%swap3A_190, %swap3A_191], %broadcast_in_dim3A_141 {strides = array<i32>} : memref<4x64xf32, #tpu.memory_space<vmem>>, vector<16xf32>,
      %swap3A_193 = arith.constant 3 : i32
      %swap3A_194 = arith.index_cast %swap3A_193 : i32 to index
      %swap3A_195 = arith.constant 16 : index
      %swap3A_196 = tpu.vector_load %arg17[%swap3A_194, %swap3A_195] {strides = array<i32>} : memref<4x64xf32, #tpu.memory_space<vmem>>, vector<16xf32>,
      tpu.vector_store %arg17[%swap3A_194, %swap3A_195], %broadcast_in_dim3A_141 {strides = array<i32>} : memref<4x64xf32, #tpu.memory_space<vmem>>, vector<16xf32>,
      %swap3A_197 = arith.constant 3 : i32
      %swap3A_198 = arith.index_cast %swap3A_197 : i32 to index
      %swap3A_199 = arith.constant 32 : index
      %swap3A_200 = tpu.vector_load %arg17[%swap3A_198, %swap3A_199] {strides = array<i32>} : memref<4x64xf32, #tpu.memory_space<vmem>>, vector<16xf32>,
      tpu.vector_store %arg17[%swap3A_198, %swap3A_199], %broadcast_in_dim3A_141 {strides = array<i32>} : memref<4x64xf32, #tpu.memory_space<vmem>>, vector<16xf32>,
      %swap3A_201 = arith.constant 3 : i32
      %swap3A_202 = arith.index_cast %swap3A_201 : i32 to index
      %swap3A_203 = arith.constant 48 : index
      %swap3A_204 = tpu.vector_load %arg17[%swap3A_202, %swap3A_203] {strides = array<i32>} : memref<4x64xf32, #tpu.memory_space<vmem>>, vector<16xf32>,
      tpu.vector_store %arg17[%swap3A_202, %swap3A_203], %broadcast_in_dim3A_141 {strides = array<i32>} : memref<4x64xf32, #tpu.memory_space<vmem>>, vector<16xf32>,
      %scan3A_205 = arith.constant 0 : i32
      %scan3A_206 = arith.constant 50 : i32
      %scan3A_207 = arith.addi %scan3A_205, %scan3A_206 : i32
      %scan3A_208 = arith.constant 1 : i32
      %scan3A_209:4 = scf.for %scan3A_507 = %scan3A_205 to %scan3A_207 step %scan3A_208 iter_args(%scan3A_508 = %broadcast_in_dim3A_141, %scan3A_509 = %broadcast_in_dim3A_141, %scan3A_510 = %broadcast_in_dim3A_141, %scan3A_511 = %broadcast_in_dim3A_141) -> (vector<16xf32>, vector<16xf32>, vector<16xf32>, vector<16xf32>)  : i32 {
        %mul3A_512 = arith.constant 4 : i32
        %mul3A_513 = arith.muli %mul3A_512, %scan3A_507 : i32
        %add3A_514 = arith.constant 0 : i32
        %add3A_515 = arith.addi %mul3A_513, %add3A_514 : i32
        %get3A_516 = arith.constant 0 : i32
        %get3A_517 = arith.index_cast %get3A_516 : i32 to index
        %get3A_518 = arith.index_cast %add3A_515 : i32 to index
        %get3A_519 = arith.constant 0 : index
        %get3A_520 = tpu.vector_load %arg13[%get3A_517, %get3A_518, %get3A_519] {strides = array<i32>} : memref<2x200x128xbf16, #tpu.memory_space<vmem>>, vector<32xbf16>,
        %unpack3A = tpu.unpack_subelements %get3A_520, 0 {pack_format = #tpu.pack_format<interleaved>} : vector<32xbf16> -> vector<16xf32>
        %unpack3A_521 = tpu.unpack_subelements %get3A_520, 1 {pack_format = #tpu.pack_format<interleaved>} : vector<32xbf16> -> vector<16xf32>
        %add3A_522 = arith.addf %scan3A_508, %unpack3A : vector<16xf32>
        %add3A_523 = arith.addf %scan3A_509, %unpack3A_521 : vector<16xf32>
        %get3A_524 = arith.constant 0 : i32
        %get3A_525 = arith.index_cast %get3A_524 : i32 to index
        %get3A_526 = arith.index_cast %add3A_515 : i32 to index
        %get3A_527 = arith.constant 32 : index
        %get3A_528 = tpu.vector_load %arg13[%get3A_525, %get3A_526, %get3A_527] {strides = array<i32>} : memref<2x200x128xbf16, #tpu.memory_space<vmem>>, vector<32xbf16>,
        %unpack3A_529 = tpu.unpack_subelements %get3A_528, 0 {pack_format = #tpu.pack_format<interleaved>} : vector<32xbf16> -> vector<16xf32>
        %unpack3A_530 = tpu.unpack_subelements %get3A_528, 1 {pack_format = #tpu.pack_format<interleaved>} : vector<32xbf16> -> vector<16xf32>
        %add3A_531 = arith.addf %scan3A_510, %unpack3A_529 : vector<16xf32>
        %add3A_532 = arith.addf %scan3A_511, %unpack3A_530 : vector<16xf32>
        %get3A_533 = arith.constant 0 : i32
        %get3A_534 = arith.index_cast %get3A_533 : i32 to index
        %get3A_535 = arith.index_cast %add3A_515 : i32 to index
        %get3A_536 = arith.constant 64 : index
        %get3A_537 = tpu.vector_load %arg13[%get3A_534, %get3A_535, %get3A_536] {strides = array<i32>} : memref<2x200x128xbf16, #tpu.memory_space<vmem>>, vector<32xbf16>,
        %unpack3A_538 = tpu.unpack_subelements %get3A_537, 0 {pack_format = #tpu.pack_format<interleaved>} : vector<32xbf16> -> vector<16xf32>
        %unpack3A_539 = tpu.unpack_subelements %get3A_537, 1 {pack_format = #tpu.pack_format<interleaved>} : vector<32xbf16> -> vector<16xf32>
        %swap3A_540 = arith.constant 0 : i32
        %swap3A_541 = arith.index_cast %swap3A_540 : i32 to index
        %swap3A_542 = arith.constant 0 : index
        %swap3A_543 = tpu.vector_load %arg17[%swap3A_541, %swap3A_542] {strides = array<i32>} : memref<4x64xf32, #tpu.memory_space<vmem>>, vector<16xf32>,
        tpu.vector_store %arg17[%swap3A_541, %swap3A_542], %unpack3A_538 {add = true, strides = array<i32>} : memref<4x64xf32, #tpu.memory_space<vmem>>, vector<16xf32>,
        %swap3A_544 = arith.constant 0 : i32
        %swap3A_545 = arith.index_cast %swap3A_544 : i32 to index
        %swap3A_546 = arith.constant 16 : index
        %swap3A_547 = tpu.vector_load %arg17[%swap3A_545, %swap3A_546] {strides = array<i32>} : memref<4x64xf32, #tpu.memory_space<vmem>>, vector<16xf32>,
        tpu.vector_store %arg17[%swap3A_545, %swap3A_546], %unpack3A_539 {add = true, strides = array<i32>} : memref<4x64xf32, #tpu.memory_space<vmem>>, vector<16xf32>,
        %get3A_548 = arith.constant 0 : i32
        %get3A_549 = arith.index_cast %get3A_548 : i32 to index
        %get3A_550 = arith.index_cast %add3A_515 : i32 to index
        %get3A_551 = arith.constant 96 : index
        %get3A_552 = tpu.vector_load %arg13[%get3A_549, %get3A_550, %get3A_551] {strides = array<i32>} : memref<2x200x128xbf16, #tpu.memory_space<vmem>>, vector<32xbf16>,
        %unpack3A_553 = tpu.unpack_subelements %get3A_552, 0 {pack_format = #tpu.pack_format<interleaved>} : vector<32xbf16> -> vector<16xf32>
        %unpack3A_554 = tpu.unpack_subelements %get3A_552, 1 {pack_format = #tpu.pack_format<interleaved>} : vector<32xbf16> -> vector<16xf32>
        %swap3A_555 = arith.constant 0 : i32
        %swap3A_556 = arith.index_cast %swap3A_555 : i32 to index
        %swap3A_557 = arith.constant 32 : index
        %swap3A_558 = tpu.vector_load %arg17[%swap3A_556, %swap3A_557] {strides = array<i32>} : memref<4x64xf32, #tpu.memory_space<vmem>>, vector<16xf32>,
        tpu.vector_store %arg17[%swap3A_556, %swap3A_557], %unpack3A_553 {add = true, strides = array<i32>} : memref<4x64xf32, #tpu.memory_space<vmem>>, vector<16xf32>,
        %swap3A_559 = arith.constant 0 : i32
        %swap3A_560 = arith.index_cast %swap3A_559 : i32 to index
        %swap3A_561 = arith.constant 48 : index
        %swap3A_562 = tpu.vector_load %arg17[%swap3A_560, %swap3A_561] {strides = array<i32>} : memref<4x64xf32, #tpu.memory_space<vmem>>, vector<16xf32>,
        tpu.vector_store %arg17[%swap3A_560, %swap3A_561], %unpack3A_554 {add = true, strides = array<i32>} : memref<4x64xf32, #tpu.memory_space<vmem>>, vector<16xf32>,
        %mul3A_563 = arith.constant 4 : i32
        %mul3A_564 = arith.muli %mul3A_563, %scan3A_507 : i32
        %add3A_565 = arith.constant 1 : i32
        %add3A_566 = arith.addi %mul3A_564, %add3A_565 : i32
        %get3A_567 = arith.constant 0 : i32
        %get3A_568 = arith.index_cast %get3A_567 : i32 to index
        %get3A_569 = arith.index_cast %add3A_566 : i32 to index
        %get3A_570 = arith.constant 0 : index
        %get3A_571 = tpu.vector_load %arg13[%get3A_568, %get3A_569, %get3A_570] {strides = array<i32>} : memref<2x200x128xbf16, #tpu.memory_space<vmem>>, vector<32xbf16>,
        %unpack3A_572 = tpu.unpack_subelements %get3A_571, 0 {pack_format = #tpu.pack_format<interleaved>} : vector<32xbf16> -> vector<16xf32>
        %unpack3A_573 = tpu.unpack_subelements %get3A_571, 1 {pack_format = #tpu.pack_format<interleaved>} : vector<32xbf16> -> vector<16xf32>
        %add3A_574 = arith.addf %add3A_522, %unpack3A_572 : vector<16xf32>
        %add3A_575 = arith.addf %add3A_523, %unpack3A_573 : vector<16xf32>
        %get3A_576 = arith.constant 0 : i32
        %get3A_577 = arith.index_cast %get3A_576 : i32 to index
        %get3A_578 = arith.index_cast %add3A_566 : i32 to index
        %get3A_579 = arith.constant 32 : index
        %get3A_580 = tpu.vector_load %arg13[%get3A_577, %get3A_578, %get3A_579] {strides = array<i32>} : memref<2x200x128xbf16, #tpu.memory_space<vmem>>, vector<32xbf16>,
        %unpack3A_581 = tpu.unpack_subelements %get3A_580, 0 {pack_format = #tpu.pack_format<interleaved>} : vector<32xbf16> -> vector<16xf32>
        %unpack3A_582 = tpu.unpack_subelements %get3A_580, 1 {pack_format = #tpu.pack_format<interleaved>} : vector<32xbf16> -> vector<16xf32>
        %add3A_583 = arith.addf %add3A_531, %unpack3A_581 : vector<16xf32>
        %add3A_584 = arith.addf %add3A_532, %unpack3A_582 : vector<16xf32>
        %get3A_585 = arith.constant 0 : i32
        %get3A_586 = arith.index_cast %get3A_585 : i32 to index
        %get3A_587 = arith.index_cast %add3A_566 : i32 to index
        %get3A_588 = arith.constant 64 : index
        %get3A_589 = tpu.vector_load %arg13[%get3A_586, %get3A_587, %get3A_588] {strides = array<i32>} : memref<2x200x128xbf16, #tpu.memory_space<vmem>>, vector<32xbf16>,
        %unpack3A_590 = tpu.unpack_subelements %get3A_589, 0 {pack_format = #tpu.pack_format<interleaved>} : vector<32xbf16> -> vector<16xf32>
        %unpack3A_591 = tpu.unpack_subelements %get3A_589, 1 {pack_format = #tpu.pack_format<interleaved>} : vector<32xbf16> -> vector<16xf32>
        %swap3A_592 = arith.constant 1 : i32
        %swap3A_593 = arith.index_cast %swap3A_592 : i32 to index
        %swap3A_594 = arith.constant 0 : index
        %swap3A_595 = tpu.vector_load %arg17[%swap3A_593, %swap3A_594] {strides = array<i32>} : memref<4x64xf32, #tpu.memory_space<vmem>>, vector<16xf32>,
        tpu.vector_store %arg17[%swap3A_593, %swap3A_594], %unpack3A_590 {add = true, strides = array<i32>} : memref<4x64xf32, #tpu.memory_space<vmem>>, vector<16xf32>,
        %swap3A_596 = arith.constant 1 : i32
        %swap3A_597 = arith.index_cast %swap3A_596 : i32 to index
        %swap3A_598 = arith.constant 16 : index
        %swap3A_599 = tpu.vector_load %arg17[%swap3A_597, %swap3A_598] {strides = array<i32>} : memref<4x64xf32, #tpu.memory_space<vmem>>, vector<16xf32>,
        tpu.vector_store %arg17[%swap3A_597, %swap3A_598], %unpack3A_591 {add = true, strides = array<i32>} : memref<4x64xf32, #tpu.memory_space<vmem>>, vector<16xf32>,
        %get3A_600 = arith.constant 0 : i32
        %get3A_601 = arith.index_cast %get3A_600 : i32 to index
        %get3A_602 = arith.index_cast %add3A_566 : i32 to index
        %get3A_603 = arith.constant 96 : index
        %get3A_604 = tpu.vector_load %arg13[%get3A_601, %get3A_602, %get3A_603] {strides = array<i32>} : memref<2x200x128xbf16, #tpu.memory_space<vmem>>, vector<32xbf16>,
        %unpack3A_605 = tpu.unpack_subelements %get3A_604, 0 {pack_format = #tpu.pack_format<interleaved>} : vector<32xbf16> -> vector<16xf32>
        %unpack3A_606 = tpu.unpack_subelements %get3A_604, 1 {pack_format = #tpu.pack_format<interleaved>} : vector<32xbf16> -> vector<16xf32>
        %swap3A_607 = arith.constant 1 : i32
        %swap3A_608 = arith.index_cast %swap3A_607 : i32 to index
        %swap3A_609 = arith.constant 32 : index
        %swap3A_610 = tpu.vector_load %arg17[%swap3A_608, %swap3A_609] {strides = array<i32>} : memref<4x64xf32, #tpu.memory_space<vmem>>, vector<16xf32>,
        tpu.vector_store %arg17[%swap3A_608, %swap3A_609], %unpack3A_605 {add = true, strides = array<i32>} : memref<4x64xf32, #tpu.memory_space<vmem>>, vector<16xf32>,
        %swap3A_611 = arith.constant 1 : i32
        %swap3A_612 = arith.index_cast %swap3A_611 : i32 to index
        %swap3A_613 = arith.constant 48 : index
        %swap3A_614 = tpu.vector_load %arg17[%swap3A_612, %swap3A_613] {strides = array<i32>} : memref<4x64xf32, #tpu.memory_space<vmem>>, vector<16xf32>,
        tpu.vector_store %arg17[%swap3A_612, %swap3A_613], %unpack3A_606 {add = true, strides = array<i32>} : memref<4x64xf32, #tpu.memory_space<vmem>>, vector<16xf32>,
        %mul3A_615 = arith.constant 4 : i32
        %mul3A_616 = arith.muli %mul3A_615, %scan3A_507 : i32
        %add3A_617 = arith.constant 2 : i32
        %add3A_618 = arith.addi %mul3A_616, %add3A_617 : i32
        %get3A_619 = arith.constant 0 : i32
        %get3A_620 = arith.index_cast %get3A_619 : i32 to index
        %get3A_621 = arith.index_cast %add3A_618 : i32 to index
        %get3A_622 = arith.constant 0 : index
        %get3A_623 = tpu.vector_load %arg13[%get3A_620, %get3A_621, %get3A_622] {strides = array<i32>} : memref<2x200x128xbf16, #tpu.memory_space<vmem>>, vector<32xbf16>,
        %unpack3A_624 = tpu.unpack_subelements %get3A_623, 0 {pack_format = #tpu.pack_format<interleaved>} : vector<32xbf16> -> vector<16xf32>
        %unpack3A_625 = tpu.unpack_subelements %get3A_623, 1 {pack_format = #tpu.pack_format<interleaved>} : vector<32xbf16> -> vector<16xf32>
        %add3A_626 = arith.addf %add3A_574, %unpack3A_624 : vector<16xf32>
        %add3A_627 = arith.addf %add3A_575, %unpack3A_625 : vector<16xf32>
        %get3A_628 = arith.constant 0 : i32
        %get3A_629 = arith.index_cast %get3A_628 : i32 to index
        %get3A_630 = arith.index_cast %add3A_618 : i32 to index
        %get3A_631 = arith.constant 32 : index
        %get3A_632 = tpu.vector_load %arg13[%get3A_629, %get3A_630, %get3A_631] {strides = array<i32>} : memref<2x200x128xbf16, #tpu.memory_space<vmem>>, vector<32xbf16>,
        %unpack3A_633 = tpu.unpack_subelements %get3A_632, 0 {pack_format = #tpu.pack_format<interleaved>} : vector<32xbf16> -> vector<16xf32>
        %unpack3A_634 = tpu.unpack_subelements %get3A_632, 1 {pack_format = #tpu.pack_format<interleaved>} : vector<32xbf16> -> vector<16xf32>
        %add3A_635 = arith.addf %add3A_583, %unpack3A_633 : vector<16xf32>
        %add3A_636 = arith.addf %add3A_584, %unpack3A_634 : vector<16xf32>
        %get3A_637 = arith.constant 0 : i32
        %get3A_638 = arith.index_cast %get3A_637 : i32 to index
        %get3A_639 = arith.index_cast %add3A_618 : i32 to index
        %get3A_640 = arith.constant 64 : index
        %get3A_641 = tpu.vector_load %arg13[%get3A_638, %get3A_639, %get3A_640] {strides = array<i32>} : memref<2x200x128xbf16, #tpu.memory_space<vmem>>, vector<32xbf16>,
        %unpack3A_642 = tpu.unpack_subelements %get3A_641, 0 {pack_format = #tpu.pack_format<interleaved>} : vector<32xbf16> -> vector<16xf32>
        %unpack3A_643 = tpu.unpack_subelements %get3A_641, 1 {pack_format = #tpu.pack_format<interleaved>} : vector<32xbf16> -> vector<16xf32>
        %swap3A_644 = arith.constant 2 : i32
        %swap3A_645 = arith.index_cast %swap3A_644 : i32 to index
        %swap3A_646 = arith.constant 0 : index
        %swap3A_647 = tpu.vector_load %arg17[%swap3A_645, %swap3A_646] {strides = array<i32>} : memref<4x64xf32, #tpu.memory_space<vmem>>, vector<16xf32>,
        tpu.vector_store %arg17[%swap3A_645, %swap3A_646], %unpack3A_642 {add = true, strides = array<i32>} : memref<4x64xf32, #tpu.memory_space<vmem>>, vector<16xf32>,
        %swap3A_648 = arith.constant 2 : i32
        %swap3A_649 = arith.index_cast %swap3A_648 : i32 to index
        %swap3A_650 = arith.constant 16 : index
        %swap3A_651 = tpu.vector_load %arg17[%swap3A_649, %swap3A_650] {strides = array<i32>} : memref<4x64xf32, #tpu.memory_space<vmem>>, vector<16xf32>,
        tpu.vector_store %arg17[%swap3A_649, %swap3A_650], %unpack3A_643 {add = true, strides = array<i32>} : memref<4x64xf32, #tpu.memory_space<vmem>>, vector<16xf32>,
        %get3A_652 = arith.constant 0 : i32
        %get3A_653 = arith.index_cast %get3A_652 : i32 to index
        %get3A_654 = arith.index_cast %add3A_618 : i32 to index
        %get3A_655 = arith.constant 96 : index
        %get3A_656 = tpu.vector_load %arg13[%get3A_653, %get3A_654, %get3A_655] {strides = array<i32>} : memref<2x200x128xbf16, #tpu.memory_space<vmem>>, vector<32xbf16>,
        %unpack3A_657 = tpu.unpack_subelements %get3A_656, 0 {pack_format = #tpu.pack_format<interleaved>} : vector<32xbf16> -> vector<16xf32>
        %unpack3A_658 = tpu.unpack_subelements %get3A_656, 1 {pack_format = #tpu.pack_format<interleaved>} : vector<32xbf16> -> vector<16xf32>
        %swap3A_659 = arith.constant 2 : i32
        %swap3A_660 = arith.index_cast %swap3A_659 : i32 to index
        %swap3A_661 = arith.constant 32 : index
        %swap3A_662 = tpu.vector_load %arg17[%swap3A_660, %swap3A_661] {strides = array<i32>} : memref<4x64xf32, #tpu.memory_space<vmem>>, vector<16xf32>,
        tpu.vector_store %arg17[%swap3A_660, %swap3A_661], %unpack3A_657 {add = true, strides = array<i32>} : memref<4x64xf32, #tpu.memory_space<vmem>>, vector<16xf32>,
        %swap3A_663 = arith.constant 2 : i32
        %swap3A_664 = arith.index_cast %swap3A_663 : i32 to index
        %swap3A_665 = arith.constant 48 : index
        %swap3A_666 = tpu.vector_load %arg17[%swap3A_664, %swap3A_665] {strides = array<i32>} : memref<4x64xf32, #tpu.memory_space<vmem>>, vector<16xf32>,
        tpu.vector_store %arg17[%swap3A_664, %swap3A_665], %unpack3A_658 {add = true, strides = array<i32>} : memref<4x64xf32, #tpu.memory_space<vmem>>, vector<16xf32>,
        %mul3A_667 = arith.constant 4 : i32
        %mul3A_668 = arith.muli %mul3A_667, %scan3A_507 : i32
        %add3A_669 = arith.constant 3 : i32
        %add3A_670 = arith.addi %mul3A_668, %add3A_669 : i32
        %get3A_671 = arith.constant 0 : i32
        %get3A_672 = arith.index_cast %get3A_671 : i32 to index
        %get3A_673 = arith.index_cast %add3A_670 : i32 to index
        %get3A_674 = arith.constant 0 : index
        %get3A_675 = tpu.vector_load %arg13[%get3A_672, %get3A_673, %get3A_674] {strides = array<i32>} : memref<2x200x128xbf16, #tpu.memory_space<vmem>>, vector<32xbf16>,
        %unpack3A_676 = tpu.unpack_subelements %get3A_675, 0 {pack_format = #tpu.pack_format<interleaved>} : vector<32xbf16> -> vector<16xf32>
        %unpack3A_677 = tpu.unpack_subelements %get3A_675, 1 {pack_format = #tpu.pack_format<interleaved>} : vector<32xbf16> -> vector<16xf32>
        %add3A_678 = arith.addf %add3A_626, %unpack3A_676 : vector<16xf32>
        %add3A_679 = arith.addf %add3A_627, %unpack3A_677 : vector<16xf32>
        %get3A_680 = arith.constant 0 : i32
        %get3A_681 = arith.index_cast %get3A_680 : i32 to index
        %get3A_682 = arith.index_cast %add3A_670 : i32 to index
        %get3A_683 = arith.constant 32 : index
        %get3A_684 = tpu.vector_load %arg13[%get3A_681, %get3A_682, %get3A_683] {strides = array<i32>} : memref<2x200x128xbf16, #tpu.memory_space<vmem>>, vector<32xbf16>,
        %unpack3A_685 = tpu.unpack_subelements %get3A_684, 0 {pack_format = #tpu.pack_format<interleaved>} : vector<32xbf16> -> vector<16xf32>
        %unpack3A_686 = tpu.unpack_subelements %get3A_684, 1 {pack_format = #tpu.pack_format<interleaved>} : vector<32xbf16> -> vector<16xf32>
        %add3A_687 = arith.addf %add3A_635, %unpack3A_685 : vector<16xf32>
        %add3A_688 = arith.addf %add3A_636, %unpack3A_686 : vector<16xf32>
        %get3A_689 = arith.constant 0 : i32
        %get3A_690 = arith.index_cast %get3A_689 : i32 to index
        %get3A_691 = arith.index_cast %add3A_670 : i32 to index
        %get3A_692 = arith.constant 64 : index
        %get3A_693 = tpu.vector_load %arg13[%get3A_690, %get3A_691, %get3A_692] {strides = array<i32>} : memref<2x200x128xbf16, #tpu.memory_space<vmem>>, vector<32xbf16>,
        %unpack3A_694 = tpu.unpack_subelements %get3A_693, 0 {pack_format = #tpu.pack_format<interleaved>} : vector<32xbf16> -> vector<16xf32>
        %unpack3A_695 = tpu.unpack_subelements %get3A_693, 1 {pack_format = #tpu.pack_format<interleaved>} : vector<32xbf16> -> vector<16xf32>
        %swap3A_696 = arith.constant 3 : i32
        %swap3A_697 = arith.index_cast %swap3A_696 : i32 to index
        %swap3A_698 = arith.constant 0 : index
        %swap3A_699 = tpu.vector_load %arg17[%swap3A_697, %swap3A_698] {strides = array<i32>} : memref<4x64xf32, #tpu.memory_space<vmem>>, vector<16xf32>,
        tpu.vector_store %arg17[%swap3A_697, %swap3A_698], %unpack3A_694 {add = true, strides = array<i32>} : memref<4x64xf32, #tpu.memory_space<vmem>>, vector<16xf32>,
        %swap3A_700 = arith.constant 3 : i32
        %swap3A_701 = arith.index_cast %swap3A_700 : i32 to index
        %swap3A_702 = arith.constant 16 : index
        %swap3A_703 = tpu.vector_load %arg17[%swap3A_701, %swap3A_702] {strides = array<i32>} : memref<4x64xf32, #tpu.memory_space<vmem>>, vector<16xf32>,
        tpu.vector_store %arg17[%swap3A_701, %swap3A_702], %unpack3A_695 {add = true, strides = array<i32>} : memref<4x64xf32, #tpu.memory_space<vmem>>, vector<16xf32>,
        %get3A_704 = arith.constant 0 : i32
        %get3A_705 = arith.index_cast %get3A_704 : i32 to index
        %get3A_706 = arith.index_cast %add3A_670 : i32 to index
        %get3A_707 = arith.constant 96 : index
        %get3A_708 = tpu.vector_load %arg13[%get3A_705, %get3A_706, %get3A_707] {strides = array<i32>} : memref<2x200x128xbf16, #tpu.memory_space<vmem>>, vector<32xbf16>,
        %unpack3A_709 = tpu.unpack_subelements %get3A_708, 0 {pack_format = #tpu.pack_format<interleaved>} : vector<32xbf16> -> vector<16xf32>
        %unpack3A_710 = tpu.unpack_subelements %get3A_708, 1 {pack_format = #tpu.pack_format<interleaved>} : vector<32xbf16> -> vector<16xf32>
        %swap3A_711 = arith.constant 3 : i32
        %swap3A_712 = arith.index_cast %swap3A_711 : i32 to index
        %swap3A_713 = arith.constant 32 : index
        %swap3A_714 = tpu.vector_load %arg17[%swap3A_712, %swap3A_713] {strides = array<i32>} : memref<4x64xf32, #tpu.memory_space<vmem>>, vector<16xf32>,
        tpu.vector_store %arg17[%swap3A_712, %swap3A_713], %unpack3A_709 {add = true, strides = array<i32>} : memref<4x64xf32, #tpu.memory_space<vmem>>, vector<16xf32>,
        %swap3A_715 = arith.constant 3 : i32
        %swap3A_716 = arith.index_cast %swap3A_715 : i32 to index
        %swap3A_717 = arith.constant 48 : index
        %swap3A_718 = tpu.vector_load %arg17[%swap3A_716, %swap3A_717] {strides = array<i32>} : memref<4x64xf32, #tpu.memory_space<vmem>>, vector<16xf32>,
        tpu.vector_store %arg17[%swap3A_716, %swap3A_717], %unpack3A_710 {add = true, strides = array<i32>} : memref<4x64xf32, #tpu.memory_space<vmem>>, vector<16xf32>,
        scf.yield %add3A_678, %add3A_679, %add3A_687, %add3A_688 : vector<16xf32>, vector<16xf32>, vector<16xf32>, vector<16xf32>
      }
      %scan3A_210 = arith.constant 50 : i32
      %swap3A_211 = arith.index_cast %mul3A_140 : i32 to index
      %swap3A_212 = arith.constant 0 : index
      %swap3A_213 = tpu.vector_load %arg14[%swap3A_211, %swap3A_212] {strides = array<i32>} : memref<128x128xf32, #tpu.memory_space<vmem>>, vector<16xf32>,
      tpu.vector_store %arg14[%swap3A_211, %swap3A_212], %scan3A_209#0 {strides = array<i32>} : memref<128x128xf32, #tpu.memory_space<vmem>>, vector<16xf32>,
      %swap3A_214 = arith.index_cast %mul3A_140 : i32 to index
      %swap3A_215 = arith.constant 16 : index
      %swap3A_216 = tpu.vector_load %arg14[%swap3A_214, %swap3A_215] {strides = array<i32>} : memref<128x128xf32, #tpu.memory_space<vmem>>, vector<16xf32>,
      tpu.vector_store %arg14[%swap3A_214, %swap3A_215], %scan3A_209#1 {strides = array<i32>} : memref<128x128xf32, #tpu.memory_space<vmem>>, vector<16xf32>,
      %swap3A_217 = arith.index_cast %mul3A_140 : i32 to index
      %swap3A_218 = arith.constant 32 : index
      %swap3A_219 = tpu.vector_load %arg14[%swap3A_217, %swap3A_218] {strides = array<i32>} : memref<128x128xf32, #tpu.memory_space<vmem>>, vector<16xf32>,
      tpu.vector_store %arg14[%swap3A_217, %swap3A_218], %scan3A_209#2 {strides = array<i32>} : memref<128x128xf32, #tpu.memory_space<vmem>>, vector<16xf32>,
      %swap3A_220 = arith.index_cast %mul3A_140 : i32 to index
      %swap3A_221 = arith.constant 48 : index
      %swap3A_222 = tpu.vector_load %arg14[%swap3A_220, %swap3A_221] {strides = array<i32>} : memref<128x128xf32, #tpu.memory_space<vmem>>, vector<16xf32>,
      tpu.vector_store %arg14[%swap3A_220, %swap3A_221], %scan3A_209#3 {strides = array<i32>} : memref<128x128xf32, #tpu.memory_space<vmem>>, vector<16xf32>,
      %get3A = arith.constant 0 : i32
      %get3A_223 = arith.index_cast %get3A : i32 to index
      %get3A_224 = arith.constant 0 : index
      %get3A_225 = tpu.vector_load %arg17[%get3A_223, %get3A_224] {strides = array<i32>} : memref<4x64xf32, #tpu.memory_space<vmem>>, vector<16xf32>,
      %get3A_226 = arith.constant 1 : i32
      %get3A_227 = arith.index_cast %get3A_226 : i32 to index
      %get3A_228 = arith.constant 0 : index
      %get3A_229 = tpu.vector_load %arg17[%get3A_227, %get3A_228] {strides = array<i32>} : memref<4x64xf32, #tpu.memory_space<vmem>>, vector<16xf32>,
      %add3A_230 = arith.addf %get3A_225, %get3A_229 : vector<16xf32>
      %get3A_231 = arith.constant 2 : i32
      %get3A_232 = arith.index_cast %get3A_231 : i32 to index
      %get3A_233 = arith.constant 0 : index
      %get3A_234 = tpu.vector_load %arg17[%get3A_232, %get3A_233] {strides = array<i32>} : memref<4x64xf32, #tpu.memory_space<vmem>>, vector<16xf32>,
      %add3A_235 = arith.addf %add3A_230, %get3A_234 : vector<16xf32>
      %get3A_236 = arith.constant 3 : i32
      %get3A_237 = arith.index_cast %get3A_236 : i32 to index
      %get3A_238 = arith.constant 0 : index
      %get3A_239 = tpu.vector_load %arg17[%get3A_237, %get3A_238] {strides = array<i32>} : memref<4x64xf32, #tpu.memory_space<vmem>>, vector<16xf32>,
      %add3A_240 = arith.addf %add3A_235, %get3A_239 : vector<16xf32>
      %swap3A_241 = arith.index_cast %mul3A_140 : i32 to index
      %swap3A_242 = arith.constant 64 : index
      %swap3A_243 = tpu.vector_load %arg14[%swap3A_241, %swap3A_242] {strides = array<i32>} : memref<128x128xf32, #tpu.memory_space<vmem>>, vector<16xf32>,
      tpu.vector_store %arg14[%swap3A_241, %swap3A_242], %add3A_240 {strides = array<i32>} : memref<128x128xf32, #tpu.memory_space<vmem>>, vector<16xf32>,
      %get3A_244 = arith.constant 0 : i32
      %get3A_245 = arith.index_cast %get3A_244 : i32 to index
      %get3A_246 = arith.constant 16 : index
      %get3A_247 = tpu.vector_load %arg17[%get3A_245, %get3A_246] {strides = array<i32>} : memref<4x64xf32, #tpu.memory_space<vmem>>, vector<16xf32>,
      %get3A_248 = arith.constant 1 : i32
      %get3A_249 = arith.index_cast %get3A_248 : i32 to index
      %get3A_250 = arith.constant 16 : index
      %get3A_251 = tpu.vector_load %arg17[%get3A_249, %get3A_250] {strides = array<i32>} : memref<4x64xf32, #tpu.memory_space<vmem>>, vector<16xf32>,
      %add3A_252 = arith.addf %get3A_247, %get3A_251 : vector<16xf32>
      %get3A_253 = arith.constant 2 : i32
      %get3A_254 = arith.index_cast %get3A_253 : i32 to index
      %get3A_255 = arith.constant 16 : index
      %get3A_256 = tpu.vector_load %arg17[%get3A_254, %get3A_255] {strides = array<i32>} : memref<4x64xf32, #tpu.memory_space<vmem>>, vector<16xf32>,
      %add3A_257 = arith.addf %add3A_252, %get3A_256 : vector<16xf32>
      %get3A_258 = arith.constant 3 : i32
      %get3A_259 = arith.index_cast %get3A_258 : i32 to index
      %get3A_260 = arith.constant 16 : index
      %get3A_261 = tpu.vector_load %arg17[%get3A_259, %get3A_260] {strides = array<i32>} : memref<4x64xf32, #tpu.memory_space<vmem>>, vector<16xf32>,
      %add3A_262 = arith.addf %add3A_257, %get3A_261 : vector<16xf32>
      %swap3A_263 = arith.index_cast %mul3A_140 : i32 to index
      %swap3A_264 = arith.constant 80 : index
      %swap3A_265 = tpu.vector_load %arg14[%swap3A_263, %swap3A_264] {strides = array<i32>} : memref<128x128xf32, #tpu.memory_space<vmem>>, vector<16xf32>,
      tpu.vector_store %arg14[%swap3A_263, %swap3A_264], %add3A_262 {strides = array<i32>} : memref<128x128xf32, #tpu.memory_space<vmem>>, vector<16xf32>,
      %get3A_266 = arith.constant 0 : i32
      %get3A_267 = arith.index_cast %get3A_266 : i32 to index
      %get3A_268 = arith.constant 32 : index
      %get3A_269 = tpu.vector_load %arg17[%get3A_267, %get3A_268] {strides = array<i32>} : memref<4x64xf32, #tpu.memory_space<vmem>>, vector<16xf32>,
      %get3A_270 = arith.constant 1 : i32
      %get3A_271 = arith.index_cast %get3A_270 : i32 to index
      %get3A_272 = arith.constant 32 : index
      %get3A_273 = tpu.vector_load %arg17[%get3A_271, %get3A_272] {strides = array<i32>} : memref<4x64xf32, #tpu.memory_space<vmem>>, vector<16xf32>,
      %add3A_274 = arith.addf %get3A_269, %get3A_273 : vector<16xf32>
      %get3A_275 = arith.constant 2 : i32
      %get3A_276 = arith.index_cast %get3A_275 : i32 to index
      %get3A_277 = arith.constant 32 : index
      %get3A_278 = tpu.vector_load %arg17[%get3A_276, %get3A_277] {strides = array<i32>} : memref<4x64xf32, #tpu.memory_space<vmem>>, vector<16xf32>,
      %add3A_279 = arith.addf %add3A_274, %get3A_278 : vector<16xf32>
      %get3A_280 = arith.constant 3 : i32
      %get3A_281 = arith.index_cast %get3A_280 : i32 to index
      %get3A_282 = arith.constant 32 : index
      %get3A_283 = tpu.vector_load %arg17[%get3A_281, %get3A_282] {strides = array<i32>} : memref<4x64xf32, #tpu.memory_space<vmem>>, vector<16xf32>,
      %add3A_284 = arith.addf %add3A_279, %get3A_283 : vector<16xf32>
      %swap3A_285 = arith.index_cast %mul3A_140 : i32 to index
      %swap3A_286 = arith.constant 96 : index
      %swap3A_287 = tpu.vector_load %arg14[%swap3A_285, %swap3A_286] {strides = array<i32>} : memref<128x128xf32, #tpu.memory_space<vmem>>, vector<16xf32>,
      tpu.vector_store %arg14[%swap3A_285, %swap3A_286], %add3A_284 {strides = array<i32>} : memref<128x128xf32, #tpu.memory_space<vmem>>, vector<16xf32>,
      %get3A_288 = arith.constant 0 : i32
      %get3A_289 = arith.index_cast %get3A_288 : i32 to index
      %get3A_290 = arith.constant 48 : index
      %get3A_291 = tpu.vector_load %arg17[%get3A_289, %get3A_290] {strides = array<i32>} : memref<4x64xf32, #tpu.memory_space<vmem>>, vector<16xf32>,
      %get3A_292 = arith.constant 1 : i32
      %get3A_293 = arith.index_cast %get3A_292 : i32 to index
      %get3A_294 = arith.constant 48 : index
      %get3A_295 = tpu.vector_load %arg17[%get3A_293, %get3A_294] {strides = array<i32>} : memref<4x64xf32, #tpu.memory_space<vmem>>, vector<16xf32>,
      %add3A_296 = arith.addf %get3A_291, %get3A_295 : vector<16xf32>
      %get3A_297 = arith.constant 2 : i32
      %get3A_298 = arith.index_cast %get3A_297 : i32 to index
      %get3A_299 = arith.constant 48 : index
      %get3A_300 = tpu.vector_load %arg17[%get3A_298, %get3A_299] {strides = array<i32>} : memref<4x64xf32, #tpu.memory_space<vmem>>, vector<16xf32>,
      %add3A_301 = arith.addf %add3A_296, %get3A_300 : vector<16xf32>
      %get3A_302 = arith.constant 3 : i32
      %get3A_303 = arith.index_cast %get3A_302 : i32 to index
      %get3A_304 = arith.constant 48 : index
      %get3A_305 = tpu.vector_load %arg17[%get3A_303, %get3A_304] {strides = array<i32>} : memref<4x64xf32, #tpu.memory_space<vmem>>, vector<16xf32>,
      %add3A_306 = arith.addf %add3A_301, %get3A_305 : vector<16xf32>
      %swap3A_307 = arith.index_cast %mul3A_140 : i32 to index
      %swap3A_308 = arith.constant 112 : index
      %swap3A_309 = tpu.vector_load %arg14[%swap3A_307, %swap3A_308] {strides = array<i32>} : memref<128x128xf32, #tpu.memory_space<vmem>>, vector<16xf32>,
      tpu.vector_store %arg14[%swap3A_307, %swap3A_308], %add3A_306 {strides = array<i32>} : memref<128x128xf32, #tpu.memory_space<vmem>>, vector<16xf32>,
      %lt3A_310 = arith.constant 63 : i32
      %lt3A_311 = arith.cmpi slt, %scan3A_96, %lt3A_310 : i32
      %convert_element_type3A_312 = arith.extui %lt3A_311 : i1 to i32
      %cond3A_313 = arith.constant 0 : i32
      %cond3A_314 = arith.cmpi ne, %convert_element_type3A_312, %cond3A_313 : i32
      scf.if %cond3A_314 {
        %mul3A_507 = arith.constant 2 : i32
        %mul3A_508 = arith.muli %mul3A_507, %scan3A_96 : i32
        %add3A_509 = arith.constant 2 : i32
        %add3A_510 = arith.addi %mul3A_508, %add3A_509 : i32
        %mul3A_511 = arith.constant 200 : i32
        %mul3A_512 = arith.muli %add3A_510, %mul3A_511 : i32
        %dma_start3A_513 = arith.constant 0 : i32
        %dma_start3A_514 = arith.constant 0 : i32
        %dma_start3A_515 = arith.constant 0 : i32
        %dma_start3A_516 = tpu.memref_slice %arg13[%dma_start3A_513, %dma_start3A_514, %dma_start3A_515] : memref<2x200x128xbf16, #tpu.memory_space<vmem>> -> memref<1x128x128xbf16, #tpu.memory_space<vmem>>
        %dma_start3A_517 = tpu.memref_squeeze %dma_start3A_516 : memref<1x128x128xbf16, #tpu.memory_space<vmem>> -> memref<128x128xbf16, #tpu.memory_space<vmem>>
        %dma_start3A_518 = tpu.memref_slice %arg12[%mul3A_512] : memref<25600xi32, #tpu.memory_space<vmem>> -> memref<128xi32, #tpu.memory_space<vmem>>
        %dma_start3A_519 = arith.constant 0 : i32
        %dma_start3A_520 = arith.constant 0 : i32
        %dma_start3A_521 = tpu.memref_slice %arg3[%dma_start3A_519, %dma_start3A_520] : memref<100001x128xbf16, #tpu.memory_space<hbm>> -> memref<100001x128xbf16, #tpu.memory_space<hbm>>
        tpu.enqueue_indirect_dma source(%dma_start3A_521 : memref<100001x128xbf16, #tpu.memory_space<hbm>>) target(%dma_start3A_517 : memref<128x128xbf16, #tpu.memory_space<vmem>>) offsets(%dma_start3A_518 : memref<128xi32, #tpu.memory_space<vmem>>) semaphore(%arg18 : memref<!tpu.dma_semaphore, #tpu.memory_space<semaphore_mem>>)
        %add3A_522 = arith.constant 128 : i32
        %add3A_523 = arith.addi %mul3A_512, %add3A_522 : i32
        %dma_start3A_524 = arith.constant 0 : i32
        %dma_start3A_525 = arith.constant 128 : i32
        %dma_start3A_526 = arith.constant 0 : i32
        %dma_start3A_527 = tpu.memref_slice %arg13[%dma_start3A_524, %dma_start3A_525, %dma_start3A_526] : memref<2x200x128xbf16, #tpu.memory_space<vmem>> -> memref<1x72x128xbf16, #tpu.memory_space<vmem>>
        %dma_start3A_528 = tpu.memref_squeeze %dma_start3A_527 : memref<1x72x128xbf16, #tpu.memory_space<vmem>> -> memref<72x128xbf16, #tpu.memory_space<vmem>>
        %dma_start3A_529 = tpu.memref_slice %arg12[%add3A_523] : memref<25600xi32, #tpu.memory_space<vmem>> -> memref<72xi32, #tpu.memory_space<vmem>>
        %dma_start3A_530 = arith.constant 0 : i32
        %dma_start3A_531 = arith.constant 0 : i32
        %dma_start3A_532 = tpu.memref_slice %arg3[%dma_start3A_530, %dma_start3A_531] : memref<100001x128xbf16, #tpu.memory_space<hbm>> -> memref<100001x128xbf16, #tpu.memory_space<hbm>>
        tpu.enqueue_indirect_dma source(%dma_start3A_532 : memref<100001x128xbf16, #tpu.memory_space<hbm>>) target(%dma_start3A_528 : memref<72x128xbf16, #tpu.memory_space<vmem>>) offsets(%dma_start3A_529 : memref<72xi32, #tpu.memory_space<vmem>>) semaphore(%arg18 : memref<!tpu.dma_semaphore, #tpu.memory_space<semaphore_mem>>)
      } else {
      }
      %dma_wait3A_315 = arith.constant 1 : i32
      %dma_wait3A_316 = arith.constant 0 : i32
      %dma_wait3A_317 = arith.constant 0 : i32
      %dma_wait3A_318 = tpu.memref_slice %arg13[%dma_wait3A_315, %dma_wait3A_316, %dma_wait3A_317] : memref<2x200x128xbf16, #tpu.memory_space<vmem>> -> memref<1x200x128xbf16, #tpu.memory_space<vmem>>
      %dma_wait3A_319 = tpu.memref_squeeze %dma_wait3A_318 : memref<1x200x128xbf16, #tpu.memory_space<vmem>> -> memref<200x128xbf16, #tpu.memory_space<vmem>>
      %dma_wait3A_320 = arith.constant 0 : i32
      %dma_wait3A_321 = arith.constant 0 : i32
      %dma_wait3A_322 = tpu.memref_slice %arg3[%dma_wait3A_320, %dma_wait3A_321] : memref<100001x128xbf16, #tpu.memory_space<hbm>> -> memref<200x128xbf16, #tpu.memory_space<hbm>>
      %dma_wait3A_323 = arith.constant 0 : i32
      %dma_wait3A_324 = arith.constant 0 : i32
      %dma_wait3A_325 = tpu.memref_slice %arg13[%dma_wait3A_315, %dma_wait3A_323, %dma_wait3A_324] : memref<2x200x128xbf16, #tpu.memory_space<vmem>> -> memref<1x200x128xbf16, #tpu.memory_space<vmem>>
      %dma_wait3A_326 = tpu.memref_squeeze %dma_wait3A_325 : memref<1x200x128xbf16, #tpu.memory_space<vmem>> -> memref<200x128xbf16, #tpu.memory_space<vmem>>
      %dma_wait3A_327 = arith.constant 0 : i32
      %dma_wait3A_328 = arith.constant 0 : i32
      %dma_wait3A_329 = tpu.memref_slice %arg3[%dma_wait3A_327, %dma_wait3A_328] : memref<100001x128xbf16, #tpu.memory_space<hbm>> -> memref<200x128xbf16, #tpu.memory_space<hbm>>
      tpu.wait_dma2 semaphore(%arg19 : memref<!tpu.dma_semaphore, #tpu.memory_space<semaphore_mem>>) src(%dma_wait3A_329 : memref<200x128xbf16, #tpu.memory_space<hbm>>) dst(%dma_wait3A_326 : memref<200x128xbf16, #tpu.memory_space<vmem>>)
      %mul3A_330 = arith.constant 2 : i32
      %mul3A_331 = arith.muli %mul3A_330, %scan3A_96 : i32
      %add3A_332 = arith.constant 1 : i32
      %add3A_333 = arith.addi %mul3A_331, %add3A_332 : i32
      %broadcast_in_dim3A_334 = arith.constant 0.000000e+00 : f32
      %broadcast_in_dim3A_335 = vector.broadcast %broadcast_in_dim3A_334 : f32 to vector<16xf32>
      %swap3A_336 = arith.constant 0 : i32
      %swap3A_337 = arith.index_cast %swap3A_336 : i32 to index
      %swap3A_338 = arith.constant 0 : index
      %swap3A_339 = tpu.vector_load %arg17[%swap3A_337, %swap3A_338] {strides = array<i32>} : memref<4x64xf32, #tpu.memory_space<vmem>>, vector<16xf32>,
      tpu.vector_store %arg17[%swap3A_337, %swap3A_338], %broadcast_in_dim3A_335 {strides = array<i32>} : memref<4x64xf32, #tpu.memory_space<vmem>>, vector<16xf32>,
      %swap3A_340 = arith.constant 0 : i32
      %swap3A_341 = arith.index_cast %swap3A_340 : i32 to index
      %swap3A_342 = arith.constant 16 : index
      %swap3A_343 = tpu.vector_load %arg17[%swap3A_341, %swap3A_342] {strides = array<i32>} : memref<4x64xf32, #tpu.memory_space<vmem>>, vector<16xf32>,
      tpu.vector_store %arg17[%swap3A_341, %swap3A_342], %broadcast_in_dim3A_335 {strides = array<i32>} : memref<4x64xf32, #tpu.memory_space<vmem>>, vector<16xf32>,
      %swap3A_344 = arith.constant 0 : i32
      %swap3A_345 = arith.index_cast %swap3A_344 : i32 to index
      %swap3A_346 = arith.constant 32 : index
      %swap3A_347 = tpu.vector_load %arg17[%swap3A_345, %swap3A_346] {strides = array<i32>} : memref<4x64xf32, #tpu.memory_space<vmem>>, vector<16xf32>,
      tpu.vector_store %arg17[%swap3A_345, %swap3A_346], %broadcast_in_dim3A_335 {strides = array<i32>} : memref<4x64xf32, #tpu.memory_space<vmem>>, vector<16xf32>,
      %swap3A_348 = arith.constant 0 : i32
      %swap3A_349 = arith.index_cast %swap3A_348 : i32 to index
      %swap3A_350 = arith.constant 48 : index
      %swap3A_351 = tpu.vector_load %arg17[%swap3A_349, %swap3A_350] {strides = array<i32>} : memref<4x64xf32, #tpu.memory_space<vmem>>, vector<16xf32>,
      tpu.vector_store %arg17[%swap3A_349, %swap3A_350], %broadcast_in_dim3A_335 {strides = array<i32>} : memref<4x64xf32, #tpu.memory_space<vmem>>, vector<16xf32>,
      %swap3A_352 = arith.constant 1 : i32
      %swap3A_353 = arith.index_cast %swap3A_352 : i32 to index
      %swap3A_354 = arith.constant 0 : index
      %swap3A_355 = tpu.vector_load %arg17[%swap3A_353, %swap3A_354] {strides = array<i32>} : memref<4x64xf32, #tpu.memory_space<vmem>>, vector<16xf32>,
      tpu.vector_store %arg17[%swap3A_353, %swap3A_354], %broadcast_in_dim3A_335 {strides = array<i32>} : memref<4x64xf32, #tpu.memory_space<vmem>>, vector<16xf32>,
      %swap3A_356 = arith.constant 1 : i32
      %swap3A_357 = arith.index_cast %swap3A_356 : i32 to index
      %swap3A_358 = arith.constant 16 : index
      %swap3A_359 = tpu.vector_load %arg17[%swap3A_357, %swap3A_358] {strides = array<i32>} : memref<4x64xf32, #tpu.memory_space<vmem>>, vector<16xf32>,
      tpu.vector_store %arg17[%swap3A_357, %swap3A_358], %broadcast_in_dim3A_335 {strides = array<i32>} : memref<4x64xf32, #tpu.memory_space<vmem>>, vector<16xf32>,
      %swap3A_360 = arith.constant 1 : i32
      %swap3A_361 = arith.index_cast %swap3A_360 : i32 to index
      %swap3A_362 = arith.constant 32 : index
      %swap3A_363 = tpu.vector_load %arg17[%swap3A_361, %swap3A_362] {strides = array<i32>} : memref<4x64xf32, #tpu.memory_space<vmem>>, vector<16xf32>,
      tpu.vector_store %arg17[%swap3A_361, %swap3A_362], %broadcast_in_dim3A_335 {strides = array<i32>} : memref<4x64xf32, #tpu.memory_space<vmem>>, vector<16xf32>,
      %swap3A_364 = arith.constant 1 : i32
      %swap3A_365 = arith.index_cast %swap3A_364 : i32 to index
      %swap3A_366 = arith.constant 48 : index
      %swap3A_367 = tpu.vector_load %arg17[%swap3A_365, %swap3A_366] {strides = array<i32>} : memref<4x64xf32, #tpu.memory_space<vmem>>, vector<16xf32>,
      tpu.vector_store %arg17[%swap3A_365, %swap3A_366], %broadcast_in_dim3A_335 {strides = array<i32>} : memref<4x64xf32, #tpu.memory_space<vmem>>, vector<16xf32>,
      %swap3A_368 = arith.constant 2 : i32
      %swap3A_369 = arith.index_cast %swap3A_368 : i32 to index
      %swap3A_370 = arith.constant 0 : index
      %swap3A_371 = tpu.vector_load %arg17[%swap3A_369, %swap3A_370] {strides = array<i32>} : memref<4x64xf32, #tpu.memory_space<vmem>>, vector<16xf32>,
      tpu.vector_store %arg17[%swap3A_369, %swap3A_370], %broadcast_in_dim3A_335 {strides = array<i32>} : memref<4x64xf32, #tpu.memory_space<vmem>>, vector<16xf32>,
      %swap3A_372 = arith.constant 2 : i32
      %swap3A_373 = arith.index_cast %swap3A_372 : i32 to index
      %swap3A_374 = arith.constant 16 : index
      %swap3A_375 = tpu.vector_load %arg17[%swap3A_373, %swap3A_374] {strides = array<i32>} : memref<4x64xf32, #tpu.memory_space<vmem>>, vector<16xf32>,
      tpu.vector_store %arg17[%swap3A_373, %swap3A_374], %broadcast_in_dim3A_335 {strides = array<i32>} : memref<4x64xf32, #tpu.memory_space<vmem>>, vector<16xf32>,
      %swap3A_376 = arith.constant 2 : i32
      %swap3A_377 = arith.index_cast %swap3A_376 : i32 to index
      %swap3A_378 = arith.constant 32 : index
      %swap3A_379 = tpu.vector_load %arg17[%swap3A_377, %swap3A_378] {strides = array<i32>} : memref<4x64xf32, #tpu.memory_space<vmem>>, vector<16xf32>,
      tpu.vector_store %arg17[%swap3A_377, %swap3A_378], %broadcast_in_dim3A_335 {strides = array<i32>} : memref<4x64xf32, #tpu.memory_space<vmem>>, vector<16xf32>,
      %swap3A_380 = arith.constant 2 : i32
      %swap3A_381 = arith.index_cast %swap3A_380 : i32 to index
      %swap3A_382 = arith.constant 48 : index
      %swap3A_383 = tpu.vector_load %arg17[%swap3A_381, %swap3A_382] {strides = array<i32>} : memref<4x64xf32, #tpu.memory_space<vmem>>, vector<16xf32>,
      tpu.vector_store %arg17[%swap3A_381, %swap3A_382], %broadcast_in_dim3A_335 {strides = array<i32>} : memref<4x64xf32, #tpu.memory_space<vmem>>, vector<16xf32>,
      %swap3A_384 = arith.constant 3 : i32
      %swap3A_385 = arith.index_cast %swap3A_384 : i32 to index
      %swap3A_386 = arith.constant 0 : index
      %swap3A_387 = tpu.vector_load %arg17[%swap3A_385, %swap3A_386] {strides = array<i32>} : memref<4x64xf32, #tpu.memory_space<vmem>>, vector<16xf32>,
      tpu.vector_store %arg17[%swap3A_385, %swap3A_386], %broadcast_in_dim3A_335 {strides = array<i32>} : memref<4x64xf32, #tpu.memory_space<vmem>>, vector<16xf32>,
      %swap3A_388 = arith.constant 3 : i32
      %swap3A_389 = arith.index_cast %swap3A_388 : i32 to index
      %swap3A_390 = arith.constant 16 : index
      %swap3A_391 = tpu.vector_load %arg17[%swap3A_389, %swap3A_390] {strides = array<i32>} : memref<4x64xf32, #tpu.memory_space<vmem>>, vector<16xf32>,
      tpu.vector_store %arg17[%swap3A_389, %swap3A_390], %broadcast_in_dim3A_335 {strides = array<i32>} : memref<4x64xf32, #tpu.memory_space<vmem>>, vector<16xf32>,
      %swap3A_392 = arith.constant 3 : i32
      %swap3A_393 = arith.index_cast %swap3A_392 : i32 to index
      %swap3A_394 = arith.constant 32 : index
      %swap3A_395 = tpu.vector_load %arg17[%swap3A_393, %swap3A_394] {strides = array<i32>} : memref<4x64xf32, #tpu.memory_space<vmem>>, vector<16xf32>,
      tpu.vector_store %arg17[%swap3A_393, %swap3A_394], %broadcast_in_dim3A_335 {strides = array<i32>} : memref<4x64xf32, #tpu.memory_space<vmem>>, vector<16xf32>,
      %swap3A_396 = arith.constant 3 : i32
      %swap3A_397 = arith.index_cast %swap3A_396 : i32 to index
      %swap3A_398 = arith.constant 48 : index
      %swap3A_399 = tpu.vector_load %arg17[%swap3A_397, %swap3A_398] {strides = array<i32>} : memref<4x64xf32, #tpu.memory_space<vmem>>, vector<16xf32>,
      tpu.vector_store %arg17[%swap3A_397, %swap3A_398], %broadcast_in_dim3A_335 {strides = array<i32>} : memref<4x64xf32, #tpu.memory_space<vmem>>, vector<16xf32>,
      %scan3A_400 = arith.constant 0 : i32
      %scan3A_401 = arith.constant 50 : i32
      %scan3A_402 = arith.addi %scan3A_400, %scan3A_401 : i32
      %scan3A_403 = arith.constant 1 : i32
      %scan3A_404:4 = scf.for %scan3A_507 = %scan3A_400 to %scan3A_402 step %scan3A_403 iter_args(%scan3A_508 = %broadcast_in_dim3A_335, %scan3A_509 = %broadcast_in_dim3A_335, %scan3A_510 = %broadcast_in_dim3A_335, %scan3A_511 = %broadcast_in_dim3A_335) -> (vector<16xf32>, vector<16xf32>, vector<16xf32>, vector<16xf32>)  : i32 {
        %mul3A_512 = arith.constant 4 : i32
        %mul3A_513 = arith.muli %mul3A_512, %scan3A_507 : i32
        %add3A_514 = arith.constant 0 : i32
        %add3A_515 = arith.addi %mul3A_513, %add3A_514 : i32
        %get3A_516 = arith.constant 1 : i32
        %get3A_517 = arith.index_cast %get3A_516 : i32 to index
        %get3A_518 = arith.index_cast %add3A_515 : i32 to index
        %get3A_519 = arith.constant 0 : index
        %get3A_520 = tpu.vector_load %arg13[%get3A_517, %get3A_518, %get3A_519] {strides = array<i32>} : memref<2x200x128xbf16, #tpu.memory_space<vmem>>, vector<32xbf16>,
        %unpack3A = tpu.unpack_subelements %get3A_520, 0 {pack_format = #tpu.pack_format<interleaved>} : vector<32xbf16> -> vector<16xf32>
        %unpack3A_521 = tpu.unpack_subelements %get3A_520, 1 {pack_format = #tpu.pack_format<interleaved>} : vector<32xbf16> -> vector<16xf32>
        %add3A_522 = arith.addf %scan3A_508, %unpack3A : vector<16xf32>
        %add3A_523 = arith.addf %scan3A_509, %unpack3A_521 : vector<16xf32>
        %get3A_524 = arith.constant 1 : i32
        %get3A_525 = arith.index_cast %get3A_524 : i32 to index
        %get3A_526 = arith.index_cast %add3A_515 : i32 to index
        %get3A_527 = arith.constant 32 : index
        %get3A_528 = tpu.vector_load %arg13[%get3A_525, %get3A_526, %get3A_527] {strides = array<i32>} : memref<2x200x128xbf16, #tpu.memory_space<vmem>>, vector<32xbf16>,
        %unpack3A_529 = tpu.unpack_subelements %get3A_528, 0 {pack_format = #tpu.pack_format<interleaved>} : vector<32xbf16> -> vector<16xf32>
        %unpack3A_530 = tpu.unpack_subelements %get3A_528, 1 {pack_format = #tpu.pack_format<interleaved>} : vector<32xbf16> -> vector<16xf32>
        %add3A_531 = arith.addf %scan3A_510, %unpack3A_529 : vector<16xf32>
        %add3A_532 = arith.addf %scan3A_511, %unpack3A_530 : vector<16xf32>
        %get3A_533 = arith.constant 1 : i32
        %get3A_534 = arith.index_cast %get3A_533 : i32 to index
        %get3A_535 = arith.index_cast %add3A_515 : i32 to index
        %get3A_536 = arith.constant 64 : index
        %get3A_537 = tpu.vector_load %arg13[%get3A_534, %get3A_535, %get3A_536] {strides = array<i32>} : memref<2x200x128xbf16, #tpu.memory_space<vmem>>, vector<32xbf16>,
        %unpack3A_538 = tpu.unpack_subelements %get3A_537, 0 {pack_format = #tpu.pack_format<interleaved>} : vector<32xbf16> -> vector<16xf32>
        %unpack3A_539 = tpu.unpack_subelements %get3A_537, 1 {pack_format = #tpu.pack_format<interleaved>} : vector<32xbf16> -> vector<16xf32>
        %swap3A_540 = arith.constant 0 : i32
        %swap3A_541 = arith.index_cast %swap3A_540 : i32 to index
        %swap3A_542 = arith.constant 0 : index
        %swap3A_543 = tpu.vector_load %arg17[%swap3A_541, %swap3A_542] {strides = array<i32>} : memref<4x64xf32, #tpu.memory_space<vmem>>, vector<16xf32>,
        tpu.vector_store %arg17[%swap3A_541, %swap3A_542], %unpack3A_538 {add = true, strides = array<i32>} : memref<4x64xf32, #tpu.memory_space<vmem>>, vector<16xf32>,
        %swap3A_544 = arith.constant 0 : i32
        %swap3A_545 = arith.index_cast %swap3A_544 : i32 to index
        %swap3A_546 = arith.constant 16 : index
        %swap3A_547 = tpu.vector_load %arg17[%swap3A_545, %swap3A_546] {strides = array<i32>} : memref<4x64xf32, #tpu.memory_space<vmem>>, vector<16xf32>,
        tpu.vector_store %arg17[%swap3A_545, %swap3A_546], %unpack3A_539 {add = true, strides = array<i32>} : memref<4x64xf32, #tpu.memory_space<vmem>>, vector<16xf32>,
        %get3A_548 = arith.constant 1 : i32
        %get3A_549 = arith.index_cast %get3A_548 : i32 to index
        %get3A_550 = arith.index_cast %add3A_515 : i32 to index
        %get3A_551 = arith.constant 96 : index
        %get3A_552 = tpu.vector_load %arg13[%get3A_549, %get3A_550, %get3A_551] {strides = array<i32>} : memref<2x200x128xbf16, #tpu.memory_space<vmem>>, vector<32xbf16>,
        %unpack3A_553 = tpu.unpack_subelements %get3A_552, 0 {pack_format = #tpu.pack_format<interleaved>} : vector<32xbf16> -> vector<16xf32>
        %unpack3A_554 = tpu.unpack_subelements %get3A_552, 1 {pack_format = #tpu.pack_format<interleaved>} : vector<32xbf16> -> vector<16xf32>
        %swap3A_555 = arith.constant 0 : i32
        %swap3A_556 = arith.index_cast %swap3A_555 : i32 to index
        %swap3A_557 = arith.constant 32 : index
        %swap3A_558 = tpu.vector_load %arg17[%swap3A_556, %swap3A_557] {strides = array<i32>} : memref<4x64xf32, #tpu.memory_space<vmem>>, vector<16xf32>,
        tpu.vector_store %arg17[%swap3A_556, %swap3A_557], %unpack3A_553 {add = true, strides = array<i32>} : memref<4x64xf32, #tpu.memory_space<vmem>>, vector<16xf32>,
        %swap3A_559 = arith.constant 0 : i32
        %swap3A_560 = arith.index_cast %swap3A_559 : i32 to index
        %swap3A_561 = arith.constant 48 : index
        %swap3A_562 = tpu.vector_load %arg17[%swap3A_560, %swap3A_561] {strides = array<i32>} : memref<4x64xf32, #tpu.memory_space<vmem>>, vector<16xf32>,
        tpu.vector_store %arg17[%swap3A_560, %swap3A_561], %unpack3A_554 {add = true, strides = array<i32>} : memref<4x64xf32, #tpu.memory_space<vmem>>, vector<16xf32>,
        %mul3A_563 = arith.constant 4 : i32
        %mul3A_564 = arith.muli %mul3A_563, %scan3A_507 : i32
        %add3A_565 = arith.constant 1 : i32
        %add3A_566 = arith.addi %mul3A_564, %add3A_565 : i32
        %get3A_567 = arith.constant 1 : i32
        %get3A_568 = arith.index_cast %get3A_567 : i32 to index
        %get3A_569 = arith.index_cast %add3A_566 : i32 to index
        %get3A_570 = arith.constant 0 : index
        %get3A_571 = tpu.vector_load %arg13[%get3A_568, %get3A_569, %get3A_570] {strides = array<i32>} : memref<2x200x128xbf16, #tpu.memory_space<vmem>>, vector<32xbf16>,
        %unpack3A_572 = tpu.unpack_subelements %get3A_571, 0 {pack_format = #tpu.pack_format<interleaved>} : vector<32xbf16> -> vector<16xf32>
        %unpack3A_573 = tpu.unpack_subelements %get3A_571, 1 {pack_format = #tpu.pack_format<interleaved>} : vector<32xbf16> -> vector<16xf32>
        %add3A_574 = arith.addf %add3A_522, %unpack3A_572 : vector<16xf32>
        %add3A_575 = arith.addf %add3A_523, %unpack3A_573 : vector<16xf32>
        %get3A_576 = arith.constant 1 : i32
        %get3A_577 = arith.index_cast %get3A_576 : i32 to index
        %get3A_578 = arith.index_cast %add3A_566 : i32 to index
        %get3A_579 = arith.constant 32 : index
        %get3A_580 = tpu.vector_load %arg13[%get3A_577, %get3A_578, %get3A_579] {strides = array<i32>} : memref<2x200x128xbf16, #tpu.memory_space<vmem>>, vector<32xbf16>,
        %unpack3A_581 = tpu.unpack_subelements %get3A_580, 0 {pack_format = #tpu.pack_format<interleaved>} : vector<32xbf16> -> vector<16xf32>
        %unpack3A_582 = tpu.unpack_subelements %get3A_580, 1 {pack_format = #tpu.pack_format<interleaved>} : vector<32xbf16> -> vector<16xf32>
        %add3A_583 = arith.addf %add3A_531, %unpack3A_581 : vector<16xf32>
        %add3A_584 = arith.addf %add3A_532, %unpack3A_582 : vector<16xf32>
        %get3A_585 = arith.constant 1 : i32
        %get3A_586 = arith.index_cast %get3A_585 : i32 to index
        %get3A_587 = arith.index_cast %add3A_566 : i32 to index
        %get3A_588 = arith.constant 64 : index
        %get3A_589 = tpu.vector_load %arg13[%get3A_586, %get3A_587, %get3A_588] {strides = array<i32>} : memref<2x200x128xbf16, #tpu.memory_space<vmem>>, vector<32xbf16>,
        %unpack3A_590 = tpu.unpack_subelements %get3A_589, 0 {pack_format = #tpu.pack_format<interleaved>} : vector<32xbf16> -> vector<16xf32>
        %unpack3A_591 = tpu.unpack_subelements %get3A_589, 1 {pack_format = #tpu.pack_format<interleaved>} : vector<32xbf16> -> vector<16xf32>
        %swap3A_592 = arith.constant 1 : i32
        %swap3A_593 = arith.index_cast %swap3A_592 : i32 to index
        %swap3A_594 = arith.constant 0 : index
        %swap3A_595 = tpu.vector_load %arg17[%swap3A_593, %swap3A_594] {strides = array<i32>} : memref<4x64xf32, #tpu.memory_space<vmem>>, vector<16xf32>,
        tpu.vector_store %arg17[%swap3A_593, %swap3A_594], %unpack3A_590 {add = true, strides = array<i32>} : memref<4x64xf32, #tpu.memory_space<vmem>>, vector<16xf32>,
        %swap3A_596 = arith.constant 1 : i32
        %swap3A_597 = arith.index_cast %swap3A_596 : i32 to index
        %swap3A_598 = arith.constant 16 : index
        %swap3A_599 = tpu.vector_load %arg17[%swap3A_597, %swap3A_598] {strides = array<i32>} : memref<4x64xf32, #tpu.memory_space<vmem>>, vector<16xf32>,
        tpu.vector_store %arg17[%swap3A_597, %swap3A_598], %unpack3A_591 {add = true, strides = array<i32>} : memref<4x64xf32, #tpu.memory_space<vmem>>, vector<16xf32>,
        %get3A_600 = arith.constant 1 : i32
        %get3A_601 = arith.index_cast %get3A_600 : i32 to index
        %get3A_602 = arith.index_cast %add3A_566 : i32 to index
        %get3A_603 = arith.constant 96 : index
        %get3A_604 = tpu.vector_load %arg13[%get3A_601, %get3A_602, %get3A_603] {strides = array<i32>} : memref<2x200x128xbf16, #tpu.memory_space<vmem>>, vector<32xbf16>,
        %unpack3A_605 = tpu.unpack_subelements %get3A_604, 0 {pack_format = #tpu.pack_format<interleaved>} : vector<32xbf16> -> vector<16xf32>
        %unpack3A_606 = tpu.unpack_subelements %get3A_604, 1 {pack_format = #tpu.pack_format<interleaved>} : vector<32xbf16> -> vector<16xf32>
        %swap3A_607 = arith.constant 1 : i32
        %swap3A_608 = arith.index_cast %swap3A_607 : i32 to index
        %swap3A_609 = arith.constant 32 : index
        %swap3A_610 = tpu.vector_load %arg17[%swap3A_608, %swap3A_609] {strides = array<i32>} : memref<4x64xf32, #tpu.memory_space<vmem>>, vector<16xf32>,
        tpu.vector_store %arg17[%swap3A_608, %swap3A_609], %unpack3A_605 {add = true, strides = array<i32>} : memref<4x64xf32, #tpu.memory_space<vmem>>, vector<16xf32>,
        %swap3A_611 = arith.constant 1 : i32
        %swap3A_612 = arith.index_cast %swap3A_611 : i32 to index
        %swap3A_613 = arith.constant 48 : index
        %swap3A_614 = tpu.vector_load %arg17[%swap3A_612, %swap3A_613] {strides = array<i32>} : memref<4x64xf32, #tpu.memory_space<vmem>>, vector<16xf32>,
        tpu.vector_store %arg17[%swap3A_612, %swap3A_613], %unpack3A_606 {add = true, strides = array<i32>} : memref<4x64xf32, #tpu.memory_space<vmem>>, vector<16xf32>,
        %mul3A_615 = arith.constant 4 : i32
        %mul3A_616 = arith.muli %mul3A_615, %scan3A_507 : i32
        %add3A_617 = arith.constant 2 : i32
        %add3A_618 = arith.addi %mul3A_616, %add3A_617 : i32
        %get3A_619 = arith.constant 1 : i32
        %get3A_620 = arith.index_cast %get3A_619 : i32 to index
        %get3A_621 = arith.index_cast %add3A_618 : i32 to index
        %get3A_622 = arith.constant 0 : index
        %get3A_623 = tpu.vector_load %arg13[%get3A_620, %get3A_621, %get3A_622] {strides = array<i32>} : memref<2x200x128xbf16, #tpu.memory_space<vmem>>, vector<32xbf16>,
        %unpack3A_624 = tpu.unpack_subelements %get3A_623, 0 {pack_format = #tpu.pack_format<interleaved>} : vector<32xbf16> -> vector<16xf32>
        %unpack3A_625 = tpu.unpack_subelements %get3A_623, 1 {pack_format = #tpu.pack_format<interleaved>} : vector<32xbf16> -> vector<16xf32>
        %add3A_626 = arith.addf %add3A_574, %unpack3A_624 : vector<16xf32>
        %add3A_627 = arith.addf %add3A_575, %unpack3A_625 : vector<16xf32>
        %get3A_628 = arith.constant 1 : i32
        %get3A_629 = arith.index_cast %get3A_628 : i32 to index
        %get3A_630 = arith.index_cast %add3A_618 : i32 to index
        %get3A_631 = arith.constant 32 : index
        %get3A_632 = tpu.vector_load %arg13[%get3A_629, %get3A_630, %get3A_631] {strides = array<i32>} : memref<2x200x128xbf16, #tpu.memory_space<vmem>>, vector<32xbf16>,
        %unpack3A_633 = tpu.unpack_subelements %get3A_632, 0 {pack_format = #tpu.pack_format<interleaved>} : vector<32xbf16> -> vector<16xf32>
        %unpack3A_634 = tpu.unpack_subelements %get3A_632, 1 {pack_format = #tpu.pack_format<interleaved>} : vector<32xbf16> -> vector<16xf32>
        %add3A_635 = arith.addf %add3A_583, %unpack3A_633 : vector<16xf32>
        %add3A_636 = arith.addf %add3A_584, %unpack3A_634 : vector<16xf32>
        %get3A_637 = arith.constant 1 : i32
        %get3A_638 = arith.index_cast %get3A_637 : i32 to index
        %get3A_639 = arith.index_cast %add3A_618 : i32 to index
        %get3A_640 = arith.constant 64 : index
        %get3A_641 = tpu.vector_load %arg13[%get3A_638, %get3A_639, %get3A_640] {strides = array<i32>} : memref<2x200x128xbf16, #tpu.memory_space<vmem>>, vector<32xbf16>,
        %unpack3A_642 = tpu.unpack_subelements %get3A_641, 0 {pack_format = #tpu.pack_format<interleaved>} : vector<32xbf16> -> vector<16xf32>
        %unpack3A_643 = tpu.unpack_subelements %get3A_641, 1 {pack_format = #tpu.pack_format<interleaved>} : vector<32xbf16> -> vector<16xf32>
        %swap3A_644 = arith.constant 2 : i32
        %swap3A_645 = arith.index_cast %swap3A_644 : i32 to index
        %swap3A_646 = arith.constant 0 : index
        %swap3A_647 = tpu.vector_load %arg17[%swap3A_645, %swap3A_646] {strides = array<i32>} : memref<4x64xf32, #tpu.memory_space<vmem>>, vector<16xf32>,
        tpu.vector_store %arg17[%swap3A_645, %swap3A_646], %unpack3A_642 {add = true, strides = array<i32>} : memref<4x64xf32, #tpu.memory_space<vmem>>, vector<16xf32>,
        %swap3A_648 = arith.constant 2 : i32
        %swap3A_649 = arith.index_cast %swap3A_648 : i32 to index
        %swap3A_650 = arith.constant 16 : index
        %swap3A_651 = tpu.vector_load %arg17[%swap3A_649, %swap3A_650] {strides = array<i32>} : memref<4x64xf32, #tpu.memory_space<vmem>>, vector<16xf32>,
        tpu.vector_store %arg17[%swap3A_649, %swap3A_650], %unpack3A_643 {add = true, strides = array<i32>} : memref<4x64xf32, #tpu.memory_space<vmem>>, vector<16xf32>,
        %get3A_652 = arith.constant 1 : i32
        %get3A_653 = arith.index_cast %get3A_652 : i32 to index
        %get3A_654 = arith.index_cast %add3A_618 : i32 to index
        %get3A_655 = arith.constant 96 : index
        %get3A_656 = tpu.vector_load %arg13[%get3A_653, %get3A_654, %get3A_655] {strides = array<i32>} : memref<2x200x128xbf16, #tpu.memory_space<vmem>>, vector<32xbf16>,
        %unpack3A_657 = tpu.unpack_subelements %get3A_656, 0 {pack_format = #tpu.pack_format<interleaved>} : vector<32xbf16> -> vector<16xf32>
        %unpack3A_658 = tpu.unpack_subelements %get3A_656, 1 {pack_format = #tpu.pack_format<interleaved>} : vector<32xbf16> -> vector<16xf32>
        %swap3A_659 = arith.constant 2 : i32
        %swap3A_660 = arith.index_cast %swap3A_659 : i32 to index
        %swap3A_661 = arith.constant 32 : index
        %swap3A_662 = tpu.vector_load %arg17[%swap3A_660, %swap3A_661] {strides = array<i32>} : memref<4x64xf32, #tpu.memory_space<vmem>>, vector<16xf32>,
        tpu.vector_store %arg17[%swap3A_660, %swap3A_661], %unpack3A_657 {add = true, strides = array<i32>} : memref<4x64xf32, #tpu.memory_space<vmem>>, vector<16xf32>,
        %swap3A_663 = arith.constant 2 : i32
        %swap3A_664 = arith.index_cast %swap3A_663 : i32 to index
        %swap3A_665 = arith.constant 48 : index
        %swap3A_666 = tpu.vector_load %arg17[%swap3A_664, %swap3A_665] {strides = array<i32>} : memref<4x64xf32, #tpu.memory_space<vmem>>, vector<16xf32>,
        tpu.vector_store %arg17[%swap3A_664, %swap3A_665], %unpack3A_658 {add = true, strides = array<i32>} : memref<4x64xf32, #tpu.memory_space<vmem>>, vector<16xf32>,
        %mul3A_667 = arith.constant 4 : i32
        %mul3A_668 = arith.muli %mul3A_667, %scan3A_507 : i32
        %add3A_669 = arith.constant 3 : i32
        %add3A_670 = arith.addi %mul3A_668, %add3A_669 : i32
        %get3A_671 = arith.constant 1 : i32
        %get3A_672 = arith.index_cast %get3A_671 : i32 to index
        %get3A_673 = arith.index_cast %add3A_670 : i32 to index
        %get3A_674 = arith.constant 0 : index
        %get3A_675 = tpu.vector_load %arg13[%get3A_672, %get3A_673, %get3A_674] {strides = array<i32>} : memref<2x200x128xbf16, #tpu.memory_space<vmem>>, vector<32xbf16>,
        %unpack3A_676 = tpu.unpack_subelements %get3A_675, 0 {pack_format = #tpu.pack_format<interleaved>} : vector<32xbf16> -> vector<16xf32>
        %unpack3A_677 = tpu.unpack_subelements %get3A_675, 1 {pack_format = #tpu.pack_format<interleaved>} : vector<32xbf16> -> vector<16xf32>
        %add3A_678 = arith.addf %add3A_626, %unpack3A_676 : vector<16xf32>
        %add3A_679 = arith.addf %add3A_627, %unpack3A_677 : vector<16xf32>
        %get3A_680 = arith.constant 1 : i32
        %get3A_681 = arith.index_cast %get3A_680 : i32 to index
        %get3A_682 = arith.index_cast %add3A_670 : i32 to index
        %get3A_683 = arith.constant 32 : index
        %get3A_684 = tpu.vector_load %arg13[%get3A_681, %get3A_682, %get3A_683] {strides = array<i32>} : memref<2x200x128xbf16, #tpu.memory_space<vmem>>, vector<32xbf16>,
        %unpack3A_685 = tpu.unpack_subelements %get3A_684, 0 {pack_format = #tpu.pack_format<interleaved>} : vector<32xbf16> -> vector<16xf32>
        %unpack3A_686 = tpu.unpack_subelements %get3A_684, 1 {pack_format = #tpu.pack_format<interleaved>} : vector<32xbf16> -> vector<16xf32>
        %add3A_687 = arith.addf %add3A_635, %unpack3A_685 : vector<16xf32>
        %add3A_688 = arith.addf %add3A_636, %unpack3A_686 : vector<16xf32>
        %get3A_689 = arith.constant 1 : i32
        %get3A_690 = arith.index_cast %get3A_689 : i32 to index
        %get3A_691 = arith.index_cast %add3A_670 : i32 to index
        %get3A_692 = arith.constant 64 : index
        %get3A_693 = tpu.vector_load %arg13[%get3A_690, %get3A_691, %get3A_692] {strides = array<i32>} : memref<2x200x128xbf16, #tpu.memory_space<vmem>>, vector<32xbf16>,
        %unpack3A_694 = tpu.unpack_subelements %get3A_693, 0 {pack_format = #tpu.pack_format<interleaved>} : vector<32xbf16> -> vector<16xf32>
        %unpack3A_695 = tpu.unpack_subelements %get3A_693, 1 {pack_format = #tpu.pack_format<interleaved>} : vector<32xbf16> -> vector<16xf32>
        %swap3A_696 = arith.constant 3 : i32
        %swap3A_697 = arith.index_cast %swap3A_696 : i32 to index
        %swap3A_698 = arith.constant 0 : index
        %swap3A_699 = tpu.vector_load %arg17[%swap3A_697, %swap3A_698] {strides = array<i32>} : memref<4x64xf32, #tpu.memory_space<vmem>>, vector<16xf32>,
        tpu.vector_store %arg17[%swap3A_697, %swap3A_698], %unpack3A_694 {add = true, strides = array<i32>} : memref<4x64xf32, #tpu.memory_space<vmem>>, vector<16xf32>,
        %swap3A_700 = arith.constant 3 : i32
        %swap3A_701 = arith.index_cast %swap3A_700 : i32 to index
        %swap3A_702 = arith.constant 16 : index
        %swap3A_703 = tpu.vector_load %arg17[%swap3A_701, %swap3A_702] {strides = array<i32>} : memref<4x64xf32, #tpu.memory_space<vmem>>, vector<16xf32>,
        tpu.vector_store %arg17[%swap3A_701, %swap3A_702], %unpack3A_695 {add = true, strides = array<i32>} : memref<4x64xf32, #tpu.memory_space<vmem>>, vector<16xf32>,
        %get3A_704 = arith.constant 1 : i32
        %get3A_705 = arith.index_cast %get3A_704 : i32 to index
        %get3A_706 = arith.index_cast %add3A_670 : i32 to index
        %get3A_707 = arith.constant 96 : index
        %get3A_708 = tpu.vector_load %arg13[%get3A_705, %get3A_706, %get3A_707] {strides = array<i32>} : memref<2x200x128xbf16, #tpu.memory_space<vmem>>, vector<32xbf16>,
        %unpack3A_709 = tpu.unpack_subelements %get3A_708, 0 {pack_format = #tpu.pack_format<interleaved>} : vector<32xbf16> -> vector<16xf32>
        %unpack3A_710 = tpu.unpack_subelements %get3A_708, 1 {pack_format = #tpu.pack_format<interleaved>} : vector<32xbf16> -> vector<16xf32>
        %swap3A_711 = arith.constant 3 : i32
        %swap3A_712 = arith.index_cast %swap3A_711 : i32 to index
        %swap3A_713 = arith.constant 32 : index
        %swap3A_714 = tpu.vector_load %arg17[%swap3A_712, %swap3A_713] {strides = array<i32>} : memref<4x64xf32, #tpu.memory_space<vmem>>, vector<16xf32>,
        tpu.vector_store %arg17[%swap3A_712, %swap3A_713], %unpack3A_709 {add = true, strides = array<i32>} : memref<4x64xf32, #tpu.memory_space<vmem>>, vector<16xf32>,
        %swap3A_715 = arith.constant 3 : i32
        %swap3A_716 = arith.index_cast %swap3A_715 : i32 to index
        %swap3A_717 = arith.constant 48 : index
        %swap3A_718 = tpu.vector_load %arg17[%swap3A_716, %swap3A_717] {strides = array<i32>} : memref<4x64xf32, #tpu.memory_space<vmem>>, vector<16xf32>,
        tpu.vector_store %arg17[%swap3A_716, %swap3A_717], %unpack3A_710 {add = true, strides = array<i32>} : memref<4x64xf32, #tpu.memory_space<vmem>>, vector<16xf32>,
        scf.yield %add3A_678, %add3A_679, %add3A_687, %add3A_688 : vector<16xf32>, vector<16xf32>, vector<16xf32>, vector<16xf32>
      }
      %scan3A_405 = arith.constant 50 : i32
      %swap3A_406 = arith.index_cast %add3A_333 : i32 to index
      %swap3A_407 = arith.constant 0 : index
      %swap3A_408 = tpu.vector_load %arg14[%swap3A_406, %swap3A_407] {strides = array<i32>} : memref<128x128xf32, #tpu.memory_space<vmem>>, vector<16xf32>,
      tpu.vector_store %arg14[%swap3A_406, %swap3A_407], %scan3A_404#0 {strides = array<i32>} : memref<128x128xf32, #tpu.memory_space<vmem>>, vector<16xf32>,
      %swap3A_409 = arith.index_cast %add3A_333 : i32 to index
      %swap3A_410 = arith.constant 16 : index
      %swap3A_411 = tpu.vector_load %arg14[%swap3A_409, %swap3A_410] {strides = array<i32>} : memref<128x128xf32, #tpu.memory_space<vmem>>, vector<16xf32>,
      tpu.vector_store %arg14[%swap3A_409, %swap3A_410], %scan3A_404#1 {strides = array<i32>} : memref<128x128xf32, #tpu.memory_space<vmem>>, vector<16xf32>,
      %swap3A_412 = arith.index_cast %add3A_333 : i32 to index
      %swap3A_413 = arith.constant 32 : index
      %swap3A_414 = tpu.vector_load %arg14[%swap3A_412, %swap3A_413] {strides = array<i32>} : memref<128x128xf32, #tpu.memory_space<vmem>>, vector<16xf32>,
      tpu.vector_store %arg14[%swap3A_412, %swap3A_413], %scan3A_404#2 {strides = array<i32>} : memref<128x128xf32, #tpu.memory_space<vmem>>, vector<16xf32>,
      %swap3A_415 = arith.index_cast %add3A_333 : i32 to index
      %swap3A_416 = arith.constant 48 : index
      %swap3A_417 = tpu.vector_load %arg14[%swap3A_415, %swap3A_416] {strides = array<i32>} : memref<128x128xf32, #tpu.memory_space<vmem>>, vector<16xf32>,
      tpu.vector_store %arg14[%swap3A_415, %swap3A_416], %scan3A_404#3 {strides = array<i32>} : memref<128x128xf32, #tpu.memory_space<vmem>>, vector<16xf32>,
      %get3A_418 = arith.constant 0 : i32
      %get3A_419 = arith.index_cast %get3A_418 : i32 to index
      %get3A_420 = arith.constant 0 : index
      %get3A_421 = tpu.vector_load %arg17[%get3A_419, %get3A_420] {strides = array<i32>} : memref<4x64xf32, #tpu.memory_space<vmem>>, vector<16xf32>,
      %get3A_422 = arith.constant 1 : i32
      %get3A_423 = arith.index_cast %get3A_422 : i32 to index
      %get3A_424 = arith.constant 0 : index
      %get3A_425 = tpu.vector_load %arg17[%get3A_423, %get3A_424] {strides = array<i32>} : memref<4x64xf32, #tpu.memory_space<vmem>>, vector<16xf32>,
      %add3A_426 = arith.addf %get3A_421, %get3A_425 : vector<16xf32>
      %get3A_427 = arith.constant 2 : i32
      %get3A_428 = arith.index_cast %get3A_427 : i32 to index
      %get3A_429 = arith.constant 0 : index
      %get3A_430 = tpu.vector_load %arg17[%get3A_428, %get3A_429] {strides = array<i32>} : memref<4x64xf32, #tpu.memory_space<vmem>>, vector<16xf32>,
      %add3A_431 = arith.addf %add3A_426, %get3A_430 : vector<16xf32>
      %get3A_432 = arith.constant 3 : i32
      %get3A_433 = arith.index_cast %get3A_432 : i32 to index
      %get3A_434 = arith.constant 0 : index
      %get3A_435 = tpu.vector_load %arg17[%get3A_433, %get3A_434] {strides = array<i32>} : memref<4x64xf32, #tpu.memory_space<vmem>>, vector<16xf32>,
      %add3A_436 = arith.addf %add3A_431, %get3A_435 : vector<16xf32>
      %swap3A_437 = arith.index_cast %add3A_333 : i32 to index
      %swap3A_438 = arith.constant 64 : index
      %swap3A_439 = tpu.vector_load %arg14[%swap3A_437, %swap3A_438] {strides = array<i32>} : memref<128x128xf32, #tpu.memory_space<vmem>>, vector<16xf32>,
      tpu.vector_store %arg14[%swap3A_437, %swap3A_438], %add3A_436 {strides = array<i32>} : memref<128x128xf32, #tpu.memory_space<vmem>>, vector<16xf32>,
      %get3A_440 = arith.constant 0 : i32
      %get3A_441 = arith.index_cast %get3A_440 : i32 to index
      %get3A_442 = arith.constant 16 : index
      %get3A_443 = tpu.vector_load %arg17[%get3A_441, %get3A_442] {strides = array<i32>} : memref<4x64xf32, #tpu.memory_space<vmem>>, vector<16xf32>,
      %get3A_444 = arith.constant 1 : i32
      %get3A_445 = arith.index_cast %get3A_444 : i32 to index
      %get3A_446 = arith.constant 16 : index
      %get3A_447 = tpu.vector_load %arg17[%get3A_445, %get3A_446] {strides = array<i32>} : memref<4x64xf32, #tpu.memory_space<vmem>>, vector<16xf32>,
      %add3A_448 = arith.addf %get3A_443, %get3A_447 : vector<16xf32>
      %get3A_449 = arith.constant 2 : i32
      %get3A_450 = arith.index_cast %get3A_449 : i32 to index
      %get3A_451 = arith.constant 16 : index
      %get3A_452 = tpu.vector_load %arg17[%get3A_450, %get3A_451] {strides = array<i32>} : memref<4x64xf32, #tpu.memory_space<vmem>>, vector<16xf32>,
      %add3A_453 = arith.addf %add3A_448, %get3A_452 : vector<16xf32>
      %get3A_454 = arith.constant 3 : i32
      %get3A_455 = arith.index_cast %get3A_454 : i32 to index
      %get3A_456 = arith.constant 16 : index
      %get3A_457 = tpu.vector_load %arg17[%get3A_455, %get3A_456] {strides = array<i32>} : memref<4x64xf32, #tpu.memory_space<vmem>>, vector<16xf32>,
      %add3A_458 = arith.addf %add3A_453, %get3A_457 : vector<16xf32>
      %swap3A_459 = arith.index_cast %add3A_333 : i32 to index
      %swap3A_460 = arith.constant 80 : index
      %swap3A_461 = tpu.vector_load %arg14[%swap3A_459, %swap3A_460] {strides = array<i32>} : memref<128x128xf32, #tpu.memory_space<vmem>>, vector<16xf32>,
      tpu.vector_store %arg14[%swap3A_459, %swap3A_460], %add3A_458 {strides = array<i32>} : memref<128x128xf32, #tpu.memory_space<vmem>>, vector<16xf32>,
      %get3A_462 = arith.constant 0 : i32
      %get3A_463 = arith.index_cast %get3A_462 : i32 to index
      %get3A_464 = arith.constant 32 : index
      %get3A_465 = tpu.vector_load %arg17[%get3A_463, %get3A_464] {strides = array<i32>} : memref<4x64xf32, #tpu.memory_space<vmem>>, vector<16xf32>,
      %get3A_466 = arith.constant 1 : i32
      %get3A_467 = arith.index_cast %get3A_466 : i32 to index
      %get3A_468 = arith.constant 32 : index
      %get3A_469 = tpu.vector_load %arg17[%get3A_467, %get3A_468] {strides = array<i32>} : memref<4x64xf32, #tpu.memory_space<vmem>>, vector<16xf32>,
      %add3A_470 = arith.addf %get3A_465, %get3A_469 : vector<16xf32>
      %get3A_471 = arith.constant 2 : i32
      %get3A_472 = arith.index_cast %get3A_471 : i32 to index
      %get3A_473 = arith.constant 32 : index
      %get3A_474 = tpu.vector_load %arg17[%get3A_472, %get3A_473] {strides = array<i32>} : memref<4x64xf32, #tpu.memory_space<vmem>>, vector<16xf32>,
      %add3A_475 = arith.addf %add3A_470, %get3A_474 : vector<16xf32>
      %get3A_476 = arith.constant 3 : i32
      %get3A_477 = arith.index_cast %get3A_476 : i32 to index
      %get3A_478 = arith.constant 32 : index
      %get3A_479 = tpu.vector_load %arg17[%get3A_477, %get3A_478] {strides = array<i32>} : memref<4x64xf32, #tpu.memory_space<vmem>>, vector<16xf32>,
      %add3A_480 = arith.addf %add3A_475, %get3A_479 : vector<16xf32>
      %swap3A_481 = arith.index_cast %add3A_333 : i32 to index
      %swap3A_482 = arith.constant 96 : index
      %swap3A_483 = tpu.vector_load %arg14[%swap3A_481, %swap3A_482] {strides = array<i32>} : memref<128x128xf32, #tpu.memory_space<vmem>>, vector<16xf32>,
      tpu.vector_store %arg14[%swap3A_481, %swap3A_482], %add3A_480 {strides = array<i32>} : memref<128x128xf32, #tpu.memory_space<vmem>>, vector<16xf32>,
      %get3A_484 = arith.constant 0 : i32
      %get3A_485 = arith.index_cast %get3A_484 : i32 to index
      %get3A_486 = arith.constant 48 : index
      %get3A_487 = tpu.vector_load %arg17[%get3A_485, %get3A_486] {strides = array<i32>} : memref<4x64xf32, #tpu.memory_space<vmem>>, vector<16xf32>,
      %get3A_488 = arith.constant 1 : i32
      %get3A_489 = arith.index_cast %get3A_488 : i32 to index
      %get3A_490 = arith.constant 48 : index
      %get3A_491 = tpu.vector_load %arg17[%get3A_489, %get3A_490] {strides = array<i32>} : memref<4x64xf32, #tpu.memory_space<vmem>>, vector<16xf32>,
      %add3A_492 = arith.addf %get3A_487, %get3A_491 : vector<16xf32>
      %get3A_493 = arith.constant 2 : i32
      %get3A_494 = arith.index_cast %get3A_493 : i32 to index
      %get3A_495 = arith.constant 48 : index
      %get3A_496 = tpu.vector_load %arg17[%get3A_494, %get3A_495] {strides = array<i32>} : memref<4x64xf32, #tpu.memory_space<vmem>>, vector<16xf32>,
      %add3A_497 = arith.addf %add3A_492, %get3A_496 : vector<16xf32>
      %get3A_498 = arith.constant 3 : i32
      %get3A_499 = arith.index_cast %get3A_498 : i32 to index
      %get3A_500 = arith.constant 48 : index
      %get3A_501 = tpu.vector_load %arg17[%get3A_499, %get3A_500] {strides = array<i32>} : memref<4x64xf32, #tpu.memory_space<vmem>>, vector<16xf32>,
      %add3A_502 = arith.addf %add3A_497, %get3A_501 : vector<16xf32>
      %swap3A_503 = arith.index_cast %add3A_333 : i32 to index
      %swap3A_504 = arith.constant 112 : index
      %swap3A_505 = tpu.vector_load %arg14[%swap3A_503, %swap3A_504] {strides = array<i32>} : memref<128x128xf32, #tpu.memory_space<vmem>>, vector<16xf32>,
      tpu.vector_store %arg14[%swap3A_503, %swap3A_504], %add3A_502 {strides = array<i32>} : memref<128x128xf32, #tpu.memory_space<vmem>>, vector<16xf32>,
      %scan3A_506 = arith.constant 0 : i32
      scf.yield %scan3A_506 : i32
    }
    %scan3A_62 = arith.constant 64 : i32
    "tpu.region"() ({
      %run_scoped3A = tpu.sem_alloc : memref<!tpu.dma_semaphore, #tpu.memory_space<semaphore_mem>>
      %dma_start3A_96 = arith.constant 0 : i32
      %dma_start3A_97 = tpu.memref_slice %arg8[%add3A_34, %dma_start3A_96] : memref<8192x128xf32, #tpu.memory_space<hbm>> -> memref<128x128xf32, #tpu.memory_space<hbm>>
      %dma_start3A_98 = arith.constant 0 : i32
      %dma_start3A_99 = tpu.memref_slice %arg8[%add3A_34, %dma_start3A_98] : memref<8192x128xf32, #tpu.memory_space<hbm>> -> memref<128x128xf32, #tpu.memory_space<hbm>>
      tpu.enqueue_dma source(%arg14 : memref<128x128xf32, #tpu.memory_space<vmem>>) target(%dma_start3A_99 : memref<128x128xf32, #tpu.memory_space<hbm>>) target_semaphore(%run_scoped3A : memref<!tpu.dma_semaphore, #tpu.memory_space<semaphore_mem>>)
      %dma_wait3A_100 = arith.constant 0 : i32
      %dma_wait3A_101 = tpu.memref_slice %arg8[%add3A_34, %dma_wait3A_100] : memref<8192x128xf32, #tpu.memory_space<hbm>> -> memref<128x128xf32, #tpu.memory_space<hbm>>
      %dma_wait3A_102 = arith.constant 0 : i32
      %dma_wait3A_103 = tpu.memref_slice %arg8[%add3A_34, %dma_wait3A_102] : memref<8192x128xf32, #tpu.memory_space<hbm>> -> memref<128x128xf32, #tpu.memory_space<hbm>>
      tpu.wait_dma2 semaphore(%run_scoped3A : memref<!tpu.dma_semaphore, #tpu.memory_space<semaphore_mem>>) src(%arg14 : memref<128x128xf32, #tpu.memory_space<vmem>>) dst(%dma_wait3A_103 : memref<128x128xf32, #tpu.memory_space<hbm>>)
      tpu.yield
    }) : () -> ()
    %mul3A_63 = arith.constant 256 : i32
    %mul3A_64 = arith.muli %add3A, %mul3A_63 : i32
    %add3A_65 = arith.constant 128 : i32
    %add3A_66 = arith.addi %mul3A_64, %add3A_65 : i32
    %mul3A_67 = arith.constant 200 : i32
    %mul3A_68 = arith.muli %add3A_66, %mul3A_67 : i32
    "tpu.region"() ({
      %run_scoped3A = tpu.sem_alloc : memref<!tpu.dma_semaphore, #tpu.memory_space<semaphore_mem>>
      %dma_start3A_96 = tpu.memref_slice %arg4[%mul3A_68] : memref<1638400xi32, #tpu.memory_space<hbm>> -> memref<25600xi32, #tpu.memory_space<hbm>>
      %dma_start3A_97 = tpu.memref_slice %arg4[%mul3A_68] : memref<1638400xi32, #tpu.memory_space<hbm>> -> memref<25600xi32, #tpu.memory_space<hbm>>
      tpu.enqueue_dma source(%dma_start3A_97 : memref<25600xi32, #tpu.memory_space<hbm>>) target(%arg12 : memref<25600xi32, #tpu.memory_space<vmem>>) target_semaphore(%run_scoped3A : memref<!tpu.dma_semaphore, #tpu.memory_space<semaphore_mem>>)
      %dma_wait3A_98 = tpu.memref_slice %arg4[%mul3A_68] : memref<1638400xi32, #tpu.memory_space<hbm>> -> memref<25600xi32, #tpu.memory_space<hbm>>
      %dma_wait3A_99 = tpu.memref_slice %arg4[%mul3A_68] : memref<1638400xi32, #tpu.memory_space<hbm>> -> memref<25600xi32, #tpu.memory_space<hbm>>
      tpu.wait_dma2 semaphore(%run_scoped3A : memref<!tpu.dma_semaphore, #tpu.memory_space<semaphore_mem>>) src(%dma_wait3A_99 : memref<25600xi32, #tpu.memory_space<hbm>>) dst(%arg12 : memref<25600xi32, #tpu.memory_space<vmem>>)
      tpu.yield
    }) : () -> ()
    %dma_start3A_69 = arith.constant 0 : i32
    %dma_start3A_70 = arith.constant 0 : i32
    %dma_start3A_71 = arith.constant 0 : i32
    %dma_start3A_72 = tpu.memref_slice %arg13[%dma_start3A_69, %dma_start3A_70, %dma_start3A_71] : memref<2x200x128xbf16, #tpu.memory_space<vmem>> -> memref<1x128x128xbf16, #tpu.memory_space<vmem>>
    %dma_start3A_73 = tpu.memref_squeeze %dma_start3A_72 : memref<1x128x128xbf16, #tpu.memory_space<vmem>> -> memref<128x128xbf16, #tpu.memory_space<vmem>>
    %dma_start3A_74 = arith.constant 0 : i32
    %dma_start3A_75 = tpu.memref_slice %arg12[%dma_start3A_74] : memref<25600xi32, #tpu.memory_space<vmem>> -> memref<128xi32, #tpu.memory_space<vmem>>
    %dma_start3A_76 = arith.constant 0 : i32
    %dma_start3A_77 = arith.constant 0 : i32
    %dma_start3A_78 = tpu.memref_slice %arg3[%dma_start3A_76, %dma_start3A_77] : memref<100001x128xbf16, #tpu.memory_space<hbm>> -> memref<100001x128xbf16, #tpu.memory_space<hbm>>
    tpu.enqueue_indirect_dma source(%dma_start3A_78 : memref<100001x128xbf16, #tpu.memory_space<hbm>>) target(%dma_start3A_73 : memref<128x128xbf16, #tpu.memory_space<vmem>>) offsets(%dma_start3A_75 : memref<128xi32, #tpu.memory_space<vmem>>) semaphore(%arg18 : memref<!tpu.dma_semaphore, #tpu.memory_space<semaphore_mem>>)
    %dma_start3A_79 = arith.constant 0 : i32
    %dma_start3A_80 = arith.constant 128 : i32
    %dma_start3A_81 = arith.constant 0 : i32
    %dma_start3A_82 = tpu.memref_slice %arg13[%dma_start3A_79, %dma_start3A_80, %dma_start3A_81] : memref<2x200x128xbf16, #tpu.memory_space<vmem>> -> memref<1x72x128xbf16, #tpu.memory_space<vmem>>
    %dma_start3A_83 = tpu.memref_squeeze %dma_start3A_82 : memref<1x72x128xbf16, #tpu.memory_space<vmem>> -> memref<72x128xbf16, #tpu.memory_space<vmem>>
    %dma_start3A_84 = arith.constant 128 : i32
    %dma_start3A_85 = tpu.memref_slice %arg12[%dma_start3A_84] : memref<25600xi32, #tpu.memory_space<vmem>> -> memref<72xi32, #tpu.memory_space<vmem>>
    %dma_start3A_86 = arith.constant 0 : i32
    %dma_start3A_87 = arith.constant 0 : i32
    %dma_start3A_88 = tpu.memref_slice %arg3[%dma_start3A_86, %dma_start3A_87] : memref<100001x128xbf16, #tpu.memory_space<hbm>> -> memref<100001x128xbf16, #tpu.memory_space<hbm>>
    tpu.enqueue_indirect_dma source(%dma_start3A_88 : memref<100001x128xbf16, #tpu.memory_space<hbm>>) target(%dma_start3A_83 : memref<72x128xbf16, #tpu.memory_space<vmem>>) offsets(%dma_start3A_85 : memref<72xi32, #tpu.memory_space<vmem>>) semaphore(%arg18 : memref<!tpu.dma_semaphore, #tpu.memory_space<semaphore_mem>>)
    %scan3A_89 = arith.constant 0 : i32
    %scan3A_90 = arith.constant 0 : i32
    %scan3A_91 = arith.constant 64 : i32
    %scan3A_92 = arith.addi %scan3A_90, %scan3A_91 : i32
    %scan3A_93 = arith.constant 1 : i32
    %scan3A_94 = scf.for %scan3A_96 = %scan3A_90 to %scan3A_92 step %scan3A_93 iter_args(%scan3A_97 = %scan3A_89) -> (i32)  : i32 {
      %mul3A_98 = arith.constant 2 : i32
      %mul3A_99 = arith.muli %mul3A_98, %scan3A_96 : i32
      %add3A_100 = arith.constant 1 : i32
      %add3A_101 = arith.addi %mul3A_99, %add3A_100 : i32
      %mul3A_102 = arith.constant 200 : i32
      %mul3A_103 = arith.muli %add3A_101, %mul3A_102 : i32
      %dma_start3A_104 = arith.constant 1 : i32
      %dma_start3A_105 = arith.constant 0 : i32
      %dma_start3A_106 = arith.constant 0 : i32
      %dma_start3A_107 = tpu.memref_slice %arg13[%dma_start3A_104, %dma_start3A_105, %dma_start3A_106] : memref<2x200x128xbf16, #tpu.memory_space<vmem>> -> memref<1x128x128xbf16, #tpu.memory_space<vmem>>
      %dma_start3A_108 = tpu.memref_squeeze %dma_start3A_107 : memref<1x128x128xbf16, #tpu.memory_space<vmem>> -> memref<128x128xbf16, #tpu.memory_space<vmem>>
      %dma_start3A_109 = tpu.memref_slice %arg12[%mul3A_103] : memref<25600xi32, #tpu.memory_space<vmem>> -> memref<128xi32, #tpu.memory_space<vmem>>
      %dma_start3A_110 = arith.constant 0 : i32
      %dma_start3A_111 = arith.constant 0 : i32
      %dma_start3A_112 = tpu.memref_slice %arg3[%dma_start3A_110, %dma_start3A_111] : memref<100001x128xbf16, #tpu.memory_space<hbm>> -> memref<100001x128xbf16, #tpu.memory_space<hbm>>
      tpu.enqueue_indirect_dma source(%dma_start3A_112 : memref<100001x128xbf16, #tpu.memory_space<hbm>>) target(%dma_start3A_108 : memref<128x128xbf16, #tpu.memory_space<vmem>>) offsets(%dma_start3A_109 : memref<128xi32, #tpu.memory_space<vmem>>) semaphore(%arg19 : memref<!tpu.dma_semaphore, #tpu.memory_space<semaphore_mem>>)
      %add3A_113 = arith.constant 128 : i32
      %add3A_114 = arith.addi %mul3A_103, %add3A_113 : i32
      %dma_start3A_115 = arith.constant 1 : i32
      %dma_start3A_116 = arith.constant 128 : i32
      %dma_start3A_117 = arith.constant 0 : i32
      %dma_start3A_118 = tpu.memref_slice %arg13[%dma_start3A_115, %dma_start3A_116, %dma_start3A_117] : memref<2x200x128xbf16, #tpu.memory_space<vmem>> -> memref<1x72x128xbf16, #tpu.memory_space<vmem>>
      %dma_start3A_119 = tpu.memref_squeeze %dma_start3A_118 : memref<1x72x128xbf16, #tpu.memory_space<vmem>> -> memref<72x128xbf16, #tpu.memory_space<vmem>>
      %dma_start3A_120 = tpu.memref_slice %arg12[%add3A_114] : memref<25600xi32, #tpu.memory_space<vmem>> -> memref<72xi32, #tpu.memory_space<vmem>>
      %dma_start3A_121 = arith.constant 0 : i32
      %dma_start3A_122 = arith.constant 0 : i32
      %dma_start3A_123 = tpu.memref_slice %arg3[%dma_start3A_121, %dma_start3A_122] : memref<100001x128xbf16, #tpu.memory_space<hbm>> -> memref<100001x128xbf16, #tpu.memory_space<hbm>>
      tpu.enqueue_indirect_dma source(%dma_start3A_123 : memref<100001x128xbf16, #tpu.memory_space<hbm>>) target(%dma_start3A_119 : memref<72x128xbf16, #tpu.memory_space<vmem>>) offsets(%dma_start3A_120 : memref<72xi32, #tpu.memory_space<vmem>>) semaphore(%arg19 : memref<!tpu.dma_semaphore, #tpu.memory_space<semaphore_mem>>)
      %dma_wait3A_124 = arith.constant 0 : i32
      %dma_wait3A_125 = arith.constant 0 : i32
      %dma_wait3A_126 = arith.constant 0 : i32
      %dma_wait3A_127 = tpu.memref_slice %arg13[%dma_wait3A_124, %dma_wait3A_125, %dma_wait3A_126] : memref<2x200x128xbf16, #tpu.memory_space<vmem>> -> memref<1x200x128xbf16, #tpu.memory_space<vmem>>
      %dma_wait3A_128 = tpu.memref_squeeze %dma_wait3A_127 : memref<1x200x128xbf16, #tpu.memory_space<vmem>> -> memref<200x128xbf16, #tpu.memory_space<vmem>>
      %dma_wait3A_129 = arith.constant 0 : i32
      %dma_wait3A_130 = arith.constant 0 : i32
      %dma_wait3A_131 = tpu.memref_slice %arg3[%dma_wait3A_129, %dma_wait3A_130] : memref<100001x128xbf16, #tpu.memory_space<hbm>> -> memref<200x128xbf16, #tpu.memory_space<hbm>>
      %dma_wait3A_132 = arith.constant 0 : i32
      %dma_wait3A_133 = arith.constant 0 : i32
      %dma_wait3A_134 = tpu.memref_slice %arg13[%dma_wait3A_124, %dma_wait3A_132, %dma_wait3A_133] : memref<2x200x128xbf16, #tpu.memory_space<vmem>> -> memref<1x200x128xbf16, #tpu.memory_space<vmem>>
      %dma_wait3A_135 = tpu.memref_squeeze %dma_wait3A_134 : memref<1x200x128xbf16, #tpu.memory_space<vmem>> -> memref<200x128xbf16, #tpu.memory_space<vmem>>
      %dma_wait3A_136 = arith.constant 0 : i32
      %dma_wait3A_137 = arith.constant 0 : i32
      %dma_wait3A_138 = tpu.memref_slice %arg3[%dma_wait3A_136, %dma_wait3A_137] : memref<100001x128xbf16, #tpu.memory_space<hbm>> -> memref<200x128xbf16, #tpu.memory_space<hbm>>
      tpu.wait_dma2 semaphore(%arg18 : memref<!tpu.dma_semaphore, #tpu.memory_space<semaphore_mem>>) src(%dma_wait3A_138 : memref<200x128xbf16, #tpu.memory_space<hbm>>) dst(%dma_wait3A_135 : memref<200x128xbf16, #tpu.memory_space<vmem>>)
      %mul3A_139 = arith.constant 2 : i32
      %mul3A_140 = arith.muli %mul3A_139, %scan3A_96 : i32
      %broadcast_in_dim3A = arith.constant 0.000000e+00 : f32
      %broadcast_in_dim3A_141 = vector.broadcast %broadcast_in_dim3A : f32 to vector<16xf32>
      %swap3A = arith.constant 0 : i32
      %swap3A_142 = arith.index_cast %swap3A : i32 to index
      %swap3A_143 = arith.constant 0 : index
      %swap3A_144 = tpu.vector_load %arg17[%swap3A_142, %swap3A_143] {strides = array<i32>} : memref<4x64xf32, #tpu.memory_space<vmem>>, vector<16xf32>,
      tpu.vector_store %arg17[%swap3A_142, %swap3A_143], %broadcast_in_dim3A_141 {strides = array<i32>} : memref<4x64xf32, #tpu.memory_space<vmem>>, vector<16xf32>,
      %swap3A_145 = arith.constant 0 : i32
      %swap3A_146 = arith.index_cast %swap3A_145 : i32 to index
      %swap3A_147 = arith.constant 16 : index
      %swap3A_148 = tpu.vector_load %arg17[%swap3A_146, %swap3A_147] {strides = array<i32>} : memref<4x64xf32, #tpu.memory_space<vmem>>, vector<16xf32>,
      tpu.vector_store %arg17[%swap3A_146, %swap3A_147], %broadcast_in_dim3A_141 {strides = array<i32>} : memref<4x64xf32, #tpu.memory_space<vmem>>, vector<16xf32>,
      %swap3A_149 = arith.constant 0 : i32
      %swap3A_150 = arith.index_cast %swap3A_149 : i32 to index
      %swap3A_151 = arith.constant 32 : index
      %swap3A_152 = tpu.vector_load %arg17[%swap3A_150, %swap3A_151] {strides = array<i32>} : memref<4x64xf32, #tpu.memory_space<vmem>>, vector<16xf32>,
      tpu.vector_store %arg17[%swap3A_150, %swap3A_151], %broadcast_in_dim3A_141 {strides = array<i32>} : memref<4x64xf32, #tpu.memory_space<vmem>>, vector<16xf32>,
      %swap3A_153 = arith.constant 0 : i32
      %swap3A_154 = arith.index_cast %swap3A_153 : i32 to index
      %swap3A_155 = arith.constant 48 : index
      %swap3A_156 = tpu.vector_load %arg17[%swap3A_154, %swap3A_155] {strides = array<i32>} : memref<4x64xf32, #tpu.memory_space<vmem>>, vector<16xf32>,
      tpu.vector_store %arg17[%swap3A_154, %swap3A_155], %broadcast_in_dim3A_141 {strides = array<i32>} : memref<4x64xf32, #tpu.memory_space<vmem>>, vector<16xf32>,
      %swap3A_157 = arith.constant 1 : i32
      %swap3A_158 = arith.index_cast %swap3A_157 : i32 to index
      %swap3A_159 = arith.constant 0 : index
      %swap3A_160 = tpu.vector_load %arg17[%swap3A_158, %swap3A_159] {strides = array<i32>} : memref<4x64xf32, #tpu.memory_space<vmem>>, vector<16xf32>,
      tpu.vector_store %arg17[%swap3A_158, %swap3A_159], %broadcast_in_dim3A_141 {strides = array<i32>} : memref<4x64xf32, #tpu.memory_space<vmem>>, vector<16xf32>,
      %swap3A_161 = arith.constant 1 : i32
      %swap3A_162 = arith.index_cast %swap3A_161 : i32 to index
      %swap3A_163 = arith.constant 16 : index
      %swap3A_164 = tpu.vector_load %arg17[%swap3A_162, %swap3A_163] {strides = array<i32>} : memref<4x64xf32, #tpu.memory_space<vmem>>, vector<16xf32>,
      tpu.vector_store %arg17[%swap3A_162, %swap3A_163], %broadcast_in_dim3A_141 {strides = array<i32>} : memref<4x64xf32, #tpu.memory_space<vmem>>, vector<16xf32>,
      %swap3A_165 = arith.constant 1 : i32
      %swap3A_166 = arith.index_cast %swap3A_165 : i32 to index
      %swap3A_167 = arith.constant 32 : index
      %swap3A_168 = tpu.vector_load %arg17[%swap3A_166, %swap3A_167] {strides = array<i32>} : memref<4x64xf32, #tpu.memory_space<vmem>>, vector<16xf32>,
      tpu.vector_store %arg17[%swap3A_166, %swap3A_167], %broadcast_in_dim3A_141 {strides = array<i32>} : memref<4x64xf32, #tpu.memory_space<vmem>>, vector<16xf32>,
      %swap3A_169 = arith.constant 1 : i32
      %swap3A_170 = arith.index_cast %swap3A_169 : i32 to index
      %swap3A_171 = arith.constant 48 : index
      %swap3A_172 = tpu.vector_load %arg17[%swap3A_170, %swap3A_171] {strides = array<i32>} : memref<4x64xf32, #tpu.memory_space<vmem>>, vector<16xf32>,
      tpu.vector_store %arg17[%swap3A_170, %swap3A_171], %broadcast_in_dim3A_141 {strides = array<i32>} : memref<4x64xf32, #tpu.memory_space<vmem>>, vector<16xf32>,
      %swap3A_173 = arith.constant 2 : i32
      %swap3A_174 = arith.index_cast %swap3A_173 : i32 to index
      %swap3A_175 = arith.constant 0 : index
      %swap3A_176 = tpu.vector_load %arg17[%swap3A_174, %swap3A_175] {strides = array<i32>} : memref<4x64xf32, #tpu.memory_space<vmem>>, vector<16xf32>,
      tpu.vector_store %arg17[%swap3A_174, %swap3A_175], %broadcast_in_dim3A_141 {strides = array<i32>} : memref<4x64xf32, #tpu.memory_space<vmem>>, vector<16xf32>,
      %swap3A_177 = arith.constant 2 : i32
      %swap3A_178 = arith.index_cast %swap3A_177 : i32 to index
      %swap3A_179 = arith.constant 16 : index
      %swap3A_180 = tpu.vector_load %arg17[%swap3A_178, %swap3A_179] {strides = array<i32>} : memref<4x64xf32, #tpu.memory_space<vmem>>, vector<16xf32>,
      tpu.vector_store %arg17[%swap3A_178, %swap3A_179], %broadcast_in_dim3A_141 {strides = array<i32>} : memref<4x64xf32, #tpu.memory_space<vmem>>, vector<16xf32>,
      %swap3A_181 = arith.constant 2 : i32
      %swap3A_182 = arith.index_cast %swap3A_181 : i32 to index
      %swap3A_183 = arith.constant 32 : index
      %swap3A_184 = tpu.vector_load %arg17[%swap3A_182, %swap3A_183] {strides = array<i32>} : memref<4x64xf32, #tpu.memory_space<vmem>>, vector<16xf32>,
      tpu.vector_store %arg17[%swap3A_182, %swap3A_183], %broadcast_in_dim3A_141 {strides = array<i32>} : memref<4x64xf32, #tpu.memory_space<vmem>>, vector<16xf32>,
      %swap3A_185 = arith.constant 2 : i32
      %swap3A_186 = arith.index_cast %swap3A_185 : i32 to index
      %swap3A_187 = arith.constant 48 : index
      %swap3A_188 = tpu.vector_load %arg17[%swap3A_186, %swap3A_187] {strides = array<i32>} : memref<4x64xf32, #tpu.memory_space<vmem>>, vector<16xf32>,
      tpu.vector_store %arg17[%swap3A_186, %swap3A_187], %broadcast_in_dim3A_141 {strides = array<i32>} : memref<4x64xf32, #tpu.memory_space<vmem>>, vector<16xf32>,
      %swap3A_189 = arith.constant 3 : i32
      %swap3A_190 = arith.index_cast %swap3A_189 : i32 to index
      %swap3A_191 = arith.constant 0 : index
      %swap3A_192 = tpu.vector_load %arg17[%swap3A_190, %swap3A_191] {strides = array<i32>} : memref<4x64xf32, #tpu.memory_space<vmem>>, vector<16xf32>,
      tpu.vector_store %arg17[%swap3A_190, %swap3A_191], %broadcast_in_dim3A_141 {strides = array<i32>} : memref<4x64xf32, #tpu.memory_space<vmem>>, vector<16xf32>,
      %swap3A_193 = arith.constant 3 : i32
      %swap3A_194 = arith.index_cast %swap3A_193 : i32 to index
      %swap3A_195 = arith.constant 16 : index
      %swap3A_196 = tpu.vector_load %arg17[%swap3A_194, %swap3A_195] {strides = array<i32>} : memref<4x64xf32, #tpu.memory_space<vmem>>, vector<16xf32>,
      tpu.vector_store %arg17[%swap3A_194, %swap3A_195], %broadcast_in_dim3A_141 {strides = array<i32>} : memref<4x64xf32, #tpu.memory_space<vmem>>, vector<16xf32>,
      %swap3A_197 = arith.constant 3 : i32
      %swap3A_198 = arith.index_cast %swap3A_197 : i32 to index
      %swap3A_199 = arith.constant 32 : index
      %swap3A_200 = tpu.vector_load %arg17[%swap3A_198, %swap3A_199] {strides = array<i32>} : memref<4x64xf32, #tpu.memory_space<vmem>>, vector<16xf32>,
      tpu.vector_store %arg17[%swap3A_198, %swap3A_199], %broadcast_in_dim3A_141 {strides = array<i32>} : memref<4x64xf32, #tpu.memory_space<vmem>>, vector<16xf32>,
      %swap3A_201 = arith.constant 3 : i32
      %swap3A_202 = arith.index_cast %swap3A_201 : i32 to index
      %swap3A_203 = arith.constant 48 : index
      %swap3A_204 = tpu.vector_load %arg17[%swap3A_202, %swap3A_203] {strides = array<i32>} : memref<4x64xf32, #tpu.memory_space<vmem>>, vector<16xf32>,
      tpu.vector_store %arg17[%swap3A_202, %swap3A_203], %broadcast_in_dim3A_141 {strides = array<i32>} : memref<4x64xf32, #tpu.memory_space<vmem>>, vector<16xf32>,
      %scan3A_205 = arith.constant 0 : i32
      %scan3A_206 = arith.constant 50 : i32
      %scan3A_207 = arith.addi %scan3A_205, %scan3A_206 : i32
      %scan3A_208 = arith.constant 1 : i32
      %scan3A_209:4 = scf.for %scan3A_507 = %scan3A_205 to %scan3A_207 step %scan3A_208 iter_args(%scan3A_508 = %broadcast_in_dim3A_141, %scan3A_509 = %broadcast_in_dim3A_141, %scan3A_510 = %broadcast_in_dim3A_141, %scan3A_511 = %broadcast_in_dim3A_141) -> (vector<16xf32>, vector<16xf32>, vector<16xf32>, vector<16xf32>)  : i32 {
        %mul3A_512 = arith.constant 4 : i32
        %mul3A_513 = arith.muli %mul3A_512, %scan3A_507 : i32
        %add3A_514 = arith.constant 0 : i32
        %add3A_515 = arith.addi %mul3A_513, %add3A_514 : i32
        %get3A_516 = arith.constant 0 : i32
        %get3A_517 = arith.index_cast %get3A_516 : i32 to index
        %get3A_518 = arith.index_cast %add3A_515 : i32 to index
        %get3A_519 = arith.constant 0 : index
        %get3A_520 = tpu.vector_load %arg13[%get3A_517, %get3A_518, %get3A_519] {strides = array<i32>} : memref<2x200x128xbf16, #tpu.memory_space<vmem>>, vector<32xbf16>,
        %unpack3A = tpu.unpack_subelements %get3A_520, 0 {pack_format = #tpu.pack_format<interleaved>} : vector<32xbf16> -> vector<16xf32>
        %unpack3A_521 = tpu.unpack_subelements %get3A_520, 1 {pack_format = #tpu.pack_format<interleaved>} : vector<32xbf16> -> vector<16xf32>
        %add3A_522 = arith.addf %scan3A_508, %unpack3A : vector<16xf32>
        %add3A_523 = arith.addf %scan3A_509, %unpack3A_521 : vector<16xf32>
        %get3A_524 = arith.constant 0 : i32
        %get3A_525 = arith.index_cast %get3A_524 : i32 to index
        %get3A_526 = arith.index_cast %add3A_515 : i32 to index
        %get3A_527 = arith.constant 32 : index
        %get3A_528 = tpu.vector_load %arg13[%get3A_525, %get3A_526, %get3A_527] {strides = array<i32>} : memref<2x200x128xbf16, #tpu.memory_space<vmem>>, vector<32xbf16>,
        %unpack3A_529 = tpu.unpack_subelements %get3A_528, 0 {pack_format = #tpu.pack_format<interleaved>} : vector<32xbf16> -> vector<16xf32>
        %unpack3A_530 = tpu.unpack_subelements %get3A_528, 1 {pack_format = #tpu.pack_format<interleaved>} : vector<32xbf16> -> vector<16xf32>
        %add3A_531 = arith.addf %scan3A_510, %unpack3A_529 : vector<16xf32>
        %add3A_532 = arith.addf %scan3A_511, %unpack3A_530 : vector<16xf32>
        %get3A_533 = arith.constant 0 : i32
        %get3A_534 = arith.index_cast %get3A_533 : i32 to index
        %get3A_535 = arith.index_cast %add3A_515 : i32 to index
        %get3A_536 = arith.constant 64 : index
        %get3A_537 = tpu.vector_load %arg13[%get3A_534, %get3A_535, %get3A_536] {strides = array<i32>} : memref<2x200x128xbf16, #tpu.memory_space<vmem>>, vector<32xbf16>,
        %unpack3A_538 = tpu.unpack_subelements %get3A_537, 0 {pack_format = #tpu.pack_format<interleaved>} : vector<32xbf16> -> vector<16xf32>
        %unpack3A_539 = tpu.unpack_subelements %get3A_537, 1 {pack_format = #tpu.pack_format<interleaved>} : vector<32xbf16> -> vector<16xf32>
        %swap3A_540 = arith.constant 0 : i32
        %swap3A_541 = arith.index_cast %swap3A_540 : i32 to index
        %swap3A_542 = arith.constant 0 : index
        %swap3A_543 = tpu.vector_load %arg17[%swap3A_541, %swap3A_542] {strides = array<i32>} : memref<4x64xf32, #tpu.memory_space<vmem>>, vector<16xf32>,
        tpu.vector_store %arg17[%swap3A_541, %swap3A_542], %unpack3A_538 {add = true, strides = array<i32>} : memref<4x64xf32, #tpu.memory_space<vmem>>, vector<16xf32>,
        %swap3A_544 = arith.constant 0 : i32
        %swap3A_545 = arith.index_cast %swap3A_544 : i32 to index
        %swap3A_546 = arith.constant 16 : index
        %swap3A_547 = tpu.vector_load %arg17[%swap3A_545, %swap3A_546] {strides = array<i32>} : memref<4x64xf32, #tpu.memory_space<vmem>>, vector<16xf32>,
        tpu.vector_store %arg17[%swap3A_545, %swap3A_546], %unpack3A_539 {add = true, strides = array<i32>} : memref<4x64xf32, #tpu.memory_space<vmem>>, vector<16xf32>,
        %get3A_548 = arith.constant 0 : i32
        %get3A_549 = arith.index_cast %get3A_548 : i32 to index
        %get3A_550 = arith.index_cast %add3A_515 : i32 to index
        %get3A_551 = arith.constant 96 : index
        %get3A_552 = tpu.vector_load %arg13[%get3A_549, %get3A_550, %get3A_551] {strides = array<i32>} : memref<2x200x128xbf16, #tpu.memory_space<vmem>>, vector<32xbf16>,
        %unpack3A_553 = tpu.unpack_subelements %get3A_552, 0 {pack_format = #tpu.pack_format<interleaved>} : vector<32xbf16> -> vector<16xf32>
        %unpack3A_554 = tpu.unpack_subelements %get3A_552, 1 {pack_format = #tpu.pack_format<interleaved>} : vector<32xbf16> -> vector<16xf32>
        %swap3A_555 = arith.constant 0 : i32
        %swap3A_556 = arith.index_cast %swap3A_555 : i32 to index
        %swap3A_557 = arith.constant 32 : index
        %swap3A_558 = tpu.vector_load %arg17[%swap3A_556, %swap3A_557] {strides = array<i32>} : memref<4x64xf32, #tpu.memory_space<vmem>>, vector<16xf32>,
        tpu.vector_store %arg17[%swap3A_556, %swap3A_557], %unpack3A_553 {add = true, strides = array<i32>} : memref<4x64xf32, #tpu.memory_space<vmem>>, vector<16xf32>,
        %swap3A_559 = arith.constant 0 : i32
        %swap3A_560 = arith.index_cast %swap3A_559 : i32 to index
        %swap3A_561 = arith.constant 48 : index
        %swap3A_562 = tpu.vector_load %arg17[%swap3A_560, %swap3A_561] {strides = array<i32>} : memref<4x64xf32, #tpu.memory_space<vmem>>, vector<16xf32>,
        tpu.vector_store %arg17[%swap3A_560, %swap3A_561], %unpack3A_554 {add = true, strides = array<i32>} : memref<4x64xf32, #tpu.memory_space<vmem>>, vector<16xf32>,
        %mul3A_563 = arith.constant 4 : i32
        %mul3A_564 = arith.muli %mul3A_563, %scan3A_507 : i32
        %add3A_565 = arith.constant 1 : i32
        %add3A_566 = arith.addi %mul3A_564, %add3A_565 : i32
        %get3A_567 = arith.constant 0 : i32
        %get3A_568 = arith.index_cast %get3A_567 : i32 to index
        %get3A_569 = arith.index_cast %add3A_566 : i32 to index
        %get3A_570 = arith.constant 0 : index
        %get3A_571 = tpu.vector_load %arg13[%get3A_568, %get3A_569, %get3A_570] {strides = array<i32>} : memref<2x200x128xbf16, #tpu.memory_space<vmem>>, vector<32xbf16>,
        %unpack3A_572 = tpu.unpack_subelements %get3A_571, 0 {pack_format = #tpu.pack_format<interleaved>} : vector<32xbf16> -> vector<16xf32>
        %unpack3A_573 = tpu.unpack_subelements %get3A_571, 1 {pack_format = #tpu.pack_format<interleaved>} : vector<32xbf16> -> vector<16xf32>
        %add3A_574 = arith.addf %add3A_522, %unpack3A_572 : vector<16xf32>
        %add3A_575 = arith.addf %add3A_523, %unpack3A_573 : vector<16xf32>
        %get3A_576 = arith.constant 0 : i32
        %get3A_577 = arith.index_cast %get3A_576 : i32 to index
        %get3A_578 = arith.index_cast %add3A_566 : i32 to index
        %get3A_579 = arith.constant 32 : index
        %get3A_580 = tpu.vector_load %arg13[%get3A_577, %get3A_578, %get3A_579] {strides = array<i32>} : memref<2x200x128xbf16, #tpu.memory_space<vmem>>, vector<32xbf16>,
        %unpack3A_581 = tpu.unpack_subelements %get3A_580, 0 {pack_format = #tpu.pack_format<interleaved>} : vector<32xbf16> -> vector<16xf32>
        %unpack3A_582 = tpu.unpack_subelements %get3A_580, 1 {pack_format = #tpu.pack_format<interleaved>} : vector<32xbf16> -> vector<16xf32>
        %add3A_583 = arith.addf %add3A_531, %unpack3A_581 : vector<16xf32>
        %add3A_584 = arith.addf %add3A_532, %unpack3A_582 : vector<16xf32>
        %get3A_585 = arith.constant 0 : i32
        %get3A_586 = arith.index_cast %get3A_585 : i32 to index
        %get3A_587 = arith.index_cast %add3A_566 : i32 to index
        %get3A_588 = arith.constant 64 : index
        %get3A_589 = tpu.vector_load %arg13[%get3A_586, %get3A_587, %get3A_588] {strides = array<i32>} : memref<2x200x128xbf16, #tpu.memory_space<vmem>>, vector<32xbf16>,
        %unpack3A_590 = tpu.unpack_subelements %get3A_589, 0 {pack_format = #tpu.pack_format<interleaved>} : vector<32xbf16> -> vector<16xf32>
        %unpack3A_591 = tpu.unpack_subelements %get3A_589, 1 {pack_format = #tpu.pack_format<interleaved>} : vector<32xbf16> -> vector<16xf32>
        %swap3A_592 = arith.constant 1 : i32
        %swap3A_593 = arith.index_cast %swap3A_592 : i32 to index
        %swap3A_594 = arith.constant 0 : index
        %swap3A_595 = tpu.vector_load %arg17[%swap3A_593, %swap3A_594] {strides = array<i32>} : memref<4x64xf32, #tpu.memory_space<vmem>>, vector<16xf32>,
        tpu.vector_store %arg17[%swap3A_593, %swap3A_594], %unpack3A_590 {add = true, strides = array<i32>} : memref<4x64xf32, #tpu.memory_space<vmem>>, vector<16xf32>,
        %swap3A_596 = arith.constant 1 : i32
        %swap3A_597 = arith.index_cast %swap3A_596 : i32 to index
        %swap3A_598 = arith.constant 16 : index
        %swap3A_599 = tpu.vector_load %arg17[%swap3A_597, %swap3A_598] {strides = array<i32>} : memref<4x64xf32, #tpu.memory_space<vmem>>, vector<16xf32>,
        tpu.vector_store %arg17[%swap3A_597, %swap3A_598], %unpack3A_591 {add = true, strides = array<i32>} : memref<4x64xf32, #tpu.memory_space<vmem>>, vector<16xf32>,
        %get3A_600 = arith.constant 0 : i32
        %get3A_601 = arith.index_cast %get3A_600 : i32 to index
        %get3A_602 = arith.index_cast %add3A_566 : i32 to index
        %get3A_603 = arith.constant 96 : index
        %get3A_604 = tpu.vector_load %arg13[%get3A_601, %get3A_602, %get3A_603] {strides = array<i32>} : memref<2x200x128xbf16, #tpu.memory_space<vmem>>, vector<32xbf16>,
        %unpack3A_605 = tpu.unpack_subelements %get3A_604, 0 {pack_format = #tpu.pack_format<interleaved>} : vector<32xbf16> -> vector<16xf32>
        %unpack3A_606 = tpu.unpack_subelements %get3A_604, 1 {pack_format = #tpu.pack_format<interleaved>} : vector<32xbf16> -> vector<16xf32>
        %swap3A_607 = arith.constant 1 : i32
        %swap3A_608 = arith.index_cast %swap3A_607 : i32 to index
        %swap3A_609 = arith.constant 32 : index
        %swap3A_610 = tpu.vector_load %arg17[%swap3A_608, %swap3A_609] {strides = array<i32>} : memref<4x64xf32, #tpu.memory_space<vmem>>, vector<16xf32>,
        tpu.vector_store %arg17[%swap3A_608, %swap3A_609], %unpack3A_605 {add = true, strides = array<i32>} : memref<4x64xf32, #tpu.memory_space<vmem>>, vector<16xf32>,
        %swap3A_611 = arith.constant 1 : i32
        %swap3A_612 = arith.index_cast %swap3A_611 : i32 to index
        %swap3A_613 = arith.constant 48 : index
        %swap3A_614 = tpu.vector_load %arg17[%swap3A_612, %swap3A_613] {strides = array<i32>} : memref<4x64xf32, #tpu.memory_space<vmem>>, vector<16xf32>,
        tpu.vector_store %arg17[%swap3A_612, %swap3A_613], %unpack3A_606 {add = true, strides = array<i32>} : memref<4x64xf32, #tpu.memory_space<vmem>>, vector<16xf32>,
        %mul3A_615 = arith.constant 4 : i32
        %mul3A_616 = arith.muli %mul3A_615, %scan3A_507 : i32
        %add3A_617 = arith.constant 2 : i32
        %add3A_618 = arith.addi %mul3A_616, %add3A_617 : i32
        %get3A_619 = arith.constant 0 : i32
        %get3A_620 = arith.index_cast %get3A_619 : i32 to index
        %get3A_621 = arith.index_cast %add3A_618 : i32 to index
        %get3A_622 = arith.constant 0 : index
        %get3A_623 = tpu.vector_load %arg13[%get3A_620, %get3A_621, %get3A_622] {strides = array<i32>} : memref<2x200x128xbf16, #tpu.memory_space<vmem>>, vector<32xbf16>,
        %unpack3A_624 = tpu.unpack_subelements %get3A_623, 0 {pack_format = #tpu.pack_format<interleaved>} : vector<32xbf16> -> vector<16xf32>
        %unpack3A_625 = tpu.unpack_subelements %get3A_623, 1 {pack_format = #tpu.pack_format<interleaved>} : vector<32xbf16> -> vector<16xf32>
        %add3A_626 = arith.addf %add3A_574, %unpack3A_624 : vector<16xf32>
        %add3A_627 = arith.addf %add3A_575, %unpack3A_625 : vector<16xf32>
        %get3A_628 = arith.constant 0 : i32
        %get3A_629 = arith.index_cast %get3A_628 : i32 to index
        %get3A_630 = arith.index_cast %add3A_618 : i32 to index
        %get3A_631 = arith.constant 32 : index
        %get3A_632 = tpu.vector_load %arg13[%get3A_629, %get3A_630, %get3A_631] {strides = array<i32>} : memref<2x200x128xbf16, #tpu.memory_space<vmem>>, vector<32xbf16>,
        %unpack3A_633 = tpu.unpack_subelements %get3A_632, 0 {pack_format = #tpu.pack_format<interleaved>} : vector<32xbf16> -> vector<16xf32>
        %unpack3A_634 = tpu.unpack_subelements %get3A_632, 1 {pack_format = #tpu.pack_format<interleaved>} : vector<32xbf16> -> vector<16xf32>
        %add3A_635 = arith.addf %add3A_583, %unpack3A_633 : vector<16xf32>
        %add3A_636 = arith.addf %add3A_584, %unpack3A_634 : vector<16xf32>
        %get3A_637 = arith.constant 0 : i32
        %get3A_638 = arith.index_cast %get3A_637 : i32 to index
        %get3A_639 = arith.index_cast %add3A_618 : i32 to index
        %get3A_640 = arith.constant 64 : index
        %get3A_641 = tpu.vector_load %arg13[%get3A_638, %get3A_639, %get3A_640] {strides = array<i32>} : memref<2x200x128xbf16, #tpu.memory_space<vmem>>, vector<32xbf16>,
        %unpack3A_642 = tpu.unpack_subelements %get3A_641, 0 {pack_format = #tpu.pack_format<interleaved>} : vector<32xbf16> -> vector<16xf32>
        %unpack3A_643 = tpu.unpack_subelements %get3A_641, 1 {pack_format = #tpu.pack_format<interleaved>} : vector<32xbf16> -> vector<16xf32>
        %swap3A_644 = arith.constant 2 : i32
        %swap3A_645 = arith.index_cast %swap3A_644 : i32 to index
        %swap3A_646 = arith.constant 0 : index
        %swap3A_647 = tpu.vector_load %arg17[%swap3A_645, %swap3A_646] {strides = array<i32>} : memref<4x64xf32, #tpu.memory_space<vmem>>, vector<16xf32>,
        tpu.vector_store %arg17[%swap3A_645, %swap3A_646], %unpack3A_642 {add = true, strides = array<i32>} : memref<4x64xf32, #tpu.memory_space<vmem>>, vector<16xf32>,
        %swap3A_648 = arith.constant 2 : i32
        %swap3A_649 = arith.index_cast %swap3A_648 : i32 to index
        %swap3A_650 = arith.constant 16 : index
        %swap3A_651 = tpu.vector_load %arg17[%swap3A_649, %swap3A_650] {strides = array<i32>} : memref<4x64xf32, #tpu.memory_space<vmem>>, vector<16xf32>,
        tpu.vector_store %arg17[%swap3A_649, %swap3A_650], %unpack3A_643 {add = true, strides = array<i32>} : memref<4x64xf32, #tpu.memory_space<vmem>>, vector<16xf32>,
        %get3A_652 = arith.constant 0 : i32
        %get3A_653 = arith.index_cast %get3A_652 : i32 to index
        %get3A_654 = arith.index_cast %add3A_618 : i32 to index
        %get3A_655 = arith.constant 96 : index
        %get3A_656 = tpu.vector_load %arg13[%get3A_653, %get3A_654, %get3A_655] {strides = array<i32>} : memref<2x200x128xbf16, #tpu.memory_space<vmem>>, vector<32xbf16>,
        %unpack3A_657 = tpu.unpack_subelements %get3A_656, 0 {pack_format = #tpu.pack_format<interleaved>} : vector<32xbf16> -> vector<16xf32>
        %unpack3A_658 = tpu.unpack_subelements %get3A_656, 1 {pack_format = #tpu.pack_format<interleaved>} : vector<32xbf16> -> vector<16xf32>
        %swap3A_659 = arith.constant 2 : i32
        %swap3A_660 = arith.index_cast %swap3A_659 : i32 to index
        %swap3A_661 = arith.constant 32 : index
        %swap3A_662 = tpu.vector_load %arg17[%swap3A_660, %swap3A_661] {strides = array<i32>} : memref<4x64xf32, #tpu.memory_space<vmem>>, vector<16xf32>,
        tpu.vector_store %arg17[%swap3A_660, %swap3A_661], %unpack3A_657 {add = true, strides = array<i32>} : memref<4x64xf32, #tpu.memory_space<vmem>>, vector<16xf32>,
        %swap3A_663 = arith.constant 2 : i32
        %swap3A_664 = arith.index_cast %swap3A_663 : i32 to index
        %swap3A_665 = arith.constant 48 : index
        %swap3A_666 = tpu.vector_load %arg17[%swap3A_664, %swap3A_665] {strides = array<i32>} : memref<4x64xf32, #tpu.memory_space<vmem>>, vector<16xf32>,
        tpu.vector_store %arg17[%swap3A_664, %swap3A_665], %unpack3A_658 {add = true, strides = array<i32>} : memref<4x64xf32, #tpu.memory_space<vmem>>, vector<16xf32>,
        %mul3A_667 = arith.constant 4 : i32
        %mul3A_668 = arith.muli %mul3A_667, %scan3A_507 : i32
        %add3A_669 = arith.constant 3 : i32
        %add3A_670 = arith.addi %mul3A_668, %add3A_669 : i32
        %get3A_671 = arith.constant 0 : i32
        %get3A_672 = arith.index_cast %get3A_671 : i32 to index
        %get3A_673 = arith.index_cast %add3A_670 : i32 to index
        %get3A_674 = arith.constant 0 : index
        %get3A_675 = tpu.vector_load %arg13[%get3A_672, %get3A_673, %get3A_674] {strides = array<i32>} : memref<2x200x128xbf16, #tpu.memory_space<vmem>>, vector<32xbf16>,
        %unpack3A_676 = tpu.unpack_subelements %get3A_675, 0 {pack_format = #tpu.pack_format<interleaved>} : vector<32xbf16> -> vector<16xf32>
        %unpack3A_677 = tpu.unpack_subelements %get3A_675, 1 {pack_format = #tpu.pack_format<interleaved>} : vector<32xbf16> -> vector<16xf32>
        %add3A_678 = arith.addf %add3A_626, %unpack3A_676 : vector<16xf32>
        %add3A_679 = arith.addf %add3A_627, %unpack3A_677 : vector<16xf32>
        %get3A_680 = arith.constant 0 : i32
        %get3A_681 = arith.index_cast %get3A_680 : i32 to index
        %get3A_682 = arith.index_cast %add3A_670 : i32 to index
        %get3A_683 = arith.constant 32 : index
        %get3A_684 = tpu.vector_load %arg13[%get3A_681, %get3A_682, %get3A_683] {strides = array<i32>} : memref<2x200x128xbf16, #tpu.memory_space<vmem>>, vector<32xbf16>,
        %unpack3A_685 = tpu.unpack_subelements %get3A_684, 0 {pack_format = #tpu.pack_format<interleaved>} : vector<32xbf16> -> vector<16xf32>
        %unpack3A_686 = tpu.unpack_subelements %get3A_684, 1 {pack_format = #tpu.pack_format<interleaved>} : vector<32xbf16> -> vector<16xf32>
        %add3A_687 = arith.addf %add3A_635, %unpack3A_685 : vector<16xf32>
        %add3A_688 = arith.addf %add3A_636, %unpack3A_686 : vector<16xf32>
        %get3A_689 = arith.constant 0 : i32
        %get3A_690 = arith.index_cast %get3A_689 : i32 to index
        %get3A_691 = arith.index_cast %add3A_670 : i32 to index
        %get3A_692 = arith.constant 64 : index
        %get3A_693 = tpu.vector_load %arg13[%get3A_690, %get3A_691, %get3A_692] {strides = array<i32>} : memref<2x200x128xbf16, #tpu.memory_space<vmem>>, vector<32xbf16>,
        %unpack3A_694 = tpu.unpack_subelements %get3A_693, 0 {pack_format = #tpu.pack_format<interleaved>} : vector<32xbf16> -> vector<16xf32>
        %unpack3A_695 = tpu.unpack_subelements %get3A_693, 1 {pack_format = #tpu.pack_format<interleaved>} : vector<32xbf16> -> vector<16xf32>
        %swap3A_696 = arith.constant 3 : i32
        %swap3A_697 = arith.index_cast %swap3A_696 : i32 to index
        %swap3A_698 = arith.constant 0 : index
        %swap3A_699 = tpu.vector_load %arg17[%swap3A_697, %swap3A_698] {strides = array<i32>} : memref<4x64xf32, #tpu.memory_space<vmem>>, vector<16xf32>,
        tpu.vector_store %arg17[%swap3A_697, %swap3A_698], %unpack3A_694 {add = true, strides = array<i32>} : memref<4x64xf32, #tpu.memory_space<vmem>>, vector<16xf32>,
        %swap3A_700 = arith.constant 3 : i32
        %swap3A_701 = arith.index_cast %swap3A_700 : i32 to index
        %swap3A_702 = arith.constant 16 : index
        %swap3A_703 = tpu.vector_load %arg17[%swap3A_701, %swap3A_702] {strides = array<i32>} : memref<4x64xf32, #tpu.memory_space<vmem>>, vector<16xf32>,
        tpu.vector_store %arg17[%swap3A_701, %swap3A_702], %unpack3A_695 {add = true, strides = array<i32>} : memref<4x64xf32, #tpu.memory_space<vmem>>, vector<16xf32>,
        %get3A_704 = arith.constant 0 : i32
        %get3A_705 = arith.index_cast %get3A_704 : i32 to index
        %get3A_706 = arith.index_cast %add3A_670 : i32 to index
        %get3A_707 = arith.constant 96 : index
        %get3A_708 = tpu.vector_load %arg13[%get3A_705, %get3A_706, %get3A_707] {strides = array<i32>} : memref<2x200x128xbf16, #tpu.memory_space<vmem>>, vector<32xbf16>,
        %unpack3A_709 = tpu.unpack_subelements %get3A_708, 0 {pack_format = #tpu.pack_format<interleaved>} : vector<32xbf16> -> vector<16xf32>
        %unpack3A_710 = tpu.unpack_subelements %get3A_708, 1 {pack_format = #tpu.pack_format<interleaved>} : vector<32xbf16> -> vector<16xf32>
        %swap3A_711 = arith.constant 3 : i32
        %swap3A_712 = arith.index_cast %swap3A_711 : i32 to index
        %swap3A_713 = arith.constant 32 : index
        %swap3A_714 = tpu.vector_load %arg17[%swap3A_712, %swap3A_713] {strides = array<i32>} : memref<4x64xf32, #tpu.memory_space<vmem>>, vector<16xf32>,
        tpu.vector_store %arg17[%swap3A_712, %swap3A_713], %unpack3A_709 {add = true, strides = array<i32>} : memref<4x64xf32, #tpu.memory_space<vmem>>, vector<16xf32>,
        %swap3A_715 = arith.constant 3 : i32
        %swap3A_716 = arith.index_cast %swap3A_715 : i32 to index
        %swap3A_717 = arith.constant 48 : index
        %swap3A_718 = tpu.vector_load %arg17[%swap3A_716, %swap3A_717] {strides = array<i32>} : memref<4x64xf32, #tpu.memory_space<vmem>>, vector<16xf32>,
        tpu.vector_store %arg17[%swap3A_716, %swap3A_717], %unpack3A_710 {add = true, strides = array<i32>} : memref<4x64xf32, #tpu.memory_space<vmem>>, vector<16xf32>,
        scf.yield %add3A_678, %add3A_679, %add3A_687, %add3A_688 : vector<16xf32>, vector<16xf32>, vector<16xf32>, vector<16xf32>
      }
      %scan3A_210 = arith.constant 50 : i32
      %swap3A_211 = arith.index_cast %mul3A_140 : i32 to index
      %swap3A_212 = arith.constant 0 : index
      %swap3A_213 = tpu.vector_load %arg14[%swap3A_211, %swap3A_212] {strides = array<i32>} : memref<128x128xf32, #tpu.memory_space<vmem>>, vector<16xf32>,
      tpu.vector_store %arg14[%swap3A_211, %swap3A_212], %scan3A_209#0 {strides = array<i32>} : memref<128x128xf32, #tpu.memory_space<vmem>>, vector<16xf32>,
      %swap3A_214 = arith.index_cast %mul3A_140 : i32 to index
      %swap3A_215 = arith.constant 16 : index
      %swap3A_216 = tpu.vector_load %arg14[%swap3A_214, %swap3A_215] {strides = array<i32>} : memref<128x128xf32, #tpu.memory_space<vmem>>, vector<16xf32>,
      tpu.vector_store %arg14[%swap3A_214, %swap3A_215], %scan3A_209#1 {strides = array<i32>} : memref<128x128xf32, #tpu.memory_space<vmem>>, vector<16xf32>,
      %swap3A_217 = arith.index_cast %mul3A_140 : i32 to index
      %swap3A_218 = arith.constant 32 : index
      %swap3A_219 = tpu.vector_load %arg14[%swap3A_217, %swap3A_218] {strides = array<i32>} : memref<128x128xf32, #tpu.memory_space<vmem>>, vector<16xf32>,
      tpu.vector_store %arg14[%swap3A_217, %swap3A_218], %scan3A_209#2 {strides = array<i32>} : memref<128x128xf32, #tpu.memory_space<vmem>>, vector<16xf32>,
      %swap3A_220 = arith.index_cast %mul3A_140 : i32 to index
      %swap3A_221 = arith.constant 48 : index
      %swap3A_222 = tpu.vector_load %arg14[%swap3A_220, %swap3A_221] {strides = array<i32>} : memref<128x128xf32, #tpu.memory_space<vmem>>, vector<16xf32>,
      tpu.vector_store %arg14[%swap3A_220, %swap3A_221], %scan3A_209#3 {strides = array<i32>} : memref<128x128xf32, #tpu.memory_space<vmem>>, vector<16xf32>,
      %get3A = arith.constant 0 : i32
      %get3A_223 = arith.index_cast %get3A : i32 to index
      %get3A_224 = arith.constant 0 : index
      %get3A_225 = tpu.vector_load %arg17[%get3A_223, %get3A_224] {strides = array<i32>} : memref<4x64xf32, #tpu.memory_space<vmem>>, vector<16xf32>,
      %get3A_226 = arith.constant 1 : i32
      %get3A_227 = arith.index_cast %get3A_226 : i32 to index
      %get3A_228 = arith.constant 0 : index
      %get3A_229 = tpu.vector_load %arg17[%get3A_227, %get3A_228] {strides = array<i32>} : memref<4x64xf32, #tpu.memory_space<vmem>>, vector<16xf32>,
      %add3A_230 = arith.addf %get3A_225, %get3A_229 : vector<16xf32>
      %get3A_231 = arith.constant 2 : i32
      %get3A_232 = arith.index_cast %get3A_231 : i32 to index
      %get3A_233 = arith.constant 0 : index
      %get3A_234 = tpu.vector_load %arg17[%get3A_232, %get3A_233] {strides = array<i32>} : memref<4x64xf32, #tpu.memory_space<vmem>>, vector<16xf32>,
      %add3A_235 = arith.addf %add3A_230, %get3A_234 : vector<16xf32>
      %get3A_236 = arith.constant 3 : i32
      %get3A_237 = arith.index_cast %get3A_236 : i32 to index
      %get3A_238 = arith.constant 0 : index
      %get3A_239 = tpu.vector_load %arg17[%get3A_237, %get3A_238] {strides = array<i32>} : memref<4x64xf32, #tpu.memory_space<vmem>>, vector<16xf32>,
      %add3A_240 = arith.addf %add3A_235, %get3A_239 : vector<16xf32>
      %swap3A_241 = arith.index_cast %mul3A_140 : i32 to index
      %swap3A_242 = arith.constant 64 : index
      %swap3A_243 = tpu.vector_load %arg14[%swap3A_241, %swap3A_242] {strides = array<i32>} : memref<128x128xf32, #tpu.memory_space<vmem>>, vector<16xf32>,
      tpu.vector_store %arg14[%swap3A_241, %swap3A_242], %add3A_240 {strides = array<i32>} : memref<128x128xf32, #tpu.memory_space<vmem>>, vector<16xf32>,
      %get3A_244 = arith.constant 0 : i32
      %get3A_245 = arith.index_cast %get3A_244 : i32 to index
      %get3A_246 = arith.constant 16 : index
      %get3A_247 = tpu.vector_load %arg17[%get3A_245, %get3A_246] {strides = array<i32>} : memref<4x64xf32, #tpu.memory_space<vmem>>, vector<16xf32>,
      %get3A_248 = arith.constant 1 : i32
      %get3A_249 = arith.index_cast %get3A_248 : i32 to index
      %get3A_250 = arith.constant 16 : index
      %get3A_251 = tpu.vector_load %arg17[%get3A_249, %get3A_250] {strides = array<i32>} : memref<4x64xf32, #tpu.memory_space<vmem>>, vector<16xf32>,
      %add3A_252 = arith.addf %get3A_247, %get3A_251 : vector<16xf32>
      %get3A_253 = arith.constant 2 : i32
      %get3A_254 = arith.index_cast %get3A_253 : i32 to index
      %get3A_255 = arith.constant 16 : index
      %get3A_256 = tpu.vector_load %arg17[%get3A_254, %get3A_255] {strides = array<i32>} : memref<4x64xf32, #tpu.memory_space<vmem>>, vector<16xf32>,
      %add3A_257 = arith.addf %add3A_252, %get3A_256 : vector<16xf32>
      %get3A_258 = arith.constant 3 : i32
      %get3A_259 = arith.index_cast %get3A_258 : i32 to index
      %get3A_260 = arith.constant 16 : index
      %get3A_261 = tpu.vector_load %arg17[%get3A_259, %get3A_260] {strides = array<i32>} : memref<4x64xf32, #tpu.memory_space<vmem>>, vector<16xf32>,
      %add3A_262 = arith.addf %add3A_257, %get3A_261 : vector<16xf32>
      %swap3A_263 = arith.index_cast %mul3A_140 : i32 to index
      %swap3A_264 = arith.constant 80 : index
      %swap3A_265 = tpu.vector_load %arg14[%swap3A_263, %swap3A_264] {strides = array<i32>} : memref<128x128xf32, #tpu.memory_space<vmem>>, vector<16xf32>,
      tpu.vector_store %arg14[%swap3A_263, %swap3A_264], %add3A_262 {strides = array<i32>} : memref<128x128xf32, #tpu.memory_space<vmem>>, vector<16xf32>,
      %get3A_266 = arith.constant 0 : i32
      %get3A_267 = arith.index_cast %get3A_266 : i32 to index
      %get3A_268 = arith.constant 32 : index
      %get3A_269 = tpu.vector_load %arg17[%get3A_267, %get3A_268] {strides = array<i32>} : memref<4x64xf32, #tpu.memory_space<vmem>>, vector<16xf32>,
      %get3A_270 = arith.constant 1 : i32
      %get3A_271 = arith.index_cast %get3A_270 : i32 to index
      %get3A_272 = arith.constant 32 : index
      %get3A_273 = tpu.vector_load %arg17[%get3A_271, %get3A_272] {strides = array<i32>} : memref<4x64xf32, #tpu.memory_space<vmem>>, vector<16xf32>,
      %add3A_274 = arith.addf %get3A_269, %get3A_273 : vector<16xf32>
      %get3A_275 = arith.constant 2 : i32
      %get3A_276 = arith.index_cast %get3A_275 : i32 to index
      %get3A_277 = arith.constant 32 : index
      %get3A_278 = tpu.vector_load %arg17[%get3A_276, %get3A_277] {strides = array<i32>} : memref<4x64xf32, #tpu.memory_space<vmem>>, vector<16xf32>,
      %add3A_279 = arith.addf %add3A_274, %get3A_278 : vector<16xf32>
      %get3A_280 = arith.constant 3 : i32
      %get3A_281 = arith.index_cast %get3A_280 : i32 to index
      %get3A_282 = arith.constant 32 : index
      %get3A_283 = tpu.vector_load %arg17[%get3A_281, %get3A_282] {strides = array<i32>} : memref<4x64xf32, #tpu.memory_space<vmem>>, vector<16xf32>,
      %add3A_284 = arith.addf %add3A_279, %get3A_283 : vector<16xf32>
      %swap3A_285 = arith.index_cast %mul3A_140 : i32 to index
      %swap3A_286 = arith.constant 96 : index
      %swap3A_287 = tpu.vector_load %arg14[%swap3A_285, %swap3A_286] {strides = array<i32>} : memref<128x128xf32, #tpu.memory_space<vmem>>, vector<16xf32>,
      tpu.vector_store %arg14[%swap3A_285, %swap3A_286], %add3A_284 {strides = array<i32>} : memref<128x128xf32, #tpu.memory_space<vmem>>, vector<16xf32>,
      %get3A_288 = arith.constant 0 : i32
      %get3A_289 = arith.index_cast %get3A_288 : i32 to index
      %get3A_290 = arith.constant 48 : index
      %get3A_291 = tpu.vector_load %arg17[%get3A_289, %get3A_290] {strides = array<i32>} : memref<4x64xf32, #tpu.memory_space<vmem>>, vector<16xf32>,
      %get3A_292 = arith.constant 1 : i32
      %get3A_293 = arith.index_cast %get3A_292 : i32 to index
      %get3A_294 = arith.constant 48 : index
      %get3A_295 = tpu.vector_load %arg17[%get3A_293, %get3A_294] {strides = array<i32>} : memref<4x64xf32, #tpu.memory_space<vmem>>, vector<16xf32>,
      %add3A_296 = arith.addf %get3A_291, %get3A_295 : vector<16xf32>
      %get3A_297 = arith.constant 2 : i32
      %get3A_298 = arith.index_cast %get3A_297 : i32 to index
      %get3A_299 = arith.constant 48 : index
      %get3A_300 = tpu.vector_load %arg17[%get3A_298, %get3A_299] {strides = array<i32>} : memref<4x64xf32, #tpu.memory_space<vmem>>, vector<16xf32>,
      %add3A_301 = arith.addf %add3A_296, %get3A_300 : vector<16xf32>
      %get3A_302 = arith.constant 3 : i32
      %get3A_303 = arith.index_cast %get3A_302 : i32 to index
      %get3A_304 = arith.constant 48 : index
      %get3A_305 = tpu.vector_load %arg17[%get3A_303, %get3A_304] {strides = array<i32>} : memref<4x64xf32, #tpu.memory_space<vmem>>, vector<16xf32>,
      %add3A_306 = arith.addf %add3A_301, %get3A_305 : vector<16xf32>
      %swap3A_307 = arith.index_cast %mul3A_140 : i32 to index
      %swap3A_308 = arith.constant 112 : index
      %swap3A_309 = tpu.vector_load %arg14[%swap3A_307, %swap3A_308] {strides = array<i32>} : memref<128x128xf32, #tpu.memory_space<vmem>>, vector<16xf32>,
      tpu.vector_store %arg14[%swap3A_307, %swap3A_308], %add3A_306 {strides = array<i32>} : memref<128x128xf32, #tpu.memory_space<vmem>>, vector<16xf32>,
      %lt3A_310 = arith.constant 63 : i32
      %lt3A_311 = arith.cmpi slt, %scan3A_96, %lt3A_310 : i32
      %convert_element_type3A_312 = arith.extui %lt3A_311 : i1 to i32
      %cond3A_313 = arith.constant 0 : i32
      %cond3A_314 = arith.cmpi ne, %convert_element_type3A_312, %cond3A_313 : i32
      scf.if %cond3A_314 {
        %mul3A_507 = arith.constant 2 : i32
        %mul3A_508 = arith.muli %mul3A_507, %scan3A_96 : i32
        %add3A_509 = arith.constant 2 : i32
        %add3A_510 = arith.addi %mul3A_508, %add3A_509 : i32
        %mul3A_511 = arith.constant 200 : i32
        %mul3A_512 = arith.muli %add3A_510, %mul3A_511 : i32
        %dma_start3A_513 = arith.constant 0 : i32
        %dma_start3A_514 = arith.constant 0 : i32
        %dma_start3A_515 = arith.constant 0 : i32
        %dma_start3A_516 = tpu.memref_slice %arg13[%dma_start3A_513, %dma_start3A_514, %dma_start3A_515] : memref<2x200x128xbf16, #tpu.memory_space<vmem>> -> memref<1x128x128xbf16, #tpu.memory_space<vmem>>
        %dma_start3A_517 = tpu.memref_squeeze %dma_start3A_516 : memref<1x128x128xbf16, #tpu.memory_space<vmem>> -> memref<128x128xbf16, #tpu.memory_space<vmem>>
        %dma_start3A_518 = tpu.memref_slice %arg12[%mul3A_512] : memref<25600xi32, #tpu.memory_space<vmem>> -> memref<128xi32, #tpu.memory_space<vmem>>
        %dma_start3A_519 = arith.constant 0 : i32
        %dma_start3A_520 = arith.constant 0 : i32
        %dma_start3A_521 = tpu.memref_slice %arg3[%dma_start3A_519, %dma_start3A_520] : memref<100001x128xbf16, #tpu.memory_space<hbm>> -> memref<100001x128xbf16, #tpu.memory_space<hbm>>
        tpu.enqueue_indirect_dma source(%dma_start3A_521 : memref<100001x128xbf16, #tpu.memory_space<hbm>>) target(%dma_start3A_517 : memref<128x128xbf16, #tpu.memory_space<vmem>>) offsets(%dma_start3A_518 : memref<128xi32, #tpu.memory_space<vmem>>) semaphore(%arg18 : memref<!tpu.dma_semaphore, #tpu.memory_space<semaphore_mem>>)
        %add3A_522 = arith.constant 128 : i32
        %add3A_523 = arith.addi %mul3A_512, %add3A_522 : i32
        %dma_start3A_524 = arith.constant 0 : i32
        %dma_start3A_525 = arith.constant 128 : i32
        %dma_start3A_526 = arith.constant 0 : i32
        %dma_start3A_527 = tpu.memref_slice %arg13[%dma_start3A_524, %dma_start3A_525, %dma_start3A_526] : memref<2x200x128xbf16, #tpu.memory_space<vmem>> -> memref<1x72x128xbf16, #tpu.memory_space<vmem>>
        %dma_start3A_528 = tpu.memref_squeeze %dma_start3A_527 : memref<1x72x128xbf16, #tpu.memory_space<vmem>> -> memref<72x128xbf16, #tpu.memory_space<vmem>>
        %dma_start3A_529 = tpu.memref_slice %arg12[%add3A_523] : memref<25600xi32, #tpu.memory_space<vmem>> -> memref<72xi32, #tpu.memory_space<vmem>>
        %dma_start3A_530 = arith.constant 0 : i32
        %dma_start3A_531 = arith.constant 0 : i32
        %dma_start3A_532 = tpu.memref_slice %arg3[%dma_start3A_530, %dma_start3A_531] : memref<100001x128xbf16, #tpu.memory_space<hbm>> -> memref<100001x128xbf16, #tpu.memory_space<hbm>>
        tpu.enqueue_indirect_dma source(%dma_start3A_532 : memref<100001x128xbf16, #tpu.memory_space<hbm>>) target(%dma_start3A_528 : memref<72x128xbf16, #tpu.memory_space<vmem>>) offsets(%dma_start3A_529 : memref<72xi32, #tpu.memory_space<vmem>>) semaphore(%arg18 : memref<!tpu.dma_semaphore, #tpu.memory_space<semaphore_mem>>)
      } else {
      }
      %dma_wait3A_315 = arith.constant 1 : i32
      %dma_wait3A_316 = arith.constant 0 : i32
      %dma_wait3A_317 = arith.constant 0 : i32
      %dma_wait3A_318 = tpu.memref_slice %arg13[%dma_wait3A_315, %dma_wait3A_316, %dma_wait3A_317] : memref<2x200x128xbf16, #tpu.memory_space<vmem>> -> memref<1x200x128xbf16, #tpu.memory_space<vmem>>
      %dma_wait3A_319 = tpu.memref_squeeze %dma_wait3A_318 : memref<1x200x128xbf16, #tpu.memory_space<vmem>> -> memref<200x128xbf16, #tpu.memory_space<vmem>>
      %dma_wait3A_320 = arith.constant 0 : i32
      %dma_wait3A_321 = arith.constant 0 : i32
      %dma_wait3A_322 = tpu.memref_slice %arg3[%dma_wait3A_320, %dma_wait3A_321] : memref<100001x128xbf16, #tpu.memory_space<hbm>> -> memref<200x128xbf16, #tpu.memory_space<hbm>>
      %dma_wait3A_323 = arith.constant 0 : i32
      %dma_wait3A_324 = arith.constant 0 : i32
      %dma_wait3A_325 = tpu.memref_slice %arg13[%dma_wait3A_315, %dma_wait3A_323, %dma_wait3A_324] : memref<2x200x128xbf16, #tpu.memory_space<vmem>> -> memref<1x200x128xbf16, #tpu.memory_space<vmem>>
      %dma_wait3A_326 = tpu.memref_squeeze %dma_wait3A_325 : memref<1x200x128xbf16, #tpu.memory_space<vmem>> -> memref<200x128xbf16, #tpu.memory_space<vmem>>
      %dma_wait3A_327 = arith.constant 0 : i32
      %dma_wait3A_328 = arith.constant 0 : i32
      %dma_wait3A_329 = tpu.memref_slice %arg3[%dma_wait3A_327, %dma_wait3A_328] : memref<100001x128xbf16, #tpu.memory_space<hbm>> -> memref<200x128xbf16, #tpu.memory_space<hbm>>
      tpu.wait_dma2 semaphore(%arg19 : memref<!tpu.dma_semaphore, #tpu.memory_space<semaphore_mem>>) src(%dma_wait3A_329 : memref<200x128xbf16, #tpu.memory_space<hbm>>) dst(%dma_wait3A_326 : memref<200x128xbf16, #tpu.memory_space<vmem>>)
      %mul3A_330 = arith.constant 2 : i32
      %mul3A_331 = arith.muli %mul3A_330, %scan3A_96 : i32
      %add3A_332 = arith.constant 1 : i32
      %add3A_333 = arith.addi %mul3A_331, %add3A_332 : i32
      %broadcast_in_dim3A_334 = arith.constant 0.000000e+00 : f32
      %broadcast_in_dim3A_335 = vector.broadcast %broadcast_in_dim3A_334 : f32 to vector<16xf32>
      %swap3A_336 = arith.constant 0 : i32
      %swap3A_337 = arith.index_cast %swap3A_336 : i32 to index
      %swap3A_338 = arith.constant 0 : index
      %swap3A_339 = tpu.vector_load %arg17[%swap3A_337, %swap3A_338] {strides = array<i32>} : memref<4x64xf32, #tpu.memory_space<vmem>>, vector<16xf32>,
      tpu.vector_store %arg17[%swap3A_337, %swap3A_338], %broadcast_in_dim3A_335 {strides = array<i32>} : memref<4x64xf32, #tpu.memory_space<vmem>>, vector<16xf32>,
      %swap3A_340 = arith.constant 0 : i32
      %swap3A_341 = arith.index_cast %swap3A_340 : i32 to index
      %swap3A_342 = arith.constant 16 : index
      %swap3A_343 = tpu.vector_load %arg17[%swap3A_341, %swap3A_342] {strides = array<i32>} : memref<4x64xf32, #tpu.memory_space<vmem>>, vector<16xf32>,
      tpu.vector_store %arg17[%swap3A_341, %swap3A_342], %broadcast_in_dim3A_335 {strides = array<i32>} : memref<4x64xf32, #tpu.memory_space<vmem>>, vector<16xf32>,
      %swap3A_344 = arith.constant 0 : i32
      %swap3A_345 = arith.index_cast %swap3A_344 : i32 to index
      %swap3A_346 = arith.constant 32 : index
      %swap3A_347 = tpu.vector_load %arg17[%swap3A_345, %swap3A_346] {strides = array<i32>} : memref<4x64xf32, #tpu.memory_space<vmem>>, vector<16xf32>,
      tpu.vector_store %arg17[%swap3A_345, %swap3A_346], %broadcast_in_dim3A_335 {strides = array<i32>} : memref<4x64xf32, #tpu.memory_space<vmem>>, vector<16xf32>,
      %swap3A_348 = arith.constant 0 : i32
      %swap3A_349 = arith.index_cast %swap3A_348 : i32 to index
      %swap3A_350 = arith.constant 48 : index
      %swap3A_351 = tpu.vector_load %arg17[%swap3A_349, %swap3A_350] {strides = array<i32>} : memref<4x64xf32, #tpu.memory_space<vmem>>, vector<16xf32>,
      tpu.vector_store %arg17[%swap3A_349, %swap3A_350], %broadcast_in_dim3A_335 {strides = array<i32>} : memref<4x64xf32, #tpu.memory_space<vmem>>, vector<16xf32>,
      %swap3A_352 = arith.constant 1 : i32
      %swap3A_353 = arith.index_cast %swap3A_352 : i32 to index
      %swap3A_354 = arith.constant 0 : index
      %swap3A_355 = tpu.vector_load %arg17[%swap3A_353, %swap3A_354] {strides = array<i32>} : memref<4x64xf32, #tpu.memory_space<vmem>>, vector<16xf32>,
      tpu.vector_store %arg17[%swap3A_353, %swap3A_354], %broadcast_in_dim3A_335 {strides = array<i32>} : memref<4x64xf32, #tpu.memory_space<vmem>>, vector<16xf32>,
      %swap3A_356 = arith.constant 1 : i32
      %swap3A_357 = arith.index_cast %swap3A_356 : i32 to index
      %swap3A_358 = arith.constant 16 : index
      %swap3A_359 = tpu.vector_load %arg17[%swap3A_357, %swap3A_358] {strides = array<i32>} : memref<4x64xf32, #tpu.memory_space<vmem>>, vector<16xf32>,
      tpu.vector_store %arg17[%swap3A_357, %swap3A_358], %broadcast_in_dim3A_335 {strides = array<i32>} : memref<4x64xf32, #tpu.memory_space<vmem>>, vector<16xf32>,
      %swap3A_360 = arith.constant 1 : i32
      %swap3A_361 = arith.index_cast %swap3A_360 : i32 to index
      %swap3A_362 = arith.constant 32 : index
      %swap3A_363 = tpu.vector_load %arg17[%swap3A_361, %swap3A_362] {strides = array<i32>} : memref<4x64xf32, #tpu.memory_space<vmem>>, vector<16xf32>,
      tpu.vector_store %arg17[%swap3A_361, %swap3A_362], %broadcast_in_dim3A_335 {strides = array<i32>} : memref<4x64xf32, #tpu.memory_space<vmem>>, vector<16xf32>,
      %swap3A_364 = arith.constant 1 : i32
      %swap3A_365 = arith.index_cast %swap3A_364 : i32 to index
      %swap3A_366 = arith.constant 48 : index
      %swap3A_367 = tpu.vector_load %arg17[%swap3A_365, %swap3A_366] {strides = array<i32>} : memref<4x64xf32, #tpu.memory_space<vmem>>, vector<16xf32>,
      tpu.vector_store %arg17[%swap3A_365, %swap3A_366], %broadcast_in_dim3A_335 {strides = array<i32>} : memref<4x64xf32, #tpu.memory_space<vmem>>, vector<16xf32>,
      %swap3A_368 = arith.constant 2 : i32
      %swap3A_369 = arith.index_cast %swap3A_368 : i32 to index
      %swap3A_370 = arith.constant 0 : index
      %swap3A_371 = tpu.vector_load %arg17[%swap3A_369, %swap3A_370] {strides = array<i32>} : memref<4x64xf32, #tpu.memory_space<vmem>>, vector<16xf32>,
      tpu.vector_store %arg17[%swap3A_369, %swap3A_370], %broadcast_in_dim3A_335 {strides = array<i32>} : memref<4x64xf32, #tpu.memory_space<vmem>>, vector<16xf32>,
      %swap3A_372 = arith.constant 2 : i32
      %swap3A_373 = arith.index_cast %swap3A_372 : i32 to index
      %swap3A_374 = arith.constant 16 : index
      %swap3A_375 = tpu.vector_load %arg17[%swap3A_373, %swap3A_374] {strides = array<i32>} : memref<4x64xf32, #tpu.memory_space<vmem>>, vector<16xf32>,
      tpu.vector_store %arg17[%swap3A_373, %swap3A_374], %broadcast_in_dim3A_335 {strides = array<i32>} : memref<4x64xf32, #tpu.memory_space<vmem>>, vector<16xf32>,
      %swap3A_376 = arith.constant 2 : i32
      %swap3A_377 = arith.index_cast %swap3A_376 : i32 to index
      %swap3A_378 = arith.constant 32 : index
      %swap3A_379 = tpu.vector_load %arg17[%swap3A_377, %swap3A_378] {strides = array<i32>} : memref<4x64xf32, #tpu.memory_space<vmem>>, vector<16xf32>,
      tpu.vector_store %arg17[%swap3A_377, %swap3A_378], %broadcast_in_dim3A_335 {strides = array<i32>} : memref<4x64xf32, #tpu.memory_space<vmem>>, vector<16xf32>,
      %swap3A_380 = arith.constant 2 : i32
      %swap3A_381 = arith.index_cast %swap3A_380 : i32 to index
      %swap3A_382 = arith.constant 48 : index
      %swap3A_383 = tpu.vector_load %arg17[%swap3A_381, %swap3A_382] {strides = array<i32>} : memref<4x64xf32, #tpu.memory_space<vmem>>, vector<16xf32>,
      tpu.vector_store %arg17[%swap3A_381, %swap3A_382], %broadcast_in_dim3A_335 {strides = array<i32>} : memref<4x64xf32, #tpu.memory_space<vmem>>, vector<16xf32>,
      %swap3A_384 = arith.constant 3 : i32
      %swap3A_385 = arith.index_cast %swap3A_384 : i32 to index
      %swap3A_386 = arith.constant 0 : index
      %swap3A_387 = tpu.vector_load %arg17[%swap3A_385, %swap3A_386] {strides = array<i32>} : memref<4x64xf32, #tpu.memory_space<vmem>>, vector<16xf32>,
      tpu.vector_store %arg17[%swap3A_385, %swap3A_386], %broadcast_in_dim3A_335 {strides = array<i32>} : memref<4x64xf32, #tpu.memory_space<vmem>>, vector<16xf32>,
      %swap3A_388 = arith.constant 3 : i32
      %swap3A_389 = arith.index_cast %swap3A_388 : i32 to index
      %swap3A_390 = arith.constant 16 : index
      %swap3A_391 = tpu.vector_load %arg17[%swap3A_389, %swap3A_390] {strides = array<i32>} : memref<4x64xf32, #tpu.memory_space<vmem>>, vector<16xf32>,
      tpu.vector_store %arg17[%swap3A_389, %swap3A_390], %broadcast_in_dim3A_335 {strides = array<i32>} : memref<4x64xf32, #tpu.memory_space<vmem>>, vector<16xf32>,
      %swap3A_392 = arith.constant 3 : i32
      %swap3A_393 = arith.index_cast %swap3A_392 : i32 to index
      %swap3A_394 = arith.constant 32 : index
      %swap3A_395 = tpu.vector_load %arg17[%swap3A_393, %swap3A_394] {strides = array<i32>} : memref<4x64xf32, #tpu.memory_space<vmem>>, vector<16xf32>,
      tpu.vector_store %arg17[%swap3A_393, %swap3A_394], %broadcast_in_dim3A_335 {strides = array<i32>} : memref<4x64xf32, #tpu.memory_space<vmem>>, vector<16xf32>,
      %swap3A_396 = arith.constant 3 : i32
      %swap3A_397 = arith.index_cast %swap3A_396 : i32 to index
      %swap3A_398 = arith.constant 48 : index
      %swap3A_399 = tpu.vector_load %arg17[%swap3A_397, %swap3A_398] {strides = array<i32>} : memref<4x64xf32, #tpu.memory_space<vmem>>, vector<16xf32>,
      tpu.vector_store %arg17[%swap3A_397, %swap3A_398], %broadcast_in_dim3A_335 {strides = array<i32>} : memref<4x64xf32, #tpu.memory_space<vmem>>, vector<16xf32>,
      %scan3A_400 = arith.constant 0 : i32
      %scan3A_401 = arith.constant 50 : i32
      %scan3A_402 = arith.addi %scan3A_400, %scan3A_401 : i32
      %scan3A_403 = arith.constant 1 : i32
      %scan3A_404:4 = scf.for %scan3A_507 = %scan3A_400 to %scan3A_402 step %scan3A_403 iter_args(%scan3A_508 = %broadcast_in_dim3A_335, %scan3A_509 = %broadcast_in_dim3A_335, %scan3A_510 = %broadcast_in_dim3A_335, %scan3A_511 = %broadcast_in_dim3A_335) -> (vector<16xf32>, vector<16xf32>, vector<16xf32>, vector<16xf32>)  : i32 {
        %mul3A_512 = arith.constant 4 : i32
        %mul3A_513 = arith.muli %mul3A_512, %scan3A_507 : i32
        %add3A_514 = arith.constant 0 : i32
        %add3A_515 = arith.addi %mul3A_513, %add3A_514 : i32
        %get3A_516 = arith.constant 1 : i32
        %get3A_517 = arith.index_cast %get3A_516 : i32 to index
        %get3A_518 = arith.index_cast %add3A_515 : i32 to index
        %get3A_519 = arith.constant 0 : index
        %get3A_520 = tpu.vector_load %arg13[%get3A_517, %get3A_518, %get3A_519] {strides = array<i32>} : memref<2x200x128xbf16, #tpu.memory_space<vmem>>, vector<32xbf16>,
        %unpack3A = tpu.unpack_subelements %get3A_520, 0 {pack_format = #tpu.pack_format<interleaved>} : vector<32xbf16> -> vector<16xf32>
        %unpack3A_521 = tpu.unpack_subelements %get3A_520, 1 {pack_format = #tpu.pack_format<interleaved>} : vector<32xbf16> -> vector<16xf32>
        %add3A_522 = arith.addf %scan3A_508, %unpack3A : vector<16xf32>
        %add3A_523 = arith.addf %scan3A_509, %unpack3A_521 : vector<16xf32>
        %get3A_524 = arith.constant 1 : i32
        %get3A_525 = arith.index_cast %get3A_524 : i32 to index
        %get3A_526 = arith.index_cast %add3A_515 : i32 to index
        %get3A_527 = arith.constant 32 : index
        %get3A_528 = tpu.vector_load %arg13[%get3A_525, %get3A_526, %get3A_527] {strides = array<i32>} : memref<2x200x128xbf16, #tpu.memory_space<vmem>>, vector<32xbf16>,
        %unpack3A_529 = tpu.unpack_subelements %get3A_528, 0 {pack_format = #tpu.pack_format<interleaved>} : vector<32xbf16> -> vector<16xf32>
        %unpack3A_530 = tpu.unpack_subelements %get3A_528, 1 {pack_format = #tpu.pack_format<interleaved>} : vector<32xbf16> -> vector<16xf32>
        %add3A_531 = arith.addf %scan3A_510, %unpack3A_529 : vector<16xf32>
        %add3A_532 = arith.addf %scan3A_511, %unpack3A_530 : vector<16xf32>
        %get3A_533 = arith.constant 1 : i32
        %get3A_534 = arith.index_cast %get3A_533 : i32 to index
        %get3A_535 = arith.index_cast %add3A_515 : i32 to index
        %get3A_536 = arith.constant 64 : index
        %get3A_537 = tpu.vector_load %arg13[%get3A_534, %get3A_535, %get3A_536] {strides = array<i32>} : memref<2x200x128xbf16, #tpu.memory_space<vmem>>, vector<32xbf16>,
        %unpack3A_538 = tpu.unpack_subelements %get3A_537, 0 {pack_format = #tpu.pack_format<interleaved>} : vector<32xbf16> -> vector<16xf32>
        %unpack3A_539 = tpu.unpack_subelements %get3A_537, 1 {pack_format = #tpu.pack_format<interleaved>} : vector<32xbf16> -> vector<16xf32>
        %swap3A_540 = arith.constant 0 : i32
        %swap3A_541 = arith.index_cast %swap3A_540 : i32 to index
        %swap3A_542 = arith.constant 0 : index
        %swap3A_543 = tpu.vector_load %arg17[%swap3A_541, %swap3A_542] {strides = array<i32>} : memref<4x64xf32, #tpu.memory_space<vmem>>, vector<16xf32>,
        tpu.vector_store %arg17[%swap3A_541, %swap3A_542], %unpack3A_538 {add = true, strides = array<i32>} : memref<4x64xf32, #tpu.memory_space<vmem>>, vector<16xf32>,
        %swap3A_544 = arith.constant 0 : i32
        %swap3A_545 = arith.index_cast %swap3A_544 : i32 to index
        %swap3A_546 = arith.constant 16 : index
        %swap3A_547 = tpu.vector_load %arg17[%swap3A_545, %swap3A_546] {strides = array<i32>} : memref<4x64xf32, #tpu.memory_space<vmem>>, vector<16xf32>,
        tpu.vector_store %arg17[%swap3A_545, %swap3A_546], %unpack3A_539 {add = true, strides = array<i32>} : memref<4x64xf32, #tpu.memory_space<vmem>>, vector<16xf32>,
        %get3A_548 = arith.constant 1 : i32
        %get3A_549 = arith.index_cast %get3A_548 : i32 to index
        %get3A_550 = arith.index_cast %add3A_515 : i32 to index
        %get3A_551 = arith.constant 96 : index
        %get3A_552 = tpu.vector_load %arg13[%get3A_549, %get3A_550, %get3A_551] {strides = array<i32>} : memref<2x200x128xbf16, #tpu.memory_space<vmem>>, vector<32xbf16>,
        %unpack3A_553 = tpu.unpack_subelements %get3A_552, 0 {pack_format = #tpu.pack_format<interleaved>} : vector<32xbf16> -> vector<16xf32>
        %unpack3A_554 = tpu.unpack_subelements %get3A_552, 1 {pack_format = #tpu.pack_format<interleaved>} : vector<32xbf16> -> vector<16xf32>
        %swap3A_555 = arith.constant 0 : i32
        %swap3A_556 = arith.index_cast %swap3A_555 : i32 to index
        %swap3A_557 = arith.constant 32 : index
        %swap3A_558 = tpu.vector_load %arg17[%swap3A_556, %swap3A_557] {strides = array<i32>} : memref<4x64xf32, #tpu.memory_space<vmem>>, vector<16xf32>,
        tpu.vector_store %arg17[%swap3A_556, %swap3A_557], %unpack3A_553 {add = true, strides = array<i32>} : memref<4x64xf32, #tpu.memory_space<vmem>>, vector<16xf32>,
        %swap3A_559 = arith.constant 0 : i32
        %swap3A_560 = arith.index_cast %swap3A_559 : i32 to index
        %swap3A_561 = arith.constant 48 : index
        %swap3A_562 = tpu.vector_load %arg17[%swap3A_560, %swap3A_561] {strides = array<i32>} : memref<4x64xf32, #tpu.memory_space<vmem>>, vector<16xf32>,
        tpu.vector_store %arg17[%swap3A_560, %swap3A_561], %unpack3A_554 {add = true, strides = array<i32>} : memref<4x64xf32, #tpu.memory_space<vmem>>, vector<16xf32>,
        %mul3A_563 = arith.constant 4 : i32
        %mul3A_564 = arith.muli %mul3A_563, %scan3A_507 : i32
        %add3A_565 = arith.constant 1 : i32
        %add3A_566 = arith.addi %mul3A_564, %add3A_565 : i32
        %get3A_567 = arith.constant 1 : i32
        %get3A_568 = arith.index_cast %get3A_567 : i32 to index
        %get3A_569 = arith.index_cast %add3A_566 : i32 to index
        %get3A_570 = arith.constant 0 : index
        %get3A_571 = tpu.vector_load %arg13[%get3A_568, %get3A_569, %get3A_570] {strides = array<i32>} : memref<2x200x128xbf16, #tpu.memory_space<vmem>>, vector<32xbf16>,
        %unpack3A_572 = tpu.unpack_subelements %get3A_571, 0 {pack_format = #tpu.pack_format<interleaved>} : vector<32xbf16> -> vector<16xf32>
        %unpack3A_573 = tpu.unpack_subelements %get3A_571, 1 {pack_format = #tpu.pack_format<interleaved>} : vector<32xbf16> -> vector<16xf32>
        %add3A_574 = arith.addf %add3A_522, %unpack3A_572 : vector<16xf32>
        %add3A_575 = arith.addf %add3A_523, %unpack3A_573 : vector<16xf32>
        %get3A_576 = arith.constant 1 : i32
        %get3A_577 = arith.index_cast %get3A_576 : i32 to index
        %get3A_578 = arith.index_cast %add3A_566 : i32 to index
        %get3A_579 = arith.constant 32 : index
        %get3A_580 = tpu.vector_load %arg13[%get3A_577, %get3A_578, %get3A_579] {strides = array<i32>} : memref<2x200x128xbf16, #tpu.memory_space<vmem>>, vector<32xbf16>,
        %unpack3A_581 = tpu.unpack_subelements %get3A_580, 0 {pack_format = #tpu.pack_format<interleaved>} : vector<32xbf16> -> vector<16xf32>
        %unpack3A_582 = tpu.unpack_subelements %get3A_580, 1 {pack_format = #tpu.pack_format<interleaved>} : vector<32xbf16> -> vector<16xf32>
        %add3A_583 = arith.addf %add3A_531, %unpack3A_581 : vector<16xf32>
        %add3A_584 = arith.addf %add3A_532, %unpack3A_582 : vector<16xf32>
        %get3A_585 = arith.constant 1 : i32
        %get3A_586 = arith.index_cast %get3A_585 : i32 to index
        %get3A_587 = arith.index_cast %add3A_566 : i32 to index
        %get3A_588 = arith.constant 64 : index
        %get3A_589 = tpu.vector_load %arg13[%get3A_586, %get3A_587, %get3A_588] {strides = array<i32>} : memref<2x200x128xbf16, #tpu.memory_space<vmem>>, vector<32xbf16>,
        %unpack3A_590 = tpu.unpack_subelements %get3A_589, 0 {pack_format = #tpu.pack_format<interleaved>} : vector<32xbf16> -> vector<16xf32>
        %unpack3A_591 = tpu.unpack_subelements %get3A_589, 1 {pack_format = #tpu.pack_format<interleaved>} : vector<32xbf16> -> vector<16xf32>
        %swap3A_592 = arith.constant 1 : i32
        %swap3A_593 = arith.index_cast %swap3A_592 : i32 to index
        %swap3A_594 = arith.constant 0 : index
        %swap3A_595 = tpu.vector_load %arg17[%swap3A_593, %swap3A_594] {strides = array<i32>} : memref<4x64xf32, #tpu.memory_space<vmem>>, vector<16xf32>,
        tpu.vector_store %arg17[%swap3A_593, %swap3A_594], %unpack3A_590 {add = true, strides = array<i32>} : memref<4x64xf32, #tpu.memory_space<vmem>>, vector<16xf32>,
        %swap3A_596 = arith.constant 1 : i32
        %swap3A_597 = arith.index_cast %swap3A_596 : i32 to index
        %swap3A_598 = arith.constant 16 : index
        %swap3A_599 = tpu.vector_load %arg17[%swap3A_597, %swap3A_598] {strides = array<i32>} : memref<4x64xf32, #tpu.memory_space<vmem>>, vector<16xf32>,
        tpu.vector_store %arg17[%swap3A_597, %swap3A_598], %unpack3A_591 {add = true, strides = array<i32>} : memref<4x64xf32, #tpu.memory_space<vmem>>, vector<16xf32>,
        %get3A_600 = arith.constant 1 : i32
        %get3A_601 = arith.index_cast %get3A_600 : i32 to index
        %get3A_602 = arith.index_cast %add3A_566 : i32 to index
        %get3A_603 = arith.constant 96 : index
        %get3A_604 = tpu.vector_load %arg13[%get3A_601, %get3A_602, %get3A_603] {strides = array<i32>} : memref<2x200x128xbf16, #tpu.memory_space<vmem>>, vector<32xbf16>,
        %unpack3A_605 = tpu.unpack_subelements %get3A_604, 0 {pack_format = #tpu.pack_format<interleaved>} : vector<32xbf16> -> vector<16xf32>
        %unpack3A_606 = tpu.unpack_subelements %get3A_604, 1 {pack_format = #tpu.pack_format<interleaved>} : vector<32xbf16> -> vector<16xf32>
        %swap3A_607 = arith.constant 1 : i32
        %swap3A_608 = arith.index_cast %swap3A_607 : i32 to index
        %swap3A_609 = arith.constant 32 : index
        %swap3A_610 = tpu.vector_load %arg17[%swap3A_608, %swap3A_609] {strides = array<i32>} : memref<4x64xf32, #tpu.memory_space<vmem>>, vector<16xf32>,
        tpu.vector_store %arg17[%swap3A_608, %swap3A_609], %unpack3A_605 {add = true, strides = array<i32>} : memref<4x64xf32, #tpu.memory_space<vmem>>, vector<16xf32>,
        %swap3A_611 = arith.constant 1 : i32
        %swap3A_612 = arith.index_cast %swap3A_611 : i32 to index
        %swap3A_613 = arith.constant 48 : index
        %swap3A_614 = tpu.vector_load %arg17[%swap3A_612, %swap3A_613] {strides = array<i32>} : memref<4x64xf32, #tpu.memory_space<vmem>>, vector<16xf32>,
        tpu.vector_store %arg17[%swap3A_612, %swap3A_613], %unpack3A_606 {add = true, strides = array<i32>} : memref<4x64xf32, #tpu.memory_space<vmem>>, vector<16xf32>,
        %mul3A_615 = arith.constant 4 : i32
        %mul3A_616 = arith.muli %mul3A_615, %scan3A_507 : i32
        %add3A_617 = arith.constant 2 : i32
        %add3A_618 = arith.addi %mul3A_616, %add3A_617 : i32
        %get3A_619 = arith.constant 1 : i32
        %get3A_620 = arith.index_cast %get3A_619 : i32 to index
        %get3A_621 = arith.index_cast %add3A_618 : i32 to index
        %get3A_622 = arith.constant 0 : index
        %get3A_623 = tpu.vector_load %arg13[%get3A_620, %get3A_621, %get3A_622] {strides = array<i32>} : memref<2x200x128xbf16, #tpu.memory_space<vmem>>, vector<32xbf16>,
        %unpack3A_624 = tpu.unpack_subelements %get3A_623, 0 {pack_format = #tpu.pack_format<interleaved>} : vector<32xbf16> -> vector<16xf32>
        %unpack3A_625 = tpu.unpack_subelements %get3A_623, 1 {pack_format = #tpu.pack_format<interleaved>} : vector<32xbf16> -> vector<16xf32>
        %add3A_626 = arith.addf %add3A_574, %unpack3A_624 : vector<16xf32>
        %add3A_627 = arith.addf %add3A_575, %unpack3A_625 : vector<16xf32>
        %get3A_628 = arith.constant 1 : i32
        %get3A_629 = arith.index_cast %get3A_628 : i32 to index
        %get3A_630 = arith.index_cast %add3A_618 : i32 to index
        %get3A_631 = arith.constant 32 : index
        %get3A_632 = tpu.vector_load %arg13[%get3A_629, %get3A_630, %get3A_631] {strides = array<i32>} : memref<2x200x128xbf16, #tpu.memory_space<vmem>>, vector<32xbf16>,
        %unpack3A_633 = tpu.unpack_subelements %get3A_632, 0 {pack_format = #tpu.pack_format<interleaved>} : vector<32xbf16> -> vector<16xf32>
        %unpack3A_634 = tpu.unpack_subelements %get3A_632, 1 {pack_format = #tpu.pack_format<interleaved>} : vector<32xbf16> -> vector<16xf32>
        %add3A_635 = arith.addf %add3A_583, %unpack3A_633 : vector<16xf32>
        %add3A_636 = arith.addf %add3A_584, %unpack3A_634 : vector<16xf32>
        %get3A_637 = arith.constant 1 : i32
        %get3A_638 = arith.index_cast %get3A_637 : i32 to index
        %get3A_639 = arith.index_cast %add3A_618 : i32 to index
        %get3A_640 = arith.constant 64 : index
        %get3A_641 = tpu.vector_load %arg13[%get3A_638, %get3A_639, %get3A_640] {strides = array<i32>} : memref<2x200x128xbf16, #tpu.memory_space<vmem>>, vector<32xbf16>,
        %unpack3A_642 = tpu.unpack_subelements %get3A_641, 0 {pack_format = #tpu.pack_format<interleaved>} : vector<32xbf16> -> vector<16xf32>
        %unpack3A_643 = tpu.unpack_subelements %get3A_641, 1 {pack_format = #tpu.pack_format<interleaved>} : vector<32xbf16> -> vector<16xf32>
        %swap3A_644 = arith.constant 2 : i32
        %swap3A_645 = arith.index_cast %swap3A_644 : i32 to index
        %swap3A_646 = arith.constant 0 : index
        %swap3A_647 = tpu.vector_load %arg17[%swap3A_645, %swap3A_646] {strides = array<i32>} : memref<4x64xf32, #tpu.memory_space<vmem>>, vector<16xf32>,
        tpu.vector_store %arg17[%swap3A_645, %swap3A_646], %unpack3A_642 {add = true, strides = array<i32>} : memref<4x64xf32, #tpu.memory_space<vmem>>, vector<16xf32>,
        %swap3A_648 = arith.constant 2 : i32
        %swap3A_649 = arith.index_cast %swap3A_648 : i32 to index
        %swap3A_650 = arith.constant 16 : index
        %swap3A_651 = tpu.vector_load %arg17[%swap3A_649, %swap3A_650] {strides = array<i32>} : memref<4x64xf32, #tpu.memory_space<vmem>>, vector<16xf32>,
        tpu.vector_store %arg17[%swap3A_649, %swap3A_650], %unpack3A_643 {add = true, strides = array<i32>} : memref<4x64xf32, #tpu.memory_space<vmem>>, vector<16xf32>,
        %get3A_652 = arith.constant 1 : i32
        %get3A_653 = arith.index_cast %get3A_652 : i32 to index
        %get3A_654 = arith.index_cast %add3A_618 : i32 to index
        %get3A_655 = arith.constant 96 : index
        %get3A_656 = tpu.vector_load %arg13[%get3A_653, %get3A_654, %get3A_655] {strides = array<i32>} : memref<2x200x128xbf16, #tpu.memory_space<vmem>>, vector<32xbf16>,
        %unpack3A_657 = tpu.unpack_subelements %get3A_656, 0 {pack_format = #tpu.pack_format<interleaved>} : vector<32xbf16> -> vector<16xf32>
        %unpack3A_658 = tpu.unpack_subelements %get3A_656, 1 {pack_format = #tpu.pack_format<interleaved>} : vector<32xbf16> -> vector<16xf32>
        %swap3A_659 = arith.constant 2 : i32
        %swap3A_660 = arith.index_cast %swap3A_659 : i32 to index
        %swap3A_661 = arith.constant 32 : index
        %swap3A_662 = tpu.vector_load %arg17[%swap3A_660, %swap3A_661] {strides = array<i32>} : memref<4x64xf32, #tpu.memory_space<vmem>>, vector<16xf32>,
        tpu.vector_store %arg17[%swap3A_660, %swap3A_661], %unpack3A_657 {add = true, strides = array<i32>} : memref<4x64xf32, #tpu.memory_space<vmem>>, vector<16xf32>,
        %swap3A_663 = arith.constant 2 : i32
        %swap3A_664 = arith.index_cast %swap3A_663 : i32 to index
        %swap3A_665 = arith.constant 48 : index
        %swap3A_666 = tpu.vector_load %arg17[%swap3A_664, %swap3A_665] {strides = array<i32>} : memref<4x64xf32, #tpu.memory_space<vmem>>, vector<16xf32>,
        tpu.vector_store %arg17[%swap3A_664, %swap3A_665], %unpack3A_658 {add = true, strides = array<i32>} : memref<4x64xf32, #tpu.memory_space<vmem>>, vector<16xf32>,
        %mul3A_667 = arith.constant 4 : i32
        %mul3A_668 = arith.muli %mul3A_667, %scan3A_507 : i32
        %add3A_669 = arith.constant 3 : i32
        %add3A_670 = arith.addi %mul3A_668, %add3A_669 : i32
        %get3A_671 = arith.constant 1 : i32
        %get3A_672 = arith.index_cast %get3A_671 : i32 to index
        %get3A_673 = arith.index_cast %add3A_670 : i32 to index
        %get3A_674 = arith.constant 0 : index
        %get3A_675 = tpu.vector_load %arg13[%get3A_672, %get3A_673, %get3A_674] {strides = array<i32>} : memref<2x200x128xbf16, #tpu.memory_space<vmem>>, vector<32xbf16>,
        %unpack3A_676 = tpu.unpack_subelements %get3A_675, 0 {pack_format = #tpu.pack_format<interleaved>} : vector<32xbf16> -> vector<16xf32>
        %unpack3A_677 = tpu.unpack_subelements %get3A_675, 1 {pack_format = #tpu.pack_format<interleaved>} : vector<32xbf16> -> vector<16xf32>
        %add3A_678 = arith.addf %add3A_626, %unpack3A_676 : vector<16xf32>
        %add3A_679 = arith.addf %add3A_627, %unpack3A_677 : vector<16xf32>
        %get3A_680 = arith.constant 1 : i32
        %get3A_681 = arith.index_cast %get3A_680 : i32 to index
        %get3A_682 = arith.index_cast %add3A_670 : i32 to index
        %get3A_683 = arith.constant 32 : index
        %get3A_684 = tpu.vector_load %arg13[%get3A_681, %get3A_682, %get3A_683] {strides = array<i32>} : memref<2x200x128xbf16, #tpu.memory_space<vmem>>, vector<32xbf16>,
        %unpack3A_685 = tpu.unpack_subelements %get3A_684, 0 {pack_format = #tpu.pack_format<interleaved>} : vector<32xbf16> -> vector<16xf32>
        %unpack3A_686 = tpu.unpack_subelements %get3A_684, 1 {pack_format = #tpu.pack_format<interleaved>} : vector<32xbf16> -> vector<16xf32>
        %add3A_687 = arith.addf %add3A_635, %unpack3A_685 : vector<16xf32>
        %add3A_688 = arith.addf %add3A_636, %unpack3A_686 : vector<16xf32>
        %get3A_689 = arith.constant 1 : i32
        %get3A_690 = arith.index_cast %get3A_689 : i32 to index
        %get3A_691 = arith.index_cast %add3A_670 : i32 to index
        %get3A_692 = arith.constant 64 : index
        %get3A_693 = tpu.vector_load %arg13[%get3A_690, %get3A_691, %get3A_692] {strides = array<i32>} : memref<2x200x128xbf16, #tpu.memory_space<vmem>>, vector<32xbf16>,
        %unpack3A_694 = tpu.unpack_subelements %get3A_693, 0 {pack_format = #tpu.pack_format<interleaved>} : vector<32xbf16> -> vector<16xf32>
        %unpack3A_695 = tpu.unpack_subelements %get3A_693, 1 {pack_format = #tpu.pack_format<interleaved>} : vector<32xbf16> -> vector<16xf32>
        %swap3A_696 = arith.constant 3 : i32
        %swap3A_697 = arith.index_cast %swap3A_696 : i32 to index
        %swap3A_698 = arith.constant 0 : index
        %swap3A_699 = tpu.vector_load %arg17[%swap3A_697, %swap3A_698] {strides = array<i32>} : memref<4x64xf32, #tpu.memory_space<vmem>>, vector<16xf32>,
        tpu.vector_store %arg17[%swap3A_697, %swap3A_698], %unpack3A_694 {add = true, strides = array<i32>} : memref<4x64xf32, #tpu.memory_space<vmem>>, vector<16xf32>,
        %swap3A_700 = arith.constant 3 : i32
        %swap3A_701 = arith.index_cast %swap3A_700 : i32 to index
        %swap3A_702 = arith.constant 16 : index
        %swap3A_703 = tpu.vector_load %arg17[%swap3A_701, %swap3A_702] {strides = array<i32>} : memref<4x64xf32, #tpu.memory_space<vmem>>, vector<16xf32>,
        tpu.vector_store %arg17[%swap3A_701, %swap3A_702], %unpack3A_695 {add = true, strides = array<i32>} : memref<4x64xf32, #tpu.memory_space<vmem>>, vector<16xf32>,
        %get3A_704 = arith.constant 1 : i32
        %get3A_705 = arith.index_cast %get3A_704 : i32 to index
        %get3A_706 = arith.index_cast %add3A_670 : i32 to index
        %get3A_707 = arith.constant 96 : index
        %get3A_708 = tpu.vector_load %arg13[%get3A_705, %get3A_706, %get3A_707] {strides = array<i32>} : memref<2x200x128xbf16, #tpu.memory_space<vmem>>, vector<32xbf16>,
        %unpack3A_709 = tpu.unpack_subelements %get3A_708, 0 {pack_format = #tpu.pack_format<interleaved>} : vector<32xbf16> -> vector<16xf32>
        %unpack3A_710 = tpu.unpack_subelements %get3A_708, 1 {pack_format = #tpu.pack_format<interleaved>} : vector<32xbf16> -> vector<16xf32>
        %swap3A_711 = arith.constant 3 : i32
        %swap3A_712 = arith.index_cast %swap3A_711 : i32 to index
        %swap3A_713 = arith.constant 32 : index
        %swap3A_714 = tpu.vector_load %arg17[%swap3A_712, %swap3A_713] {strides = array<i32>} : memref<4x64xf32, #tpu.memory_space<vmem>>, vector<16xf32>,
        tpu.vector_store %arg17[%swap3A_712, %swap3A_713], %unpack3A_709 {add = true, strides = array<i32>} : memref<4x64xf32, #tpu.memory_space<vmem>>, vector<16xf32>,
        %swap3A_715 = arith.constant 3 : i32
        %swap3A_716 = arith.index_cast %swap3A_715 : i32 to index
        %swap3A_717 = arith.constant 48 : index
        %swap3A_718 = tpu.vector_load %arg17[%swap3A_716, %swap3A_717] {strides = array<i32>} : memref<4x64xf32, #tpu.memory_space<vmem>>, vector<16xf32>,
        tpu.vector_store %arg17[%swap3A_716, %swap3A_717], %unpack3A_710 {add = true, strides = array<i32>} : memref<4x64xf32, #tpu.memory_space<vmem>>, vector<16xf32>,
        scf.yield %add3A_678, %add3A_679, %add3A_687, %add3A_688 : vector<16xf32>, vector<16xf32>, vector<16xf32>, vector<16xf32>
      }
      %scan3A_405 = arith.constant 50 : i32
      %swap3A_406 = arith.index_cast %add3A_333 : i32 to index
      %swap3A_407 = arith.constant 0 : index
      %swap3A_408 = tpu.vector_load %arg14[%swap3A_406, %swap3A_407] {strides = array<i32>} : memref<128x128xf32, #tpu.memory_space<vmem>>, vector<16xf32>,
      tpu.vector_store %arg14[%swap3A_406, %swap3A_407], %scan3A_404#0 {strides = array<i32>} : memref<128x128xf32, #tpu.memory_space<vmem>>, vector<16xf32>,
      %swap3A_409 = arith.index_cast %add3A_333 : i32 to index
      %swap3A_410 = arith.constant 16 : index
      %swap3A_411 = tpu.vector_load %arg14[%swap3A_409, %swap3A_410] {strides = array<i32>} : memref<128x128xf32, #tpu.memory_space<vmem>>, vector<16xf32>,
      tpu.vector_store %arg14[%swap3A_409, %swap3A_410], %scan3A_404#1 {strides = array<i32>} : memref<128x128xf32, #tpu.memory_space<vmem>>, vector<16xf32>,
      %swap3A_412 = arith.index_cast %add3A_333 : i32 to index
      %swap3A_413 = arith.constant 32 : index
      %swap3A_414 = tpu.vector_load %arg14[%swap3A_412, %swap3A_413] {strides = array<i32>} : memref<128x128xf32, #tpu.memory_space<vmem>>, vector<16xf32>,
      tpu.vector_store %arg14[%swap3A_412, %swap3A_413], %scan3A_404#2 {strides = array<i32>} : memref<128x128xf32, #tpu.memory_space<vmem>>, vector<16xf32>,
      %swap3A_415 = arith.index_cast %add3A_333 : i32 to index
      %swap3A_416 = arith.constant 48 : index
      %swap3A_417 = tpu.vector_load %arg14[%swap3A_415, %swap3A_416] {strides = array<i32>} : memref<128x128xf32, #tpu.memory_space<vmem>>, vector<16xf32>,
      tpu.vector_store %arg14[%swap3A_415, %swap3A_416], %scan3A_404#3 {strides = array<i32>} : memref<128x128xf32, #tpu.memory_space<vmem>>, vector<16xf32>,
      %get3A_418 = arith.constant 0 : i32
      %get3A_419 = arith.index_cast %get3A_418 : i32 to index
      %get3A_420 = arith.constant 0 : index
      %get3A_421 = tpu.vector_load %arg17[%get3A_419, %get3A_420] {strides = array<i32>} : memref<4x64xf32, #tpu.memory_space<vmem>>, vector<16xf32>,
      %get3A_422 = arith.constant 1 : i32
      %get3A_423 = arith.index_cast %get3A_422 : i32 to index
      %get3A_424 = arith.constant 0 : index
      %get3A_425 = tpu.vector_load %arg17[%get3A_423, %get3A_424] {strides = array<i32>} : memref<4x64xf32, #tpu.memory_space<vmem>>, vector<16xf32>,
      %add3A_426 = arith.addf %get3A_421, %get3A_425 : vector<16xf32>
      %get3A_427 = arith.constant 2 : i32
      %get3A_428 = arith.index_cast %get3A_427 : i32 to index
      %get3A_429 = arith.constant 0 : index
      %get3A_430 = tpu.vector_load %arg17[%get3A_428, %get3A_429] {strides = array<i32>} : memref<4x64xf32, #tpu.memory_space<vmem>>, vector<16xf32>,
      %add3A_431 = arith.addf %add3A_426, %get3A_430 : vector<16xf32>
      %get3A_432 = arith.constant 3 : i32
      %get3A_433 = arith.index_cast %get3A_432 : i32 to index
      %get3A_434 = arith.constant 0 : index
      %get3A_435 = tpu.vector_load %arg17[%get3A_433, %get3A_434] {strides = array<i32>} : memref<4x64xf32, #tpu.memory_space<vmem>>, vector<16xf32>,
      %add3A_436 = arith.addf %add3A_431, %get3A_435 : vector<16xf32>
      %swap3A_437 = arith.index_cast %add3A_333 : i32 to index
      %swap3A_438 = arith.constant 64 : index
      %swap3A_439 = tpu.vector_load %arg14[%swap3A_437, %swap3A_438] {strides = array<i32>} : memref<128x128xf32, #tpu.memory_space<vmem>>, vector<16xf32>,
      tpu.vector_store %arg14[%swap3A_437, %swap3A_438], %add3A_436 {strides = array<i32>} : memref<128x128xf32, #tpu.memory_space<vmem>>, vector<16xf32>,
      %get3A_440 = arith.constant 0 : i32
      %get3A_441 = arith.index_cast %get3A_440 : i32 to index
      %get3A_442 = arith.constant 16 : index
      %get3A_443 = tpu.vector_load %arg17[%get3A_441, %get3A_442] {strides = array<i32>} : memref<4x64xf32, #tpu.memory_space<vmem>>, vector<16xf32>,
      %get3A_444 = arith.constant 1 : i32
      %get3A_445 = arith.index_cast %get3A_444 : i32 to index
      %get3A_446 = arith.constant 16 : index
      %get3A_447 = tpu.vector_load %arg17[%get3A_445, %get3A_446] {strides = array<i32>} : memref<4x64xf32, #tpu.memory_space<vmem>>, vector<16xf32>,
      %add3A_448 = arith.addf %get3A_443, %get3A_447 : vector<16xf32>
      %get3A_449 = arith.constant 2 : i32
      %get3A_450 = arith.index_cast %get3A_449 : i32 to index
      %get3A_451 = arith.constant 16 : index
      %get3A_452 = tpu.vector_load %arg17[%get3A_450, %get3A_451] {strides = array<i32>} : memref<4x64xf32, #tpu.memory_space<vmem>>, vector<16xf32>,
      %add3A_453 = arith.addf %add3A_448, %get3A_452 : vector<16xf32>
      %get3A_454 = arith.constant 3 : i32
      %get3A_455 = arith.index_cast %get3A_454 : i32 to index
      %get3A_456 = arith.constant 16 : index
      %get3A_457 = tpu.vector_load %arg17[%get3A_455, %get3A_456] {strides = array<i32>} : memref<4x64xf32, #tpu.memory_space<vmem>>, vector<16xf32>,
      %add3A_458 = arith.addf %add3A_453, %get3A_457 : vector<16xf32>
      %swap3A_459 = arith.index_cast %add3A_333 : i32 to index
      %swap3A_460 = arith.constant 80 : index
      %swap3A_461 = tpu.vector_load %arg14[%swap3A_459, %swap3A_460] {strides = array<i32>} : memref<128x128xf32, #tpu.memory_space<vmem>>, vector<16xf32>,
      tpu.vector_store %arg14[%swap3A_459, %swap3A_460], %add3A_458 {strides = array<i32>} : memref<128x128xf32, #tpu.memory_space<vmem>>, vector<16xf32>,
      %get3A_462 = arith.constant 0 : i32
      %get3A_463 = arith.index_cast %get3A_462 : i32 to index
      %get3A_464 = arith.constant 32 : index
      %get3A_465 = tpu.vector_load %arg17[%get3A_463, %get3A_464] {strides = array<i32>} : memref<4x64xf32, #tpu.memory_space<vmem>>, vector<16xf32>,
      %get3A_466 = arith.constant 1 : i32
      %get3A_467 = arith.index_cast %get3A_466 : i32 to index
      %get3A_468 = arith.constant 32 : index
      %get3A_469 = tpu.vector_load %arg17[%get3A_467, %get3A_468] {strides = array<i32>} : memref<4x64xf32, #tpu.memory_space<vmem>>, vector<16xf32>,
      %add3A_470 = arith.addf %get3A_465, %get3A_469 : vector<16xf32>
      %get3A_471 = arith.constant 2 : i32
      %get3A_472 = arith.index_cast %get3A_471 : i32 to index
      %get3A_473 = arith.constant 32 : index
      %get3A_474 = tpu.vector_load %arg17[%get3A_472, %get3A_473] {strides = array<i32>} : memref<4x64xf32, #tpu.memory_space<vmem>>, vector<16xf32>,
      %add3A_475 = arith.addf %add3A_470, %get3A_474 : vector<16xf32>
      %get3A_476 = arith.constant 3 : i32
      %get3A_477 = arith.index_cast %get3A_476 : i32 to index
      %get3A_478 = arith.constant 32 : index
      %get3A_479 = tpu.vector_load %arg17[%get3A_477, %get3A_478] {strides = array<i32>} : memref<4x64xf32, #tpu.memory_space<vmem>>, vector<16xf32>,
      %add3A_480 = arith.addf %add3A_475, %get3A_479 : vector<16xf32>
      %swap3A_481 = arith.index_cast %add3A_333 : i32 to index
      %swap3A_482 = arith.constant 96 : index
      %swap3A_483 = tpu.vector_load %arg14[%swap3A_481, %swap3A_482] {strides = array<i32>} : memref<128x128xf32, #tpu.memory_space<vmem>>, vector<16xf32>,
      tpu.vector_store %arg14[%swap3A_481, %swap3A_482], %add3A_480 {strides = array<i32>} : memref<128x128xf32, #tpu.memory_space<vmem>>, vector<16xf32>,
      %get3A_484 = arith.constant 0 : i32
      %get3A_485 = arith.index_cast %get3A_484 : i32 to index
      %get3A_486 = arith.constant 48 : index
      %get3A_487 = tpu.vector_load %arg17[%get3A_485, %get3A_486] {strides = array<i32>} : memref<4x64xf32, #tpu.memory_space<vmem>>, vector<16xf32>,
      %get3A_488 = arith.constant 1 : i32
      %get3A_489 = arith.index_cast %get3A_488 : i32 to index
      %get3A_490 = arith.constant 48 : index
      %get3A_491 = tpu.vector_load %arg17[%get3A_489, %get3A_490] {strides = array<i32>} : memref<4x64xf32, #tpu.memory_space<vmem>>, vector<16xf32>,
      %add3A_492 = arith.addf %get3A_487, %get3A_491 : vector<16xf32>
      %get3A_493 = arith.constant 2 : i32
      %get3A_494 = arith.index_cast %get3A_493 : i32 to index
      %get3A_495 = arith.constant 48 : index
      %get3A_496 = tpu.vector_load %arg17[%get3A_494, %get3A_495] {strides = array<i32>} : memref<4x64xf32, #tpu.memory_space<vmem>>, vector<16xf32>,
      %add3A_497 = arith.addf %add3A_492, %get3A_496 : vector<16xf32>
      %get3A_498 = arith.constant 3 : i32
      %get3A_499 = arith.index_cast %get3A_498 : i32 to index
      %get3A_500 = arith.constant 48 : index
      %get3A_501 = tpu.vector_load %arg17[%get3A_499, %get3A_500] {strides = array<i32>} : memref<4x64xf32, #tpu.memory_space<vmem>>, vector<16xf32>,
      %add3A_502 = arith.addf %add3A_497, %get3A_501 : vector<16xf32>
      %swap3A_503 = arith.index_cast %add3A_333 : i32 to index
      %swap3A_504 = arith.constant 112 : index
      %swap3A_505 = tpu.vector_load %arg14[%swap3A_503, %swap3A_504] {strides = array<i32>} : memref<128x128xf32, #tpu.memory_space<vmem>>, vector<16xf32>,
      tpu.vector_store %arg14[%swap3A_503, %swap3A_504], %add3A_502 {strides = array<i32>} : memref<128x128xf32, #tpu.memory_space<vmem>>, vector<16xf32>,
      %scan3A_506 = arith.constant 0 : i32
      scf.yield %scan3A_506 : i32
    }
    %scan3A_95 = arith.constant 64 : i32
    "tpu.region"() ({
      %run_scoped3A = tpu.sem_alloc : memref<!tpu.dma_semaphore, #tpu.memory_space<semaphore_mem>>
      %dma_start3A_96 = arith.constant 0 : i32
      %dma_start3A_97 = tpu.memref_slice %arg8[%add3A_66, %dma_start3A_96] : memref<8192x128xf32, #tpu.memory_space<hbm>> -> memref<128x128xf32, #tpu.memory_space<hbm>>
      %dma_start3A_98 = arith.constant 0 : i32
      %dma_start3A_99 = tpu.memref_slice %arg8[%add3A_66, %dma_start3A_98] : memref<8192x128xf32, #tpu.memory_space<hbm>> -> memref<128x128xf32, #tpu.memory_space<hbm>>
      tpu.enqueue_dma source(%arg14 : memref<128x128xf32, #tpu.memory_space<vmem>>) target(%dma_start3A_99 : memref<128x128xf32, #tpu.memory_space<hbm>>) target_semaphore(%run_scoped3A : memref<!tpu.dma_semaphore, #tpu.memory_space<semaphore_mem>>)
      %dma_wait3A_100 = arith.constant 0 : i32
      %dma_wait3A_101 = tpu.memref_slice %arg8[%add3A_66, %dma_wait3A_100] : memref<8192x128xf32, #tpu.memory_space<hbm>> -> memref<128x128xf32, #tpu.memory_space<hbm>>
      %dma_wait3A_102 = arith.constant 0 : i32
      %dma_wait3A_103 = tpu.memref_slice %arg8[%add3A_66, %dma_wait3A_102] : memref<8192x128xf32, #tpu.memory_space<hbm>> -> memref<128x128xf32, #tpu.memory_space<hbm>>
      tpu.wait_dma2 semaphore(%run_scoped3A : memref<!tpu.dma_semaphore, #tpu.memory_space<semaphore_mem>>) src(%arg14 : memref<128x128xf32, #tpu.memory_space<vmem>>) dst(%dma_wait3A_103 : memref<128x128xf32, #tpu.memory_space<hbm>>)
      tpu.yield
    }) : () -> ()
    return
  }
}

module attributes {stable_mosaic.version = 14 : i64} {
  func.func @body(%arg0: i32, %arg1: memref<2048x128xf32, #tpu.memory_space<vmem>>, %arg2: memref<2048x128xf32, #tpu.memory_space<vmem>>, %arg3: memref<2048x128xf32, #tpu.memory_space<vmem>>, %arg4: memref<2048x128xf32, #tpu.memory_space<vmem>>, %arg5: memref<2048x1xf32, #tpu.memory_space<vmem>>, %arg6: memref<2048x1xf32, #tpu.memory_space<vmem>>, %arg7: memref<8x128xf32, #tpu.memory_space<vmem>>, %arg8: memref<8x128xf32, #tpu.memory_space<vmem>>, %arg9: memref<8x128xf32, #tpu.memory_space<vmem>>, %arg10: memref<8x128xf32, #tpu.memory_space<vmem>>, %arg11: memref<8x1xf32, #tpu.memory_space<vmem>>, %arg12: memref<8x1xf32, #tpu.memory_space<vmem>>, %arg13: memref<128x64xf32, #tpu.memory_space<vmem>>, %arg14: memref<1x64xf32, #tpu.memory_space<vmem>>, %arg15: memref<128x64xf32, #tpu.memory_space<vmem>>, %arg16: memref<1x64xf32, #tpu.memory_space<vmem>>, %arg17: memref<128x64xf32, #tpu.memory_space<vmem>>, %arg18: memref<1x64xf32, #tpu.memory_space<vmem>>, %arg19: memref<256x128xf32, #tpu.memory_space<vmem>>, %arg20: memref<1x128xf32, #tpu.memory_space<vmem>>, %arg21: memref<128x256xf32, #tpu.memory_space<vmem>>, %arg22: memref<1x256xf32, #tpu.memory_space<vmem>>, %arg23: memref<256x128xf32, #tpu.memory_space<vmem>>, %arg24: memref<1x128xf32, #tpu.memory_space<vmem>>, %arg25: memref<1x128xf32, #tpu.memory_space<vmem>>, %arg26: memref<1x128xf32, #tpu.memory_space<vmem>>, %arg27: memref<2048x128xf32, #tpu.memory_space<vmem>>, %arg28: memref<2048x1xf32, #tpu.memory_space<vmem>>) attributes {dimension_semantics = [#tpu.dimension_semantics<arbitrary>], iteration_bounds = array<i64: 2>, scalar_prefetch = 0 : i64, scratch_operands = 0 : i64, tpu.core_type = #tpu.core_type<tc>, window_params = [{transform_indices = @transform_0, window_bounds = array<i64: 2048, 128>}, {transform_indices = @transform_1, window_bounds = array<i64: 2048, 128>}, {transform_indices = @transform_2, window_bounds = array<i64: 2048, 128>}, {transform_indices = @transform_3, window_bounds = array<i64: 2048, 128>}, {transform_indices = @transform_4, window_bounds = array<i64: 2048, 1>}, {transform_indices = @transform_5, window_bounds = array<i64: 2048, 1>}, {pipeline_mode = #tpu.pipeline_mode<synchronous>, transform_indices = @transform_6, window_bounds = array<i64: 8, 128>}, {pipeline_mode = #tpu.pipeline_mode<synchronous>, transform_indices = @transform_7, window_bounds = array<i64: 8, 128>}, {pipeline_mode = #tpu.pipeline_mode<synchronous>, transform_indices = @transform_8, window_bounds = array<i64: 8, 128>}, {pipeline_mode = #tpu.pipeline_mode<synchronous>, transform_indices = @transform_9, window_bounds = array<i64: 8, 128>}, {pipeline_mode = #tpu.pipeline_mode<synchronous>, transform_indices = @transform_10, window_bounds = array<i64: 8, 1>}, {pipeline_mode = #tpu.pipeline_mode<synchronous>, transform_indices = @transform_11, window_bounds = array<i64: 8, 1>}, {pipeline_mode = #tpu.pipeline_mode<synchronous>, transform_indices = @transform_12, window_bounds = array<i64: 128, 64>}, {pipeline_mode = #tpu.pipeline_mode<synchronous>, transform_indices = @transform_13, window_bounds = array<i64: 1, 64>}, {pipeline_mode = #tpu.pipeline_mode<synchronous>, transform_indices = @transform_14, window_bounds = array<i64: 128, 64>}, {pipeline_mode = #tpu.pipeline_mode<synchronous>, transform_indices = @transform_15, window_bounds = array<i64: 1, 64>}, {pipeline_mode = #tpu.pipeline_mode<synchronous>, transform_indices = @transform_16, window_bounds = array<i64: 128, 64>}, {pipeline_mode = #tpu.pipeline_mode<synchronous>, transform_indices = @transform_17, window_bounds = array<i64: 1, 64>}, {pipeline_mode = #tpu.pipeline_mode<synchronous>, transform_indices = @transform_18, window_bounds = array<i64: 256, 128>}, {pipeline_mode = #tpu.pipeline_mode<synchronous>, transform_indices = @transform_19, window_bounds = array<i64: 1, 128>}, {pipeline_mode = #tpu.pipeline_mode<synchronous>, transform_indices = @transform_20, window_bounds = array<i64: 128, 256>}, {pipeline_mode = #tpu.pipeline_mode<synchronous>, transform_indices = @transform_21, window_bounds = array<i64: 1, 256>}, {pipeline_mode = #tpu.pipeline_mode<synchronous>, transform_indices = @transform_22, window_bounds = array<i64: 256, 128>}, {pipeline_mode = #tpu.pipeline_mode<synchronous>, transform_indices = @transform_23, window_bounds = array<i64: 1, 128>}, {pipeline_mode = #tpu.pipeline_mode<synchronous>, transform_indices = @transform_24, window_bounds = array<i64: 1, 128>}, {pipeline_mode = #tpu.pipeline_mode<synchronous>, transform_indices = @transform_25, window_bounds = array<i64: 1, 128>}, {transform_indices = @transform_26, window_bounds = array<i64: 2048, 128>}, {transform_indices = @transform_27, window_bounds = array<i64: 2048, 1>}]} {
    %get3A = arith.constant 0 : index
    %get3A_0 = arith.constant 0 : index
    %get3A_1 = vector.load %arg9[%get3A, %get3A_0] : memref<8x128xf32, #tpu.memory_space<vmem>>, vector<8x128xf32>
    %get3A_2 = arith.constant 0 : index
    %get3A_3 = arith.constant 0 : index
    %get3A_4 = vector.load %arg10[%get3A_2, %get3A_3] : memref<8x128xf32, #tpu.memory_space<vmem>>, vector<8x128xf32>
    %get3A_5 = arith.constant 0 : index
    %get3A_6 = arith.constant 0 : index
    %get3A_7 = vector.load %arg15[%get3A_5, %get3A_6] : memref<128x64xf32, #tpu.memory_space<vmem>>, vector<128x64xf32>
    %get3A_8 = arith.constant 0 : index
    %get3A_9 = arith.constant 0 : index
    %get3A_10 = vector.load %arg16[%get3A_8, %get3A_9] : memref<1x64xf32, #tpu.memory_space<vmem>>, vector<1x64xf32>
    %get3A_11 = arith.constant 0 : index
    %get3A_12 = arith.constant 0 : index
    %get3A_13 = vector.load %arg17[%get3A_11, %get3A_12] : memref<128x64xf32, #tpu.memory_space<vmem>>, vector<128x64xf32>
    %get3A_14 = arith.constant 0 : index
    %get3A_15 = arith.constant 0 : index
    %get3A_16 = vector.load %arg18[%get3A_14, %get3A_15] : memref<1x64xf32, #tpu.memory_space<vmem>>, vector<1x64xf32>
    %dot_general3A = arith.constant dense<0.000000e+00> : vector<8x64xf32>
    %dot_general3A_17 = tpu.matmul %get3A_1, %get3A_7, %dot_general3A {dimension_numbers = #tpu.dot_dimension_numbers<[1], [0], [0], [1], [0, 0, 1, 1], [], []>, transpose_lhs_hint = false} : vector<8x128xf32>, vector<128x64xf32>, vector<8x64xf32> -> vector<8x64xf32>
    %add3A = vector.broadcast %get3A_10 : vector<1x64xf32> to vector<8x64xf32>
    %add3A_18 = arith.addf %dot_general3A_17, %add3A : vector<8x64xf32>
    %dot_general3A_19 = arith.constant dense<0.000000e+00> : vector<8x64xf32>
    %dot_general3A_20 = tpu.matmul %get3A_4, %get3A_13, %dot_general3A_19 {dimension_numbers = #tpu.dot_dimension_numbers<[1], [0], [0], [1], [0, 0, 1, 1], [], []>, transpose_lhs_hint = false} : vector<8x128xf32>, vector<128x64xf32>, vector<8x64xf32> -> vector<8x64xf32>
    %add3A_21 = vector.broadcast %get3A_16 : vector<1x64xf32> to vector<8x64xf32>
    %add3A_22 = arith.addf %dot_general3A_20, %add3A_21 : vector<8x64xf32>
    %concatenate3A = tpu.concatenate %add3A_18, %add3A_22 in 1 : vector<8x64xf32>, vector<8x64xf32> -> vector<8x128xf32>
    %tanh3A = math.tanh %concatenate3A : vector<8x128xf32>
    %get3A_23 = arith.constant 0 : index
    %get3A_24 = arith.constant 0 : index
    %get3A_25 = vector.load %arg7[%get3A_23, %get3A_24] : memref<8x128xf32, #tpu.memory_space<vmem>>, vector<8x128xf32>
    %get3A_26 = arith.constant 0 : index
    %get3A_27 = arith.constant 0 : index
    %get3A_28 = vector.load %arg11[%get3A_26, %get3A_27] : memref<8x1xf32, #tpu.memory_space<vmem>>, vector<8x1xf32>
    %get3A_29 = arith.constant 0 : index
    %get3A_30 = arith.constant 0 : index
    %get3A_31 = vector.load %arg13[%get3A_29, %get3A_30] : memref<128x64xf32, #tpu.memory_space<vmem>>, vector<128x64xf32>
    %get3A_32 = arith.constant 0 : index
    %get3A_33 = arith.constant 0 : index
    %get3A_34 = vector.load %arg14[%get3A_32, %get3A_33] : memref<1x64xf32, #tpu.memory_space<vmem>>, vector<1x64xf32>
    %dot_general3A_35 = arith.constant dense<0.000000e+00> : vector<8x64xf32>
    %dot_general3A_36 = tpu.matmul %get3A_25, %get3A_31, %dot_general3A_35 {dimension_numbers = #tpu.dot_dimension_numbers<[1], [0], [0], [1], [0, 0, 1, 1], [], []>, transpose_lhs_hint = false} : vector<8x128xf32>, vector<128x64xf32>, vector<8x64xf32> -> vector<8x64xf32>
    %mul3A = arith.constant 2.000000e+02 : f32
    %mul3A_37 = vector.broadcast %mul3A : f32 to vector<1x64xf32>
    %mul3A_38 = arith.mulf %mul3A_37, %get3A_34 : vector<1x64xf32>
    %add3A_39 = vector.broadcast %mul3A_38 : vector<1x64xf32> to vector<8x64xf32>
    %add3A_40 = arith.addf %dot_general3A_36, %add3A_39 : vector<8x64xf32>
    %div3A = vector.broadcast %get3A_28 : vector<8x1xf32> to vector<8x64xf32>
    %div3A_41 = arith.divf %add3A_40, %div3A : vector<8x64xf32>
    %tanh3A_42 = math.tanh %div3A_41 : vector<8x64xf32>
    %get3A_43 = arith.constant 0 : index
    %get3A_44 = arith.constant 0 : index
    %get3A_45 = vector.load %arg8[%get3A_43, %get3A_44] : memref<8x128xf32, #tpu.memory_space<vmem>>, vector<8x128xf32>
    %get3A_46 = arith.constant 0 : index
    %get3A_47 = arith.constant 0 : index
    %get3A_48 = vector.load %arg12[%get3A_46, %get3A_47] : memref<8x1xf32, #tpu.memory_space<vmem>>, vector<8x1xf32>
    %get3A_49 = arith.constant 0 : index
    %get3A_50 = arith.constant 0 : index
    %get3A_51 = vector.load %arg13[%get3A_49, %get3A_50] : memref<128x64xf32, #tpu.memory_space<vmem>>, vector<128x64xf32>
    %get3A_52 = arith.constant 0 : index
    %get3A_53 = arith.constant 0 : index
    %get3A_54 = vector.load %arg14[%get3A_52, %get3A_53] : memref<1x64xf32, #tpu.memory_space<vmem>>, vector<1x64xf32>
    %dot_general3A_55 = arith.constant dense<0.000000e+00> : vector<8x64xf32>
    %dot_general3A_56 = tpu.matmul %get3A_45, %get3A_51, %dot_general3A_55 {dimension_numbers = #tpu.dot_dimension_numbers<[1], [0], [0], [1], [0, 0, 1, 1], [], []>, transpose_lhs_hint = false} : vector<8x128xf32>, vector<128x64xf32>, vector<8x64xf32> -> vector<8x64xf32>
    %mul3A_57 = arith.constant 2.000000e+02 : f32
    %mul3A_58 = vector.broadcast %mul3A_57 : f32 to vector<1x64xf32>
    %mul3A_59 = arith.mulf %mul3A_58, %get3A_54 : vector<1x64xf32>
    %add3A_60 = vector.broadcast %mul3A_59 : vector<1x64xf32> to vector<8x64xf32>
    %add3A_61 = arith.addf %dot_general3A_56, %add3A_60 : vector<8x64xf32>
    %div3A_62 = vector.broadcast %get3A_48 : vector<8x1xf32> to vector<8x64xf32>
    %div3A_63 = arith.divf %add3A_61, %div3A_62 : vector<8x64xf32>
    %tanh3A_64 = math.tanh %div3A_63 : vector<8x64xf32>
    %concatenate3A_65 = tpu.concatenate %tanh3A_42, %tanh3A, %tanh3A_64 in 1 : vector<8x64xf32>, vector<8x128xf32>, vector<8x64xf32> -> vector<8x256xf32>
    %get3A_66 = arith.constant 0 : index
    %get3A_67 = arith.constant 0 : index
    %get3A_68 = vector.load %arg19[%get3A_66, %get3A_67] : memref<256x128xf32, #tpu.memory_space<vmem>>, vector<256x128xf32>
    %dot_general3A_69 = arith.constant dense<0.000000e+00> : vector<8x128xf32>
    %dot_general3A_70 = tpu.matmul %concatenate3A_65, %get3A_68, %dot_general3A_69 {dimension_numbers = #tpu.dot_dimension_numbers<[1], [0], [0], [1], [0, 0, 1, 1], [], []>, transpose_lhs_hint = false} : vector<8x256xf32>, vector<256x128xf32>, vector<8x128xf32> -> vector<8x128xf32>
    %get3A_71 = arith.constant 0 : index
    %get3A_72 = arith.constant 0 : index
    %get3A_73 = vector.load %arg20[%get3A_71, %get3A_72] : memref<1x128xf32, #tpu.memory_space<vmem>>, vector<1x128xf32>
    %add3A_74 = vector.broadcast %get3A_73 : vector<1x128xf32> to vector<8x128xf32>
    %add3A_75 = arith.addf %dot_general3A_70, %add3A_74 : vector<8x128xf32>
    %get3A_76 = arith.constant 0 : index
    %get3A_77 = arith.constant 0 : index
    %get3A_78 = vector.load %arg21[%get3A_76, %get3A_77] : memref<128x256xf32, #tpu.memory_space<vmem>>, vector<128x256xf32>
    %get3A_79 = arith.constant 0 : index
    %get3A_80 = arith.constant 0 : index
    %get3A_81 = vector.load %arg22[%get3A_79, %get3A_80] : memref<1x256xf32, #tpu.memory_space<vmem>>, vector<1x256xf32>
    %get3A_82 = arith.constant 0 : index
    %get3A_83 = arith.constant 0 : index
    %get3A_84 = vector.load %arg23[%get3A_82, %get3A_83] : memref<256x128xf32, #tpu.memory_space<vmem>>, vector<256x128xf32>
    %get3A_85 = arith.constant 0 : index
    %get3A_86 = arith.constant 0 : index
    %get3A_87 = vector.load %arg24[%get3A_85, %get3A_86] : memref<1x128xf32, #tpu.memory_space<vmem>>, vector<1x128xf32>
    %get3A_88 = arith.constant 0 : index
    %get3A_89 = arith.constant 0 : index
    %get3A_90 = vector.load %arg25[%get3A_88, %get3A_89] : memref<1x128xf32, #tpu.memory_space<vmem>>, vector<1x128xf32>
    %get3A_91 = arith.constant 0 : index
    %get3A_92 = arith.constant 0 : index
    %get3A_93 = vector.load %arg26[%get3A_91, %get3A_92] : memref<1x128xf32, #tpu.memory_space<vmem>>, vector<1x128xf32>
    %dot_general3A_94 = arith.constant dense<0.000000e+00> : vector<8x256xf32>
    %dot_general3A_95 = tpu.matmul %add3A_75, %get3A_78, %dot_general3A_94 {dimension_numbers = #tpu.dot_dimension_numbers<[1], [0], [0], [1], [0, 0, 1, 1], [], []>, transpose_lhs_hint = false} : vector<8x128xf32>, vector<128x256xf32>, vector<8x256xf32> -> vector<8x256xf32>
    %add3A_96 = vector.broadcast %get3A_81 : vector<1x256xf32> to vector<8x256xf32>
    %add3A_97 = arith.addf %dot_general3A_95, %add3A_96 : vector<8x256xf32>
    %max3A = arith.constant 0.000000e+00 : f32
    %max3A_98 = vector.broadcast %max3A : f32 to vector<8x256xf32>
    %max3A_99 = arith.maximumf %add3A_97, %max3A_98 : vector<8x256xf32>
    %dot_general3A_100 = arith.constant dense<0.000000e+00> : vector<8x128xf32>
    %dot_general3A_101 = tpu.matmul %max3A_99, %get3A_84, %dot_general3A_100 {dimension_numbers = #tpu.dot_dimension_numbers<[1], [0], [0], [1], [0, 0, 1, 1], [], []>, transpose_lhs_hint = false} : vector<8x256xf32>, vector<256x128xf32>, vector<8x128xf32> -> vector<8x128xf32>
    %add3A_102 = vector.broadcast %get3A_87 : vector<1x128xf32> to vector<8x128xf32>
    %add3A_103 = arith.addf %dot_general3A_101, %add3A_102 : vector<8x128xf32>
    %add3A_104 = arith.addf %add3A_103, %add3A_75 : vector<8x128xf32>
    %reduce_sum3A = arith.constant dense<0.000000e+00> : vector<8xf32>
    %reduce_sum3A_105 = vector.multi_reduction <add>, %add3A_104, %reduce_sum3A [1] : vector<8x128xf32> to vector<8xf32>
    %broadcast_in_dim3A = vector.shape_cast %reduce_sum3A_105 : vector<8xf32> to vector<8x1xf32>
    %div3A_106 = arith.constant 1.280000e+02 : f32
    %div3A_107 = vector.broadcast %div3A_106 : f32 to vector<8x1xf32>
    %div3A_108 = arith.divf %broadcast_in_dim3A, %div3A_107 : vector<8x1xf32>
    %sub3A = vector.broadcast %div3A_108 : vector<8x1xf32> to vector<8x128xf32>
    %sub3A_109 = arith.subf %add3A_104, %sub3A : vector<8x128xf32>
    %integer_pow3A = arith.mulf %sub3A_109, %sub3A_109 : vector<8x128xf32>
    %reduce_sum3A_110 = arith.constant dense<0.000000e+00> : vector<8xf32>
    %reduce_sum3A_111 = vector.multi_reduction <add>, %integer_pow3A, %reduce_sum3A_110 [1] : vector<8x128xf32> to vector<8xf32>
    %broadcast_in_dim3A_112 = vector.shape_cast %reduce_sum3A_111 : vector<8xf32> to vector<8x1xf32>
    %div3A_113 = arith.constant 1.280000e+02 : f32
    %div3A_114 = vector.broadcast %div3A_113 : f32 to vector<8x1xf32>
    %div3A_115 = arith.divf %broadcast_in_dim3A_112, %div3A_114 : vector<8x1xf32>
    %sub3A_116 = vector.broadcast %div3A_108 : vector<8x1xf32> to vector<8x128xf32>
    %sub3A_117 = arith.subf %add3A_104, %sub3A_116 : vector<8x128xf32>
    %mul3A_118 = vector.broadcast %get3A_90 : vector<1x128xf32> to vector<8x128xf32>
    %mul3A_119 = arith.mulf %mul3A_118, %sub3A_117 : vector<8x128xf32>
    %add3A_120 = arith.constant 9.99999974E-6 : f32
    %add3A_121 = vector.broadcast %add3A_120 : f32 to vector<8x1xf32>
    %add3A_122 = arith.addf %div3A_115, %add3A_121 : vector<8x1xf32>
    %rsqrt3A = math.rsqrt %add3A_122 : vector<8x1xf32>
    %mul3A_123 = vector.broadcast %rsqrt3A : vector<8x1xf32> to vector<8x128xf32>
    %mul3A_124 = arith.mulf %mul3A_119, %mul3A_123 : vector<8x128xf32>
    %add3A_125 = vector.broadcast %get3A_93 : vector<1x128xf32> to vector<8x128xf32>
    %add3A_126 = arith.addf %mul3A_124, %add3A_125 : vector<8x128xf32>
    %iota3A = tpu.iota {dimensions = array<i32: 0>} : vector<8x128xi32>
    %convert_element_type3A = arith.sitofp %iota3A : vector<8x128xi32> to vector<8x128xf32>
    %lt3A = arith.constant 5.000000e+00 : f32
    %lt3A_127 = vector.broadcast %lt3A : f32 to vector<8x128xf32>
    %lt3A_128 = arith.cmpf olt, %convert_element_type3A, %lt3A_127 : vector<8x128xf32>
    %jit3A = arith.constant 0.000000e+00 : f32
    %broadcast_in_dim3A_129 = vector.broadcast %jit3A : f32 to vector<8x128xf32>
    %select_n3A = arith.select %lt3A_128, %add3A_126, %broadcast_in_dim3A_129 : vector<8x128xi1>, vector<8x128xf32>
    %reduce_sum3A_130 = arith.constant dense<0.000000e+00> : vector<128xf32>
    %reduce_sum3A_131 = vector.multi_reduction <add>, %select_n3A, %reduce_sum3A_130 [0] : vector<8x128xf32> to vector<128xf32>
    %broadcast_in_dim3A_132 = vector.shape_cast %reduce_sum3A_131 : vector<128xf32> to vector<1x128xf32>
    %div3A_133 = arith.constant 5.000000e+00 : f32
    %div3A_134 = vector.broadcast %div3A_133 : f32 to vector<1x128xf32>
    %div3A_135 = arith.divf %broadcast_in_dim3A_132, %div3A_134 : vector<1x128xf32>
    %get3A_136 = arith.constant 0 : index
    %get3A_137 = arith.constant 0 : index
    %get3A_138 = vector.load %arg3[%get3A_136, %get3A_137] : memref<2048x128xf32, #tpu.memory_space<vmem>>, vector<2048x128xf32>
    %get3A_139 = arith.constant 0 : index
    %get3A_140 = arith.constant 0 : index
    %get3A_141 = vector.load %arg4[%get3A_139, %get3A_140] : memref<2048x128xf32, #tpu.memory_space<vmem>>, vector<2048x128xf32>
    %get3A_142 = arith.constant 0 : index
    %get3A_143 = arith.constant 0 : index
    %get3A_144 = vector.load %arg15[%get3A_142, %get3A_143] : memref<128x64xf32, #tpu.memory_space<vmem>>, vector<128x64xf32>
    %get3A_145 = arith.constant 0 : index
    %get3A_146 = arith.constant 0 : index
    %get3A_147 = vector.load %arg16[%get3A_145, %get3A_146] : memref<1x64xf32, #tpu.memory_space<vmem>>, vector<1x64xf32>
    %get3A_148 = arith.constant 0 : index
    %get3A_149 = arith.constant 0 : index
    %get3A_150 = vector.load %arg17[%get3A_148, %get3A_149] : memref<128x64xf32, #tpu.memory_space<vmem>>, vector<128x64xf32>
    %get3A_151 = arith.constant 0 : index
    %get3A_152 = arith.constant 0 : index
    %get3A_153 = vector.load %arg18[%get3A_151, %get3A_152] : memref<1x64xf32, #tpu.memory_space<vmem>>, vector<1x64xf32>
    %dot_general3A_154 = arith.constant dense<0.000000e+00> : vector<2048x64xf32>
    %dot_general3A_155 = tpu.matmul %get3A_138, %get3A_144, %dot_general3A_154 {dimension_numbers = #tpu.dot_dimension_numbers<[1], [0], [0], [1], [0, 0, 1, 1], [], []>, transpose_lhs_hint = false} : vector<2048x128xf32>, vector<128x64xf32>, vector<2048x64xf32> -> vector<2048x64xf32>
    %add3A_156 = vector.broadcast %get3A_147 : vector<1x64xf32> to vector<2048x64xf32>
    %add3A_157 = arith.addf %dot_general3A_155, %add3A_156 : vector<2048x64xf32>
    %dot_general3A_158 = arith.constant dense<0.000000e+00> : vector<2048x64xf32>
    %dot_general3A_159 = tpu.matmul %get3A_141, %get3A_150, %dot_general3A_158 {dimension_numbers = #tpu.dot_dimension_numbers<[1], [0], [0], [1], [0, 0, 1, 1], [], []>, transpose_lhs_hint = false} : vector<2048x128xf32>, vector<128x64xf32>, vector<2048x64xf32> -> vector<2048x64xf32>
    %add3A_160 = vector.broadcast %get3A_153 : vector<1x64xf32> to vector<2048x64xf32>
    %add3A_161 = arith.addf %dot_general3A_159, %add3A_160 : vector<2048x64xf32>
    %concatenate3A_162 = tpu.concatenate %add3A_157, %add3A_161 in 1 : vector<2048x64xf32>, vector<2048x64xf32> -> vector<2048x128xf32>
    %tanh3A_163 = math.tanh %concatenate3A_162 : vector<2048x128xf32>
    %get3A_164 = arith.constant 0 : index
    %get3A_165 = arith.constant 0 : index
    %get3A_166 = vector.load %arg1[%get3A_164, %get3A_165] : memref<2048x128xf32, #tpu.memory_space<vmem>>, vector<2048x128xf32>
    %get3A_167 = arith.constant 0 : index
    %get3A_168 = arith.constant 0 : index
    %get3A_169 = vector.load %arg5[%get3A_167, %get3A_168] : memref<2048x1xf32, #tpu.memory_space<vmem>>, vector<2048x1xf32>
    %get3A_170 = arith.constant 0 : index
    %get3A_171 = arith.constant 0 : index
    %get3A_172 = vector.load %arg13[%get3A_170, %get3A_171] : memref<128x64xf32, #tpu.memory_space<vmem>>, vector<128x64xf32>
    %get3A_173 = arith.constant 0 : index
    %get3A_174 = arith.constant 0 : index
    %get3A_175 = vector.load %arg14[%get3A_173, %get3A_174] : memref<1x64xf32, #tpu.memory_space<vmem>>, vector<1x64xf32>
    %dot_general3A_176 = arith.constant dense<0.000000e+00> : vector<2048x64xf32>
    %dot_general3A_177 = tpu.matmul %get3A_166, %get3A_172, %dot_general3A_176 {dimension_numbers = #tpu.dot_dimension_numbers<[1], [0], [0], [1], [0, 0, 1, 1], [], []>, transpose_lhs_hint = false} : vector<2048x128xf32>, vector<128x64xf32>, vector<2048x64xf32> -> vector<2048x64xf32>
    %mul3A_178 = arith.constant 2.000000e+02 : f32
    %mul3A_179 = vector.broadcast %mul3A_178 : f32 to vector<1x64xf32>
    %mul3A_180 = arith.mulf %mul3A_179, %get3A_175 : vector<1x64xf32>
    %add3A_181 = vector.broadcast %mul3A_180 : vector<1x64xf32> to vector<2048x64xf32>
    %add3A_182 = arith.addf %dot_general3A_177, %add3A_181 : vector<2048x64xf32>
    %div3A_183 = vector.broadcast %get3A_169 : vector<2048x1xf32> to vector<2048x64xf32>
    %div3A_184 = arith.divf %add3A_182, %div3A_183 : vector<2048x64xf32>
    %tanh3A_185 = math.tanh %div3A_184 : vector<2048x64xf32>
    %get3A_186 = arith.constant 0 : index
    %get3A_187 = arith.constant 0 : index
    %get3A_188 = vector.load %arg2[%get3A_186, %get3A_187] : memref<2048x128xf32, #tpu.memory_space<vmem>>, vector<2048x128xf32>
    %get3A_189 = arith.constant 0 : index
    %get3A_190 = arith.constant 0 : index
    %get3A_191 = vector.load %arg6[%get3A_189, %get3A_190] : memref<2048x1xf32, #tpu.memory_space<vmem>>, vector<2048x1xf32>
    %get3A_192 = arith.constant 0 : index
    %get3A_193 = arith.constant 0 : index
    %get3A_194 = vector.load %arg13[%get3A_192, %get3A_193] : memref<128x64xf32, #tpu.memory_space<vmem>>, vector<128x64xf32>
    %get3A_195 = arith.constant 0 : index
    %get3A_196 = arith.constant 0 : index
    %get3A_197 = vector.load %arg14[%get3A_195, %get3A_196] : memref<1x64xf32, #tpu.memory_space<vmem>>, vector<1x64xf32>
    %dot_general3A_198 = arith.constant dense<0.000000e+00> : vector<2048x64xf32>
    %dot_general3A_199 = tpu.matmul %get3A_188, %get3A_194, %dot_general3A_198 {dimension_numbers = #tpu.dot_dimension_numbers<[1], [0], [0], [1], [0, 0, 1, 1], [], []>, transpose_lhs_hint = false} : vector<2048x128xf32>, vector<128x64xf32>, vector<2048x64xf32> -> vector<2048x64xf32>
    %mul3A_200 = arith.constant 2.000000e+02 : f32
    %mul3A_201 = vector.broadcast %mul3A_200 : f32 to vector<1x64xf32>
    %mul3A_202 = arith.mulf %mul3A_201, %get3A_197 : vector<1x64xf32>
    %add3A_203 = vector.broadcast %mul3A_202 : vector<1x64xf32> to vector<2048x64xf32>
    %add3A_204 = arith.addf %dot_general3A_199, %add3A_203 : vector<2048x64xf32>
    %div3A_205 = vector.broadcast %get3A_191 : vector<2048x1xf32> to vector<2048x64xf32>
    %div3A_206 = arith.divf %add3A_204, %div3A_205 : vector<2048x64xf32>
    %tanh3A_207 = math.tanh %div3A_206 : vector<2048x64xf32>
    %concatenate3A_208 = tpu.concatenate %tanh3A_185, %tanh3A_163, %tanh3A_207 in 1 : vector<2048x64xf32>, vector<2048x128xf32>, vector<2048x64xf32> -> vector<2048x256xf32>
    %get3A_209 = arith.constant 0 : index
    %get3A_210 = arith.constant 0 : index
    %get3A_211 = vector.load %arg19[%get3A_209, %get3A_210] : memref<256x128xf32, #tpu.memory_space<vmem>>, vector<256x128xf32>
    %dot_general3A_212 = arith.constant dense<0.000000e+00> : vector<2048x128xf32>
    %dot_general3A_213 = tpu.matmul %concatenate3A_208, %get3A_211, %dot_general3A_212 {dimension_numbers = #tpu.dot_dimension_numbers<[1], [0], [0], [1], [0, 0, 1, 1], [], []>, transpose_lhs_hint = false} : vector<2048x256xf32>, vector<256x128xf32>, vector<2048x128xf32> -> vector<2048x128xf32>
    %get3A_214 = arith.constant 0 : index
    %get3A_215 = arith.constant 0 : index
    %get3A_216 = vector.load %arg20[%get3A_214, %get3A_215] : memref<1x128xf32, #tpu.memory_space<vmem>>, vector<1x128xf32>
    %add3A_217 = vector.broadcast %get3A_216 : vector<1x128xf32> to vector<2048x128xf32>
    %add3A_218 = arith.addf %dot_general3A_213, %add3A_217 : vector<2048x128xf32>
    %get3A_219 = arith.constant 0 : index
    %get3A_220 = arith.constant 0 : index
    %get3A_221 = vector.load %arg21[%get3A_219, %get3A_220] : memref<128x256xf32, #tpu.memory_space<vmem>>, vector<128x256xf32>
    %get3A_222 = arith.constant 0 : index
    %get3A_223 = arith.constant 0 : index
    %get3A_224 = vector.load %arg22[%get3A_222, %get3A_223] : memref<1x256xf32, #tpu.memory_space<vmem>>, vector<1x256xf32>
    %get3A_225 = arith.constant 0 : index
    %get3A_226 = arith.constant 0 : index
    %get3A_227 = vector.load %arg23[%get3A_225, %get3A_226] : memref<256x128xf32, #tpu.memory_space<vmem>>, vector<256x128xf32>
    %get3A_228 = arith.constant 0 : index
    %get3A_229 = arith.constant 0 : index
    %get3A_230 = vector.load %arg24[%get3A_228, %get3A_229] : memref<1x128xf32, #tpu.memory_space<vmem>>, vector<1x128xf32>
    %get3A_231 = arith.constant 0 : index
    %get3A_232 = arith.constant 0 : index
    %get3A_233 = vector.load %arg25[%get3A_231, %get3A_232] : memref<1x128xf32, #tpu.memory_space<vmem>>, vector<1x128xf32>
    %get3A_234 = arith.constant 0 : index
    %get3A_235 = arith.constant 0 : index
    %get3A_236 = vector.load %arg26[%get3A_234, %get3A_235] : memref<1x128xf32, #tpu.memory_space<vmem>>, vector<1x128xf32>
    %dot_general3A_237 = arith.constant dense<0.000000e+00> : vector<2048x256xf32>
    %dot_general3A_238 = tpu.matmul %add3A_218, %get3A_221, %dot_general3A_237 {dimension_numbers = #tpu.dot_dimension_numbers<[1], [0], [0], [1], [0, 0, 1, 1], [], []>, transpose_lhs_hint = false} : vector<2048x128xf32>, vector<128x256xf32>, vector<2048x256xf32> -> vector<2048x256xf32>
    %add3A_239 = vector.broadcast %get3A_224 : vector<1x256xf32> to vector<2048x256xf32>
    %add3A_240 = arith.addf %dot_general3A_238, %add3A_239 : vector<2048x256xf32>
    %max3A_241 = arith.constant 0.000000e+00 : f32
    %max3A_242 = vector.broadcast %max3A_241 : f32 to vector<2048x256xf32>
    %max3A_243 = arith.maximumf %add3A_240, %max3A_242 : vector<2048x256xf32>
    %dot_general3A_244 = arith.constant dense<0.000000e+00> : vector<2048x128xf32>
    %dot_general3A_245 = tpu.matmul %max3A_243, %get3A_227, %dot_general3A_244 {dimension_numbers = #tpu.dot_dimension_numbers<[1], [0], [0], [1], [0, 0, 1, 1], [], []>, transpose_lhs_hint = false} : vector<2048x256xf32>, vector<256x128xf32>, vector<2048x128xf32> -> vector<2048x128xf32>
    %add3A_246 = vector.broadcast %get3A_230 : vector<1x128xf32> to vector<2048x128xf32>
    %add3A_247 = arith.addf %dot_general3A_245, %add3A_246 : vector<2048x128xf32>
    %add3A_248 = arith.addf %add3A_247, %add3A_218 : vector<2048x128xf32>
    %reduce_sum3A_249 = arith.constant dense<0.000000e+00> : vector<2048xf32>
    %reduce_sum3A_250 = vector.multi_reduction <add>, %add3A_248, %reduce_sum3A_249 [1] : vector<2048x128xf32> to vector<2048xf32>
    %broadcast_in_dim3A_251 = vector.shape_cast %reduce_sum3A_250 : vector<2048xf32> to vector<2048x1xf32>
    %div3A_252 = arith.constant 1.280000e+02 : f32
    %div3A_253 = vector.broadcast %div3A_252 : f32 to vector<2048x1xf32>
    %div3A_254 = arith.divf %broadcast_in_dim3A_251, %div3A_253 : vector<2048x1xf32>
    %sub3A_255 = vector.broadcast %div3A_254 : vector<2048x1xf32> to vector<2048x128xf32>
    %sub3A_256 = arith.subf %add3A_248, %sub3A_255 : vector<2048x128xf32>
    %integer_pow3A_257 = arith.mulf %sub3A_256, %sub3A_256 : vector<2048x128xf32>
    %reduce_sum3A_258 = arith.constant dense<0.000000e+00> : vector<2048xf32>
    %reduce_sum3A_259 = vector.multi_reduction <add>, %integer_pow3A_257, %reduce_sum3A_258 [1] : vector<2048x128xf32> to vector<2048xf32>
    %broadcast_in_dim3A_260 = vector.shape_cast %reduce_sum3A_259 : vector<2048xf32> to vector<2048x1xf32>
    %div3A_261 = arith.constant 1.280000e+02 : f32
    %div3A_262 = vector.broadcast %div3A_261 : f32 to vector<2048x1xf32>
    %div3A_263 = arith.divf %broadcast_in_dim3A_260, %div3A_262 : vector<2048x1xf32>
    %sub3A_264 = vector.broadcast %div3A_254 : vector<2048x1xf32> to vector<2048x128xf32>
    %sub3A_265 = arith.subf %add3A_248, %sub3A_264 : vector<2048x128xf32>
    %mul3A_266 = vector.broadcast %get3A_233 : vector<1x128xf32> to vector<2048x128xf32>
    %mul3A_267 = arith.mulf %mul3A_266, %sub3A_265 : vector<2048x128xf32>
    %add3A_268 = arith.constant 9.99999974E-6 : f32
    %add3A_269 = vector.broadcast %add3A_268 : f32 to vector<2048x1xf32>
    %add3A_270 = arith.addf %div3A_263, %add3A_269 : vector<2048x1xf32>
    %rsqrt3A_271 = math.rsqrt %add3A_270 : vector<2048x1xf32>
    %mul3A_272 = vector.broadcast %rsqrt3A_271 : vector<2048x1xf32> to vector<2048x128xf32>
    %mul3A_273 = arith.mulf %mul3A_267, %mul3A_272 : vector<2048x128xf32>
    %add3A_274 = vector.broadcast %get3A_236 : vector<1x128xf32> to vector<2048x128xf32>
    %add3A_275 = arith.addf %mul3A_273, %add3A_274 : vector<2048x128xf32>
    %swap3A = arith.constant 0 : index
    %swap3A_276 = arith.constant 0 : index
    %swap3A_277 = vector.load %arg27[%swap3A, %swap3A_276] : memref<2048x128xf32, #tpu.memory_space<vmem>>, vector<2048x128xf32>
    tpu.vector_store %arg27[%swap3A, %swap3A_276], %add3A_275 {strides = array<i32>} : memref<2048x128xf32, #tpu.memory_space<vmem>>, vector<2048x128xf32>,
    %transpose3A = tpu.transpose %div3A_135, [1, 0] : vector<1x128xf32> -> vector<128x1xf32>
    %dot_general3A_278 = arith.constant dense<0.000000e+00> : vector<2048x1xf32>
    %dot_general3A_279 = tpu.matmul %add3A_275, %transpose3A, %dot_general3A_278 {dimension_numbers = #tpu.dot_dimension_numbers<[1], [0], [0], [1], [0, 0, 1, 1], [], []>, transpose_lhs_hint = false} : vector<2048x128xf32>, vector<128x1xf32>, vector<2048x1xf32> -> vector<2048x1xf32>
    %swap3A_280 = arith.constant 0 : index
    %swap3A_281 = arith.constant 0 : index
    %swap3A_282 = vector.load %arg28[%swap3A_280, %swap3A_281] : memref<2048x1xf32, #tpu.memory_space<vmem>>, vector<2048x1xf32>
    tpu.vector_store %arg28[%swap3A_280, %swap3A_281], %dot_general3A_279 {strides = array<i32>} : memref<2048x1xf32, #tpu.memory_space<vmem>>, vector<2048x1xf32>,
    return
  }
  func.func @transform_0(%arg0: i32) -> (i32, i32) {
    %c0_i32 = arith.constant 0 : i32
    %c0_i32_0 = arith.constant 0 : i32
    return %arg0, %c0_i32 : i32, i32
  }
  func.func @transform_1(%arg0: i32) -> (i32, i32) {
    %add3A = arith.constant 2 : i32
    %add3A_0 = arith.addi %arg0, %add3A : i32
    %c0_i32 = arith.constant 0 : i32
    %c0_i32_1 = arith.constant 0 : i32
    return %add3A_0, %c0_i32 : i32, i32
  }
  func.func @transform_2(%arg0: i32) -> (i32, i32) {
    %c0_i32 = arith.constant 0 : i32
    %c0_i32_0 = arith.constant 0 : i32
    return %arg0, %c0_i32 : i32, i32
  }
  func.func @transform_3(%arg0: i32) -> (i32, i32) {
    %add3A = arith.constant 2 : i32
    %add3A_0 = arith.addi %arg0, %add3A : i32
    %c0_i32 = arith.constant 0 : i32
    %c0_i32_1 = arith.constant 0 : i32
    return %add3A_0, %c0_i32 : i32, i32
  }
  func.func @transform_4(%arg0: i32) -> (i32, i32) {
    %c0_i32 = arith.constant 0 : i32
    %c0_i32_0 = arith.constant 0 : i32
    return %arg0, %c0_i32 : i32, i32
  }
  func.func @transform_5(%arg0: i32) -> (i32, i32) {
    %c0_i32 = arith.constant 0 : i32
    %c0_i32_0 = arith.constant 0 : i32
    return %arg0, %c0_i32 : i32, i32
  }
  func.func @transform_6(%arg0: i32) -> (i32, i32) {
    %c0_i32 = arith.constant 0 : i32
    %c0_i32_0 = arith.constant 0 : i32
    %c0_i32_1 = arith.constant 0 : i32
    return %c0_i32, %c0_i32_0 : i32, i32
  }
  func.func @transform_7(%arg0: i32) -> (i32, i32) {
    %c0_i32 = arith.constant 0 : i32
    %c0_i32_0 = arith.constant 0 : i32
    %c0_i32_1 = arith.constant 0 : i32
    return %c0_i32, %c0_i32_0 : i32, i32
  }
  func.func @transform_8(%arg0: i32) -> (i32, i32) {
    %c0_i32 = arith.constant 0 : i32
    %c0_i32_0 = arith.constant 0 : i32
    %c0_i32_1 = arith.constant 0 : i32
    return %c0_i32, %c0_i32_0 : i32, i32
  }
  func.func @transform_9(%arg0: i32) -> (i32, i32) {
    %c0_i32 = arith.constant 0 : i32
    %c0_i32_0 = arith.constant 0 : i32
    %c0_i32_1 = arith.constant 0 : i32
    return %c0_i32, %c0_i32_0 : i32, i32
  }
  func.func @transform_10(%arg0: i32) -> (i32, i32) {
    %c0_i32 = arith.constant 0 : i32
    %c0_i32_0 = arith.constant 0 : i32
    %c0_i32_1 = arith.constant 0 : i32
    return %c0_i32, %c0_i32_0 : i32, i32
  }
  func.func @transform_11(%arg0: i32) -> (i32, i32) {
    %c0_i32 = arith.constant 0 : i32
    %c0_i32_0 = arith.constant 0 : i32
    %c0_i32_1 = arith.constant 0 : i32
    return %c0_i32, %c0_i32_0 : i32, i32
  }
  func.func @transform_12(%arg0: i32) -> (i32, i32) {
    %c0_i32 = arith.constant 0 : i32
    %c0_i32_0 = arith.constant 0 : i32
    %c0_i32_1 = arith.constant 0 : i32
    return %c0_i32, %c0_i32_0 : i32, i32
  }
  func.func @transform_13(%arg0: i32) -> (i32, i32) {
    %c0_i32 = arith.constant 0 : i32
    %c0_i32_0 = arith.constant 0 : i32
    %c0_i32_1 = arith.constant 0 : i32
    return %c0_i32, %c0_i32_0 : i32, i32
  }
  func.func @transform_14(%arg0: i32) -> (i32, i32) {
    %c0_i32 = arith.constant 0 : i32
    %c0_i32_0 = arith.constant 0 : i32
    %c0_i32_1 = arith.constant 0 : i32
    return %c0_i32, %c0_i32_0 : i32, i32
  }
  func.func @transform_15(%arg0: i32) -> (i32, i32) {
    %c0_i32 = arith.constant 0 : i32
    %c0_i32_0 = arith.constant 0 : i32
    %c0_i32_1 = arith.constant 0 : i32
    return %c0_i32, %c0_i32_0 : i32, i32
  }
  func.func @transform_16(%arg0: i32) -> (i32, i32) {
    %c0_i32 = arith.constant 0 : i32
    %c0_i32_0 = arith.constant 0 : i32
    %c0_i32_1 = arith.constant 0 : i32
    return %c0_i32, %c0_i32_0 : i32, i32
  }
  func.func @transform_17(%arg0: i32) -> (i32, i32) {
    %c0_i32 = arith.constant 0 : i32
    %c0_i32_0 = arith.constant 0 : i32
    %c0_i32_1 = arith.constant 0 : i32
    return %c0_i32, %c0_i32_0 : i32, i32
  }
  func.func @transform_18(%arg0: i32) -> (i32, i32) {
    %c0_i32 = arith.constant 0 : i32
    %c0_i32_0 = arith.constant 0 : i32
    %c0_i32_1 = arith.constant 0 : i32
    return %c0_i32, %c0_i32_0 : i32, i32
  }
  func.func @transform_19(%arg0: i32) -> (i32, i32) {
    %c0_i32 = arith.constant 0 : i32
    %c0_i32_0 = arith.constant 0 : i32
    %c0_i32_1 = arith.constant 0 : i32
    return %c0_i32, %c0_i32_0 : i32, i32
  }
  func.func @transform_20(%arg0: i32) -> (i32, i32) {
    %c0_i32 = arith.constant 0 : i32
    %c0_i32_0 = arith.constant 0 : i32
    %c0_i32_1 = arith.constant 0 : i32
    return %c0_i32, %c0_i32_0 : i32, i32
  }
  func.func @transform_21(%arg0: i32) -> (i32, i32) {
    %c0_i32 = arith.constant 0 : i32
    %c0_i32_0 = arith.constant 0 : i32
    %c0_i32_1 = arith.constant 0 : i32
    return %c0_i32, %c0_i32_0 : i32, i32
  }
  func.func @transform_22(%arg0: i32) -> (i32, i32) {
    %c0_i32 = arith.constant 0 : i32
    %c0_i32_0 = arith.constant 0 : i32
    %c0_i32_1 = arith.constant 0 : i32
    return %c0_i32, %c0_i32_0 : i32, i32
  }
  func.func @transform_23(%arg0: i32) -> (i32, i32) {
    %c0_i32 = arith.constant 0 : i32
    %c0_i32_0 = arith.constant 0 : i32
    %c0_i32_1 = arith.constant 0 : i32
    return %c0_i32, %c0_i32_0 : i32, i32
  }
  func.func @transform_24(%arg0: i32) -> (i32, i32) {
    %c0_i32 = arith.constant 0 : i32
    %c0_i32_0 = arith.constant 0 : i32
    %c0_i32_1 = arith.constant 0 : i32
    return %c0_i32, %c0_i32_0 : i32, i32
  }
  func.func @transform_25(%arg0: i32) -> (i32, i32) {
    %c0_i32 = arith.constant 0 : i32
    %c0_i32_0 = arith.constant 0 : i32
    %c0_i32_1 = arith.constant 0 : i32
    return %c0_i32, %c0_i32_0 : i32, i32
  }
  func.func @transform_26(%arg0: i32) -> (i32, i32) {
    %c0_i32 = arith.constant 0 : i32
    %c0_i32_0 = arith.constant 0 : i32
    return %arg0, %c0_i32 : i32, i32
  }
  func.func @transform_27(%arg0: i32) -> (i32, i32) {
    %c0_i32 = arith.constant 0 : i32
    %c0_i32_0 = arith.constant 0 : i32
    return %arg0, %c0_i32 : i32, i32
  }
}

</mosaic_0001>

<sc_bundles>
// kernel: kernel.4.cloned.1.call-start
scs
__scs_entry_jumppad:
0x0: {  	(pc) =	sbr.rel $0x88, $3  }
0x1: {  	(tag) =	ssettag $0x0;
	lr =	simm.s32 $0x1  }
0x2: {  	[smem:$0x3F88] =	sst lr;
	_ =	strace $0xD0000000  }
0x3: {  	_ = 	snop  }
0x4: {  	_ = 	snop  }
0x5: {  	_ = 	snop  }
0x6: {  	_ = 	snop  }
0x7: {  	_ = 	snop  }
__scs_overlays_trampoline_lowered:
0x8: {  	[smem:$0x3F97] =	sst s0  }
0x9: {  	[smem:$0x3F98] =	sst s1  }
0xa: {  	[smem:$0x3F99] =	sst s2  }
0xb: {  	[smem:$0x3F9A] =	sst s3  }
0xc: {  	[smem:$0x3F9B] =	sst s4  }
0xd: {  	[smem:$0x3F9C] =	sst s5  }
0xe: {  	[smem:$0x3F9D] =	sst s6  }
0xf: {  	[smem:$0x3F9E] =	sst s7  }
0x10: {  	[smem:$0x3F9F] =	sst s8  }
0x11: {  	[smem:$0x3FA0] =	sst s9;
	s0 =	simm.s32 @!p0 $0x0  }
0x12: {  	s1 =	sld [smem:$0x3F86];
	s0 =	simm.s32 @p0 $0x1  }
0x13: {  	[smem:$0x3FA1] =	sst s0;
	s0 =	simm.s32 @!p1 $0x0  }
0x14: {  	s2 =	sld [smem:$0x3F85];
	s0 =	simm.s32 @p1 $0x1  }
0x15: {  	[smem:$0x3FA2] =	sst s0;
	s0 =	simm.s32 @!p2 $0x0  }
0x16: {  	s3 =	sld [smem:$0x3FDB];
	s0 =	simm.s32 @p2 $0x1  }
0x17: {  	s4 =	simm.s32 $0x1BF5;
	[smem:$0x3FA4] =	sst s0  }
0x18: {  	s0 =	sld [smem:$0x3F87];
	_ =	swait.ge [sflag:s4], $0x0  }
0x19: {  	s7 =	sld [smem:$0x3F88]  }
0x1a: {  	s8 =	sadd.s32 $0xFFFFE003, lr  }
0x1b: {  	s9 =	sadd.s32 $0xFFFFFEF7, lr;
	s5 =	simm.s32 $0xFFFFFFFF;
	p2 =	slt.u32 s8, $0xFFFFF086  }
0x1c: {  	p1 =	slt.u32 s9, $0xF7A;
	s5 =	simm.s32 @!p2 $0x0  }
0x1d: {  	s5 =	simm.s32 @p1 $0x1;
	p0 =	seq.s32 s7, s2  }
0x1e: {  	s7 =	smul.u32 @!p0 $0xF7A, s2;
	p2 =	seq.s32 @!p0 s5, $0x0  }
0x1f: {  	s9 =	smul.u32 $0xF7A, s1;
	s8 =	simm.s32 @!p0 $0x1BF5;
	p2 =	por !p2, p0  }
0x20: {  	[sflag:s8] =	ssyncset.s32 @!p0 $0xFFFFF086;
	s6 =	sadd.s32 @!p0 s3, s7;
	s7 =	simm.s32 @!p0 $0x108  }
0x21: {  	s3 =	sadd.s32 s3, s9;
	s6 =	sadd.s32 @!p0 $0x88, s6;
	s7 =	simm.s32 @p2 $0x1082  }
0x22: {  	[simem:s7], [sflag:s8] =	dma.local @!p0 [hbm:s6], $0xF7A  }
0x23: {  	s9 =	sor.u32 $0xD0000000, s2;
	s6 =	simm.s32 $0x108;
	_ =	swait.ge @!p0 [sflag:s8], $0x0  }
0x24: {  	s3 =	sadd.s32 $0x88, s3;
	s6 =	simm.s32 @!p1 $0x1082;
	[sflag:s4] =	ssyncset.s32 $0xFFFFF086  }
0x25: {  	[simem:s6], [sflag:s4] =	dma.local [hbm:s3], $0xF7A  }
0x26: {  	[smem:$0x3F88] =	sst s1;
	(tag) =	ssettag s2;
	_ =	strace s9  }
0x27: {  	s1 =	sld [smem:$0x3F98]  }
0x28: {  	s2 =	sld [smem:$0x3F99]  }
0x29: {  	s4 =	sld [smem:$0x3F9B]  }
0x2a: {  	p0 =	seq.s32 s5, $0x0;
	s5 =	sld [smem:$0x3F9C]  }
0x2b: {  	s6 =	sld [smem:$0x3F9D]  }
0x2c: {  	s7 =	sld [smem:$0x3F9E]  }
0x2d: {  	s3 =	simm.s32 $0x108;
	s8 =	sld [smem:$0x3F9F]  }
0x2e: {  	s3 =	simm.s32 @!p0 $0x1082;
	s9 =	sld [smem:$0x3FA0]  }
0x2f: {  	lr =	sadd.s32 s0, s3;
	s0 =	sld [smem:$0x3F97]  }
0x30: {  	s3 =	sld [smem:$0x3F9A]  }
0x31: {  	[smem:$0x3FA3] =	sst s10  }
0x32: {  	s10 =	sld [smem:$0x3FA1];
	_ =	sdelay $0x3  }
0x33: {  	p0 =	seq.s32 s10, $0x1;
	s10 =	sld [smem:$0x3FA3];
	_ =	sdelay $0x3  }
0x34: {  	[smem:$0x3FA3] =	sst s10  }
0x35: {  	s10 =	sld [smem:$0x3FA2];
	_ =	sdelay $0x3  }
0x36: {  	p1 =	seq.s32 s10, $0x1;
	s10 =	sld [smem:$0x3FA3];
	_ =	sdelay $0x3  }
0x37: {  	[smem:$0x3FA3] =	sst s10  }
0x38: {  	s10 =	sld [smem:$0x3FA4]  }
0x39: {  	_ = 	snop;
	(pc) =	sbr.ind lr, $3  }
0x3a: {  	_ = 	snop  }
0x3b: {  	_ = 	snop  }
0x3c: {  	p2 =	seq.s32 s10, $0x1;
	s10 =	sld [smem:$0x3FA3]  }
0x3d: {  	_ =	shalt  }
0x3e: {  	_ =	shalt  }
0x3f: {  	_ =	shalt  }
0x40: {  	_ =	shalt  }
0x41: {  	_ =	shalt  }
0x42: {  	_ =	shalt  }
0x43: {  	_ =	shalt  }
0x44: {  	_ =	shalt  }
0x45: {  	_ =	shalt  }
0x46: {  	_ =	shalt  }
0x47: {  	_ =	shalt  }
0x48: {  	_ =	shalt  }
0x49: {  	_ =	shalt  }
0x4a: {  	_ =	shalt  }
0x4b: {  	_ =	shalt  }
0x4c: {  	_ =	shalt  }
0x4d: {  	_ =	shalt  }
0x4e: {  	_ =	shalt  }
0x4f: {  	_ =	shalt  }
0x50: {  	_ =	shalt  }
0x51: {  	_ =	shalt  }
0x52: {  	_ =	shalt  }
0x53: {  	_ =	shalt  }
0x54: {  	_ =	shalt  }
0x55: {  	_ =	shalt  }
0x56: {  	_ =	shalt  }
0x57: {  	_ =	shalt  }
0x58: {  	_ =	shalt  }
0x59: {  	_ =	shalt  }
0x5a: {  	_ =	shalt  }
0x5b: {  	_ =	shalt  }
0x5c: {  	_ =	shalt  }
0x5d: {  	_ =	shalt  }
0x5e: {  	_ =	shalt  }
0x5f: {  	_ =	shalt  }
0x60: {  	_ =	shalt  }
0x61: {  	_ =	shalt  }
0x62: {  	_ =	shalt  }
0x63: {  	_ =	shalt  }
0x64: {  	_ =	shalt  }
0x65: {  	_ =	shalt  }
0x66: {  	_ =	shalt  }
0x67: {  	_ =	shalt  }
0x68: {  	_ =	shalt  }
0x69: {  	_ =	shalt  }
0x6a: {  	_ =	shalt  }
0x6b: {  	_ =	shalt  }
0x6c: {  	_ =	shalt  }
0x6d: {  	_ =	shalt  }
0x6e: {  	_ =	shalt  }
0x6f: {  	_ =	shalt  }
0x70: {  	_ =	shalt  }
0x71: {  	_ =	shalt  }
0x72: {  	_ =	shalt  }
0x73: {  	_ =	shalt  }
0x74: {  	_ =	shalt  }
0x75: {  	_ =	shalt  }
0x76: {  	_ =	shalt  }
0x77: {  	_ =	shalt  }
0x78: {  	_ =	shalt  }
0x79: {  	_ =	shalt  }
0x7a: {  	_ =	shalt  }
0x7b: {  	_ =	shalt  }
0x7c: {  	_ =	shalt  }
0x7d: {  	_ =	shalt  }
0x7e: {  	_ =	shalt  }
0x7f: {  	_ =	shalt  }
0x80: {  	_ =	shalt  }
0x81: {  	_ =	shalt  }
0x82: {  	_ =	shalt  }
0x83: {  	_ =	shalt  }
0x84: {  	_ =	shalt  }
0x85: {  	_ =	shalt  }
0x86: {  	_ =	shalt  }
0x87: {  	_ =	shalt  }
.Lfunc_end0:
.L_simem_size_0:
called_computation_lowered:
.L_overlay_start_0:
0x88: {  	s2 =	sld [smem:$0x3FD9]  }
0x89: {  	s3 =	sld [smem:$0x3FFE];
	_ =	sdelay $0x1  }
0x8a: {  	s1 =	srdreg.scid  }
0x8b: {  	s0 =	sand.u32 $0x1, s1  }
0x8c: {  	s14 =	sshll.u32 s0, $0xA;
	s2 =	sadd.s32 s3, s2  }
0x8d: {  	s2 =	sadd.s32 s2, s14  }
0x8e: {  	[smem:$0x3FAF] =	sst s2  }
0x8f: {  	_ = 	snop  }
0x90: {  	s2 =	sld [smem:$0x3FD0];
	_ =	sdelay $0x2  }
0x91: {  	s4 =	simm.s32 $0xA;
	s5 =	simm.s32 $0x10;
	s15 =	sld [smem:$0x3FBF]  }
0x92: {  	[smem:s5], [sflag:s4] =	dma.local [hbm:s2], $0x1  }
0x93: {  	_ =	swait.eq [sflag:s4], $0x1  }
0x94: {  	[sflag:s4] =	ssyncset.done $0x0  }
0x95: {  	s16 =	sld [smem:$0x10];
	[sflag:s4] =	ssyncadd.s32 $0xFFFFFFFF  }
0x96: {  	s17 =	sld [smem:$0x11];
	(tm) =	ssettm $0x1  }
0x97: {  	s18 =	sld [smem:$0x3FFB];
	_ =	sdelay $0x3  }
0x98: {  	_ =	strace s18  }
0x99: {  	s5 =	sld [smem:$0x3FFC];
	_ =	sdelay $0x3  }
0x9a: {  	_ =	strace s5  }
0x9b: {  	s5 =	sld [smem:$0x3FFD];
	_ =	sdelay $0x3  }
0x9c: {  	_ =	strace s5  }
0x9d: {  	_ =	strace $0x8FFFFFFF  }
0x9e: {  	s19 =	sld [smem:$0x3FDB];
	_ =	sdelay $0x1  }
0x9f: {  	s6 =	simm.s32 $_scs_section_size  }
0xa0: {  	s7 =	simm.s32 $_size__tile_overlayer_lowered;
	s8 =	simm.s32 $_tile_overlayer_lowered  }
0xa1: {  	s22 =	simm.s32 $0x1BFF;
	s21 =	sshll.u32 s8, $0x1;
	s5 =	sadd.s32 s6, s19  }
0xa2: {  	s9 =	simm.s32 $0x0;
	s20 =	sshll.u32 s7, $0x1;
	s7 =	sadd.s32 s21, s5  }
0xa3: {  	[timem:s9], [sflag:s22] =	dma.local [hbm:s7], s20  }
0xa4: {  	_ =	swait.ge [sflag:s22], s20  }
0xa5: {  	s6 =	ssub.s32 $0x0, s20;
	[sflag:s22] =	ssyncset.done $0x0  }
0xa6: {  	[sflag:s22] =	ssyncadd.s32 s6;
	_ =	sdelay $0x1  }
0xa7: {  	s23 =	simm.s32 $0x1B8B  }
0xa8: {  	_ =	swait.ge [sflag:s23], $0x1  }
0xa9: {  	[sflag:s23] =	ssyncset.done $0x0  }
0xaa: {  	s25 =	simm.s32 $0x1B8E;
	s24 =	sld [smem:$0x3FFE];
	[sflag:s23] =	ssyncadd.s32 $0xFFFFFFFF  }
0xab: {  	s26 =	simm.s32 $execute0_lowered;
	[smem:$0x3FD2] =	sst s25  }
0xac: {  	s7 =	sshll.u32 s26, $0x1;
	_ =	strace $0x80000046;
	[dreg:$0x1] =	wrdreg $0xFFFFFFFF  }
0xad: {  	s28 =	simm.s32 $_size_execute0_lowered;
	s5 =	sadd.s32 s5, s7;
	[dreg:$0x0] =	wrdreg $0x0  }
0xae: {  	s7 =	sshll.u32 s28, $0x1;
	[dreg:$0x2] =	wrdreg s5  }
0xaf: {  	[dreg:$0x3] =	wrdreg s7  }
0xb0: {  	[dreg:$0x4] =	wrdreg $0xC0  }
0xb1: {  	_ =	task [dreg:s9], $0x5FFFF  }
0xb2: {  	[dreg:$0x1] =	wrdreg $0xFFFFFFFF  }
0xb3: {  	[dreg:$0x0] =	wrdreg $0x60  }
0xb4: {  	[dreg:$0x2] =	wrdreg s15  }
0xb5: {  	[dreg:$0x3] =	wrdreg s24  }
0xb6: {  	[dreg:$0x4] =	wrdreg s17  }
0xb7: {  	[dreg:$0x5] =	wrdreg s16  }
0xb8: {  	[dreg:$0x6] =	wrdreg $0x9  }
0xb9: {  	_ =	task.clear_ibuf [dreg:s9], $0x7FFFF;
	_ =	strace $0x90000046  }
0xba: {  	s29 =	simm.s32 $0x9;
	_ =	strace $0x80000048  }
0xbb: {  	_ =	swait.ge [sflag:s29], $0x1  }
0xbc: {  	[sflag:s29] =	ssyncadd.s32 $0xFFFFFFFF  }
0xbd: {  	_ =	strace $0x90000048  }
0xbe: {  	_ =	sfence  }
0xbf: {  	s30 =	sld [smem:$0x0];
	_ =	sdelay $0x2  }
0xc0: {  	s31 =	sshll.u32 s1, $0xD;
	s1 =	sshrl.u32 s1, $0x2  }
0xc1: {  	s3 =	sand.u32 $0x4000, s31;
	s1 =	sadd.s32 s1, s30  }
0xc2: {  	s0 =	sor.u32 s3, s0;
	s1 =	sshll.u32 s1, $0x11  }
0xc3: {  	s0 =	sor.u32 s1, s0  }
0xc4: {  	s0 =	sadd.s32 $0x8F2B, s0  }
0xc5: {  	[sflag:s0] =	ssyncadd.remote.s32 $0x1  }
0xc6: {  	_ =	sfence.sel $0xFFFF  }
0xc7: {  	[dreg:$0x0] =	wrdreg $0xFFFFFFFF;
	(pc) =	sbr.abs _section_cstart, $3  }
0xc8: {  	[dreg:$0x1] =	wrdreg $0xFFFFFFFF  }
0xc9: {  	_ =	task.clear_ibuf [dreg:s9], $0x2FFFF;
	_ =	strace $0x9FFFFFFF  }
0xca: {  	(tm) =	ssettm $0x7FFFFFFF  }
0xcb: {  	_ =	shalt  }
tec
execute0_lowered:
.L_overlay_start_1:
0x0: {  	(tag) =	ssettag $0x1  }
0x1: {  	s0 =	rddreg [dreg:$0x1]  }
0x2: {  	s1 =	rddreg [dreg:$0x2]  }
0x3: {  	s2 =	rddreg [dreg:$0x3]  }
0x4: {  	s20 =	simm.s32 $0x0;
	s4 =	srdreg.scid;
	s3 =	stileid.u32  }
0x5: {  	s28 =	simm.s32 $0x14910;
	s29 =	simm.s32 $0x14920;
	s30 =	simm.s32 $0x14930  }
0x6: {  	s31 =	simm.s32 $0x14940;
	[smem:$0x7FF] =	sst s20;
	s5 =	sand.u32 $0x1, s4  }
0x7: {  	s6 =	sshll.u32 s3, $0x1;
	s4 =	sadd.s32 $0x4E00, s0;
	s7 =	sadd.s32 $0xC8400, s0  }
0x8: {  	s8 =	sadd.s32 $0xFA400, s0;
	s9 =	sadd.s32 $0xFAA00, s0;
	s10 =	sadd.s32 $0x11AA00, s0  }
0x9: {  	p1 =	sgt.u32 s3, $0x7;
	_ =	strace $0x80000047;
	s6 =	sor.u32 s5, s6  }
0xa: {  	[dreg:$0x5] =	wrdreg s8;
	s5 =	ssub.s32 $0x2, s5;
	s15 =	sshll.u32 s6, $0x4  }
0xb: {  	s16 =	sshrl.u32 s5, $0x1;
	s17 =	sshll.u32 s6, $0x8;
	s19 =	smul.u32 $0x19, s6  }
0xc: {  	s11 =	sshll.u32 s6, $0x5;
	s21 =	sshll.u32 s6, $0xC;
	s13 =	smul.u32 $0x1900, s6  }
0xd: {  	p0 =	sne.s32 s6, $0x0;
	s6 =	simm.s32 $0x149C0;
	s8 =	sadd.s32 s15, s0  }
0xe: {  	s0 =	sadd.s32 $0xFA800, s0;
	s2 =	sadd.s32 s2, s11;
	s18 =	sor.u32 $0x80, s17  }
0xf: {  	s14 =	sadd.s32 s10, s21;
	s24 =	sadd.s32 s9, s21;
	s21 =	simm.s32 $0x1  }
0x10: {  	s11 =	simm.s32 $0x14990;
	s17 =	simm.s32 $0x149A0;
	[dreg:$0x6] =	wrdreg s0  }
0x11: {  	s15 =	simm.s32 $0x2;
	s0 =	ssub.s32 s5, s16;
	[dreg:$0x7] =	wrdreg s2  }
0x12: {  	s12 =	sshll.u32 s18, $0x4;
	[dreg:$0x8] =	wrdreg s14;
	s2 =	smul.u32 $0x19, s18  }
0x13: {  	s1 =	sadd.s32 s1, s19;
	s22 =	sadd.s32 $0xFA600, s8;
	s23 =	sadd.s32 s7, s13  }
0x14: {  	[dreg:$0xd] =	wrdreg s24;
	s18 =	simm.s32 $0x3;
	s19 =	simm.s32 $0x80  }
0x15: {  	s24 =	simm.s32 $0x48;
	s5 =	simm.s32 $0x149B0;
	[dreg:$0xa] =	wrdreg s1  }
0x16: {  	s8 =	simm.s32 $0x149E0;
	s13 =	simm.s32 $0x9600;
	[dreg:$0xb] =	wrdreg s22  }
0x17: {  	s14 =	simm.s32 $0xB600;
	s10 =	sadd.s32 s10, s12;
	[dreg:$0xc] =	wrdreg s23  }
0x18: {  	s16 =	simm.s32 $0x0;
	s26 =	sadd.s32 s9, s12;
	[dreg:$0x9] =	wrdreg s10  }
0x19: {  	s0 =	smax.u32 s0, $0x1;
	s22 =	simm.s32 $0x14970;
	[dreg:$0xf] =	wrdreg s26  }
0x1a: {  	s9 =	simm.s32 $0x149F0;
	s25 =	sadd.s32 s7, s2;
	[dreg:$0x10] =	wrdreg s0  }
0x1b: {  	s26 =	simm.s32 $0x14900;
	s0 =	simm.s32 $0x14950;
	s2 =	simm.s32 $0x14960  }
0x1c: {  	s10 =	simm.s32 $0x14980;
	s7 =	simm.s32 $0x149D0;
	[dreg:$0xe] =	wrdreg s25  }
.LBB2_1:
0x1d: {  	s1 =	rddreg [dreg:$0x7];
	s12 =	simm.s32 $0x10800  }
0x1e: {  	[tilespmem:s12], [sflag:$0x3] =	stream.linear.gather [hbm4b:s1+s20], $0x100, $0x38;
	[tilespmem:$0x14A00] =	vst v63  }
0x1f: {  	_ =	swait.ge [sflag:s18], $0x100  }
0x20: {  	[sflag:s18] =	ssyncset.done $0x0  }
0x21: {  	[sflag:s18] =	ssyncadd.s32 $0xFFFFFF00  }
0x22: {  	s23 =	simm.s32 $0x10900;
	s3 =	rddreg [dreg:$0x0]  }
0x23: {  	[tilespmem:s23], [sflag:$0x1] =	stream.indirect.gather [hbm4b:s3+s19], $0x80, s12, s19, $0xb8;
	[tilespmem:$0x14A00] =	vst v63  }
0x24: {  	_ =	swait.ge [sflag:s21], $0x4000  }
0x25: {  	[sflag:s21] =	ssyncset.done $0x0  }
0x26: {  	s25 =	rddreg [dreg:$0x8];
	[sflag:s21] =	ssyncadd.s32 $0xFFFFC000  }
0x27: {  	[hbm4b:s25+s20] =	stream.linear.scatter [tilespmem:s23], [sflag:$0x3], $0x4000, $0x38;
	[tilespmem:$0x14A00] =	vst v63  }
0x28: {  	_ =	swait.ge [sflag:s18], $0x4000  }
0x29: {  	[sflag:s18] =	ssyncset.done $0x0  }
0x2a: {  	s12 =	simm.s32 $0x10880;
	[sflag:s18] =	ssyncadd.s32 $0xFFFFC000  }
0x2b: {  	[tilespmem:s23], [sflag:$0x1] =	stream.indirect.gather [hbm4b:s3+s19], $0x80, s12, s19, $0xb8;
	[tilespmem:$0x14A00] =	vst v63  }
0x2c: {  	_ =	swait.ge [sflag:s21], $0x4000  }
0x2d: {  	[sflag:s21] =	ssyncset.done $0x0  }
0x2e: {  	s25 =	rddreg [dreg:$0x9];
	[sflag:s21] =	ssyncadd.s32 $0xFFFFC000  }
0x2f: {  	[hbm4b:s25+s20] =	stream.linear.scatter [tilespmem:s23], [sflag:$0x3], $0x4000, $0x38;
	[tilespmem:$0x14A00] =	vst v63  }
0x30: {  	_ =	swait.ge [sflag:s18], $0x4000  }
0x31: {  	s1 =	simm.s32 @!p0 $0x0;
	[sflag:s18] =	ssyncset.done $0x0  }
0x32: {  	s12 =	simm.s32 @!p0 $0x10800;
	s20 =	rddreg [dreg:$0x5];
	[sflag:s18] =	ssyncadd.s32 $0xFFFFC000  }
0x33: {  	[tilespmem:s12], [sflag:$0x3] =	stream.linear.gather @!p0 [hbm4b:s20+s1], $0x10, $0x38;
	[tilespmem:$0x14A00] =	vst v63  }
0x34: {  	s20 =	simm.s32 @!p0 $0x3  }
0x35: {  	_ =	swait.ge @!p0 [sflag:s20], $0x10  }
0x36: {  	[sflag:s20] =	ssyncset.done @!p0 $0x0  }
0x37: {  	s23 =	simm.s32 @!p0 $0x10;
	s25 =	simm.s32 @!p0 $0x10900;
	[sflag:s20] =	ssyncadd.s32 @!p0 $0xFFFFFFF0  }
0x38: {  	[tilespmem:s25], [sflag:$0x1] =	stream.indirect.gather @!p0 [hbm4b:s3+s23], $0x80, s12, s23, $0xb8;
	[tilespmem:$0x14A00] =	vst v63  }
0x39: {  	s12 =	simm.s32 @!p0 $0x1  }
0x3a: {  	_ =	swait.ge @!p0 [sflag:s12], $0x800  }
0x3b: {  	[sflag:s12] =	ssyncset.done @!p0 $0x0  }
.Ltmp0:
0x3c: {  	s3 =	rddreg [dreg:$0x6];
	[sflag:s12] =	ssyncadd.s32 @!p0 $0xFFFFF800;
	(pc) =	sbr.rel @p1 .LBB2_5-.Ltmp0, $4  }
0x3d: {  	[hbm4b:s3+s1] =	stream.linear.scatter @!p0 [tilespmem:s25], [sflag:$0x3], $0x800, $0x38;
	[tilespmem:$0x14A00] =	vst v63  }
0x3e: {  	_ =	swait.ge @!p0 [sflag:s20], $0x800  }
0x3f: {  	[sflag:s20] =	ssyncset.done @!p0 $0x0  }
0x40: {  	[sflag:s20] =	ssyncadd.s32 @!p0 $0xFFFFF800  }
0x41: {  	s1 =	simm.s32 $0x0;
	s3 =	rddreg [dreg:$0xa]  }
0x42: {  	[tilespmem:s1], [sflag:$0x3] =	stream.linear.gather [hbm4b:s3+s1], $0xC8, $0x38;
	[tilespmem:$0x14A00] =	vst v63  }
0x43: {  	_ =	swait.ge [sflag:s18], $0xC8  }
0x44: {  	[sflag:s18] =	ssyncset.done $0x0  }
0x45: {  	s20 =	simm.s32 $0x6400;
	[sflag:s18] =	ssyncadd.s32 $0xFFFFFF38  }
0x46: {  	[tilespmem:s20], [sflag:$0x1] =	stream.indirect.gather [hbm4b:s4+s19], $0x40, s1, s19, $0xb8;
	[tilespmem:$0x14A00] =	vst v63  }
0x47: {  	s23 =	simm.s32 $0x8400  }
0x48: {  	[tilespmem:s23], [sflag:$0x1] =	stream.indirect.gather [hbm4b:s4+s24], $0x40, s19, s24, $0xb8;
	[tilespmem:$0x14A00] =	vst v63  }
0x49: {  	_ =	swait.ge [sflag:s21], $0x3200  }
0x4a: {  	[sflag:s21] =	ssyncset.done $0x0  }
0x4b: {  	v0 =	vimm.f32 $0.0e+00;
	[sflag:s21] =	ssyncadd.s32 $0xFFFFCE00  }
0x4c: {  	[tilespmem:$0x14900] =	vst v0  }
0x4d: {  	[tilespmem:$0x14910] =	vst v0  }
0x4e: {  	[tilespmem:$0x14920] =	vst v0  }
0x4f: {  	[tilespmem:$0x14930] =	vst v0  }
0x50: {  	[tilespmem:$0x14940] =	vst v0  }
0x51: {  	[tilespmem:$0x14950] =	vst v0  }
0x52: {  	[tilespmem:$0x14960] =	vst v0  }
0x53: {  	[tilespmem:$0x14970] =	vst v0  }
0x54: {  	[tilespmem:$0x14980] =	vst v0  }
0x55: {  	[tilespmem:$0x14990] =	vst v0  }
0x56: {  	[tilespmem:$0x149A0] =	vst v0  }
0x57: {  	[tilespmem:$0x149B0] =	vst v0  }
0x58: {  	[tilespmem:$0x149C0] =	vst v0  }
0x59: {  	[tilespmem:$0x149D0] =	vst v0  }
0x5a: {  	[tilespmem:$0x149E0] =	vst v0  }
0x5b: {  	s25 =	simm.s32 $0x0;
	[tilespmem:$0x149F0] =	vst v0  }
0x5c: {  	v1 =	vld [tilespmem:s25+$0x6420];
	_ =	sdelay $0x3  }
0x5d: {  	v2 =	vld [tilespmem:s25+$0x6410]  }
0x5e: {  	v3 =	vld [tilespmem:s25+$0x6400];
	v4 =	vunpack.i.l.bf16.f32 v1  }
0x5f: {  	v1 =	vunpack.i.u.bf16.f32 v1;
	[tilespmem:s26+$0x0] =	vst.add.f32.msk $0xffff, v4  }
0x60: {  	[tilespmem:s28+$0x0] =	vst.add.f32.msk $0xffff, v1  }
0x61: {  	v1 =	vld [tilespmem:s25+$0x6430];
	_ =	sdelay $0x4  }
0x62: {  	v4 =	vunpack.i.l.bf16.f32 v1  }
0x63: {  	v1 =	vunpack.i.u.bf16.f32 v1;
	[tilespmem:s29+$0x0] =	vst.add.f32.msk $0xffff, v4  }
0x64: {  	[tilespmem:s30+$0x0] =	vst.add.f32.msk $0xffff, v1  }
0x65: {  	v1 =	vld [tilespmem:s25+$0x6460];
	_ =	sdelay $0x3  }
0x66: {  	v4 =	vld [tilespmem:s25+$0x6450]  }
0x67: {  	v5 =	vld [tilespmem:s25+$0x6440];
	v6 =	vunpack.i.l.bf16.f32 v1  }
0x68: {  	v1 =	vunpack.i.u.bf16.f32 v1;
	[tilespmem:s31+$0x0] =	vst.add.f32.msk $0xffff, v6  }
0x69: {  	[tilespmem:s0+$0x0] =	vst.add.f32.msk $0xffff, v1  }
0x6a: {  	v1 =	vld [tilespmem:s25+$0x6470];
	_ =	sdelay $0x4  }
0x6b: {  	v6 =	vunpack.i.l.bf16.f32 v1  }
0x6c: {  	v1 =	vunpack.i.u.bf16.f32 v1;
	[tilespmem:s2+$0x0] =	vst.add.f32.msk $0xffff, v6  }
0x6d: {  	[tilespmem:s22+$0x0] =	vst.add.f32.msk $0xffff, v1  }
0x6e: {  	v1 =	vld [tilespmem:s25+$0x64A0];
	_ =	sdelay $0x3  }
0x6f: {  	v6 =	vld [tilespmem:s25+$0x6480]  }
0x70: {  	v7 =	vld [tilespmem:s25+$0x6490];
	v8 =	vunpack.i.l.bf16.f32 v1  }
0x71: {  	v1 =	vunpack.i.u.bf16.f32 v1;
	[tilespmem:s10+$0x0] =	vst.add.f32.msk $0xffff, v8  }
0x72: {  	[tilespmem:s11+$0x0] =	vst.add.f32.msk $0xffff, v1  }
0x73: {  	v1 =	vld [tilespmem:s25+$0x64B0];
	_ =	sdelay $0x4  }
0x74: {  	v60 =	vunpack.i.l.bf16.f32 v1  }
0x75: {  	v1 =	vunpack.i.u.bf16.f32 v1;
	[tilespmem:s17+$0x0] =	vst.add.f32.msk $0xffff, v60  }
0x76: {  	[tilespmem:s5+$0x0] =	vst.add.f32.msk $0xffff, v1  }
0x77: {  	v1 =	vld [tilespmem:s25+$0x64E0];
	_ =	sdelay $0x1  }
0x78: {  	v61 =	vunpack.i.u.bf16.f32 v2;
	v9 =	vunpack.i.u.bf16.f32 v3  }
0x79: {  	v2 =	vunpack.i.l.bf16.f32 v2;
	v3 =	vunpack.i.l.bf16.f32 v3;
	v9 =	vadd.f32 v9, v0  }
0x7a: {  	v3 =	vadd.f32 v3, v0;
	v2 =	vadd.f32 v2, v0;
	v12 =	vld [tilespmem:s25+$0x64C0]  }
0x7b: {  	v0 =	vadd.f32 v61, v0;
	v10 =	vunpack.i.u.bf16.f32 v4;
	v14 =	vld [tilespmem:s25+$0x64D0];
	v15 =	vunpack.i.l.bf16.f32 v1  }
0x7c: {  	v11 =	vunpack.i.u.bf16.f32 v5;
	v5 =	vunpack.i.l.bf16.f32 v5;
	v1 =	vunpack.i.u.bf16.f32 v1;
	[tilespmem:s6+$0x0] =	vst.add.f32.msk $0xffff, v15  }
0x7d: {  	v3 =	vadd.f32 v5, v3;
	v0 =	vadd.f32 v10, v0;
	[tilespmem:s7+$0x0] =	vst.add.f32.msk $0xffff, v1  }
0x7e: {  	v13 =	vunpack.i.u.bf16.f32 v6;
	v1 =	vunpack.i.l.bf16.f32 v4;
	v4 =	vadd.f32 v11, v9;
	v5 =	vld [tilespmem:s25+$0x64F0]  }
0x7f: {  	v6 =	vunpack.i.l.bf16.f32 v6;
	v62 =	vunpack.i.u.bf16.f32 v7;
	v1 =	vadd.f32 v1, v2  }
0x80: {  	v3 =	vadd.f32 v6, v3;
	v2 =	vunpack.i.l.bf16.f32 v7;
	v4 =	vadd.f32 v13, v4  }
0x81: {  	v6 =	vadd.f32 v2, v1;
	v1 =	vadd.f32 v62, v0;
	v0 =	vunpack.i.l.bf16.f32 v12  }
0x82: {  	v7 =	vunpack.i.l.bf16.f32 v14;
	v2 =	vunpack.i.u.bf16.f32 v12;
	v0 =	vadd.f32 v0, v3  }
0x83: {  	v3 =	vunpack.i.u.bf16.f32 v14;
	v2 =	vadd.f32 v2, v4;
	v63 =	vunpack.i.l.bf16.f32 v5  }
0x84: {  	s12 =	simm.s32 $0x800;
	s3 =	simm.s32 $0x0;
	s23 =	simm.s32 $0x400;
	v1 =	vadd.f32 v3, v1;
	v3 =	vadd.f32 v7, v6;
	v4 =	vunpack.i.u.bf16.f32 v5;
	[tilespmem:s8+$0x0] =	vst.add.f32.msk $0xffff, v63  }
.LBB2_3:
0x85: {  	p2 =	sne.s32 s12, $0xC400  }
0x86: {  	s1 =	sshra.s32 s23, $0x2;
	[tilespmem:s9+$0x0] =	vst.add.f32.msk $0xffff, v4;
	s23 =	smov.u32 s12;
	s12 =	sadd.s32 $0x400, s12  }
0x87: {  	v4 =	vld [tilespmem:s1+$0x6420];
	_ =	sdelay $0x3  }
0x88: {  	v5 =	vld [tilespmem:s1+$0x6410]  }
0x89: {  	v6 =	vld [tilespmem:s1+$0x6400];
	v7 =	vunpack.i.l.bf16.f32 v4  }
0x8a: {  	v4 =	vunpack.i.u.bf16.f32 v4;
	[tilespmem:s26+$0x0] =	vst.add.f32.msk $0xffff, v7  }
0x8b: {  	[tilespmem:s28+$0x0] =	vst.add.f32.msk $0xffff, v4  }
0x8c: {  	v4 =	vld [tilespmem:s1+$0x6430]  }
0x8d: {  	v7 =	vunpack.i.u.bf16.f32 v5;
	v5 =	vunpack.i.l.bf16.f32 v5  }
0x8e: {  	v8 =	vunpack.i.u.bf16.f32 v6;
	v6 =	vunpack.i.l.bf16.f32 v6;
	_ =	sdelay $0x2  }
0x8f: {  	v9 =	vunpack.i.l.bf16.f32 v4  }
0x90: {  	v4 =	vunpack.i.u.bf16.f32 v4;
	[tilespmem:s29+$0x0] =	vst.add.f32.msk $0xffff, v9  }
0x91: {  	[tilespmem:s30+$0x0] =	vst.add.f32.msk $0xffff, v4  }
0x92: {  	v4 =	vld [tilespmem:s1+$0x6460];
	_ =	sdelay $0x3  }
0x93: {  	v9 =	vld [tilespmem:s1+$0x6450]  }
0x94: {  	v10 =	vld [tilespmem:s1+$0x6440];
	v11 =	vunpack.i.l.bf16.f32 v4  }
0x95: {  	v4 =	vunpack.i.u.bf16.f32 v4;
	[tilespmem:s31+$0x0] =	vst.add.f32.msk $0xffff, v11  }
0x96: {  	[tilespmem:s0+$0x0] =	vst.add.f32.msk $0xffff, v4  }
0x97: {  	v4 =	vld [tilespmem:s1+$0x6470]  }
0x98: {  	v11 =	vunpack.i.u.bf16.f32 v9  }
0x99: {  	v12 =	vunpack.i.u.bf16.f32 v10;
	v10 =	vunpack.i.l.bf16.f32 v10;
	_ =	sdelay $0x2  }
0x9a: {  	v13 =	vunpack.i.l.bf16.f32 v4  }
0x9b: {  	v4 =	vunpack.i.u.bf16.f32 v4;
	[tilespmem:s2+$0x0] =	vst.add.f32.msk $0xffff, v13  }
0x9c: {  	[tilespmem:s22+$0x0] =	vst.add.f32.msk $0xffff, v4  }
0x9d: {  	v4 =	vld [tilespmem:s1+$0x64A0]  }
0x9e: {  	v13 =	vld [tilespmem:s1+$0x6480]  }
0x9f: {  	v14 =	vld [tilespmem:s1+$0x6490];
	_ =	sdelay $0x2  }
0xa0: {  	v15 =	vunpack.i.l.bf16.f32 v4  }
0xa1: {  	v4 =	vunpack.i.u.bf16.f32 v4;
	v16 =	vunpack.i.u.bf16.f32 v13;
	v13 =	vunpack.i.l.bf16.f32 v13;
	[tilespmem:s10+$0x0] =	vst.add.f32.msk $0xffff, v15  }
0xa2: {  	v15 =	vunpack.i.u.bf16.f32 v14;
	v14 =	vunpack.i.l.bf16.f32 v14;
	[tilespmem:s11+$0x0] =	vst.add.f32.msk $0xffff, v4  }
0xa3: {  	v4 =	vld [tilespmem:s1+$0x64B0];
	_ =	sdelay $0x4  }
0xa4: {  	v17 =	vunpack.i.l.bf16.f32 v4  }
0xa5: {  	v4 =	vunpack.i.u.bf16.f32 v4;
	[tilespmem:s17+$0x0] =	vst.add.f32.msk $0xffff, v17  }
0xa6: {  	[tilespmem:s5+$0x0] =	vst.add.f32.msk $0xffff, v4  }
0xa7: {  	v3 =	vadd.f32 v5, v3;
	v2 =	vadd.f32 v8, v2;
	v4 =	vld [tilespmem:s1+$0x64E0]  }
0xa8: {  	v1 =	vadd.f32 v7, v1;
	v0 =	vadd.f32 v6, v0;
	v5 =	vunpack.i.l.bf16.f32 v9;
	v6 =	vld [tilespmem:s1+$0x64C0]  }
0xa9: {  	v3 =	vadd.f32 v5, v3;
	v2 =	vadd.f32 v12, v2;
	v5 =	vld [tilespmem:s1+$0x64D0]  }
0xaa: {  	v1 =	vadd.f32 v11, v1;
	v0 =	vadd.f32 v10, v0  }
0xab: {  	v2 =	vadd.f32 v16, v2;
	v3 =	vadd.f32 v14, v3  }
0xac: {  	v0 =	vadd.f32 v13, v0;
	v1 =	vadd.f32 v15, v1;
	v7 =	vunpack.i.l.bf16.f32 v4  }
0xad: {  	v4 =	vunpack.i.u.bf16.f32 v4;
	v8 =	vunpack.i.u.bf16.f32 v6;
	v6 =	vunpack.i.l.bf16.f32 v6;
	[tilespmem:s6+$0x0] =	vst.add.f32.msk $0xffff, v7  }
0xae: {  	v0 =	vadd.f32 v6, v0;
	v6 =	vunpack.i.u.bf16.f32 v5;
	v5 =	vunpack.i.l.bf16.f32 v5;
	[tilespmem:s7+$0x0] =	vst.add.f32.msk $0xffff, v4  }
0xaf: {  	v2 =	vadd.f32 v8, v2;
	v1 =	vadd.f32 v6, v1;
	v4 =	vld [tilespmem:s1+$0x64F0]  }
0xb0: {  	v3 =	vadd.f32 v5, v3  }
.Ltmp1:
0xb1: {  	(pc) =	sbr.rel @p2 .LBB2_3-.Ltmp1, $3  }
0xb2: {  	_ =	sdelay $0x1  }
0xb3: {  	v5 =	vunpack.i.l.bf16.f32 v4  }
0xb4: {  	v4 =	vunpack.i.u.bf16.f32 v4;
	[tilespmem:s8+$0x0] =	vst.add.f32.msk $0xffff, v5  }
0xb5: {  	s1 =	sshra.s32 s23, $0x2;
	[tilespmem:s9+$0x0] =	vst.add.f32.msk $0xffff, v4  }
0xb6: {  	v4 =	vld [tilespmem:s1+$0x6420];
	_ =	sdelay $0x3  }
0xb7: {  	v5 =	vld [tilespmem:s1+$0x6410]  }
0xb8: {  	v6 =	vld [tilespmem:s1+$0x6400];
	v7 =	vunpack.i.l.bf16.f32 v4  }
0xb9: {  	v4 =	vunpack.i.u.bf16.f32 v4;
	[tilespmem:s26+$0x0] =	vst.add.f32.msk $0xffff, v7  }
0xba: {  	[tilespmem:s28+$0x0] =	vst.add.f32.msk $0xffff, v4  }
0xbb: {  	v4 =	vld [tilespmem:s1+$0x6430];
	_ =	sdelay $0x4  }
0xbc: {  	v33 =	vunpack.i.l.bf16.f32 v4  }
0xbd: {  	v4 =	vunpack.i.u.bf16.f32 v4;
	[tilespmem:s29+$0x0] =	vst.add.f32.msk $0xffff, v33  }
0xbe: {  	[tilespmem:s30+$0x0] =	vst.add.f32.msk $0xffff, v4  }
0xbf: {  	v4 =	vld [tilespmem:s1+$0x6460];
	_ =	sdelay $0x3  }
0xc0: {  	v7 =	vld [tilespmem:s1+$0x6450]  }
0xc1: {  	v8 =	vld [tilespmem:s1+$0x6440];
	v9 =	vunpack.i.l.bf16.f32 v4  }
0xc2: {  	v4 =	vunpack.i.u.bf16.f32 v4;
	[tilespmem:s31+$0x0] =	vst.add.f32.msk $0xffff, v9  }
0xc3: {  	[tilespmem:s0+$0x0] =	vst.add.f32.msk $0xffff, v4  }
0xc4: {  	v4 =	vld [tilespmem:s1+$0x6470];
	_ =	sdelay $0x4  }
0xc5: {  	v34 =	vunpack.i.l.bf16.f32 v4  }
0xc6: {  	v4 =	vunpack.i.u.bf16.f32 v4;
	[tilespmem:s2+$0x0] =	vst.add.f32.msk $0xffff, v34  }
0xc7: {  	[tilespmem:s22+$0x0] =	vst.add.f32.msk $0xffff, v4  }
0xc8: {  	v4 =	vld [tilespmem:s1+$0x64A0];
	_ =	sdelay $0x3  }
0xc9: {  	v9 =	vld [tilespmem:s1+$0x6480]  }
0xca: {  	v10 =	vld [tilespmem:s1+$0x6490];
	v11 =	vunpack.i.l.bf16.f32 v4  }
0xcb: {  	v4 =	vunpack.i.u.bf16.f32 v4;
	[tilespmem:s10+$0x0] =	vst.add.f32.msk $0xffff, v11  }
0xcc: {  	[tilespmem:s11+$0x0] =	vst.add.f32.msk $0xffff, v4  }
0xcd: {  	v4 =	vld [tilespmem:s1+$0x64B0];
	_ =	sdelay $0x4  }
0xce: {  	v35 =	vunpack.i.l.bf16.f32 v4  }
0xcf: {  	v4 =	vunpack.i.u.bf16.f32 v4;
	[tilespmem:s17+$0x0] =	vst.add.f32.msk $0xffff, v35  }
0xd0: {  	[tilespmem:s5+$0x0] =	vst.add.f32.msk $0xffff, v4  }
0xd1: {  	v4 =	vld [tilespmem:s1+$0x64E0];
	_ =	sdelay $0x3  }
0xd2: {  	v11 =	vld [tilespmem:s1+$0x64C0]  }
0xd3: {  	v12 =	vld [tilespmem:s1+$0x64D0];
	v13 =	vunpack.i.l.bf16.f32 v4  }
0xd4: {  	v4 =	vunpack.i.u.bf16.f32 v4;
	[tilespmem:s6+$0x0] =	vst.add.f32.msk $0xffff, v13  }
0xd5: {  	[tilespmem:s7+$0x0] =	vst.add.f32.msk $0xffff, v4  }
0xd6: {  	v4 =	vld [tilespmem:s1+$0x64F0];
	_ =	sdelay $0x4  }
0xd7: {  	v36 =	vunpack.i.l.bf16.f32 v4  }
0xd8: {  	v4 =	vunpack.i.u.bf16.f32 v4;
	[tilespmem:s8+$0x0] =	vst.add.f32.msk $0xffff, v36  }
0xd9: {  	[tilespmem:s9+$0x0] =	vst.add.f32.msk $0xffff, v4  }
0xda: {  	v4 =	vld [tilespmem:$0x14900]  }
0xdb: {  	v13 =	vld [tilespmem:$0x14940]  }
0xdc: {  	v14 =	vld [tilespmem:$0x14980]  }
0xdd: {  	v15 =	vunpack.i.u.bf16.f32 v5;
	v16 =	vunpack.i.u.bf16.f32 v6;
	v5 =	vunpack.i.l.bf16.f32 v5;
	v17 =	vld [tilespmem:$0x149C0]  }
0xde: {  	v6 =	vunpack.i.l.bf16.f32 v6;
	v2 =	vadd.f32 v16, v2;
	v3 =	vadd.f32 v5, v3;
	v37 =	vld [tilespmem:$0x14910]  }
0xdf: {  	v0 =	vadd.f32 v6, v0;
	v1 =	vadd.f32 v15, v1;
	v38 =	vld [tilespmem:$0x14950]  }
0xe0: {  	v18 =	vunpack.i.u.bf16.f32 v7;
	v39 =	vunpack.i.u.bf16.f32 v8;
	v7 =	vunpack.i.l.bf16.f32 v7;
	v40 =	vld [tilespmem:$0x14990]  }
0xe1: {  	v8 =	vunpack.i.l.bf16.f32 v8;
	v2 =	vadd.f32 v39, v2;
	v3 =	vadd.f32 v7, v3;
	v41 =	vld [tilespmem:$0x149D0]  }
0xe2: {  	v0 =	vadd.f32 v8, v0;
	v1 =	vadd.f32 v18, v1;
	v42 =	vunpack.i.u.bf16.f32 v9;
	v43 =	vld [tilespmem:$0x14920]  }
0xe3: {  	v9 =	vunpack.i.l.bf16.f32 v9;
	v44 =	vunpack.i.l.bf16.f32 v10;
	v2 =	vadd.f32 v42, v2;
	v45 =	vld [tilespmem:$0x14960]  }
0xe4: {  	v10 =	vunpack.i.u.bf16.f32 v10;
	v3 =	vadd.f32 v44, v3;
	v0 =	vadd.f32 v9, v0;
	v46 =	vld [tilespmem:$0x14930]  }
0xe5: {  	v1 =	vadd.f32 v10, v1;
	v47 =	vunpack.i.u.bf16.f32 v11;
	v11 =	vunpack.i.l.bf16.f32 v11;
	v48 =	vld [tilespmem:$0x14970]  }
0xe6: {  	v49 =	vunpack.i.u.bf16.f32 v12;
	v0 =	vadd.f32 v11, v0;
	v2 =	vadd.f32 v47, v2;
	v50 =	vld [tilespmem:$0x149A0]  }
0xe7: {  	v51 =	vunpack.i.l.bf16.f32 v12;
	v1 =	vadd.f32 v49, v1;
	v52 =	vld [tilespmem:$0x149B0];
	v4 =	vadd.f32 v13, v4  }
0xe8: {  	v3 =	vadd.f32 v51, v3;
	v53 =	vld [tilespmem:$0x149E0];
	v5 =	vadd.f32 v38, v37  }
0xe9: {  	[tilespmem:$0xC800] =	vst v0;
	v56 =	vld [tilespmem:$0x149F0];
	v55 =	vadd.f32 v45, v43;
	v54 =	vadd.f32 v14, v4  }
0xea: {  	[tilespmem:$0xC810] =	vst v2;
	v58 =	vadd.f32 v48, v46;
	v57 =	vadd.f32 v40, v5  }
0xeb: {  	[tilespmem:$0xC820] =	vst v3;
	v59 =	vadd.f32 v50, v55;
	v0 =	vadd.f32 v17, v54  }
0xec: {  	[tilespmem:$0xC830] =	vst v1;
	v61 =	vadd.f32 v52, v58;
	v60 =	vadd.f32 v41, v57  }
0xed: {  	v62 =	vadd.f32 v53, v59;
	[tilespmem:$0xC840] =	vst v0  }
0xee: {  	v63 =	vadd.f32 v56, v61;
	[tilespmem:$0xC850] =	vst v60  }
0xef: {  	[tilespmem:$0xC860] =	vst v62  }
0xf0: {  	s25 =	rddreg [dreg:$0xb];
	s12 =	simm.s32 $0xC800;
	[tilespmem:$0xC870] =	vst v63  }
0xf1: {  	[hbm4b:s25+s3] =	stream.linear.scatter [tilespmem:s12], [sflag:$0x3], $0x80, $0x38;
	[tilespmem:$0x14A00] =	vst v63  }
0xf2: {  	_ =	swait.ge [sflag:s18], $0x80  }
0xf3: {  	[sflag:s18] =	ssyncset.done $0x0  }
0xf4: {  	[sflag:s18] =	ssyncadd.s32 $0xFFFFFF80  }
.LBB2_5:
0xf5: {  	s23 =	simm.s32 $0x0;
	s1 =	rddreg [dreg:$0xc]  }
0xf6: {  	[tilespmem:s23], [sflag:$0x3] =	stream.linear.gather [hbm4b:s1+s23], $0x6400, $0x38;
	[tilespmem:$0x14A00] =	vst v63  }
0xf7: {  	_ =	swait.ge [sflag:s18], $0x6400  }
0xf8: {  	[sflag:s18] =	ssyncset.done $0x0  }
0xf9: {  	s20 =	simm.s32 $0x6400;
	[sflag:s18] =	ssyncadd.s32 $0xFFFF9C00  }
0xfa: {  	[tilespmem:s20], [sflag:$0x1] =	stream.indirect.gather [hbm4b:s4+s19], $0x40, s23, s19, $0xb8;
	[tilespmem:$0x14A00] =	vst v63  }
0xfb: {  	s25 =	simm.s32 $0x8400  }
0xfc: {  	[tilespmem:s25], [sflag:$0x1] =	stream.indirect.gather [hbm4b:s4+s24], $0x40, s19, s24, $0xb8;
	[tilespmem:$0x14A00] =	vst v63  }
.LBB2_6:
0xfd: {  	s25 =	sshllo.u32 s23, $0x1  }
0xfe: {  	s1 =	smul.u32 $0x320, s25;
	_ =	sdelay $0x1  }
0xff: {  	s1 =	sshra.s32 s1, $0x2  }
0x100: {  	[tilespmem:s13], [sflag:$0x2] =	stream.indirect.gather [hbm4b:s4+s19], $0x40, s1, s19, $0xb8;
	[tilespmem:$0x14A00] =	vst v63  }
0x101: {  	s1 =	sadd.s32 $0x80, s1  }
0x102: {  	[tilespmem:s14], [sflag:$0x2] =	stream.indirect.gather [hbm4b:s4+s24], $0x40, s1, s24, $0xb8;
	[tilespmem:$0x14A00] =	vst v63  }
0x103: {  	_ =	swait.ge [sflag:s21], $0x3200  }
0x104: {  	[sflag:s21] =	ssyncset.done $0x0  }
0x105: {  	v0 =	vimm.f32 $0.0e+00;
	[sflag:s21] =	ssyncadd.s32 $0xFFFFCE00  }
0x106: {  	[tilespmem:$0x14900] =	vst v0  }
0x107: {  	[tilespmem:$0x14910] =	vst v0  }
0x108: {  	[tilespmem:$0x14920] =	vst v0  }
0x109: {  	[tilespmem:$0x14930] =	vst v0  }
0x10a: {  	[tilespmem:$0x14940] =	vst v0  }
0x10b: {  	[tilespmem:$0x14950] =	vst v0  }
0x10c: {  	[tilespmem:$0x14960] =	vst v0  }
0x10d: {  	[tilespmem:$0x14970] =	vst v0  }
0x10e: {  	[tilespmem:$0x14980] =	vst v0  }
0x10f: {  	[tilespmem:$0x14990] =	vst v0  }
0x110: {  	[tilespmem:$0x149A0] =	vst v0  }
0x111: {  	[tilespmem:$0x149B0] =	vst v0  }
0x112: {  	[tilespmem:$0x149C0] =	vst v0  }
0x113: {  	[tilespmem:$0x149D0] =	vst v0  }
0x114: {  	[tilespmem:$0x149E0] =	vst v0  }
0x115: {  	s20 =	simm.s32 $0x0;
	[tilespmem:$0x149F0] =	vst v0  }
0x116: {  	v1 =	vld [tilespmem:s20+$0x6420];
	_ =	sdelay $0x3  }
0x117: {  	v2 =	vld [tilespmem:s20+$0x6410]  }
0x118: {  	v3 =	vld [tilespmem:s20+$0x6400];
	v4 =	vunpack.i.l.bf16.f32 v1  }
0x119: {  	v1 =	vunpack.i.u.bf16.f32 v1;
	[tilespmem:s26+$0x0] =	vst.add.f32.msk $0xffff, v4  }
0x11a: {  	[tilespmem:s28+$0x0] =	vst.add.f32.msk $0xffff, v1  }
0x11b: {  	v1 =	vld [tilespmem:s20+$0x6430];
	_ =	sdelay $0x4  }
0x11c: {  	v4 =	vunpack.i.l.bf16.f32 v1  }
0x11d: {  	v1 =	vunpack.i.u.bf16.f32 v1;
	[tilespmem:s29+$0x0] =	vst.add.f32.msk $0xffff, v4  }
0x11e: {  	[tilespmem:s30+$0x0] =	vst.add.f32.msk $0xffff, v1  }
0x11f: {  	v1 =	vld [tilespmem:s20+$0x6460];
	_ =	sdelay $0x3  }
0x120: {  	v4 =	vld [tilespmem:s20+$0x6450]  }
0x121: {  	v5 =	vld [tilespmem:s20+$0x6440];
	v6 =	vunpack.i.l.bf16.f32 v1  }
0x122: {  	v1 =	vunpack.i.u.bf16.f32 v1;
	[tilespmem:s31+$0x0] =	vst.add.f32.msk $0xffff, v6  }
0x123: {  	[tilespmem:s0+$0x0] =	vst.add.f32.msk $0xffff, v1  }
0x124: {  	v1 =	vld [tilespmem:s20+$0x6470];
	_ =	sdelay $0x4  }
0x125: {  	v6 =	vunpack.i.l.bf16.f32 v1  }
0x126: {  	v1 =	vunpack.i.u.bf16.f32 v1;
	[tilespmem:s2+$0x0] =	vst.add.f32.msk $0xffff, v6  }
0x127: {  	[tilespmem:s22+$0x0] =	vst.add.f32.msk $0xffff, v1  }
0x128: {  	v1 =	vld [tilespmem:s20+$0x64A0];
	_ =	sdelay $0x3  }
0x129: {  	v6 =	vld [tilespmem:s20+$0x6480]  }
0x12a: {  	v7 =	vld [tilespmem:s20+$0x6490];
	v8 =	vunpack.i.l.bf16.f32 v1  }
0x12b: {  	v1 =	vunpack.i.u.bf16.f32 v1;
	[tilespmem:s10+$0x0] =	vst.add.f32.msk $0xffff, v8  }
0x12c: {  	[tilespmem:s11+$0x0] =	vst.add.f32.msk $0xffff, v1  }
0x12d: {  	v1 =	vld [tilespmem:s20+$0x64B0];
	_ =	sdelay $0x4  }
0x12e: {  	v60 =	vunpack.i.l.bf16.f32 v1  }
0x12f: {  	v1 =	vunpack.i.u.bf16.f32 v1;
	[tilespmem:s17+$0x0] =	vst.add.f32.msk $0xffff, v60  }
0x130: {  	[tilespmem:s5+$0x0] =	vst.add.f32.msk $0xffff, v1  }
0x131: {  	v1 =	vld [tilespmem:s20+$0x64E0];
	_ =	sdelay $0x1  }
0x132: {  	v61 =	vunpack.i.u.bf16.f32 v2;
	v9 =	vunpack.i.u.bf16.f32 v3  }
0x133: {  	v2 =	vunpack.i.l.bf16.f32 v2;
	v3 =	vunpack.i.l.bf16.f32 v3;
	v9 =	vadd.f32 v9, v0  }
0x134: {  	v3 =	vadd.f32 v3, v0;
	v2 =	vadd.f32 v2, v0;
	v12 =	vld [tilespmem:s20+$0x64C0]  }
0x135: {  	v0 =	vadd.f32 v61, v0;
	v10 =	vunpack.i.u.bf16.f32 v4;
	v14 =	vld [tilespmem:s20+$0x64D0];
	v15 =	vunpack.i.l.bf16.f32 v1  }
0x136: {  	v11 =	vunpack.i.u.bf16.f32 v5;
	v5 =	vunpack.i.l.bf16.f32 v5;
	v1 =	vunpack.i.u.bf16.f32 v1;
	[tilespmem:s6+$0x0] =	vst.add.f32.msk $0xffff, v15  }
0x137: {  	v3 =	vadd.f32 v5, v3;
	v0 =	vadd.f32 v10, v0;
	[tilespmem:s7+$0x0] =	vst.add.f32.msk $0xffff, v1  }
0x138: {  	v13 =	vunpack.i.u.bf16.f32 v6;
	v1 =	vunpack.i.l.bf16.f32 v4;
	v4 =	vadd.f32 v11, v9;
	v5 =	vld [tilespmem:s20+$0x64F0]  }
0x139: {  	v6 =	vunpack.i.l.bf16.f32 v6;
	v62 =	vunpack.i.u.bf16.f32 v7;
	v1 =	vadd.f32 v1, v2  }
0x13a: {  	v3 =	vadd.f32 v6, v3;
	v2 =	vunpack.i.l.bf16.f32 v7;
	v4 =	vadd.f32 v13, v4  }
0x13b: {  	v6 =	vadd.f32 v2, v1;
	v1 =	vadd.f32 v62, v0;
	v0 =	vunpack.i.l.bf16.f32 v12  }
0x13c: {  	v7 =	vunpack.i.l.bf16.f32 v14;
	v2 =	vunpack.i.u.bf16.f32 v12;
	v0 =	vadd.f32 v0, v3  }
0x13d: {  	v3 =	vunpack.i.u.bf16.f32 v14;
	v2 =	vadd.f32 v2, v4;
	v63 =	vunpack.i.l.bf16.f32 v5  }
0x13e: {  	s12 =	simm.s32 $0x400;
	s1 =	simm.s32 $0x800;
	v1 =	vadd.f32 v3, v1;
	v3 =	vadd.f32 v7, v6;
	v4 =	vunpack.i.u.bf16.f32 v5;
	[tilespmem:s8+$0x0] =	vst.add.f32.msk $0xffff, v63  }
.LBB2_7:
0x13f: {  	p2 =	sne.s32 s1, $0xC400  }
0x140: {  	s20 =	sshra.s32 s12, $0x2;
	[tilespmem:s9+$0x0] =	vst.add.f32.msk $0xffff, v4;
	s12 =	smov.u32 s1;
	s1 =	sadd.s32 $0x400, s1  }
0x141: {  	v4 =	vld [tilespmem:s20+$0x6420];
	_ =	sdelay $0x3  }
0x142: {  	v5 =	vld [tilespmem:s20+$0x6410]  }
0x143: {  	v6 =	vld [tilespmem:s20+$0x6400];
	v7 =	vunpack.i.l.bf16.f32 v4  }
0x144: {  	v4 =	vunpack.i.u.bf16.f32 v4;
	[tilespmem:s26+$0x0] =	vst.add.f32.msk $0xffff, v7  }
0x145: {  	[tilespmem:s28+$0x0] =	vst.add.f32.msk $0xffff, v4  }
0x146: {  	v4 =	vld [tilespmem:s20+$0x6430]  }
0x147: {  	v7 =	vunpack.i.u.bf16.f32 v5;
	v5 =	vunpack.i.l.bf16.f32 v5  }
0x148: {  	v8 =	vunpack.i.u.bf16.f32 v6;
	v6 =	vunpack.i.l.bf16.f32 v6;
	_ =	sdelay $0x2  }
0x149: {  	v9 =	vunpack.i.l.bf16.f32 v4  }
0x14a: {  	v4 =	vunpack.i.u.bf16.f32 v4;
	[tilespmem:s29+$0x0] =	vst.add.f32.msk $0xffff, v9  }
0x14b: {  	[tilespmem:s30+$0x0] =	vst.add.f32.msk $0xffff, v4  }
0x14c: {  	v4 =	vld [tilespmem:s20+$0x6460];
	_ =	sdelay $0x3  }
0x14d: {  	v9 =	vld [tilespmem:s20+$0x6450]  }
0x14e: {  	v10 =	vld [tilespmem:s20+$0x6440];
	v11 =	vunpack.i.l.bf16.f32 v4  }
0x14f: {  	v4 =	vunpack.i.u.bf16.f32 v4;
	[tilespmem:s31+$0x0] =	vst.add.f32.msk $0xffff, v11  }
0x150: {  	[tilespmem:s0+$0x0] =	vst.add.f32.msk $0xffff, v4  }
0x151: {  	v4 =	vld [tilespmem:s20+$0x6470]  }
0x152: {  	v11 =	vunpack.i.u.bf16.f32 v9  }
0x153: {  	v12 =	vunpack.i.u.bf16.f32 v10;
	v10 =	vunpack.i.l.bf16.f32 v10;
	_ =	sdelay $0x2  }
0x154: {  	v13 =	vunpack.i.l.bf16.f32 v4  }
0x155: {  	v4 =	vunpack.i.u.bf16.f32 v4;
	[tilespmem:s2+$0x0] =	vst.add.f32.msk $0xffff, v13  }
0x156: {  	[tilespmem:s22+$0x0] =	vst.add.f32.msk $0xffff, v4  }
0x157: {  	v4 =	vld [tilespmem:s20+$0x64A0]  }
0x158: {  	v13 =	vld [tilespmem:s20+$0x6480]  }
0x159: {  	v14 =	vld [tilespmem:s20+$0x6490];
	_ =	sdelay $0x2  }
0x15a: {  	v15 =	vunpack.i.l.bf16.f32 v4  }
0x15b: {  	v4 =	vunpack.i.u.bf16.f32 v4;
	v16 =	vunpack.i.u.bf16.f32 v13;
	v13 =	vunpack.i.l.bf16.f32 v13;
	[tilespmem:s10+$0x0] =	vst.add.f32.msk $0xffff, v15  }
0x15c: {  	v15 =	vunpack.i.u.bf16.f32 v14;
	v14 =	vunpack.i.l.bf16.f32 v14;
	[tilespmem:s11+$0x0] =	vst.add.f32.msk $0xffff, v4  }
0x15d: {  	v4 =	vld [tilespmem:s20+$0x64B0];
	_ =	sdelay $0x4  }
0x15e: {  	v17 =	vunpack.i.l.bf16.f32 v4  }
0x15f: {  	v4 =	vunpack.i.u.bf16.f32 v4;
	[tilespmem:s17+$0x0] =	vst.add.f32.msk $0xffff, v17  }
0x160: {  	[tilespmem:s5+$0x0] =	vst.add.f32.msk $0xffff, v4  }
0x161: {  	v3 =	vadd.f32 v5, v3;
	v2 =	vadd.f32 v8, v2;
	v4 =	vld [tilespmem:s20+$0x64E0]  }
0x162: {  	v1 =	vadd.f32 v7, v1;
	v0 =	vadd.f32 v6, v0;
	v5 =	vunpack.i.l.bf16.f32 v9;
	v6 =	vld [tilespmem:s20+$0x64C0]  }
0x163: {  	v3 =	vadd.f32 v5, v3;
	v2 =	vadd.f32 v12, v2;
	v5 =	vld [tilespmem:s20+$0x64D0]  }
0x164: {  	v1 =	vadd.f32 v11, v1;
	v0 =	vadd.f32 v10, v0  }
0x165: {  	v2 =	vadd.f32 v16, v2;
	v3 =	vadd.f32 v14, v3  }
0x166: {  	v0 =	vadd.f32 v13, v0;
	v1 =	vadd.f32 v15, v1;
	v7 =	vunpack.i.l.bf16.f32 v4  }
0x167: {  	v4 =	vunpack.i.u.bf16.f32 v4;
	v8 =	vunpack.i.u.bf16.f32 v6;
	v6 =	vunpack.i.l.bf16.f32 v6;
	[tilespmem:s6+$0x0] =	vst.add.f32.msk $0xffff, v7  }
0x168: {  	v0 =	vadd.f32 v6, v0;
	v6 =	vunpack.i.u.bf16.f32 v5;
	v5 =	vunpack.i.l.bf16.f32 v5;
	[tilespmem:s7+$0x0] =	vst.add.f32.msk $0xffff, v4  }
0x169: {  	v2 =	vadd.f32 v8, v2;
	v1 =	vadd.f32 v6, v1;
	v4 =	vld [tilespmem:s20+$0x64F0]  }
0x16a: {  	v3 =	vadd.f32 v5, v3  }
.Ltmp2:
0x16b: {  	(pc) =	sbr.rel @p2 .LBB2_7-.Ltmp2, $3  }
0x16c: {  	_ =	sdelay $0x1  }
0x16d: {  	v5 =	vunpack.i.l.bf16.f32 v4  }
0x16e: {  	v4 =	vunpack.i.u.bf16.f32 v4;
	[tilespmem:s8+$0x0] =	vst.add.f32.msk $0xffff, v5  }
0x16f: {  	s1 =	sshra.s32 s12, $0x2;
	[tilespmem:s9+$0x0] =	vst.add.f32.msk $0xffff, v4  }
0x170: {  	v4 =	vld [tilespmem:s1+$0x6420];
	_ =	sdelay $0x3  }
0x171: {  	v5 =	vld [tilespmem:s1+$0x6410]  }
0x172: {  	v6 =	vld [tilespmem:s1+$0x6400];
	v7 =	vunpack.i.l.bf16.f32 v4  }
0x173: {  	v4 =	vunpack.i.u.bf16.f32 v4;
	[tilespmem:s26+$0x0] =	vst.add.f32.msk $0xffff, v7  }
0x174: {  	[tilespmem:s28+$0x0] =	vst.add.f32.msk $0xffff, v4  }
0x175: {  	v4 =	vld [tilespmem:s1+$0x6430];
	_ =	sdelay $0x4  }
0x176: {  	v7 =	vunpack.i.l.bf16.f32 v4  }
0x177: {  	v4 =	vunpack.i.u.bf16.f32 v4;
	[tilespmem:s29+$0x0] =	vst.add.f32.msk $0xffff, v7  }
0x178: {  	[tilespmem:s30+$0x0] =	vst.add.f32.msk $0xffff, v4  }
0x179: {  	v4 =	vld [tilespmem:s1+$0x6460];
	_ =	sdelay $0x3  }
0x17a: {  	v7 =	vld [tilespmem:s1+$0x6450]  }
0x17b: {  	v8 =	vld [tilespmem:s1+$0x6440];
	v9 =	vunpack.i.l.bf16.f32 v4  }
0x17c: {  	v4 =	vunpack.i.u.bf16.f32 v4;
	[tilespmem:s31+$0x0] =	vst.add.f32.msk $0xffff, v9  }
0x17d: {  	[tilespmem:s0+$0x0] =	vst.add.f32.msk $0xffff, v4  }
0x17e: {  	v4 =	vld [tilespmem:s1+$0x6470];
	_ =	sdelay $0x4  }
0x17f: {  	v48 =	vunpack.i.l.bf16.f32 v4  }
0x180: {  	v4 =	vunpack.i.u.bf16.f32 v4;
	[tilespmem:s2+$0x0] =	vst.add.f32.msk $0xffff, v48  }
0x181: {  	[tilespmem:s22+$0x0] =	vst.add.f32.msk $0xffff, v4  }
0x182: {  	v4 =	vld [tilespmem:s1+$0x64A0];
	_ =	sdelay $0x3  }
0x183: {  	v9 =	vld [tilespmem:s1+$0x6480]  }
0x184: {  	v10 =	vld [tilespmem:s1+$0x6490];
	v11 =	vunpack.i.l.bf16.f32 v4  }
0x185: {  	v4 =	vunpack.i.u.bf16.f32 v4;
	[tilespmem:s10+$0x0] =	vst.add.f32.msk $0xffff, v11  }
0x186: {  	[tilespmem:s11+$0x0] =	vst.add.f32.msk $0xffff, v4  }
0x187: {  	v4 =	vld [tilespmem:s1+$0x64B0];
	_ =	sdelay $0x4  }
0x188: {  	v49 =	vunpack.i.l.bf16.f32 v4  }
0x189: {  	v4 =	vunpack.i.u.bf16.f32 v4;
	[tilespmem:s17+$0x0] =	vst.add.f32.msk $0xffff, v49  }
0x18a: {  	[tilespmem:s5+$0x0] =	vst.add.f32.msk $0xffff, v4  }
0x18b: {  	v4 =	vld [tilespmem:s1+$0x64E0];
	_ =	sdelay $0x3  }
0x18c: {  	v12 =	vunpack.i.u.bf16.f32 v5;
	v5 =	vunpack.i.l.bf16.f32 v5;
	v11 =	vld [tilespmem:s1+$0x64C0]  }
0x18d: {  	v15 =	vunpack.i.u.bf16.f32 v6;
	v6 =	vunpack.i.l.bf16.f32 v6;
	v13 =	vld [tilespmem:s1+$0x64D0];
	v14 =	vunpack.i.l.bf16.f32 v4  }
0x18e: {  	v2 =	vadd.f32 v15, v2;
	v0 =	vadd.f32 v6, v0;
	v4 =	vunpack.i.u.bf16.f32 v4;
	[tilespmem:s6+$0x0] =	vst.add.f32.msk $0xffff, v14  }
0x18f: {  	v3 =	vadd.f32 v5, v3;
	v1 =	vadd.f32 v12, v1;
	[tilespmem:s7+$0x0] =	vst.add.f32.msk $0xffff, v4  }
0x190: {  	v50 =	vunpack.i.u.bf16.f32 v7;
	v16 =	vunpack.i.u.bf16.f32 v8;
	v8 =	vunpack.i.l.bf16.f32 v8;
	v6 =	vld [tilespmem:s1+$0x64F0]  }
0x191: {  	v5 =	vunpack.i.l.bf16.f32 v7;
	v2 =	vadd.f32 v16, v2;
	v0 =	vadd.f32 v8, v0  }
0x192: {  	v3 =	vadd.f32 v5, v3;
	v1 =	vadd.f32 v50, v1  }
0x193: {  	v5 =	vunpack.i.l.bf16.f32 v10;
	v4 =	vunpack.i.u.bf16.f32 v9;
	v9 =	vunpack.i.l.bf16.f32 v9  }
0x194: {  	v7 =	vunpack.i.u.bf16.f32 v10;
	v3 =	vadd.f32 v5, v3;
	v0 =	vadd.f32 v9, v0  }
0x195: {  	v2 =	vadd.f32 v4, v2;
	v4 =	vunpack.i.l.bf16.f32 v11;
	v5 =	vunpack.i.l.bf16.f32 v6  }
0x196: {  	s12 =	sshll.u32 s23, $0x8;
	v51 =	vunpack.i.u.bf16.f32 v11;
	v0 =	vadd.f32 v4, v0;
	v4 =	vunpack.i.u.bf16.f32 v6;
	[tilespmem:s8+$0x0] =	vst.add.f32.msk $0xffff, v5  }
0x197: {  	v1 =	vadd.f32 v7, v1;
	s1 =	sand.u32 $0x3FFFFF00, s12;
	v2 =	vadd.f32 v51, v2;
	v5 =	vunpack.i.l.bf16.f32 v13;
	[tilespmem:s9+$0x0] =	vst.add.f32.msk $0xffff, v4  }
0x198: {  	v4 =	vunpack.i.u.bf16.f32 v13;
	v3 =	vadd.f32 v5, v3;
	[tilespmem:s1+$0xC800] =	vst v0  }
0x199: {  	v0 =	vadd.f32 v4, v1;
	[tilespmem:s1+$0xC810] =	vst v2  }
0x19a: {  	[tilespmem:s1+$0xC820] =	vst v3  }
0x19b: {  	[tilespmem:s1+$0xC830] =	vst v0  }
0x19c: {  	v0 =	vld [tilespmem:$0x14900]  }
0x19d: {  	v1 =	vld [tilespmem:$0x14940];
	_ =	sdelay $0x1  }
0x19e: {  	v2 =	vld [tilespmem:$0x14980];
	_ =	sdelay $0x1  }
0x19f: {  	v3 =	vld [tilespmem:$0x149C0]  }
0x1a0: {  	v0 =	vadd.f32 v1, v0;
	_ =	sdelay $0x1  }
0x1a1: {  	v0 =	vadd.f32 v2, v0;
	_ =	sdelay $0x1  }
0x1a2: {  	v0 =	vadd.f32 v3, v0;
	_ =	sdelay $0x1  }
0x1a3: {  	[tilespmem:s1+$0xC840] =	vst v0  }
0x1a4: {  	v0 =	vld [tilespmem:$0x14910]  }
0x1a5: {  	v1 =	vld [tilespmem:$0x14950];
	_ =	sdelay $0x1  }
0x1a6: {  	v2 =	vld [tilespmem:$0x14990];
	_ =	sdelay $0x1  }
0x1a7: {  	v3 =	vld [tilespmem:$0x149D0]  }
0x1a8: {  	v0 =	vadd.f32 v1, v0;
	_ =	sdelay $0x1  }
0x1a9: {  	v0 =	vadd.f32 v2, v0;
	_ =	sdelay $0x1  }
0x1aa: {  	v0 =	vadd.f32 v3, v0;
	_ =	sdelay $0x1  }
0x1ab: {  	[tilespmem:s1+$0xC850] =	vst v0  }
0x1ac: {  	v0 =	vld [tilespmem:$0x14920]  }
0x1ad: {  	v1 =	vld [tilespmem:$0x14960];
	_ =	sdelay $0x1  }
0x1ae: {  	v2 =	vld [tilespmem:$0x149A0];
	_ =	sdelay $0x1  }
0x1af: {  	v3 =	vld [tilespmem:$0x149E0]  }
0x1b0: {  	v0 =	vadd.f32 v1, v0;
	_ =	sdelay $0x1  }
0x1b1: {  	v0 =	vadd.f32 v2, v0;
	_ =	sdelay $0x1  }
0x1b2: {  	v0 =	vadd.f32 v3, v0;
	_ =	sdelay $0x1  }
0x1b3: {  	[tilespmem:s1+$0xC860] =	vst v0  }
0x1b4: {  	v0 =	vld [tilespmem:$0x14930]  }
0x1b5: {  	v1 =	vld [tilespmem:$0x14970];
	_ =	sdelay $0x1  }
0x1b6: {  	v2 =	vld [tilespmem:$0x149B0];
	_ =	sdelay $0x1  }
0x1b7: {  	v3 =	vld [tilespmem:$0x149F0]  }
0x1b8: {  	v0 =	vadd.f32 v1, v0;
	_ =	sdelay $0x1  }
0x1b9: {  	p2 =	seq.s32 s23, $0x3F;
	v0 =	vadd.f32 v2, v0  }
0x1ba: {  	s12 =	smul.u32 @!p2 $0x640, s23  }
0x1bb: {  	v0 =	vadd.f32 v3, v0  }
0x1bc: {  	s12 =	sshra.s32 @!p2 s12, $0x2  }
0x1bd: {  	s20 =	simm.s32 @!p2 $0x80;
	s3 =	simm.s32 @!p2 $0x6400;
	[tilespmem:s1+$0xC870] =	vst v0;
	s1 =	sadd.s32 @!p2 $0x190, s12  }
0x1be: {  	[tilespmem:s3], [sflag:$0x1] =	stream.indirect.gather @!p2 [hbm4b:s4+s20], $0x40, s1, s20, $0xb8;
	[tilespmem:$0x14A00] =	vst v63  }
0x1bf: {  	s1 =	sadd.s32 @!p2 $0x210, s12;
	s3 =	simm.s32 @!p2 $0x48;
	s12 =	simm.s32 @!p2 $0x8400  }
0x1c0: {  	[tilespmem:s12], [sflag:$0x1] =	stream.indirect.gather @!p2 [hbm4b:s4+s3], $0x40, s1, s3, $0xb8;
	[tilespmem:$0x14A00] =	vst v63  }
0x1c1: {  	_ =	swait.ge [sflag:s15], $0x3200  }
0x1c2: {  	[sflag:s15] =	ssyncset.done $0x0  }
0x1c3: {  	v0 =	vimm.f32 $0.0e+00;
	[sflag:s15] =	ssyncadd.s32 $0xFFFFCE00  }
0x1c4: {  	[tilespmem:$0x14900] =	vst v0  }
0x1c5: {  	[tilespmem:$0x14910] =	vst v0  }
0x1c6: {  	[tilespmem:$0x14920] =	vst v0  }
0x1c7: {  	[tilespmem:$0x14930] =	vst v0  }
0x1c8: {  	[tilespmem:$0x14940] =	vst v0  }
0x1c9: {  	[tilespmem:$0x14950] =	vst v0  }
0x1ca: {  	[tilespmem:$0x14960] =	vst v0  }
0x1cb: {  	[tilespmem:$0x14970] =	vst v0  }
0x1cc: {  	[tilespmem:$0x14980] =	vst v0  }
0x1cd: {  	[tilespmem:$0x14990] =	vst v0  }
0x1ce: {  	[tilespmem:$0x149A0] =	vst v0  }
0x1cf: {  	[tilespmem:$0x149B0] =	vst v0  }
0x1d0: {  	[tilespmem:$0x149C0] =	vst v0  }
0x1d1: {  	[tilespmem:$0x149D0] =	vst v0  }
0x1d2: {  	[tilespmem:$0x149E0] =	vst v0  }
0x1d3: {  	s20 =	simm.s32 $0x0;
	[tilespmem:$0x149F0] =	vst v0  }
0x1d4: {  	v1 =	vld [tilespmem:s20+$0x9620];
	_ =	sdelay $0x3  }
0x1d5: {  	v2 =	vld [tilespmem:s20+$0x9610]  }
0x1d6: {  	v3 =	vld [tilespmem:s20+$0x9600];
	v4 =	vunpack.i.l.bf16.f32 v1  }
0x1d7: {  	v1 =	vunpack.i.u.bf16.f32 v1;
	[tilespmem:s26+$0x0] =	vst.add.f32.msk $0xffff, v4  }
0x1d8: {  	[tilespmem:s28+$0x0] =	vst.add.f32.msk $0xffff, v1  }
0x1d9: {  	v1 =	vld [tilespmem:s20+$0x9630];
	_ =	sdelay $0x4  }
0x1da: {  	v4 =	vunpack.i.l.bf16.f32 v1  }
0x1db: {  	v1 =	vunpack.i.u.bf16.f32 v1;
	[tilespmem:s29+$0x0] =	vst.add.f32.msk $0xffff, v4  }
0x1dc: {  	[tilespmem:s30+$0x0] =	vst.add.f32.msk $0xffff, v1  }
0x1dd: {  	v1 =	vld [tilespmem:s20+$0x9660];
	_ =	sdelay $0x3  }
0x1de: {  	v4 =	vld [tilespmem:s20+$0x9650]  }
0x1df: {  	v5 =	vld [tilespmem:s20+$0x9640];
	v6 =	vunpack.i.l.bf16.f32 v1  }
0x1e0: {  	v1 =	vunpack.i.u.bf16.f32 v1;
	[tilespmem:s31+$0x0] =	vst.add.f32.msk $0xffff, v6  }
0x1e1: {  	[tilespmem:s0+$0x0] =	vst.add.f32.msk $0xffff, v1  }
0x1e2: {  	v1 =	vld [tilespmem:s20+$0x9670];
	_ =	sdelay $0x4  }
0x1e3: {  	v6 =	vunpack.i.l.bf16.f32 v1  }
0x1e4: {  	v1 =	vunpack.i.u.bf16.f32 v1;
	[tilespmem:s2+$0x0] =	vst.add.f32.msk $0xffff, v6  }
0x1e5: {  	[tilespmem:s22+$0x0] =	vst.add.f32.msk $0xffff, v1  }
0x1e6: {  	v1 =	vld [tilespmem:s20+$0x96A0];
	_ =	sdelay $0x3  }
0x1e7: {  	v6 =	vld [tilespmem:s20+$0x9680]  }
0x1e8: {  	v7 =	vld [tilespmem:s20+$0x9690];
	v52 =	vunpack.i.l.bf16.f32 v1  }
0x1e9: {  	v1 =	vunpack.i.u.bf16.f32 v1;
	[tilespmem:s10+$0x0] =	vst.add.f32.msk $0xffff, v52  }
0x1ea: {  	[tilespmem:s11+$0x0] =	vst.add.f32.msk $0xffff, v1  }
0x1eb: {  	v1 =	vld [tilespmem:s20+$0x96B0];
	_ =	sdelay $0x4  }
0x1ec: {  	v53 =	vunpack.i.l.bf16.f32 v1  }
0x1ed: {  	v1 =	vunpack.i.u.bf16.f32 v1;
	[tilespmem:s17+$0x0] =	vst.add.f32.msk $0xffff, v53  }
0x1ee: {  	[tilespmem:s5+$0x0] =	vst.add.f32.msk $0xffff, v1  }
0x1ef: {  	v1 =	vld [tilespmem:s20+$0x96E0];
	_ =	sdelay $0x1  }
0x1f0: {  	v54 =	vunpack.i.u.bf16.f32 v2;
	v55 =	vunpack.i.u.bf16.f32 v3  }
0x1f1: {  	v2 =	vunpack.i.l.bf16.f32 v2;
	v3 =	vunpack.i.l.bf16.f32 v3;
	v9 =	vadd.f32 v55, v0  }
0x1f2: {  	v3 =	vadd.f32 v3, v0;
	v2 =	vadd.f32 v2, v0;
	v58 =	vld [tilespmem:s20+$0x96C0]  }
0x1f3: {  	v0 =	vadd.f32 v54, v0;
	v56 =	vunpack.i.u.bf16.f32 v4;
	v60 =	vld [tilespmem:s20+$0x96D0];
	v61 =	vunpack.i.l.bf16.f32 v1  }
0x1f4: {  	v57 =	vunpack.i.u.bf16.f32 v5;
	v5 =	vunpack.i.l.bf16.f32 v5;
	v1 =	vunpack.i.u.bf16.f32 v1;
	[tilespmem:s6+$0x0] =	vst.add.f32.msk $0xffff, v61  }
0x1f5: {  	v3 =	vadd.f32 v5, v3;
	v0 =	vadd.f32 v56, v0;
	[tilespmem:s7+$0x0] =	vst.add.f32.msk $0xffff, v1  }
0x1f6: {  	v59 =	vunpack.i.u.bf16.f32 v6;
	v1 =	vunpack.i.l.bf16.f32 v4;
	v4 =	vadd.f32 v57, v9;
	v5 =	vld [tilespmem:s20+$0x96F0]  }
0x1f7: {  	v6 =	vunpack.i.l.bf16.f32 v6;
	v62 =	vunpack.i.u.bf16.f32 v7;
	v1 =	vadd.f32 v1, v2  }
0x1f8: {  	v3 =	vadd.f32 v6, v3;
	v2 =	vunpack.i.l.bf16.f32 v7;
	v4 =	vadd.f32 v59, v4  }
0x1f9: {  	v6 =	vadd.f32 v2, v1;
	v1 =	vadd.f32 v62, v0;
	v0 =	vunpack.i.l.bf16.f32 v58  }
0x1fa: {  	v7 =	vunpack.i.l.bf16.f32 v60;
	v2 =	vunpack.i.u.bf16.f32 v58;
	v0 =	vadd.f32 v0, v3  }
0x1fb: {  	v3 =	vunpack.i.u.bf16.f32 v60;
	v2 =	vadd.f32 v2, v4;
	v63 =	vunpack.i.l.bf16.f32 v5  }
0x1fc: {  	s12 =	simm.s32 $0x400;
	s1 =	simm.s32 $0x800;
	v1 =	vadd.f32 v3, v1;
	v3 =	vadd.f32 v7, v6;
	v4 =	vunpack.i.u.bf16.f32 v5;
	[tilespmem:s8+$0x0] =	vst.add.f32.msk $0xffff, v63  }
.LBB2_9:
0x1fd: {  	p2 =	sne.s32 s1, $0xC400  }
0x1fe: {  	s20 =	sshra.s32 s12, $0x2;
	[tilespmem:s9+$0x0] =	vst.add.f32.msk $0xffff, v4;
	s12 =	smov.u32 s1;
	s1 =	sadd.s32 $0x400, s1  }
0x1ff: {  	v4 =	vld [tilespmem:s20+$0x9620];
	_ =	sdelay $0x3  }
0x200: {  	v5 =	vld [tilespmem:s20+$0x9610]  }
0x201: {  	v6 =	vld [tilespmem:s20+$0x9600];
	v7 =	vunpack.i.l.bf16.f32 v4  }
0x202: {  	v4 =	vunpack.i.u.bf16.f32 v4;
	[tilespmem:s26+$0x0] =	vst.add.f32.msk $0xffff, v7  }
0x203: {  	[tilespmem:s28+$0x0] =	vst.add.f32.msk $0xffff, v4  }
0x204: {  	v4 =	vld [tilespmem:s20+$0x9630]  }
0x205: {  	v7 =	vunpack.i.u.bf16.f32 v5;
	v5 =	vunpack.i.l.bf16.f32 v5  }
0x206: {  	v8 =	vunpack.i.u.bf16.f32 v6;
	v6 =	vunpack.i.l.bf16.f32 v6;
	_ =	sdelay $0x2  }
0x207: {  	v9 =	vunpack.i.l.bf16.f32 v4  }
0x208: {  	v4 =	vunpack.i.u.bf16.f32 v4;
	[tilespmem:s29+$0x0] =	vst.add.f32.msk $0xffff, v9  }
0x209: {  	[tilespmem:s30+$0x0] =	vst.add.f32.msk $0xffff, v4  }
0x20a: {  	v4 =	vld [tilespmem:s20+$0x9660];
	_ =	sdelay $0x3  }
0x20b: {  	v9 =	vld [tilespmem:s20+$0x9650]  }
0x20c: {  	v10 =	vld [tilespmem:s20+$0x9640];
	v11 =	vunpack.i.l.bf16.f32 v4  }
0x20d: {  	v4 =	vunpack.i.u.bf16.f32 v4;
	[tilespmem:s31+$0x0] =	vst.add.f32.msk $0xffff, v11  }
0x20e: {  	[tilespmem:s0+$0x0] =	vst.add.f32.msk $0xffff, v4  }
0x20f: {  	v4 =	vld [tilespmem:s20+$0x9670]  }
0x210: {  	v11 =	vunpack.i.u.bf16.f32 v9  }
0x211: {  	v12 =	vunpack.i.u.bf16.f32 v10;
	v10 =	vunpack.i.l.bf16.f32 v10;
	_ =	sdelay $0x2  }
0x212: {  	v13 =	vunpack.i.l.bf16.f32 v4  }
0x213: {  	v4 =	vunpack.i.u.bf16.f32 v4;
	[tilespmem:s2+$0x0] =	vst.add.f32.msk $0xffff, v13  }
0x214: {  	[tilespmem:s22+$0x0] =	vst.add.f32.msk $0xffff, v4  }
0x215: {  	v4 =	vld [tilespmem:s20+$0x96A0]  }
0x216: {  	v13 =	vld [tilespmem:s20+$0x9680]  }
0x217: {  	v14 =	vld [tilespmem:s20+$0x9690];
	_ =	sdelay $0x2  }
0x218: {  	v15 =	vunpack.i.l.bf16.f32 v4  }
0x219: {  	v4 =	vunpack.i.u.bf16.f32 v4;
	v16 =	vunpack.i.u.bf16.f32 v13;
	v13 =	vunpack.i.l.bf16.f32 v13;
	[tilespmem:s10+$0x0] =	vst.add.f32.msk $0xffff, v15  }
0x21a: {  	v15 =	vunpack.i.u.bf16.f32 v14;
	v14 =	vunpack.i.l.bf16.f32 v14;
	[tilespmem:s11+$0x0] =	vst.add.f32.msk $0xffff, v4  }
0x21b: {  	v4 =	vld [tilespmem:s20+$0x96B0];
	_ =	sdelay $0x4  }
0x21c: {  	v17 =	vunpack.i.l.bf16.f32 v4  }
0x21d: {  	v4 =	vunpack.i.u.bf16.f32 v4;
	[tilespmem:s17+$0x0] =	vst.add.f32.msk $0xffff, v17  }
0x21e: {  	[tilespmem:s5+$0x0] =	vst.add.f32.msk $0xffff, v4  }
0x21f: {  	v3 =	vadd.f32 v5, v3;
	v2 =	vadd.f32 v8, v2;
	v4 =	vld [tilespmem:s20+$0x96E0]  }
0x220: {  	v1 =	vadd.f32 v7, v1;
	v0 =	vadd.f32 v6, v0;
	v5 =	vunpack.i.l.bf16.f32 v9;
	v6 =	vld [tilespmem:s20+$0x96C0]  }
0x221: {  	v3 =	vadd.f32 v5, v3;
	v2 =	vadd.f32 v12, v2;
	v5 =	vld [tilespmem:s20+$0x96D0]  }
0x222: {  	v1 =	vadd.f32 v11, v1;
	v0 =	vadd.f32 v10, v0  }
0x223: {  	v2 =	vadd.f32 v16, v2;
	v3 =	vadd.f32 v14, v3  }
0x224: {  	v0 =	vadd.f32 v13, v0;
	v1 =	vadd.f32 v15, v1;
	v7 =	vunpack.i.l.bf16.f32 v4  }
0x225: {  	v4 =	vunpack.i.u.bf16.f32 v4;
	v8 =	vunpack.i.u.bf16.f32 v6;
	v6 =	vunpack.i.l.bf16.f32 v6;
	[tilespmem:s6+$0x0] =	vst.add.f32.msk $0xffff, v7  }
0x226: {  	v0 =	vadd.f32 v6, v0;
	v6 =	vunpack.i.u.bf16.f32 v5;
	v5 =	vunpack.i.l.bf16.f32 v5;
	[tilespmem:s7+$0x0] =	vst.add.f32.msk $0xffff, v4  }
0x227: {  	v2 =	vadd.f32 v8, v2;
	v1 =	vadd.f32 v6, v1;
	v4 =	vld [tilespmem:s20+$0x96F0]  }
0x228: {  	v3 =	vadd.f32 v5, v3  }
.Ltmp3:
0x229: {  	(pc) =	sbr.rel @p2 .LBB2_9-.Ltmp3, $3  }
0x22a: {  	_ =	sdelay $0x1  }
0x22b: {  	v5 =	vunpack.i.l.bf16.f32 v4  }
0x22c: {  	v4 =	vunpack.i.u.bf16.f32 v4;
	[tilespmem:s8+$0x0] =	vst.add.f32.msk $0xffff, v5  }
0x22d: {  	s1 =	sshra.s32 s12, $0x2;
	[tilespmem:s9+$0x0] =	vst.add.f32.msk $0xffff, v4  }
0x22e: {  	v4 =	vld [tilespmem:s1+$0x9620];
	_ =	sdelay $0x3  }
0x22f: {  	v5 =	vld [tilespmem:s1+$0x9610]  }
0x230: {  	v6 =	vld [tilespmem:s1+$0x9600];
	v7 =	vunpack.i.l.bf16.f32 v4  }
0x231: {  	v4 =	vunpack.i.u.bf16.f32 v4;
	[tilespmem:s26+$0x0] =	vst.add.f32.msk $0xffff, v7  }
0x232: {  	[tilespmem:s28+$0x0] =	vst.add.f32.msk $0xffff, v4  }
0x233: {  	v4 =	vld [tilespmem:s1+$0x9630];
	_ =	sdelay $0x4  }
0x234: {  	v38 =	vunpack.i.l.bf16.f32 v4  }
0x235: {  	v4 =	vunpack.i.u.bf16.f32 v4;
	[tilespmem:s29+$0x0] =	vst.add.f32.msk $0xffff, v38  }
0x236: {  	[tilespmem:s30+$0x0] =	vst.add.f32.msk $0xffff, v4  }
0x237: {  	v4 =	vld [tilespmem:s1+$0x9660];
	_ =	sdelay $0x3  }
0x238: {  	v7 =	vld [tilespmem:s1+$0x9650]  }
0x239: {  	v8 =	vld [tilespmem:s1+$0x9640];
	v9 =	vunpack.i.l.bf16.f32 v4  }
0x23a: {  	v4 =	vunpack.i.u.bf16.f32 v4;
	[tilespmem:s31+$0x0] =	vst.add.f32.msk $0xffff, v9  }
0x23b: {  	[tilespmem:s0+$0x0] =	vst.add.f32.msk $0xffff, v4  }
0x23c: {  	v4 =	vld [tilespmem:s1+$0x9670];
	_ =	sdelay $0x4  }
0x23d: {  	v39 =	vunpack.i.l.bf16.f32 v4  }
0x23e: {  	v4 =	vunpack.i.u.bf16.f32 v4;
	[tilespmem:s2+$0x0] =	vst.add.f32.msk $0xffff, v39  }
0x23f: {  	[tilespmem:s22+$0x0] =	vst.add.f32.msk $0xffff, v4  }
0x240: {  	v4 =	vld [tilespmem:s1+$0x96A0];
	_ =	sdelay $0x3  }
0x241: {  	v9 =	vld [tilespmem:s1+$0x9680]  }
0x242: {  	v10 =	vld [tilespmem:s1+$0x9690];
	v11 =	vunpack.i.l.bf16.f32 v4  }
0x243: {  	v4 =	vunpack.i.u.bf16.f32 v4;
	[tilespmem:s10+$0x0] =	vst.add.f32.msk $0xffff, v11  }
0x244: {  	[tilespmem:s11+$0x0] =	vst.add.f32.msk $0xffff, v4  }
0x245: {  	v4 =	vld [tilespmem:s1+$0x96B0];
	_ =	sdelay $0x4  }
0x246: {  	v40 =	vunpack.i.l.bf16.f32 v4  }
0x247: {  	v4 =	vunpack.i.u.bf16.f32 v4;
	[tilespmem:s17+$0x0] =	vst.add.f32.msk $0xffff, v40  }
0x248: {  	[tilespmem:s5+$0x0] =	vst.add.f32.msk $0xffff, v4  }
0x249: {  	v4 =	vld [tilespmem:s1+$0x96E0];
	_ =	sdelay $0x3  }
0x24a: {  	v12 =	vunpack.i.u.bf16.f32 v5;
	v5 =	vunpack.i.l.bf16.f32 v5;
	v11 =	vld [tilespmem:s1+$0x96C0]  }
0x24b: {  	v15 =	vunpack.i.u.bf16.f32 v6;
	v6 =	vunpack.i.l.bf16.f32 v6;
	v13 =	vld [tilespmem:s1+$0x96D0];
	v14 =	vunpack.i.l.bf16.f32 v4  }
0x24c: {  	v2 =	vadd.f32 v15, v2;
	v0 =	vadd.f32 v6, v0;
	v4 =	vunpack.i.u.bf16.f32 v4;
	[tilespmem:s6+$0x0] =	vst.add.f32.msk $0xffff, v14  }
0x24d: {  	v3 =	vadd.f32 v5, v3;
	v1 =	vadd.f32 v12, v1;
	[tilespmem:s7+$0x0] =	vst.add.f32.msk $0xffff, v4  }
0x24e: {  	v41 =	vunpack.i.u.bf16.f32 v7;
	v16 =	vunpack.i.u.bf16.f32 v8;
	v8 =	vunpack.i.l.bf16.f32 v8;
	v43 =	vld [tilespmem:s1+$0x96F0]  }
0x24f: {  	v44 =	vunpack.i.l.bf16.f32 v7;
	v2 =	vadd.f32 v16, v2;
	v0 =	vadd.f32 v8, v0  }
0x250: {  	v3 =	vadd.f32 v44, v3;
	v1 =	vadd.f32 v41, v1  }
0x251: {  	v42 =	vunpack.i.u.bf16.f32 v9;
	v9 =	vunpack.i.l.bf16.f32 v9;
	v45 =	vunpack.i.u.bf16.f32 v10  }
0x252: {  	v46 =	vunpack.i.l.bf16.f32 v10;
	v2 =	vadd.f32 v42, v2;
	v0 =	vadd.f32 v9, v0  }
0x253: {  	v3 =	vadd.f32 v46, v3;
	v47 =	vunpack.i.l.bf16.f32 v11;
	v48 =	vunpack.i.l.bf16.f32 v43  }
0x254: {  	s25 =	sshll.u32 s25, $0x7;
	v49 =	vunpack.i.u.bf16.f32 v11;
	v0 =	vadd.f32 v47, v0;
	v50 =	vunpack.i.u.bf16.f32 v43;
	[tilespmem:s8+$0x0] =	vst.add.f32.msk $0xffff, v48  }
0x255: {  	v1 =	vadd.f32 v45, v1;
	v51 =	vunpack.i.l.bf16.f32 v13;
	v2 =	vadd.f32 v49, v2;
	s1 =	sand.u32 $0x3FFFFF80, s25;
	[tilespmem:s9+$0x0] =	vst.add.f32.msk $0xffff, v50  }
0x256: {  	v52 =	vunpack.i.u.bf16.f32 v13;
	v3 =	vadd.f32 v51, v3;
	[tilespmem:s1+$0xC800] =	vst v0  }
0x257: {  	v53 =	vadd.f32 v52, v1;
	[tilespmem:s1+$0xC810] =	vst v2  }
0x258: {  	[tilespmem:s1+$0xC820] =	vst v3  }
0x259: {  	[tilespmem:s1+$0xC830] =	vst v53  }
0x25a: {  	v0 =	vld [tilespmem:$0x14900]  }
0x25b: {  	v54 =	vld [tilespmem:$0x14940];
	_ =	sdelay $0x1  }
0x25c: {  	v2 =	vld [tilespmem:$0x14980];
	_ =	sdelay $0x1  }
0x25d: {  	v3 =	vld [tilespmem:$0x149C0]  }
0x25e: {  	v0 =	vadd.f32 v54, v0;
	_ =	sdelay $0x1  }
0x25f: {  	v0 =	vadd.f32 v2, v0;
	_ =	sdelay $0x1  }
0x260: {  	v0 =	vadd.f32 v3, v0;
	_ =	sdelay $0x1  }
0x261: {  	[tilespmem:s1+$0xC840] =	vst v0  }
0x262: {  	v0 =	vld [tilespmem:$0x14910]  }
0x263: {  	v55 =	vld [tilespmem:$0x14950];
	_ =	sdelay $0x1  }
0x264: {  	v56 =	vld [tilespmem:$0x14990];
	_ =	sdelay $0x1  }
0x265: {  	v57 =	vld [tilespmem:$0x149D0]  }
0x266: {  	v0 =	vadd.f32 v55, v0;
	_ =	sdelay $0x1  }
0x267: {  	v0 =	vadd.f32 v56, v0;
	_ =	sdelay $0x1  }
0x268: {  	v0 =	vadd.f32 v57, v0;
	_ =	sdelay $0x1  }
0x269: {  	[tilespmem:s1+$0xC850] =	vst v0  }
0x26a: {  	v0 =	vld [tilespmem:$0x14920]  }
0x26b: {  	v58 =	vld [tilespmem:$0x14960];
	_ =	sdelay $0x1  }
0x26c: {  	v59 =	vld [tilespmem:$0x149A0];
	_ =	sdelay $0x1  }
0x26d: {  	v60 =	vld [tilespmem:$0x149E0]  }
0x26e: {  	v0 =	vadd.f32 v58, v0;
	_ =	sdelay $0x1  }
0x26f: {  	v0 =	vadd.f32 v59, v0;
	_ =	sdelay $0x1  }
0x270: {  	v0 =	vadd.f32 v60, v0;
	_ =	sdelay $0x1  }
0x271: {  	[tilespmem:s1+$0xC860] =	vst v0  }
0x272: {  	v0 =	vld [tilespmem:$0x14930]  }
0x273: {  	v61 =	vld [tilespmem:$0x14970];
	_ =	sdelay $0x1  }
0x274: {  	v62 =	vld [tilespmem:$0x149B0];
	_ =	sdelay $0x1  }
0x275: {  	v63 =	vld [tilespmem:$0x149F0]  }
0x276: {  	s23 =	sadd.s32 $0x1, s23;
	v0 =	vadd.f32 v61, v0  }
0x277: {  	p2 =	sne.s32 s23, $0x40  }
.Ltmp4:
0x278: {  	v0 =	vadd.f32 v62, v0;
	(pc) =	sbr.rel @p2 .LBB2_6-.Ltmp4, $3  }
0x279: {  	_ = 	snop  }
0x27a: {  	v0 =	vadd.f32 v63, v0;
	_ =	sdelay $0x1  }
0x27b: {  	[tilespmem:s1+$0xC870] =	vst v0  }
0x27c: {  	s23 =	simm.s32 $0x0;
	s1 =	rddreg [dreg:$0xd];
	s3 =	simm.s32 $0xC800  }
0x27d: {  	[hbm4b:s1+s23] =	stream.linear.scatter [tilespmem:s3], [sflag:$0x3], $0x4000, $0x38;
	[tilespmem:$0x14A00] =	vst v63  }
0x27e: {  	_ =	swait.ge [sflag:s18], $0x4000  }
0x27f: {  	[sflag:s18] =	ssyncset.done $0x0  }
0x280: {  	s12 =	rddreg [dreg:$0xe];
	[sflag:s18] =	ssyncadd.s32 $0xFFFFC000  }
0x281: {  	[tilespmem:s23], [sflag:$0x3] =	stream.linear.gather [hbm4b:s12+s23], $0x6400, $0x38;
	[tilespmem:$0x14A00] =	vst v63  }
0x282: {  	_ =	swait.ge [sflag:s18], $0x6400  }
0x283: {  	[sflag:s18] =	ssyncset.done $0x0  }
0x284: {  	s20 =	simm.s32 $0x6400;
	[sflag:s18] =	ssyncadd.s32 $0xFFFF9C00  }
0x285: {  	[tilespmem:s20], [sflag:$0x1] =	stream.indirect.gather [hbm4b:s4+s19], $0x40, s23, s19, $0xb8;
	[tilespmem:$0x14A00] =	vst v63  }
0x286: {  	s25 =	simm.s32 $0x8400  }
0x287: {  	[tilespmem:s25], [sflag:$0x1] =	stream.indirect.gather [hbm4b:s4+s24], $0x40, s19, s24, $0xb8;
	[tilespmem:$0x14A00] =	vst v63  }
.LBB2_12:
0x288: {  	s25 =	sshllo.u32 s23, $0x1  }
0x289: {  	s1 =	smul.u32 $0x320, s25;
	_ =	sdelay $0x1  }
0x28a: {  	s1 =	sshra.s32 s1, $0x2  }
0x28b: {  	[tilespmem:s13], [sflag:$0x2] =	stream.indirect.gather [hbm4b:s4+s19], $0x40, s1, s19, $0xb8;
	[tilespmem:$0x14A00] =	vst v63  }
0x28c: {  	s1 =	sadd.s32 $0x80, s1  }
0x28d: {  	[tilespmem:s14], [sflag:$0x2] =	stream.indirect.gather [hbm4b:s4+s24], $0x40, s1, s24, $0xb8;
	[tilespmem:$0x14A00] =	vst v63  }
0x28e: {  	_ =	swait.ge [sflag:s21], $0x3200  }
0x28f: {  	[sflag:s21] =	ssyncset.done $0x0  }
0x290: {  	v0 =	vimm.f32 $0.0e+00;
	[sflag:s21] =	ssyncadd.s32 $0xFFFFCE00  }
0x291: {  	[tilespmem:$0x14900] =	vst v0  }
0x292: {  	[tilespmem:$0x14910] =	vst v0  }
0x293: {  	[tilespmem:$0x14920] =	vst v0  }
0x294: {  	[tilespmem:$0x14930] =	vst v0  }
0x295: {  	[tilespmem:$0x14940] =	vst v0  }
0x296: {  	[tilespmem:$0x14950] =	vst v0  }
0x297: {  	[tilespmem:$0x14960] =	vst v0  }
0x298: {  	[tilespmem:$0x14970] =	vst v0  }
0x299: {  	[tilespmem:$0x14980] =	vst v0  }
0x29a: {  	[tilespmem:$0x14990] =	vst v0  }
0x29b: {  	[tilespmem:$0x149A0] =	vst v0  }
0x29c: {  	[tilespmem:$0x149B0] =	vst v0  }
0x29d: {  	[tilespmem:$0x149C0] =	vst v0  }
0x29e: {  	[tilespmem:$0x149D0] =	vst v0  }
0x29f: {  	[tilespmem:$0x149E0] =	vst v0  }
0x2a0: {  	s20 =	simm.s32 $0x0;
	[tilespmem:$0x149F0] =	vst v0  }
0x2a1: {  	v1 =	vld [tilespmem:s20+$0x6420];
	_ =	sdelay $0x3  }
0x2a2: {  	v2 =	vld [tilespmem:s20+$0x6410]  }
0x2a3: {  	v3 =	vld [tilespmem:s20+$0x6400];
	v4 =	vunpack.i.l.bf16.f32 v1  }
0x2a4: {  	v1 =	vunpack.i.u.bf16.f32 v1;
	[tilespmem:s26+$0x0] =	vst.add.f32.msk $0xffff, v4  }
0x2a5: {  	[tilespmem:s28+$0x0] =	vst.add.f32.msk $0xffff, v1  }
0x2a6: {  	v1 =	vld [tilespmem:s20+$0x6430];
	_ =	sdelay $0x4  }
0x2a7: {  	v4 =	vunpack.i.l.bf16.f32 v1  }
0x2a8: {  	v1 =	vunpack.i.u.bf16.f32 v1;
	[tilespmem:s29+$0x0] =	vst.add.f32.msk $0xffff, v4  }
0x2a9: {  	[tilespmem:s30+$0x0] =	vst.add.f32.msk $0xffff, v1  }
0x2aa: {  	v1 =	vld [tilespmem:s20+$0x6460];
	_ =	sdelay $0x3  }
0x2ab: {  	v4 =	vld [tilespmem:s20+$0x6450]  }
0x2ac: {  	v5 =	vld [tilespmem:s20+$0x6440];
	v6 =	vunpack.i.l.bf16.f32 v1  }
0x2ad: {  	v1 =	vunpack.i.u.bf16.f32 v1;
	[tilespmem:s31+$0x0] =	vst.add.f32.msk $0xffff, v6  }
0x2ae: {  	[tilespmem:s0+$0x0] =	vst.add.f32.msk $0xffff, v1  }
0x2af: {  	v1 =	vld [tilespmem:s20+$0x6470];
	_ =	sdelay $0x4  }
0x2b0: {  	v6 =	vunpack.i.l.bf16.f32 v1  }
0x2b1: {  	v1 =	vunpack.i.u.bf16.f32 v1;
	[tilespmem:s2+$0x0] =	vst.add.f32.msk $0xffff, v6  }
0x2b2: {  	[tilespmem:s22+$0x0] =	vst.add.f32.msk $0xffff, v1  }
0x2b3: {  	v1 =	vld [tilespmem:s20+$0x64A0];
	_ =	sdelay $0x3  }
0x2b4: {  	v6 =	vld [tilespmem:s20+$0x6480]  }
0x2b5: {  	v7 =	vld [tilespmem:s20+$0x6490];
	v8 =	vunpack.i.l.bf16.f32 v1  }
0x2b6: {  	v1 =	vunpack.i.u.bf16.f32 v1;
	[tilespmem:s10+$0x0] =	vst.add.f32.msk $0xffff, v8  }
0x2b7: {  	[tilespmem:s11+$0x0] =	vst.add.f32.msk $0xffff, v1  }
0x2b8: {  	v1 =	vld [tilespmem:s20+$0x64B0];
	_ =	sdelay $0x4  }
0x2b9: {  	v60 =	vunpack.i.l.bf16.f32 v1  }
0x2ba: {  	v1 =	vunpack.i.u.bf16.f32 v1;
	[tilespmem:s17+$0x0] =	vst.add.f32.msk $0xffff, v60  }
0x2bb: {  	[tilespmem:s5+$0x0] =	vst.add.f32.msk $0xffff, v1  }
0x2bc: {  	v1 =	vld [tilespmem:s20+$0x64E0];
	_ =	sdelay $0x1  }
0x2bd: {  	v61 =	vunpack.i.u.bf16.f32 v2;
	v9 =	vunpack.i.u.bf16.f32 v3  }
0x2be: {  	v2 =	vunpack.i.l.bf16.f32 v2;
	v3 =	vunpack.i.l.bf16.f32 v3;
	v9 =	vadd.f32 v9, v0  }
0x2bf: {  	v3 =	vadd.f32 v3, v0;
	v2 =	vadd.f32 v2, v0;
	v12 =	vld [tilespmem:s20+$0x64C0]  }
0x2c0: {  	v0 =	vadd.f32 v61, v0;
	v10 =	vunpack.i.u.bf16.f32 v4;
	v14 =	vld [tilespmem:s20+$0x64D0];
	v15 =	vunpack.i.l.bf16.f32 v1  }
0x2c1: {  	v11 =	vunpack.i.u.bf16.f32 v5;
	v5 =	vunpack.i.l.bf16.f32 v5;
	v1 =	vunpack.i.u.bf16.f32 v1;
	[tilespmem:s6+$0x0] =	vst.add.f32.msk $0xffff, v15  }
0x2c2: {  	v3 =	vadd.f32 v5, v3;
	v0 =	vadd.f32 v10, v0;
	[tilespmem:s7+$0x0] =	vst.add.f32.msk $0xffff, v1  }
0x2c3: {  	v13 =	vunpack.i.u.bf16.f32 v6;
	v1 =	vunpack.i.l.bf16.f32 v4;
	v4 =	vadd.f32 v11, v9;
	v5 =	vld [tilespmem:s20+$0x64F0]  }
0x2c4: {  	v6 =	vunpack.i.l.bf16.f32 v6;
	v62 =	vunpack.i.u.bf16.f32 v7;
	v1 =	vadd.f32 v1, v2  }
0x2c5: {  	v3 =	vadd.f32 v6, v3;
	v2 =	vunpack.i.l.bf16.f32 v7;
	v4 =	vadd.f32 v13, v4  }
0x2c6: {  	v6 =	vadd.f32 v2, v1;
	v1 =	vadd.f32 v62, v0;
	v0 =	vunpack.i.l.bf16.f32 v12  }
0x2c7: {  	v7 =	vunpack.i.l.bf16.f32 v14;
	v2 =	vunpack.i.u.bf16.f32 v12;
	v0 =	vadd.f32 v0, v3  }
0x2c8: {  	v3 =	vunpack.i.u.bf16.f32 v14;
	v2 =	vadd.f32 v2, v4;
	v63 =	vunpack.i.l.bf16.f32 v5  }
0x2c9: {  	s12 =	simm.s32 $0x400;
	s1 =	simm.s32 $0x800;
	v1 =	vadd.f32 v3, v1;
	v3 =	vadd.f32 v7, v6;
	v4 =	vunpack.i.u.bf16.f32 v5;
	[tilespmem:s8+$0x0] =	vst.add.f32.msk $0xffff, v63  }
.LBB2_13:
0x2ca: {  	p2 =	sne.s32 s1, $0xC400  }
0x2cb: {  	s20 =	sshra.s32 s12, $0x2;
	[tilespmem:s9+$0x0] =	vst.add.f32.msk $0xffff, v4;
	s12 =	smov.u32 s1;
	s1 =	sadd.s32 $0x400, s1  }
0x2cc: {  	v4 =	vld [tilespmem:s20+$0x6420];
	_ =	sdelay $0x3  }
0x2cd: {  	v5 =	vld [tilespmem:s20+$0x6410]  }
0x2ce: {  	v6 =	vld [tilespmem:s20+$0x6400];
	v7 =	vunpack.i.l.bf16.f32 v4  }
0x2cf: {  	v4 =	vunpack.i.u.bf16.f32 v4;
	[tilespmem:s26+$0x0] =	vst.add.f32.msk $0xffff, v7  }
0x2d0: {  	[tilespmem:s28+$0x0] =	vst.add.f32.msk $0xffff, v4  }
0x2d1: {  	v4 =	vld [tilespmem:s20+$0x6430]  }
0x2d2: {  	v7 =	vunpack.i.u.bf16.f32 v5;
	v5 =	vunpack.i.l.bf16.f32 v5  }
0x2d3: {  	v8 =	vunpack.i.u.bf16.f32 v6;
	v6 =	vunpack.i.l.bf16.f32 v6;
	_ =	sdelay $0x2  }
0x2d4: {  	v9 =	vunpack.i.l.bf16.f32 v4  }
0x2d5: {  	v4 =	vunpack.i.u.bf16.f32 v4;
	[tilespmem:s29+$0x0] =	vst.add.f32.msk $0xffff, v9  }
0x2d6: {  	[tilespmem:s30+$0x0] =	vst.add.f32.msk $0xffff, v4  }
0x2d7: {  	v4 =	vld [tilespmem:s20+$0x6460];
	_ =	sdelay $0x3  }
0x2d8: {  	v9 =	vld [tilespmem:s20+$0x6450]  }
0x2d9: {  	v10 =	vld [tilespmem:s20+$0x6440];
	v11 =	vunpack.i.l.bf16.f32 v4  }
0x2da: {  	v4 =	vunpack.i.u.bf16.f32 v4;
	[tilespmem:s31+$0x0] =	vst.add.f32.msk $0xffff, v11  }
0x2db: {  	[tilespmem:s0+$0x0] =	vst.add.f32.msk $0xffff, v4  }
0x2dc: {  	v4 =	vld [tilespmem:s20+$0x6470]  }
0x2dd: {  	v11 =	vunpack.i.u.bf16.f32 v9  }
0x2de: {  	v12 =	vunpack.i.u.bf16.f32 v10;
	v10 =	vunpack.i.l.bf16.f32 v10;
	_ =	sdelay $0x2  }
0x2df: {  	v13 =	vunpack.i.l.bf16.f32 v4  }
0x2e0: {  	v4 =	vunpack.i.u.bf16.f32 v4;
	[tilespmem:s2+$0x0] =	vst.add.f32.msk $0xffff, v13  }
0x2e1: {  	[tilespmem:s22+$0x0] =	vst.add.f32.msk $0xffff, v4  }
0x2e2: {  	v4 =	vld [tilespmem:s20+$0x64A0]  }
0x2e3: {  	v13 =	vld [tilespmem:s20+$0x6480]  }
0x2e4: {  	v14 =	vld [tilespmem:s20+$0x6490];
	_ =	sdelay $0x2  }
0x2e5: {  	v15 =	vunpack.i.l.bf16.f32 v4  }
0x2e6: {  	v4 =	vunpack.i.u.bf16.f32 v4;
	v16 =	vunpack.i.u.bf16.f32 v13;
	v13 =	vunpack.i.l.bf16.f32 v13;
	[tilespmem:s10+$0x0] =	vst.add.f32.msk $0xffff, v15  }
0x2e7: {  	v15 =	vunpack.i.u.bf16.f32 v14;
	v14 =	vunpack.i.l.bf16.f32 v14;
	[tilespmem:s11+$0x0] =	vst.add.f32.msk $0xffff, v4  }
0x2e8: {  	v4 =	vld [tilespmem:s20+$0x64B0];
	_ =	sdelay $0x4  }
0x2e9: {  	v17 =	vunpack.i.l.bf16.f32 v4  }
0x2ea: {  	v4 =	vunpack.i.u.bf16.f32 v4;
	[tilespmem:s17+$0x0] =	vst.add.f32.msk $0xffff, v17  }
0x2eb: {  	[tilespmem:s5+$0x0] =	vst.add.f32.msk $0xffff, v4  }
0x2ec: {  	v3 =	vadd.f32 v5, v3;
	v2 =	vadd.f32 v8, v2;
	v4 =	vld [tilespmem:s20+$0x64E0]  }
0x2ed: {  	v1 =	vadd.f32 v7, v1;
	v0 =	vadd.f32 v6, v0;
	v5 =	vunpack.i.l.bf16.f32 v9;
	v6 =	vld [tilespmem:s20+$0x64C0]  }
0x2ee: {  	v3 =	vadd.f32 v5, v3;
	v2 =	vadd.f32 v12, v2;
	v5 =	vld [tilespmem:s20+$0x64D0]  }
0x2ef: {  	v1 =	vadd.f32 v11, v1;
	v0 =	vadd.f32 v10, v0  }
0x2f0: {  	v2 =	vadd.f32 v16, v2;
	v3 =	vadd.f32 v14, v3  }
0x2f1: {  	v0 =	vadd.f32 v13, v0;
	v1 =	vadd.f32 v15, v1;
	v7 =	vunpack.i.l.bf16.f32 v4  }
0x2f2: {  	v4 =	vunpack.i.u.bf16.f32 v4;
	v8 =	vunpack.i.u.bf16.f32 v6;
	v6 =	vunpack.i.l.bf16.f32 v6;
	[tilespmem:s6+$0x0] =	vst.add.f32.msk $0xffff, v7  }
0x2f3: {  	v0 =	vadd.f32 v6, v0;
	v6 =	vunpack.i.u.bf16.f32 v5;
	v5 =	vunpack.i.l.bf16.f32 v5;
	[tilespmem:s7+$0x0] =	vst.add.f32.msk $0xffff, v4  }
0x2f4: {  	v2 =	vadd.f32 v8, v2;
	v1 =	vadd.f32 v6, v1;
	v4 =	vld [tilespmem:s20+$0x64F0]  }
0x2f5: {  	v3 =	vadd.f32 v5, v3  }
.Ltmp5:
0x2f6: {  	(pc) =	sbr.rel @p2 .LBB2_13-.Ltmp5, $3  }
0x2f7: {  	_ =	sdelay $0x1  }
0x2f8: {  	v5 =	vunpack.i.l.bf16.f32 v4  }
0x2f9: {  	v4 =	vunpack.i.u.bf16.f32 v4;
	[tilespmem:s8+$0x0] =	vst.add.f32.msk $0xffff, v5  }
0x2fa: {  	s1 =	sshra.s32 s12, $0x2;
	[tilespmem:s9+$0x0] =	vst.add.f32.msk $0xffff, v4  }
0x2fb: {  	v4 =	vld [tilespmem:s1+$0x6420];
	_ =	sdelay $0x3  }
0x2fc: {  	v5 =	vld [tilespmem:s1+$0x6410]  }
0x2fd: {  	v6 =	vld [tilespmem:s1+$0x6400];
	v7 =	vunpack.i.l.bf16.f32 v4  }
0x2fe: {  	v4 =	vunpack.i.u.bf16.f32 v4;
	[tilespmem:s26+$0x0] =	vst.add.f32.msk $0xffff, v7  }
0x2ff: {  	[tilespmem:s28+$0x0] =	vst.add.f32.msk $0xffff, v4  }
0x300: {  	v4 =	vld [tilespmem:s1+$0x6430];
	_ =	sdelay $0x4  }
0x301: {  	v7 =	vunpack.i.l.bf16.f32 v4  }
0x302: {  	v4 =	vunpack.i.u.bf16.f32 v4;
	[tilespmem:s29+$0x0] =	vst.add.f32.msk $0xffff, v7  }
0x303: {  	[tilespmem:s30+$0x0] =	vst.add.f32.msk $0xffff, v4  }
0x304: {  	v4 =	vld [tilespmem:s1+$0x6460];
	_ =	sdelay $0x3  }
0x305: {  	v7 =	vld [tilespmem:s1+$0x6450]  }
0x306: {  	v8 =	vld [tilespmem:s1+$0x6440];
	v9 =	vunpack.i.l.bf16.f32 v4  }
0x307: {  	v4 =	vunpack.i.u.bf16.f32 v4;
	[tilespmem:s31+$0x0] =	vst.add.f32.msk $0xffff, v9  }
0x308: {  	[tilespmem:s0+$0x0] =	vst.add.f32.msk $0xffff, v4  }
0x309: {  	v4 =	vld [tilespmem:s1+$0x6470];
	_ =	sdelay $0x4  }
0x30a: {  	v48 =	vunpack.i.l.bf16.f32 v4  }
0x30b: {  	v4 =	vunpack.i.u.bf16.f32 v4;
	[tilespmem:s2+$0x0] =	vst.add.f32.msk $0xffff, v48  }
0x30c: {  	[tilespmem:s22+$0x0] =	vst.add.f32.msk $0xffff, v4  }
0x30d: {  	v4 =	vld [tilespmem:s1+$0x64A0];
	_ =	sdelay $0x3  }
0x30e: {  	v9 =	vld [tilespmem:s1+$0x6480]  }
0x30f: {  	v10 =	vld [tilespmem:s1+$0x6490];
	v11 =	vunpack.i.l.bf16.f32 v4  }
0x310: {  	v4 =	vunpack.i.u.bf16.f32 v4;
	[tilespmem:s10+$0x0] =	vst.add.f32.msk $0xffff, v11  }
0x311: {  	[tilespmem:s11+$0x0] =	vst.add.f32.msk $0xffff, v4  }
0x312: {  	v4 =	vld [tilespmem:s1+$0x64B0];
	_ =	sdelay $0x4  }
0x313: {  	v49 =	vunpack.i.l.bf16.f32 v4  }
0x314: {  	v4 =	vunpack.i.u.bf16.f32 v4;
	[tilespmem:s17+$0x0] =	vst.add.f32.msk $0xffff, v49  }
0x315: {  	[tilespmem:s5+$0x0] =	vst.add.f32.msk $0xffff, v4  }
0x316: {  	v4 =	vld [tilespmem:s1+$0x64E0];
	_ =	sdelay $0x3  }
0x317: {  	v12 =	vunpack.i.u.bf16.f32 v5;
	v5 =	vunpack.i.l.bf16.f32 v5;
	v11 =	vld [tilespmem:s1+$0x64C0]  }
0x318: {  	v15 =	vunpack.i.u.bf16.f32 v6;
	v6 =	vunpack.i.l.bf16.f32 v6;
	v13 =	vld [tilespmem:s1+$0x64D0];
	v14 =	vunpack.i.l.bf16.f32 v4  }
0x319: {  	v2 =	vadd.f32 v15, v2;
	v0 =	vadd.f32 v6, v0;
	v4 =	vunpack.i.u.bf16.f32 v4;
	[tilespmem:s6+$0x0] =	vst.add.f32.msk $0xffff, v14  }
0x31a: {  	v3 =	vadd.f32 v5, v3;
	v1 =	vadd.f32 v12, v1;
	[tilespmem:s7+$0x0] =	vst.add.f32.msk $0xffff, v4  }
0x31b: {  	v50 =	vunpack.i.u.bf16.f32 v7;
	v16 =	vunpack.i.u.bf16.f32 v8;
	v8 =	vunpack.i.l.bf16.f32 v8;
	v6 =	vld [tilespmem:s1+$0x64F0]  }
0x31c: {  	v5 =	vunpack.i.l.bf16.f32 v7;
	v2 =	vadd.f32 v16, v2;
	v0 =	vadd.f32 v8, v0  }
0x31d: {  	v3 =	vadd.f32 v5, v3;
	v1 =	vadd.f32 v50, v1  }
0x31e: {  	v5 =	vunpack.i.l.bf16.f32 v10;
	v4 =	vunpack.i.u.bf16.f32 v9;
	v9 =	vunpack.i.l.bf16.f32 v9  }
0x31f: {  	v7 =	vunpack.i.u.bf16.f32 v10;
	v3 =	vadd.f32 v5, v3;
	v0 =	vadd.f32 v9, v0  }
0x320: {  	v2 =	vadd.f32 v4, v2;
	v4 =	vunpack.i.l.bf16.f32 v11;
	v5 =	vunpack.i.l.bf16.f32 v6  }
0x321: {  	s12 =	sshll.u32 s23, $0x8;
	v51 =	vunpack.i.u.bf16.f32 v11;
	v0 =	vadd.f32 v4, v0;
	v4 =	vunpack.i.u.bf16.f32 v6;
	[tilespmem:s8+$0x0] =	vst.add.f32.msk $0xffff, v5  }
0x322: {  	v1 =	vadd.f32 v7, v1;
	s1 =	sand.u32 $0x3FFFFF00, s12;
	v2 =	vadd.f32 v51, v2;
	v5 =	vunpack.i.l.bf16.f32 v13;
	[tilespmem:s9+$0x0] =	vst.add.f32.msk $0xffff, v4  }
0x323: {  	v4 =	vunpack.i.u.bf16.f32 v13;
	v3 =	vadd.f32 v5, v3;
	[tilespmem:s1+$0xC800] =	vst v0  }
0x324: {  	v0 =	vadd.f32 v4, v1;
	[tilespmem:s1+$0xC810] =	vst v2  }
0x325: {  	[tilespmem:s1+$0xC820] =	vst v3  }
0x326: {  	[tilespmem:s1+$0xC830] =	vst v0  }
0x327: {  	v0 =	vld [tilespmem:$0x14900]  }
0x328: {  	v1 =	vld [tilespmem:$0x14940];
	_ =	sdelay $0x1  }
0x329: {  	v2 =	vld [tilespmem:$0x14980];
	_ =	sdelay $0x1  }
0x32a: {  	v3 =	vld [tilespmem:$0x149C0]  }
0x32b: {  	v0 =	vadd.f32 v1, v0;
	_ =	sdelay $0x1  }
0x32c: {  	v0 =	vadd.f32 v2, v0;
	_ =	sdelay $0x1  }
0x32d: {  	v0 =	vadd.f32 v3, v0;
	_ =	sdelay $0x1  }
0x32e: {  	[tilespmem:s1+$0xC840] =	vst v0  }
0x32f: {  	v0 =	vld [tilespmem:$0x14910]  }
0x330: {  	v1 =	vld [tilespmem:$0x14950];
	_ =	sdelay $0x1  }
0x331: {  	v2 =	vld [tilespmem:$0x14990];
	_ =	sdelay $0x1  }
0x332: {  	v3 =	vld [tilespmem:$0x149D0]  }
0x333: {  	v0 =	vadd.f32 v1, v0;
	_ =	sdelay $0x1  }
0x334: {  	v0 =	vadd.f32 v2, v0;
	_ =	sdelay $0x1  }
0x335: {  	v0 =	vadd.f32 v3, v0;
	_ =	sdelay $0x1  }
0x336: {  	[tilespmem:s1+$0xC850] =	vst v0  }
0x337: {  	v0 =	vld [tilespmem:$0x14920]  }
0x338: {  	v1 =	vld [tilespmem:$0x14960];
	_ =	sdelay $0x1  }
0x339: {  	v2 =	vld [tilespmem:$0x149A0];
	_ =	sdelay $0x1  }
0x33a: {  	v3 =	vld [tilespmem:$0x149E0]  }
0x33b: {  	v0 =	vadd.f32 v1, v0;
	_ =	sdelay $0x1  }
0x33c: {  	v0 =	vadd.f32 v2, v0;
	_ =	sdelay $0x1  }
0x33d: {  	v0 =	vadd.f32 v3, v0;
	_ =	sdelay $0x1  }
0x33e: {  	[tilespmem:s1+$0xC860] =	vst v0  }
0x33f: {  	v0 =	vld [tilespmem:$0x14930]  }
0x340: {  	v1 =	vld [tilespmem:$0x14970];
	_ =	sdelay $0x1  }
0x341: {  	v2 =	vld [tilespmem:$0x149B0];
	_ =	sdelay $0x1  }
0x342: {  	v3 =	vld [tilespmem:$0x149F0]  }
0x343: {  	v0 =	vadd.f32 v1, v0;
	_ =	sdelay $0x1  }
0x344: {  	p2 =	seq.s32 s23, $0x3F;
	v0 =	vadd.f32 v2, v0  }
0x345: {  	s3 =	smul.u32 @!p2 $0x640, s23  }
0x346: {  	v0 =	vadd.f32 v3, v0  }
0x347: {  	s3 =	sshra.s32 @!p2 s3, $0x2  }
0x348: {  	s20 =	simm.s32 @!p2 $0x6400;
	s12 =	simm.s32 @!p2 $0x80;
	[tilespmem:s1+$0xC870] =	vst v0;
	s1 =	sadd.s32 @!p2 $0x190, s3  }
0x349: {  	[tilespmem:s20], [sflag:$0x1] =	stream.indirect.gather @!p2 [hbm4b:s4+s12], $0x40, s1, s12, $0xb8;
	[tilespmem:$0x14A00] =	vst v63  }
0x34a: {  	s1 =	sadd.s32 @!p2 $0x210, s3;
	s3 =	simm.s32 @!p2 $0x48;
	s12 =	simm.s32 @!p2 $0x8400  }
0x34b: {  	[tilespmem:s12], [sflag:$0x1] =	stream.indirect.gather @!p2 [hbm4b:s4+s3], $0x40, s1, s3, $0xb8;
	[tilespmem:$0x14A00] =	vst v63  }
0x34c: {  	_ =	swait.ge [sflag:s15], $0x3200  }
0x34d: {  	[sflag:s15] =	ssyncset.done $0x0  }
0x34e: {  	v0 =	vimm.f32 $0.0e+00;
	[sflag:s15] =	ssyncadd.s32 $0xFFFFCE00  }
0x34f: {  	[tilespmem:$0x14900] =	vst v0  }
0x350: {  	[tilespmem:$0x14910] =	vst v0  }
0x351: {  	[tilespmem:$0x14920] =	vst v0  }
0x352: {  	[tilespmem:$0x14930] =	vst v0  }
0x353: {  	[tilespmem:$0x14940] =	vst v0  }
0x354: {  	[tilespmem:$0x14950] =	vst v0  }
0x355: {  	[tilespmem:$0x14960] =	vst v0  }
0x356: {  	[tilespmem:$0x14970] =	vst v0  }
0x357: {  	[tilespmem:$0x14980] =	vst v0  }
0x358: {  	[tilespmem:$0x14990] =	vst v0  }
0x359: {  	[tilespmem:$0x149A0] =	vst v0  }
0x35a: {  	[tilespmem:$0x149B0] =	vst v0  }
0x35b: {  	[tilespmem:$0x149C0] =	vst v0  }
0x35c: {  	[tilespmem:$0x149D0] =	vst v0  }
0x35d: {  	[tilespmem:$0x149E0] =	vst v0  }
0x35e: {  	s20 =	simm.s32 $0x0;
	[tilespmem:$0x149F0] =	vst v0  }
0x35f: {  	v1 =	vld [tilespmem:s20+$0x9620];
	_ =	sdelay $0x3  }
0x360: {  	v2 =	vld [tilespmem:s20+$0x9610]  }
0x361: {  	v3 =	vld [tilespmem:s20+$0x9600];
	v4 =	vunpack.i.l.bf16.f32 v1  }
0x362: {  	v1 =	vunpack.i.u.bf16.f32 v1;
	[tilespmem:s26+$0x0] =	vst.add.f32.msk $0xffff, v4  }
0x363: {  	[tilespmem:s28+$0x0] =	vst.add.f32.msk $0xffff, v1  }
0x364: {  	v1 =	vld [tilespmem:s20+$0x9630];
	_ =	sdelay $0x4  }
0x365: {  	v4 =	vunpack.i.l.bf16.f32 v1  }
0x366: {  	v1 =	vunpack.i.u.bf16.f32 v1;
	[tilespmem:s29+$0x0] =	vst.add.f32.msk $0xffff, v4  }
0x367: {  	[tilespmem:s30+$0x0] =	vst.add.f32.msk $0xffff, v1  }
0x368: {  	v1 =	vld [tilespmem:s20+$0x9660];
	_ =	sdelay $0x3  }
0x369: {  	v4 =	vld [tilespmem:s20+$0x9650]  }
0x36a: {  	v5 =	vld [tilespmem:s20+$0x9640];
	v6 =	vunpack.i.l.bf16.f32 v1  }
0x36b: {  	v1 =	vunpack.i.u.bf16.f32 v1;
	[tilespmem:s31+$0x0] =	vst.add.f32.msk $0xffff, v6  }
0x36c: {  	[tilespmem:s0+$0x0] =	vst.add.f32.msk $0xffff, v1  }
0x36d: {  	v1 =	vld [tilespmem:s20+$0x9670];
	_ =	sdelay $0x4  }
0x36e: {  	v6 =	vunpack.i.l.bf16.f32 v1  }
0x36f: {  	v1 =	vunpack.i.u.bf16.f32 v1;
	[tilespmem:s2+$0x0] =	vst.add.f32.msk $0xffff, v6  }
0x370: {  	[tilespmem:s22+$0x0] =	vst.add.f32.msk $0xffff, v1  }
0x371: {  	v1 =	vld [tilespmem:s20+$0x96A0];
	_ =	sdelay $0x3  }
0x372: {  	v6 =	vld [tilespmem:s20+$0x9680]  }
0x373: {  	v7 =	vld [tilespmem:s20+$0x9690];
	v52 =	vunpack.i.l.bf16.f32 v1  }
0x374: {  	v1 =	vunpack.i.u.bf16.f32 v1;
	[tilespmem:s10+$0x0] =	vst.add.f32.msk $0xffff, v52  }
0x375: {  	[tilespmem:s11+$0x0] =	vst.add.f32.msk $0xffff, v1  }
0x376: {  	v1 =	vld [tilespmem:s20+$0x96B0];
	_ =	sdelay $0x4  }
0x377: {  	v53 =	vunpack.i.l.bf16.f32 v1  }
0x378: {  	v1 =	vunpack.i.u.bf16.f32 v1;
	[tilespmem:s17+$0x0] =	vst.add.f32.msk $0xffff, v53  }
0x379: {  	[tilespmem:s5+$0x0] =	vst.add.f32.msk $0xffff, v1  }
0x37a: {  	v1 =	vld [tilespmem:s20+$0x96E0];
	_ =	sdelay $0x1  }
0x37b: {  	v54 =	vunpack.i.u.bf16.f32 v2;
	v55 =	vunpack.i.u.bf16.f32 v3  }
0x37c: {  	v2 =	vunpack.i.l.bf16.f32 v2;
	v3 =	vunpack.i.l.bf16.f32 v3;
	v9 =	vadd.f32 v55, v0  }
0x37d: {  	v3 =	vadd.f32 v3, v0;
	v2 =	vadd.f32 v2, v0;
	v58 =	vld [tilespmem:s20+$0x96C0]  }
0x37e: {  	v0 =	vadd.f32 v54, v0;
	v56 =	vunpack.i.u.bf16.f32 v4;
	v60 =	vld [tilespmem:s20+$0x96D0];
	v61 =	vunpack.i.l.bf16.f32 v1  }
0x37f: {  	v57 =	vunpack.i.u.bf16.f32 v5;
	v5 =	vunpack.i.l.bf16.f32 v5;
	v1 =	vunpack.i.u.bf16.f32 v1;
	[tilespmem:s6+$0x0] =	vst.add.f32.msk $0xffff, v61  }
0x380: {  	v3 =	vadd.f32 v5, v3;
	v0 =	vadd.f32 v56, v0;
	[tilespmem:s7+$0x0] =	vst.add.f32.msk $0xffff, v1  }
0x381: {  	v59 =	vunpack.i.u.bf16.f32 v6;
	v1 =	vunpack.i.l.bf16.f32 v4;
	v4 =	vadd.f32 v57, v9;
	v5 =	vld [tilespmem:s20+$0x96F0]  }
0x382: {  	v6 =	vunpack.i.l.bf16.f32 v6;
	v62 =	vunpack.i.u.bf16.f32 v7;
	v1 =	vadd.f32 v1, v2  }
0x383: {  	v3 =	vadd.f32 v6, v3;
	v2 =	vunpack.i.l.bf16.f32 v7;
	v4 =	vadd.f32 v59, v4  }
0x384: {  	v6 =	vadd.f32 v2, v1;
	v1 =	vadd.f32 v62, v0;
	v0 =	vunpack.i.l.bf16.f32 v58  }
0x385: {  	v7 =	vunpack.i.l.bf16.f32 v60;
	v2 =	vunpack.i.u.bf16.f32 v58;
	v0 =	vadd.f32 v0, v3  }
0x386: {  	v3 =	vunpack.i.u.bf16.f32 v60;
	v2 =	vadd.f32 v2, v4;
	v63 =	vunpack.i.l.bf16.f32 v5  }
0x387: {  	s12 =	simm.s32 $0x400;
	s1 =	simm.s32 $0x800;
	v1 =	vadd.f32 v3, v1;
	v3 =	vadd.f32 v7, v6;
	v4 =	vunpack.i.u.bf16.f32 v5;
	[tilespmem:s8+$0x0] =	vst.add.f32.msk $0xffff, v63  }
.LBB2_15:
0x388: {  	p2 =	sne.s32 s1, $0xC400  }
0x389: {  	s20 =	sshra.s32 s12, $0x2;
	[tilespmem:s9+$0x0] =	vst.add.f32.msk $0xffff, v4;
	s12 =	smov.u32 s1;
	s1 =	sadd.s32 $0x400, s1  }
0x38a: {  	v4 =	vld [tilespmem:s20+$0x9620];
	_ =	sdelay $0x3  }
0x38b: {  	v5 =	vld [tilespmem:s20+$0x9610]  }
0x38c: {  	v6 =	vld [tilespmem:s20+$0x9600];
	v7 =	vunpack.i.l.bf16.f32 v4  }
0x38d: {  	v4 =	vunpack.i.u.bf16.f32 v4;
	[tilespmem:s26+$0x0] =	vst.add.f32.msk $0xffff, v7  }
0x38e: {  	[tilespmem:s28+$0x0] =	vst.add.f32.msk $0xffff, v4  }
0x38f: {  	v4 =	vld [tilespmem:s20+$0x9630]  }
0x390: {  	v7 =	vunpack.i.u.bf16.f32 v5;
	v5 =	vunpack.i.l.bf16.f32 v5  }
0x391: {  	v8 =	vunpack.i.u.bf16.f32 v6;
	v6 =	vunpack.i.l.bf16.f32 v6;
	_ =	sdelay $0x2  }
0x392: {  	v9 =	vunpack.i.l.bf16.f32 v4  }
0x393: {  	v4 =	vunpack.i.u.bf16.f32 v4;
	[tilespmem:s29+$0x0] =	vst.add.f32.msk $0xffff, v9  }
0x394: {  	[tilespmem:s30+$0x0] =	vst.add.f32.msk $0xffff, v4  }
0x395: {  	v4 =	vld [tilespmem:s20+$0x9660];
	_ =	sdelay $0x3  }
0x396: {  	v9 =	vld [tilespmem:s20+$0x9650]  }
0x397: {  	v10 =	vld [tilespmem:s20+$0x9640];
	v11 =	vunpack.i.l.bf16.f32 v4  }
0x398: {  	v4 =	vunpack.i.u.bf16.f32 v4;
	[tilespmem:s31+$0x0] =	vst.add.f32.msk $0xffff, v11  }
0x399: {  	[tilespmem:s0+$0x0] =	vst.add.f32.msk $0xffff, v4  }
0x39a: {  	v4 =	vld [tilespmem:s20+$0x9670]  }
0x39b: {  	v11 =	vunpack.i.u.bf16.f32 v9  }
0x39c: {  	v12 =	vunpack.i.u.bf16.f32 v10;
	v10 =	vunpack.i.l.bf16.f32 v10;
	_ =	sdelay $0x2  }
0x39d: {  	v13 =	vunpack.i.l.bf16.f32 v4  }
0x39e: {  	v4 =	vunpack.i.u.bf16.f32 v4;
	[tilespmem:s2+$0x0] =	vst.add.f32.msk $0xffff, v13  }
0x39f: {  	[tilespmem:s22+$0x0] =	vst.add.f32.msk $0xffff, v4  }
0x3a0: {  	v4 =	vld [tilespmem:s20+$0x96A0]  }
0x3a1: {  	v13 =	vld [tilespmem:s20+$0x9680]  }
0x3a2: {  	v14 =	vld [tilespmem:s20+$0x9690];
	_ =	sdelay $0x2  }
0x3a3: {  	v15 =	vunpack.i.l.bf16.f32 v4  }
0x3a4: {  	v4 =	vunpack.i.u.bf16.f32 v4;
	v16 =	vunpack.i.u.bf16.f32 v13;
	v13 =	vunpack.i.l.bf16.f32 v13;
	[tilespmem:s10+$0x0] =	vst.add.f32.msk $0xffff, v15  }
0x3a5: {  	v15 =	vunpack.i.u.bf16.f32 v14;
	v14 =	vunpack.i.l.bf16.f32 v14;
	[tilespmem:s11+$0x0] =	vst.add.f32.msk $0xffff, v4  }
0x3a6: {  	v4 =	vld [tilespmem:s20+$0x96B0];
	_ =	sdelay $0x4  }
0x3a7: {  	v17 =	vunpack.i.l.bf16.f32 v4  }
0x3a8: {  	v4 =	vunpack.i.u.bf16.f32 v4;
	[tilespmem:s17+$0x0] =	vst.add.f32.msk $0xffff, v17  }
0x3a9: {  	[tilespmem:s5+$0x0] =	vst.add.f32.msk $0xffff, v4  }
0x3aa: {  	v3 =	vadd.f32 v5, v3;
	v2 =	vadd.f32 v8, v2;
	v4 =	vld [tilespmem:s20+$0x96E0]  }
0x3ab: {  	v1 =	vadd.f32 v7, v1;
	v0 =	vadd.f32 v6, v0;
	v5 =	vunpack.i.l.bf16.f32 v9;
	v6 =	vld [tilespmem:s20+$0x96C0]  }
0x3ac: {  	v3 =	vadd.f32 v5, v3;
	v2 =	vadd.f32 v12, v2;
	v5 =	vld [tilespmem:s20+$0x96D0]  }
0x3ad: {  	v1 =	vadd.f32 v11, v1;
	v0 =	vadd.f32 v10, v0  }
0x3ae: {  	v2 =	vadd.f32 v16, v2;
	v3 =	vadd.f32 v14, v3  }
0x3af: {  	v0 =	vadd.f32 v13, v0;
	v1 =	vadd.f32 v15, v1;
	v7 =	vunpack.i.l.bf16.f32 v4  }
0x3b0: {  	v4 =	vunpack.i.u.bf16.f32 v4;
	v8 =	vunpack.i.u.bf16.f32 v6;
	v6 =	vunpack.i.l.bf16.f32 v6;
	[tilespmem:s6+$0x0] =	vst.add.f32.msk $0xffff, v7  }
0x3b1: {  	v0 =	vadd.f32 v6, v0;
	v6 =	vunpack.i.u.bf16.f32 v5;
	v5 =	vunpack.i.l.bf16.f32 v5;
	[tilespmem:s7+$0x0] =	vst.add.f32.msk $0xffff, v4  }
0x3b2: {  	v2 =	vadd.f32 v8, v2;
	v1 =	vadd.f32 v6, v1;
	v4 =	vld [tilespmem:s20+$0x96F0]  }
0x3b3: {  	v3 =	vadd.f32 v5, v3  }
.Ltmp6:
0x3b4: {  	(pc) =	sbr.rel @p2 .LBB2_15-.Ltmp6, $3  }
0x3b5: {  	_ =	sdelay $0x1  }
0x3b6: {  	v5 =	vunpack.i.l.bf16.f32 v4  }
0x3b7: {  	v4 =	vunpack.i.u.bf16.f32 v4;
	[tilespmem:s8+$0x0] =	vst.add.f32.msk $0xffff, v5  }
0x3b8: {  	s1 =	sshra.s32 s12, $0x2;
	[tilespmem:s9+$0x0] =	vst.add.f32.msk $0xffff, v4  }
0x3b9: {  	v4 =	vld [tilespmem:s1+$0x9620];
	_ =	sdelay $0x3  }
0x3ba: {  	v5 =	vld [tilespmem:s1+$0x9610]  }
0x3bb: {  	v6 =	vld [tilespmem:s1+$0x9600];
	v7 =	vunpack.i.l.bf16.f32 v4  }
0x3bc: {  	v4 =	vunpack.i.u.bf16.f32 v4;
	[tilespmem:s26+$0x0] =	vst.add.f32.msk $0xffff, v7  }
0x3bd: {  	[tilespmem:s28+$0x0] =	vst.add.f32.msk $0xffff, v4  }
0x3be: {  	v4 =	vld [tilespmem:s1+$0x9630];
	_ =	sdelay $0x4  }
0x3bf: {  	v38 =	vunpack.i.l.bf16.f32 v4  }
0x3c0: {  	v4 =	vunpack.i.u.bf16.f32 v4;
	[tilespmem:s29+$0x0] =	vst.add.f32.msk $0xffff, v38  }
0x3c1: {  	[tilespmem:s30+$0x0] =	vst.add.f32.msk $0xffff, v4  }
0x3c2: {  	v4 =	vld [tilespmem:s1+$0x9660];
	_ =	sdelay $0x3  }
0x3c3: {  	v7 =	vld [tilespmem:s1+$0x9650]  }
0x3c4: {  	v8 =	vld [tilespmem:s1+$0x9640];
	v9 =	vunpack.i.l.bf16.f32 v4  }
0x3c5: {  	v4 =	vunpack.i.u.bf16.f32 v4;
	[tilespmem:s31+$0x0] =	vst.add.f32.msk $0xffff, v9  }
0x3c6: {  	[tilespmem:s0+$0x0] =	vst.add.f32.msk $0xffff, v4  }
0x3c7: {  	v4 =	vld [tilespmem:s1+$0x9670];
	_ =	sdelay $0x4  }
0x3c8: {  	v39 =	vunpack.i.l.bf16.f32 v4  }
0x3c9: {  	v4 =	vunpack.i.u.bf16.f32 v4;
	[tilespmem:s2+$0x0] =	vst.add.f32.msk $0xffff, v39  }
0x3ca: {  	[tilespmem:s22+$0x0] =	vst.add.f32.msk $0xffff, v4  }
0x3cb: {  	v4 =	vld [tilespmem:s1+$0x96A0];
	_ =	sdelay $0x3  }
0x3cc: {  	v9 =	vld [tilespmem:s1+$0x9680]  }
0x3cd: {  	v10 =	vld [tilespmem:s1+$0x9690];
	v11 =	vunpack.i.l.bf16.f32 v4  }
0x3ce: {  	v4 =	vunpack.i.u.bf16.f32 v4;
	[tilespmem:s10+$0x0] =	vst.add.f32.msk $0xffff, v11  }
0x3cf: {  	[tilespmem:s11+$0x0] =	vst.add.f32.msk $0xffff, v4  }
0x3d0: {  	v4 =	vld [tilespmem:s1+$0x96B0];
	_ =	sdelay $0x4  }
0x3d1: {  	v40 =	vunpack.i.l.bf16.f32 v4  }
0x3d2: {  	v4 =	vunpack.i.u.bf16.f32 v4;
	[tilespmem:s17+$0x0] =	vst.add.f32.msk $0xffff, v40  }
0x3d3: {  	[tilespmem:s5+$0x0] =	vst.add.f32.msk $0xffff, v4  }
0x3d4: {  	v4 =	vld [tilespmem:s1+$0x96E0];
	_ =	sdelay $0x3  }
0x3d5: {  	v12 =	vunpack.i.u.bf16.f32 v5;
	v5 =	vunpack.i.l.bf16.f32 v5;
	v11 =	vld [tilespmem:s1+$0x96C0]  }
0x3d6: {  	v15 =	vunpack.i.u.bf16.f32 v6;
	v6 =	vunpack.i.l.bf16.f32 v6;
	v13 =	vld [tilespmem:s1+$0x96D0];
	v14 =	vunpack.i.l.bf16.f32 v4  }
0x3d7: {  	v2 =	vadd.f32 v15, v2;
	v0 =	vadd.f32 v6, v0;
	v4 =	vunpack.i.u.bf16.f32 v4;
	[tilespmem:s6+$0x0] =	vst.add.f32.msk $0xffff, v14  }
0x3d8: {  	v3 =	vadd.f32 v5, v3;
	v1 =	vadd.f32 v12, v1;
	[tilespmem:s7+$0x0] =	vst.add.f32.msk $0xffff, v4  }
0x3d9: {  	v41 =	vunpack.i.u.bf16.f32 v7;
	v16 =	vunpack.i.u.bf16.f32 v8;
	v8 =	vunpack.i.l.bf16.f32 v8;
	v43 =	vld [tilespmem:s1+$0x96F0]  }
0x3da: {  	v44 =	vunpack.i.l.bf16.f32 v7;
	v2 =	vadd.f32 v16, v2;
	v0 =	vadd.f32 v8, v0  }
0x3db: {  	v3 =	vadd.f32 v44, v3;
	v1 =	vadd.f32 v41, v1  }
0x3dc: {  	v42 =	vunpack.i.u.bf16.f32 v9;
	v9 =	vunpack.i.l.bf16.f32 v9;
	v45 =	vunpack.i.u.bf16.f32 v10  }
0x3dd: {  	v46 =	vunpack.i.l.bf16.f32 v10;
	v2 =	vadd.f32 v42, v2;
	v0 =	vadd.f32 v9, v0  }
0x3de: {  	v3 =	vadd.f32 v46, v3;
	v47 =	vunpack.i.l.bf16.f32 v11;
	v48 =	vunpack.i.l.bf16.f32 v43  }
0x3df: {  	s25 =	sshll.u32 s25, $0x7;
	v49 =	vunpack.i.u.bf16.f32 v11;
	v0 =	vadd.f32 v47, v0;
	v50 =	vunpack.i.u.bf16.f32 v43;
	[tilespmem:s8+$0x0] =	vst.add.f32.msk $0xffff, v48  }
0x3e0: {  	v1 =	vadd.f32 v45, v1;
	v51 =	vunpack.i.l.bf16.f32 v13;
	v2 =	vadd.f32 v49, v2;
	s1 =	sand.u32 $0x3FFFFF80, s25;
	[tilespmem:s9+$0x0] =	vst.add.f32.msk $0xffff, v50  }
0x3e1: {  	v52 =	vunpack.i.u.bf16.f32 v13;
	v3 =	vadd.f32 v51, v3;
	[tilespmem:s1+$0xC800] =	vst v0  }
0x3e2: {  	v53 =	vadd.f32 v52, v1;
	[tilespmem:s1+$0xC810] =	vst v2  }
0x3e3: {  	[tilespmem:s1+$0xC820] =	vst v3  }
0x3e4: {  	[tilespmem:s1+$0xC830] =	vst v53  }
0x3e5: {  	v0 =	vld [tilespmem:$0x14900]  }
0x3e6: {  	v54 =	vld [tilespmem:$0x14940];
	_ =	sdelay $0x1  }
0x3e7: {  	v2 =	vld [tilespmem:$0x14980];
	_ =	sdelay $0x1  }
0x3e8: {  	v3 =	vld [tilespmem:$0x149C0]  }
0x3e9: {  	v0 =	vadd.f32 v54, v0;
	_ =	sdelay $0x1  }
0x3ea: {  	v0 =	vadd.f32 v2, v0;
	_ =	sdelay $0x1  }
0x3eb: {  	v0 =	vadd.f32 v3, v0;
	_ =	sdelay $0x1  }
0x3ec: {  	[tilespmem:s1+$0xC840] =	vst v0  }
0x3ed: {  	v0 =	vld [tilespmem:$0x14910]  }
0x3ee: {  	v55 =	vld [tilespmem:$0x14950];
	_ =	sdelay $0x1  }
0x3ef: {  	v56 =	vld [tilespmem:$0x14990];
	_ =	sdelay $0x1  }
0x3f0: {  	v57 =	vld [tilespmem:$0x149D0]  }
0x3f1: {  	v0 =	vadd.f32 v55, v0;
	_ =	sdelay $0x1  }
0x3f2: {  	v0 =	vadd.f32 v56, v0;
	_ =	sdelay $0x1  }
0x3f3: {  	v0 =	vadd.f32 v57, v0;
	_ =	sdelay $0x1  }
0x3f4: {  	[tilespmem:s1+$0xC850] =	vst v0  }
0x3f5: {  	v0 =	vld [tilespmem:$0x14920]  }
0x3f6: {  	v58 =	vld [tilespmem:$0x14960];
	_ =	sdelay $0x1  }
0x3f7: {  	v59 =	vld [tilespmem:$0x149A0];
	_ =	sdelay $0x1  }
0x3f8: {  	v60 =	vld [tilespmem:$0x149E0]  }
0x3f9: {  	v0 =	vadd.f32 v58, v0;
	_ =	sdelay $0x1  }
0x3fa: {  	v0 =	vadd.f32 v59, v0;
	_ =	sdelay $0x1  }
0x3fb: {  	v0 =	vadd.f32 v60, v0;
	_ =	sdelay $0x1  }
0x3fc: {  	[tilespmem:s1+$0xC860] =	vst v0  }
0x3fd: {  	v0 =	vld [tilespmem:$0x14930]  }
0x3fe: {  	v61 =	vld [tilespmem:$0x14970];
	_ =	sdelay $0x1  }
0x3ff: {  	v62 =	vld [tilespmem:$0x149B0];
	_ =	sdelay $0x1  }
0x400: {  	v63 =	vld [tilespmem:$0x149F0]  }
0x401: {  	s23 =	sadd.s32 $0x1, s23;
	v0 =	vadd.f32 v61, v0  }
0x402: {  	p2 =	sne.s32 s23, $0x40  }
.Ltmp7:
0x403: {  	v0 =	vadd.f32 v62, v0;
	(pc) =	sbr.rel @p2 .LBB2_12-.Ltmp7, $3  }
0x404: {  	_ = 	snop  }
0x405: {  	v0 =	vadd.f32 v63, v0;
	_ =	sdelay $0x1  }
0x406: {  	[tilespmem:s1+$0xC870] =	vst v0  }
0x407: {  	s20 =	simm.s32 $0x0;
	s1 =	rddreg [dreg:$0xf];
	s3 =	simm.s32 $0xC800  }
0x408: {  	[hbm4b:s1+s20] =	stream.linear.scatter [tilespmem:s3], [sflag:$0x3], $0x4000, $0x38;
	[tilespmem:$0x14A00] =	vst v63  }
0x409: {  	_ =	swait.ge [sflag:s18], $0x4000  }
0x40a: {  	s16 =	sadd.s32 $0x1, s16;
	s25 =	rddreg [dreg:$0x10]  }
0x40b: {  	p2 =	sne.s32 s16, s25  }
.Ltmp8:
0x40c: {  	_ = 	snop;
	(pc) =	sbr.rel @p2 .LBB2_1-.Ltmp8, $3  }
0x40d: {  	_ =	sdelay $0x1  }
0x40e: {  	[sflag:s18] =	ssyncset.done $0x0  }
0x40f: {  	[sflag:s18] =	ssyncadd.s32 $0xFFFFC000  }
0x410: {  	_ =	sfence.sel $0x180000  }
0x411: {  	[bflag:$0x0] =	sbarrier.arrive $0xFFFF  }
0x412: {  	_ =	strace $0x90000047  }
0x413: {  	s0 =	stileid.u32;
	[bflag:$0x2] =	sbarrier.arrive $0xFFFF  }
0x414: {  	p0 =	sne.s32 s0, $0x0;
	s0 =	rddreg [dreg:$0x4]  }
0x415: {  	s0 =	sadd.s32 @!p0 $0x100000, s0  }
0x416: {  	[sflag:s0] =	ssyncadd.tile.s32 @!p0 $0x1;
	_ =	shalt  }
.Lfunc_end2:
_tile_overlayer_lowered:
.L_overlay_start_2:
0x417: {  	(tag) =	ssettag $0x2  }
0x418: {  	s0 =	rddreg [dreg:$0x0];
	s2 =	stileid.u32  }
0x419: {  	s1 =	rddreg [dreg:$0x1];
	p0 =	sne.s32 s2, $0x0  }
0x41a: {  	s3 =	rddreg [dreg:$0x2];
	[bflag:$0x3] =	sbarrier.arrive $0xFFFF;
	s2 =	simm.s32 @!p0 $0x1C03  }
0x41b: {  	[timem:s3], [sflag:s2] =	dma.local @!p0 [hbm:s0], s1  }
0x41c: {  	s0 =	simm.s32 @!p0 $0x3  }
0x41d: {  	_ =	swait.ge @!p0 [sflag:s0], s1  }
0x41e: {  	s1 =	ssub.s32 @!p0 $0x0, s1;
	[sflag:s0] =	ssyncset.done @!p0 $0x0  }
0x41f: {  	[sflag:s0] =	ssyncadd.s32 @!p0 s1  }
0x420: {  	[bflag:$0x3] =	sbarrier.arrive $0xFFFF  }
0x421: {  	_ =	shalt  }

</sc_bundles>
